<compile_context>
chip_gen: v7x
topology: tpu7x:2x2x1
jax: 0.10.2.dev20260603
libtpu: 0.0.44.dev20260713+nightly
codegen_flags: <defaults>
</compile_context>

<pallas_src>
import jax
import jax.numpy as jnp
import numpy as np
from jax import lax
from jax.experimental import pallas as pl
from jax.experimental.pallas import tpu as pltpu
from jax.experimental.pallas import tpu_sc as plsc

EMBED = 256
HEADS = 8
POINTS = 4
NCAM = 4
FH = 64
FW = 176
HW = FH * FW
NQ = 16384
NLANE = 512
NPAIR = NQ * HEADS
DH = EMBED // HEADS

BQ = 1024
NWORK = 32
QCH = 2
NCHUNK = NQ // QCH
CHPW = NCHUNK // NWORK


def _selection_matrices():
    L = np.arange(NLANE)
    corner, h, cam, p = L >> 7, (L >> 4) & 7, (L >> 2) & 3, L & 3
    sx = np.zeros((HEADS * POINTS * 2, NLANE), np.float32)
    sy = np.zeros((HEADS * POINTS * 2, NLANE), np.float32)
    sx[h * POINTS * 2 + p * 2 + 0, L] = 1.0
    sy[h * POINTS * 2 + p * 2 + 1, L] = 1.0
    saw = np.zeros((HEADS * POINTS, NLANE), np.float32)
    saw[h * POINTS + p, L] = 1.0
    rx = np.zeros((NCAM * 2, NLANE), np.float32)
    ry = np.zeros((NCAM * 2, NLANE), np.float32)
    rx[cam * 2 + 0, L] = 1.0
    ry[cam * 2 + 1, L] = 1.0
    pool = np.kron(np.eye(HEADS, dtype=np.float32), np.ones((POINTS, POINTS), np.float32))
    return sx, sy, saw, rx, ry, pool


def _prep_body(q_ref, qp_ref, ref_ref, wso_ref, bso_ref, waw_ref, baw_ref,
               sx_ref, sy_ref, saw_ref, rx_ref, ry_ref, pool_ref,
               i0, i1, i2, i3, w0, w1, w2, w3):
    idx_refs = (i0, i1, i2, i3)
    wt_refs = (w0, w1, w2, w3)
    hp = jax.lax.Precision.HIGHEST
    q = q_ref[...] + qp_ref[...]
    so = jnp.dot(q, wso_ref[...], preferred_element_type=jnp.float32, precision=hp) + bso_ref[...]
    awl = jnp.dot(q, waw_ref[...], preferred_element_type=jnp.float32) + baw_ref[...]
    awl = awl - jnp.max(awl, axis=-1, keepdims=True)
    aw_e = jnp.exp(awl)
    aw = aw_e / jnp.dot(aw_e, pool_ref[...], preferred_element_type=jnp.float32)

    sx512 = jnp.dot(so, sx_ref[...], preferred_element_type=jnp.float32, precision=hp)
    sy512 = jnp.dot(so, sy_ref[...], preferred_element_type=jnp.float32, precision=hp)
    aw512 = jnp.dot(aw, saw_ref[...], preferred_element_type=jnp.float32)
    refs = ref_ref[...]
    rx512 = jnp.dot(refs, rx_ref[...], preferred_element_type=jnp.float32, precision=hp)
    ry512 = jnp.dot(refs, ry_ref[...], preferred_element_type=jnp.float32, precision=hp)

    lane = lax.broadcasted_iota(jnp.int32, (BQ, NLANE), 1)
    cxf = ((lane >> 7) & 1).astype(jnp.float32)
    cyf = ((lane >> 8) & 1).astype(jnp.float32)
    h = (lane >> 4) & 7
    cam = (lane >> 2) & 3

    x = rx512 * float(FW) + sx512 - 0.5
    y = ry512 * float(FH) + sy512 - 0.5
    xf = jnp.floor(x)
    yf = jnp.floor(y)
    fx = x - xf
    fy = y - yf
    xi = xf + cxf
    yi = yf + cyf
    wx = cxf * fx + (1.0 - cxf) * (1.0 - fx)
    wy = cyf * fy + (1.0 - cyf) * (1.0 - fy)
    valid = ((xi >= 0.0) & (xi <= float(FW - 1)) & (yi >= 0.0) & (yi <= float(FH - 1)))
    xi_c = jnp.clip(xi, 0.0, float(FW - 1)).astype(jnp.int32)
    yi_c = jnp.clip(yi, 0.0, float(FH - 1)).astype(jnp.int32)
    wt512 = aw512 * wx * wy * valid.astype(jnp.float32)
    idx512 = cam * (HW * HEADS) + (yi_c * FW + xi_c) * HEADS + h
    for corner in range(4):
        sl = slice(corner * 128, (corner + 1) * 128)
        idx_refs[corner][...] = idx512[:, sl]
        wt_refs[corner][...] = wt512[:, sl]


def _vproj_body(v_ref, w_ref, b_ref, o_ref):
    o_ref[...] = (jnp.dot(v_ref[...], w_ref[...], preferred_element_type=jnp.float32)
                  + b_ref[...]).reshape(o_ref.shape)


def _out_body(m_ref, w_ref, b_ref, id_ref, o_ref):
    o_ref[...] = (jnp.dot(m_ref[...], w_ref[...], preferred_element_type=jnp.float32)
                  + b_ref[...] + id_ref[...])


def _sc_kernel(ix0, ix1, ix2, ix3, wx0, wx1, wx2, wx3, table_hbm, out_hbm,
               idx_v0, idx_v1, wt_v0, wt_v1, g_v0, g_v1, out_v0, out_v1,
               sem_in0, sem_in1, sem_g0, sem_g1, sem_out0, sem_out1):
    cid = lax.axis_index("c")
    sid = lax.axis_index("s")
    wid = cid * 16 + sid
    base_ch = wid * CHPW

    idx_v = [idx_v0, idx_v1]
    wt_v = [wt_v0, wt_v1]
    g_v = [g_v0, g_v1]
    out_v = [out_v0, out_v1]
    sem_in = [sem_in0, sem_in1]
    sem_g = [sem_g0, sem_g1]
    sem_out = [sem_out0, sem_out1]

    idx_hbm = [ix0, ix1, ix2, ix3]
    wt_hbm = [wx0, wx1, wx2, wx3]

    def stage(ch, b):
        ch = jnp.minimum(ch, NCHUNK - 1)
        for corner in range(4):
            pltpu.async_copy(idx_hbm[corner].at[pl.ds(ch * 2, 2)],
                             idx_v[b].at[pl.ds(corner * 2, 2)], sem_in[b])
            pltpu.async_copy(wt_hbm[corner].at[pl.ds(ch * 2, 2)],
                             wt_v[b].at[pl.ds(corner * 2, 2)], sem_in[b])

    def wait_stage(b):
        pltpu.make_async_copy(ix0.at[pl.ds(0, 8)], idx_v[b], sem_in[b]).wait()
        pltpu.make_async_copy(wx0.at[pl.ds(0, 8)], wt_v[b], sem_in[b]).wait()

    def gath(b):
        for j in range(8):
            pltpu.async_copy(
                table_hbm.at[idx_v[b].at[j]],
                g_v[b].at[pl.ds(j * 128, 128)], sem_g[b])

    def wait_gath(b):
        for j in range(8):
            pltpu.make_async_copy(table_hbm.at[pl.ds(0, 128)],
                                  g_v[b].at[pl.ds(j * 128, 128)], sem_g[b]).wait()

    def compute(b):
        wtb = wt_v[b]
        gvb = g_v[b]
        ovb = out_v[b]

        @pl.loop(0, 16)
        def _(i):
            hoff = (i & 7) * 16
            qq = i >> 3
            acc0 = jnp.zeros((16,), jnp.float32)
            acc1 = jnp.zeros((16,), jnp.float32)
            for corner in range(4):
                w16 = wtb[corner * 2 + qq, pl.ds(hoff, 16)]
                start = (corner * 2 + qq) * 128 + hoff
                for k in range(16):
                    wk = lax.gather(
                        w16, jnp.full((16, 1), k, jnp.int32),
                        lax.GatherDimensionNumbers(
                            offset_dims=(), collapsed_slice_dims=(0,),
                            start_index_map=(0,)),
                        (1,), mode=lax.GatherScatterMode.PROMISE_IN_BOUNDS)
                    g0 = gvb[start + k, pl.ds(0, 16)]
                    g1 = gvb[start + k, pl.ds(16, 16)]
                    acc0 = acc0 + wk * g0
                    acc1 = acc1 + wk * g1
            ovb[i, pl.ds(0, 16)] = acc0
            ovb[i, pl.ds(16, 16)] = acc1

    stage(base_ch, 0)
    stage(base_ch + 1, 1)
    pltpu.async_copy(out_v0, out_hbm.at[pl.ds(base_ch * 16, 16)], sem_out0)
    pltpu.async_copy(out_v1, out_hbm.at[pl.ds(base_ch * 16 + 16, 16)], sem_out1)
    wait_stage(0)
    gath(0)

    @pl.loop(0, CHPW, step=2)
    def _(t):
        for b in range(2):
            ch = base_ch + t + b
            nb = 1 - b
            wait_stage(nb)
            gath(nb)
            wait_gath(b)
            pltpu.make_async_copy(out_v[b], out_hbm.at[pl.ds(0, 16)],
                                  sem_out[b]).wait()
            compute(b)
            pltpu.async_copy(out_v[b], out_hbm.at[pl.ds(ch * 16, 16)], sem_out[b])
            stage(ch + 2, b)

    wait_stage(1)
    wait_gath(0)
    pltpu.make_async_copy(out_v0, out_hbm.at[pl.ds(0, 16)], sem_out0).wait()
    pltpu.make_async_copy(out_v1, out_hbm.at[pl.ds(0, 16)], sem_out1).wait()


@jax.jit
def kernel(query, query_pos, value, reference_points, spatial_shapes,
           W_so, b_so, W_aw, b_aw, W_v, b_v, W_o, b_o):
    del spatial_shapes
    sx, sy, saw, rx, ry, pool = _selection_matrices()

    q2 = query.reshape(NQ, EMBED)
    qp2 = query_pos.reshape(NQ, EMBED)
    refs = reference_points.reshape(NQ, NCAM * 2)

    grid_a = NQ // BQ
    full = lambda shape: pl.BlockSpec(shape, lambda i: (0, 0))
    *prep_outs, = pl.pallas_call(
        _prep_body,
        grid=(grid_a,),
        in_specs=[
            pl.BlockSpec((BQ, EMBED), lambda i: (i, 0)),
            pl.BlockSpec((BQ, EMBED), lambda i: (i, 0)),
            pl.BlockSpec((BQ, NCAM * 2), lambda i: (i, 0)),
            full((EMBED, 64)), full((1, 64)),
            full((EMBED, 32)), full((1, 32)),
            full((64, NLANE)), full((64, NLANE)), full((32, NLANE)),
            full((8, NLANE)), full((8, NLANE)), full((32, 32)),
        ],
        out_specs=[pl.BlockSpec((BQ, 128), lambda i: (i, 0))] * 8,
        out_shape=[jax.ShapeDtypeStruct((NQ, 128), jnp.int32)] * 4
                  + [jax.ShapeDtypeStruct((NQ, 128), jnp.float32)] * 4,
    )(q2, qp2, refs, W_so, b_so.reshape(1, 64), W_aw, b_aw.reshape(1, 32),
      jnp.asarray(sx), jnp.asarray(sy), jnp.asarray(saw),
      jnp.asarray(rx), jnp.asarray(ry), jnp.asarray(pool))

    v2 = value.reshape(NCAM * HW, EMBED)
    BV = 1024
    vproj = pl.pallas_call(
        _vproj_body,
        grid=(NCAM * HW // BV,),
        in_specs=[
            pl.BlockSpec((BV, EMBED), lambda i: (i, 0)),
            full((EMBED, EMBED)), full((1, EMBED)),
        ],
        out_specs=pl.BlockSpec((BV * 2, 128), lambda i: (i, 0)),
        out_shape=jax.ShapeDtypeStruct((NCAM * HW * 2, 128), jnp.float32),
    )(v2, W_v, b_v.reshape(1, EMBED))

    table = vproj.reshape(NCAM * HW * HEADS, DH)

    mesh = plsc.VectorSubcoreMesh(core_axis_name="c", subcore_axis_name="s")
    cp = pltpu.CompilerParams(needs_layout_passes=False,
                              use_tc_tiling_on_sc=False)
    msda = pl.kernel(
        _sc_kernel,
        out_type=jax.ShapeDtypeStruct((NPAIR, DH), jnp.float32),
        mesh=mesh,
        scratch_types=[
            pltpu.VMEM((8, 128), jnp.int32),
            pltpu.VMEM((8, 128), jnp.int32),
            pltpu.VMEM((8, 128), jnp.float32),
            pltpu.VMEM((8, 128), jnp.float32),
            pltpu.VMEM((QCH * NLANE, DH), jnp.float32),
            pltpu.VMEM((QCH * NLANE, DH), jnp.float32),
            pltpu.VMEM((16, DH), jnp.float32),
            pltpu.VMEM((16, DH), jnp.float32),
            pltpu.SemaphoreType.DMA,
            pltpu.SemaphoreType.DMA,
            pltpu.SemaphoreType.DMA,
            pltpu.SemaphoreType.DMA,
            pltpu.SemaphoreType.DMA,
            pltpu.SemaphoreType.DMA,
        ],
        compiler_params=cp,
    )(*prep_outs, table)

    m2 = msda.reshape(NQ, EMBED)
    out = pl.pallas_call(
        _out_body,
        grid=(NQ // BQ,),
        in_specs=[
            pl.BlockSpec((BQ, EMBED), lambda i: (i, 0)),
            full((EMBED, EMBED)), full((1, EMBED)),
            pl.BlockSpec((BQ, EMBED), lambda i: (i, 0)),
        ],
        out_specs=pl.BlockSpec((BQ, EMBED), lambda i: (i, 0)),
        out_shape=jax.ShapeDtypeStruct((NQ, EMBED), jnp.float32),
    )(m2, W_o, b_o.reshape(1, EMBED), q2)

    return out.reshape(1, NQ, EMBED)

# --- scband reference (transcript-rebuilt; emitter-appended) ---
"""Pipeline reference for scband-defor-attn-4724464025951 (READ-ONLY COPY).

The authoritative reference and input builder live on the scoring server;
editing this copy changes nothing except your own understanding.
"""

import jax, jax.numpy as jnp
import numpy as np

EMBED = 256
HEADS = 8
POINTS = 4
LEVELS = 1
NCAM = 4
FH = 64
FW = 176
NQ = 16384


def setup_inputs(seed: int = 0) -> dict:
    key = jax.random.key(seed)
    ks = jax.random.split(key, 13)
    query = jax.random.normal(ks[0], (1, NQ, EMBED), dtype=jnp.float32)
    query_pos = jax.random.normal(ks[1], (1, NQ, EMBED), dtype=jnp.float32) * 0.1
    value = jax.random.normal(ks[2], (NCAM, FH * FW, EMBED), dtype=jnp.float32)
    reference_points = jax.random.uniform(ks[3], (1, NQ, NCAM, 2), dtype=jnp.float32)
    spatial_shapes = jnp.tile(jnp.array([[FH, FW]], dtype=jnp.int32), (NCAM, 1))
    W_so = jax.random.normal(ks[4], (EMBED, LEVELS * HEADS * POINTS * 2), dtype=jnp.float32) * 0.01
    b_so = jax.random.normal(ks[5], (LEVELS * HEADS * POINTS * 2,), dtype=jnp.float32) * 2.0
    W_aw = jax.random.normal(ks[6], (EMBED, LEVELS * HEADS * POINTS), dtype=jnp.float32) * 0.02
    b_aw = jnp.zeros((LEVELS * HEADS * POINTS,), dtype=jnp.float32)
    W_v = jax.random.normal(ks[7], (EMBED, EMBED), dtype=jnp.float32) * 0.02
    b_v = jnp.zeros((EMBED,), dtype=jnp.float32)
    W_o = jax.random.normal(ks[8], (EMBED, EMBED), dtype=jnp.float32) * 0.02
    b_o = jnp.zeros((EMBED,), dtype=jnp.float32)
    return {'query': query, 'query_pos': query_pos, 'value': value,
            'reference_points': reference_points, 'spatial_shapes': spatial_shapes,
            'W_so': W_so, 'b_so': b_so, 'W_aw': W_aw, 'b_aw': b_aw,
            'W_v': W_v, 'b_v': b_v, 'W_o': W_o, 'b_o': b_o}


def _grid_sample_bilinear(img, grid):
    # img: [H, W, C]; grid: [..., 2] (x, y) in [-1, 1]; zeros padding, align_corners=False
    H, W = img.shape[0], img.shape[1]
    x = (grid[..., 0] + 1.0) * W / 2.0 - 0.5
    y = (grid[..., 1] + 1.0) * H / 2.0 - 0.5
    x0 = jnp.floor(x)
    y0 = jnp.floor(y)
    x1 = x0 + 1.0
    y1 = y0 + 1.0
    wx1 = x - x0
    wx0 = 1.0 - wx1
    wy1 = y - y0
    wy0 = 1.0 - wy1

    def gather(xi, yi):
        valid = (xi >= 0) & (xi <= W - 1) & (yi >= 0) & (yi <= H - 1)
        xi_c = jnp.clip(xi, 0, W - 1).astype(jnp.int32)
        yi_c = jnp.clip(yi, 0, H - 1).astype(jnp.int32)
        vals = img[yi_c, xi_c]
        return vals * valid.astype(img.dtype)[..., None]

    out = (gather(x0, y0) * (wx0 * wy0)[..., None]
           + gather(x1, y0) * (wx1 * wy0)[..., None]
           + gather(x0, y1) * (wx0 * wy1)[..., None]
           + gather(x1, y1) * (wx1 * wy1)[..., None])
    return out


def _msda(value, spatial_shapes, sampling_locations, attention_weights):
    # value: [N, HW, heads, dh]; sampling_locations: [1, nq, heads, N, P, 2]
    # attention_weights: [1, nq, heads, 1, P] (shared/broadcast over levels)
    N, HW, nh, dh = value.shape
    nq = sampling_locations.shape[1]
    grids = 2.0 * sampling_locations - 1.0
    w = attention_weights[0, :, :, 0, :]  # [nq, heads, P]
    out = jnp.zeros((nq, nh, dh), dtype=value.dtype)
    for l in range(N):
        H_, W_ = FH, FW
        img = value[l].reshape(H_, W_, nh, dh)
        for h in range(nh):
            g = grids[0, :, h, l]  # [nq, P, 2]
            sampled = _grid_sample_bilinear(img[:, :, h, :], g)  # [nq, P, dh]
            out = out.at[:, h, :].add(jnp.einsum('qpd,qp->qd', sampled, w[:, h, :]))
    return out.reshape(1, nq, nh * dh)


def reference(query, query_pos, value, reference_points, spatial_shapes,
              W_so, b_so, W_aw, b_aw, W_v, b_v, W_o, b_o):
    identity = query
    q = query + query_pos
    N, num_value, C = value.shape
    v = value @ W_v + b_v
    v = v.reshape(N, num_value, HEADS, C // HEADS)
    bs, nq, _ = q.shape
    so = (q @ W_so + b_so).reshape(bs, nq, HEADS, LEVELS, POINTS, 2)
    aw = (q @ W_aw + b_aw).reshape(bs, nq, HEADS, LEVELS, POINTS).reshape(bs, nq, HEADS, POINTS)
    aw = jax.nn.softmax(aw, axis=-1).reshape(bs, nq, HEADS, 1, POINTS)
    offset_normalizer = jnp.stack([spatial_shapes[..., 1], spatial_shapes[..., 0]], -1).astype(jnp.float32)
    sampling_locations = (reference_points[:, :, None, :, None, :]
                          + so / offset_normalizer[None, None, None, :, None, :])
    out = _msda(v, spatial_shapes, sampling_locations, aw)
    out = out @ W_o + b_o
    # dropout p=0.0 -> identity at inference
    return out + identity

if __name__ == "__main__":
    import jax
    _d = setup_inputs()
    print(jax.jit(kernel)(*tuple(_d.values())))

</pallas_src>

<mosaic_0001>
#map = affine_map<(d0, d1) -> (0, 0)>
module attributes {stable_mosaic.version = 14 : i64} {
  func.func @_sc_kernel(%arg0: i32, %arg1: i32, %arg2: memref<16384x128xi32, #tpu.memory_space<hbm>>, %arg3: memref<16384x128xi32, #tpu.memory_space<hbm>>, %arg4: memref<16384x128xi32, #tpu.memory_space<hbm>>, %arg5: memref<16384x128xi32, #tpu.memory_space<hbm>>, %arg6: memref<16384x128xf32, #tpu.memory_space<hbm>>, %arg7: memref<16384x128xf32, #tpu.memory_space<hbm>>, %arg8: memref<16384x128xf32, #tpu.memory_space<hbm>>, %arg9: memref<16384x128xf32, #tpu.memory_space<hbm>>, %arg10: memref<360448x32xf32, #tpu.memory_space<hbm>>, %arg11: memref<131072x32xf32, #tpu.memory_space<hbm>>, %arg12: memref<8x128xi32, #tpu.memory_space<vmem>>, %arg13: memref<8x128xi32, #tpu.memory_space<vmem>>, %arg14: memref<8x128xf32, #tpu.memory_space<vmem>>, %arg15: memref<8x128xf32, #tpu.memory_space<vmem>>, %arg16: memref<1024x32xf32, #tpu.memory_space<vmem>>, %arg17: memref<1024x32xf32, #tpu.memory_space<vmem>>, %arg18: memref<16x32xf32, #tpu.memory_space<vmem>>, %arg19: memref<16x32xf32, #tpu.memory_space<vmem>>, %arg20: memref<!tpu.dma_semaphore, #tpu.memory_space<semaphore_mem>>, %arg21: memref<!tpu.dma_semaphore, #tpu.memory_space<semaphore_mem>>, %arg22: memref<!tpu.dma_semaphore, #tpu.memory_space<semaphore_mem>>, %arg23: memref<!tpu.dma_semaphore, #tpu.memory_space<semaphore_mem>>, %arg24: memref<!tpu.dma_semaphore, #tpu.memory_space<semaphore_mem>>, %arg25: memref<!tpu.dma_semaphore, #tpu.memory_space<semaphore_mem>>) attributes {dimension_semantics = [#tpu.dimension_semantics<core_parallel>, #tpu.dimension_semantics<subcore_parallel>], iteration_bounds = array<i64: 2, 16>, scalar_prefetch = 0 : i64, scratch_operands = 14 : i64, tpu.core_type = #tpu.core_type<sc_vector_subcore>, window_params = [{transform_indices = #map}, {transform_indices = #map}, {transform_indices = #map}, {transform_indices = #map}, {transform_indices = #map}, {transform_indices = #map}, {transform_indices = #map}, {transform_indices = #map}, {transform_indices = #map}, {transform_indices = #map}]} {
    %mul3A = arith.constant 16 : i32
    %mul3A_0 = arith.muli %arg0, %mul3A : i32
    %add3A = arith.addi %mul3A_0, %arg1 : i32
    %mul3A_1 = arith.constant 256 : i32
    %mul3A_2 = arith.muli %add3A, %mul3A_1 : i32
    %min3A = arith.constant 8191 : i32
    %min3A_3 = arith.minsi %mul3A_2, %min3A : i32
    %mul3A_4 = arith.constant 2 : i32
    %mul3A_5 = arith.muli %min3A_3, %mul3A_4 : i32
    %dma_start3A = arith.constant 0 : i32
    %dma_start3A_6 = arith.constant 0 : i32
    %dma_start3A_7 = tpu.memref_slice %arg12[%dma_start3A, %dma_start3A_6] : memref<8x128xi32, #tpu.memory_space<vmem>> -> memref<2x128xi32, #tpu.memory_space<vmem>>
    %dma_start3A_8 = arith.constant 0 : i32
    %dma_start3A_9 = tpu.memref_slice %arg2[%mul3A_5, %dma_start3A_8] : memref<16384x128xi32, #tpu.memory_space<hbm>> -> memref<2x128xi32, #tpu.memory_space<hbm>>
    %dma_start3A_10 = arith.constant 0 : i32
    %dma_start3A_11 = arith.constant 0 : i32
    %dma_start3A_12 = tpu.memref_slice %arg12[%dma_start3A_10, %dma_start3A_11] : memref<8x128xi32, #tpu.memory_space<vmem>> -> memref<2x128xi32, #tpu.memory_space<vmem>>
    %dma_start3A_13 = arith.constant 0 : i32
    %dma_start3A_14 = tpu.memref_slice %arg2[%mul3A_5, %dma_start3A_13] : memref<16384x128xi32, #tpu.memory_space<hbm>> -> memref<2x128xi32, #tpu.memory_space<hbm>>
    tpu.enqueue_dma source(%dma_start3A_14 : memref<2x128xi32, #tpu.memory_space<hbm>>) target(%dma_start3A_12 : memref<2x128xi32, #tpu.memory_space<vmem>>) target_semaphore(%arg20 : memref<!tpu.dma_semaphore, #tpu.memory_space<semaphore_mem>>)
    %mul3A_15 = arith.constant 2 : i32
    %mul3A_16 = arith.muli %min3A_3, %mul3A_15 : i32
    %dma_start3A_17 = arith.constant 0 : i32
    %dma_start3A_18 = arith.constant 0 : i32
    %dma_start3A_19 = tpu.memref_slice %arg14[%dma_start3A_17, %dma_start3A_18] : memref<8x128xf32, #tpu.memory_space<vmem>> -> memref<2x128xf32, #tpu.memory_space<vmem>>
    %dma_start3A_20 = arith.constant 0 : i32
    %dma_start3A_21 = tpu.memref_slice %arg6[%mul3A_16, %dma_start3A_20] : memref<16384x128xf32, #tpu.memory_space<hbm>> -> memref<2x128xf32, #tpu.memory_space<hbm>>
    %dma_start3A_22 = arith.constant 0 : i32
    %dma_start3A_23 = arith.constant 0 : i32
    %dma_start3A_24 = tpu.memref_slice %arg14[%dma_start3A_22, %dma_start3A_23] : memref<8x128xf32, #tpu.memory_space<vmem>> -> memref<2x128xf32, #tpu.memory_space<vmem>>
    %dma_start3A_25 = arith.constant 0 : i32
    %dma_start3A_26 = tpu.memref_slice %arg6[%mul3A_16, %dma_start3A_25] : memref<16384x128xf32, #tpu.memory_space<hbm>> -> memref<2x128xf32, #tpu.memory_space<hbm>>
    tpu.enqueue_dma source(%dma_start3A_26 : memref<2x128xf32, #tpu.memory_space<hbm>>) target(%dma_start3A_24 : memref<2x128xf32, #tpu.memory_space<vmem>>) target_semaphore(%arg20 : memref<!tpu.dma_semaphore, #tpu.memory_space<semaphore_mem>>)
    %mul3A_27 = arith.constant 2 : i32
    %mul3A_28 = arith.muli %min3A_3, %mul3A_27 : i32
    %dma_start3A_29 = arith.constant 2 : i32
    %dma_start3A_30 = arith.constant 0 : i32
    %dma_start3A_31 = tpu.memref_slice %arg12[%dma_start3A_29, %dma_start3A_30] : memref<8x128xi32, #tpu.memory_space<vmem>> -> memref<2x128xi32, #tpu.memory_space<vmem>>
    %dma_start3A_32 = arith.constant 0 : i32
    %dma_start3A_33 = tpu.memref_slice %arg3[%mul3A_28, %dma_start3A_32] : memref<16384x128xi32, #tpu.memory_space<hbm>> -> memref<2x128xi32, #tpu.memory_space<hbm>>
    %dma_start3A_34 = arith.constant 2 : i32
    %dma_start3A_35 = arith.constant 0 : i32
    %dma_start3A_36 = tpu.memref_slice %arg12[%dma_start3A_34, %dma_start3A_35] : memref<8x128xi32, #tpu.memory_space<vmem>> -> memref<2x128xi32, #tpu.memory_space<vmem>>
    %dma_start3A_37 = arith.constant 0 : i32
    %dma_start3A_38 = tpu.memref_slice %arg3[%mul3A_28, %dma_start3A_37] : memref<16384x128xi32, #tpu.memory_space<hbm>> -> memref<2x128xi32, #tpu.memory_space<hbm>>
    tpu.enqueue_dma source(%dma_start3A_38 : memref<2x128xi32, #tpu.memory_space<hbm>>) target(%dma_start3A_36 : memref<2x128xi32, #tpu.memory_space<vmem>>) target_semaphore(%arg20 : memref<!tpu.dma_semaphore, #tpu.memory_space<semaphore_mem>>)
    %mul3A_39 = arith.constant 2 : i32
    %mul3A_40 = arith.muli %min3A_3, %mul3A_39 : i32
    %dma_start3A_41 = arith.constant 2 : i32
    %dma_start3A_42 = arith.constant 0 : i32
    %dma_start3A_43 = tpu.memref_slice %arg14[%dma_start3A_41, %dma_start3A_42] : memref<8x128xf32, #tpu.memory_space<vmem>> -> memref<2x128xf32, #tpu.memory_space<vmem>>
    %dma_start3A_44 = arith.constant 0 : i32
    %dma_start3A_45 = tpu.memref_slice %arg7[%mul3A_40, %dma_start3A_44] : memref<16384x128xf32, #tpu.memory_space<hbm>> -> memref<2x128xf32, #tpu.memory_space<hbm>>
    %dma_start3A_46 = arith.constant 2 : i32
    %dma_start3A_47 = arith.constant 0 : i32
    %dma_start3A_48 = tpu.memref_slice %arg14[%dma_start3A_46, %dma_start3A_47] : memref<8x128xf32, #tpu.memory_space<vmem>> -> memref<2x128xf32, #tpu.memory_space<vmem>>
    %dma_start3A_49 = arith.constant 0 : i32
    %dma_start3A_50 = tpu.memref_slice %arg7[%mul3A_40, %dma_start3A_49] : memref<16384x128xf32, #tpu.memory_space<hbm>> -> memref<2x128xf32, #tpu.memory_space<hbm>>
    tpu.enqueue_dma source(%dma_start3A_50 : memref<2x128xf32, #tpu.memory_space<hbm>>) target(%dma_start3A_48 : memref<2x128xf32, #tpu.memory_space<vmem>>) target_semaphore(%arg20 : memref<!tpu.dma_semaphore, #tpu.memory_space<semaphore_mem>>)
    %mul3A_51 = arith.constant 2 : i32
    %mul3A_52 = arith.muli %min3A_3, %mul3A_51 : i32
    %dma_start3A_53 = arith.constant 4 : i32
    %dma_start3A_54 = arith.constant 0 : i32
    %dma_start3A_55 = tpu.memref_slice %arg12[%dma_start3A_53, %dma_start3A_54] : memref<8x128xi32, #tpu.memory_space<vmem>> -> memref<2x128xi32, #tpu.memory_space<vmem>>
    %dma_start3A_56 = arith.constant 0 : i32
    %dma_start3A_57 = tpu.memref_slice %arg4[%mul3A_52, %dma_start3A_56] : memref<16384x128xi32, #tpu.memory_space<hbm>> -> memref<2x128xi32, #tpu.memory_space<hbm>>
    %dma_start3A_58 = arith.constant 4 : i32
    %dma_start3A_59 = arith.constant 0 : i32
    %dma_start3A_60 = tpu.memref_slice %arg12[%dma_start3A_58, %dma_start3A_59] : memref<8x128xi32, #tpu.memory_space<vmem>> -> memref<2x128xi32, #tpu.memory_space<vmem>>
    %dma_start3A_61 = arith.constant 0 : i32
    %dma_start3A_62 = tpu.memref_slice %arg4[%mul3A_52, %dma_start3A_61] : memref<16384x128xi32, #tpu.memory_space<hbm>> -> memref<2x128xi32, #tpu.memory_space<hbm>>
    tpu.enqueue_dma source(%dma_start3A_62 : memref<2x128xi32, #tpu.memory_space<hbm>>) target(%dma_start3A_60 : memref<2x128xi32, #tpu.memory_space<vmem>>) target_semaphore(%arg20 : memref<!tpu.dma_semaphore, #tpu.memory_space<semaphore_mem>>)
    %mul3A_63 = arith.constant 2 : i32
    %mul3A_64 = arith.muli %min3A_3, %mul3A_63 : i32
    %dma_start3A_65 = arith.constant 4 : i32
    %dma_start3A_66 = arith.constant 0 : i32
    %dma_start3A_67 = tpu.memref_slice %arg14[%dma_start3A_65, %dma_start3A_66] : memref<8x128xf32, #tpu.memory_space<vmem>> -> memref<2x128xf32, #tpu.memory_space<vmem>>
    %dma_start3A_68 = arith.constant 0 : i32
    %dma_start3A_69 = tpu.memref_slice %arg8[%mul3A_64, %dma_start3A_68] : memref<16384x128xf32, #tpu.memory_space<hbm>> -> memref<2x128xf32, #tpu.memory_space<hbm>>
    %dma_start3A_70 = arith.constant 4 : i32
    %dma_start3A_71 = arith.constant 0 : i32
    %dma_start3A_72 = tpu.memref_slice %arg14[%dma_start3A_70, %dma_start3A_71] : memref<8x128xf32, #tpu.memory_space<vmem>> -> memref<2x128xf32, #tpu.memory_space<vmem>>
    %dma_start3A_73 = arith.constant 0 : i32
    %dma_start3A_74 = tpu.memref_slice %arg8[%mul3A_64, %dma_start3A_73] : memref<16384x128xf32, #tpu.memory_space<hbm>> -> memref<2x128xf32, #tpu.memory_space<hbm>>
    tpu.enqueue_dma source(%dma_start3A_74 : memref<2x128xf32, #tpu.memory_space<hbm>>) target(%dma_start3A_72 : memref<2x128xf32, #tpu.memory_space<vmem>>) target_semaphore(%arg20 : memref<!tpu.dma_semaphore, #tpu.memory_space<semaphore_mem>>)
    %mul3A_75 = arith.constant 2 : i32
    %mul3A_76 = arith.muli %min3A_3, %mul3A_75 : i32
    %dma_start3A_77 = arith.constant 6 : i32
    %dma_start3A_78 = arith.constant 0 : i32
    %dma_start3A_79 = tpu.memref_slice %arg12[%dma_start3A_77, %dma_start3A_78] : memref<8x128xi32, #tpu.memory_space<vmem>> -> memref<2x128xi32, #tpu.memory_space<vmem>>
    %dma_start3A_80 = arith.constant 0 : i32
    %dma_start3A_81 = tpu.memref_slice %arg5[%mul3A_76, %dma_start3A_80] : memref<16384x128xi32, #tpu.memory_space<hbm>> -> memref<2x128xi32, #tpu.memory_space<hbm>>
    %dma_start3A_82 = arith.constant 6 : i32
    %dma_start3A_83 = arith.constant 0 : i32
    %dma_start3A_84 = tpu.memref_slice %arg12[%dma_start3A_82, %dma_start3A_83] : memref<8x128xi32, #tpu.memory_space<vmem>> -> memref<2x128xi32, #tpu.memory_space<vmem>>
    %dma_start3A_85 = arith.constant 0 : i32
    %dma_start3A_86 = tpu.memref_slice %arg5[%mul3A_76, %dma_start3A_85] : memref<16384x128xi32, #tpu.memory_space<hbm>> -> memref<2x128xi32, #tpu.memory_space<hbm>>
    tpu.enqueue_dma source(%dma_start3A_86 : memref<2x128xi32, #tpu.memory_space<hbm>>) target(%dma_start3A_84 : memref<2x128xi32, #tpu.memory_space<vmem>>) target_semaphore(%arg20 : memref<!tpu.dma_semaphore, #tpu.memory_space<semaphore_mem>>)
    %mul3A_87 = arith.constant 2 : i32
    %mul3A_88 = arith.muli %min3A_3, %mul3A_87 : i32
    %dma_start3A_89 = arith.constant 6 : i32
    %dma_start3A_90 = arith.constant 0 : i32
    %dma_start3A_91 = tpu.memref_slice %arg14[%dma_start3A_89, %dma_start3A_90] : memref<8x128xf32, #tpu.memory_space<vmem>> -> memref<2x128xf32, #tpu.memory_space<vmem>>
    %dma_start3A_92 = arith.constant 0 : i32
    %dma_start3A_93 = tpu.memref_slice %arg9[%mul3A_88, %dma_start3A_92] : memref<16384x128xf32, #tpu.memory_space<hbm>> -> memref<2x128xf32, #tpu.memory_space<hbm>>
    %dma_start3A_94 = arith.constant 6 : i32
    %dma_start3A_95 = arith.constant 0 : i32
    %dma_start3A_96 = tpu.memref_slice %arg14[%dma_start3A_94, %dma_start3A_95] : memref<8x128xf32, #tpu.memory_space<vmem>> -> memref<2x128xf32, #tpu.memory_space<vmem>>
    %dma_start3A_97 = arith.constant 0 : i32
    %dma_start3A_98 = tpu.memref_slice %arg9[%mul3A_88, %dma_start3A_97] : memref<16384x128xf32, #tpu.memory_space<hbm>> -> memref<2x128xf32, #tpu.memory_space<hbm>>
    tpu.enqueue_dma source(%dma_start3A_98 : memref<2x128xf32, #tpu.memory_space<hbm>>) target(%dma_start3A_96 : memref<2x128xf32, #tpu.memory_space<vmem>>) target_semaphore(%arg20 : memref<!tpu.dma_semaphore, #tpu.memory_space<semaphore_mem>>)
    %add3A_99 = arith.constant 1 : i32
    %add3A_100 = arith.addi %mul3A_2, %add3A_99 : i32
    %min3A_101 = arith.constant 8191 : i32
    %min3A_102 = arith.minsi %add3A_100, %min3A_101 : i32
    %mul3A_103 = arith.constant 2 : i32
    %mul3A_104 = arith.muli %min3A_102, %mul3A_103 : i32
    %dma_start3A_105 = arith.constant 0 : i32
    %dma_start3A_106 = arith.constant 0 : i32
    %dma_start3A_107 = tpu.memref_slice %arg13[%dma_start3A_105, %dma_start3A_106] : memref<8x128xi32, #tpu.memory_space<vmem>> -> memref<2x128xi32, #tpu.memory_space<vmem>>
    %dma_start3A_108 = arith.constant 0 : i32
    %dma_start3A_109 = tpu.memref_slice %arg2[%mul3A_104, %dma_start3A_108] : memref<16384x128xi32, #tpu.memory_space<hbm>> -> memref<2x128xi32, #tpu.memory_space<hbm>>
    %dma_start3A_110 = arith.constant 0 : i32
    %dma_start3A_111 = arith.constant 0 : i32
    %dma_start3A_112 = tpu.memref_slice %arg13[%dma_start3A_110, %dma_start3A_111] : memref<8x128xi32, #tpu.memory_space<vmem>> -> memref<2x128xi32, #tpu.memory_space<vmem>>
    %dma_start3A_113 = arith.constant 0 : i32
    %dma_start3A_114 = tpu.memref_slice %arg2[%mul3A_104, %dma_start3A_113] : memref<16384x128xi32, #tpu.memory_space<hbm>> -> memref<2x128xi32, #tpu.memory_space<hbm>>
    tpu.enqueue_dma source(%dma_start3A_114 : memref<2x128xi32, #tpu.memory_space<hbm>>) target(%dma_start3A_112 : memref<2x128xi32, #tpu.memory_space<vmem>>) target_semaphore(%arg21 : memref<!tpu.dma_semaphore, #tpu.memory_space<semaphore_mem>>)
    %mul3A_115 = arith.constant 2 : i32
    %mul3A_116 = arith.muli %min3A_102, %mul3A_115 : i32
    %dma_start3A_117 = arith.constant 0 : i32
    %dma_start3A_118 = arith.constant 0 : i32
    %dma_start3A_119 = tpu.memref_slice %arg15[%dma_start3A_117, %dma_start3A_118] : memref<8x128xf32, #tpu.memory_space<vmem>> -> memref<2x128xf32, #tpu.memory_space<vmem>>
    %dma_start3A_120 = arith.constant 0 : i32
    %dma_start3A_121 = tpu.memref_slice %arg6[%mul3A_116, %dma_start3A_120] : memref<16384x128xf32, #tpu.memory_space<hbm>> -> memref<2x128xf32, #tpu.memory_space<hbm>>
    %dma_start3A_122 = arith.constant 0 : i32
    %dma_start3A_123 = arith.constant 0 : i32
    %dma_start3A_124 = tpu.memref_slice %arg15[%dma_start3A_122, %dma_start3A_123] : memref<8x128xf32, #tpu.memory_space<vmem>> -> memref<2x128xf32, #tpu.memory_space<vmem>>
    %dma_start3A_125 = arith.constant 0 : i32
    %dma_start3A_126 = tpu.memref_slice %arg6[%mul3A_116, %dma_start3A_125] : memref<16384x128xf32, #tpu.memory_space<hbm>> -> memref<2x128xf32, #tpu.memory_space<hbm>>
    tpu.enqueue_dma source(%dma_start3A_126 : memref<2x128xf32, #tpu.memory_space<hbm>>) target(%dma_start3A_124 : memref<2x128xf32, #tpu.memory_space<vmem>>) target_semaphore(%arg21 : memref<!tpu.dma_semaphore, #tpu.memory_space<semaphore_mem>>)
    %mul3A_127 = arith.constant 2 : i32
    %mul3A_128 = arith.muli %min3A_102, %mul3A_127 : i32
    %dma_start3A_129 = arith.constant 2 : i32
    %dma_start3A_130 = arith.constant 0 : i32
    %dma_start3A_131 = tpu.memref_slice %arg13[%dma_start3A_129, %dma_start3A_130] : memref<8x128xi32, #tpu.memory_space<vmem>> -> memref<2x128xi32, #tpu.memory_space<vmem>>
    %dma_start3A_132 = arith.constant 0 : i32
    %dma_start3A_133 = tpu.memref_slice %arg3[%mul3A_128, %dma_start3A_132] : memref<16384x128xi32, #tpu.memory_space<hbm>> -> memref<2x128xi32, #tpu.memory_space<hbm>>
    %dma_start3A_134 = arith.constant 2 : i32
    %dma_start3A_135 = arith.constant 0 : i32
    %dma_start3A_136 = tpu.memref_slice %arg13[%dma_start3A_134, %dma_start3A_135] : memref<8x128xi32, #tpu.memory_space<vmem>> -> memref<2x128xi32, #tpu.memory_space<vmem>>
    %dma_start3A_137 = arith.constant 0 : i32
    %dma_start3A_138 = tpu.memref_slice %arg3[%mul3A_128, %dma_start3A_137] : memref<16384x128xi32, #tpu.memory_space<hbm>> -> memref<2x128xi32, #tpu.memory_space<hbm>>
    tpu.enqueue_dma source(%dma_start3A_138 : memref<2x128xi32, #tpu.memory_space<hbm>>) target(%dma_start3A_136 : memref<2x128xi32, #tpu.memory_space<vmem>>) target_semaphore(%arg21 : memref<!tpu.dma_semaphore, #tpu.memory_space<semaphore_mem>>)
    %mul3A_139 = arith.constant 2 : i32
    %mul3A_140 = arith.muli %min3A_102, %mul3A_139 : i32
    %dma_start3A_141 = arith.constant 2 : i32
    %dma_start3A_142 = arith.constant 0 : i32
    %dma_start3A_143 = tpu.memref_slice %arg15[%dma_start3A_141, %dma_start3A_142] : memref<8x128xf32, #tpu.memory_space<vmem>> -> memref<2x128xf32, #tpu.memory_space<vmem>>
    %dma_start3A_144 = arith.constant 0 : i32
    %dma_start3A_145 = tpu.memref_slice %arg7[%mul3A_140, %dma_start3A_144] : memref<16384x128xf32, #tpu.memory_space<hbm>> -> memref<2x128xf32, #tpu.memory_space<hbm>>
    %dma_start3A_146 = arith.constant 2 : i32
    %dma_start3A_147 = arith.constant 0 : i32
    %dma_start3A_148 = tpu.memref_slice %arg15[%dma_start3A_146, %dma_start3A_147] : memref<8x128xf32, #tpu.memory_space<vmem>> -> memref<2x128xf32, #tpu.memory_space<vmem>>
    %dma_start3A_149 = arith.constant 0 : i32
    %dma_start3A_150 = tpu.memref_slice %arg7[%mul3A_140, %dma_start3A_149] : memref<16384x128xf32, #tpu.memory_space<hbm>> -> memref<2x128xf32, #tpu.memory_space<hbm>>
    tpu.enqueue_dma source(%dma_start3A_150 : memref<2x128xf32, #tpu.memory_space<hbm>>) target(%dma_start3A_148 : memref<2x128xf32, #tpu.memory_space<vmem>>) target_semaphore(%arg21 : memref<!tpu.dma_semaphore, #tpu.memory_space<semaphore_mem>>)
    %mul3A_151 = arith.constant 2 : i32
    %mul3A_152 = arith.muli %min3A_102, %mul3A_151 : i32
    %dma_start3A_153 = arith.constant 4 : i32
    %dma_start3A_154 = arith.constant 0 : i32
    %dma_start3A_155 = tpu.memref_slice %arg13[%dma_start3A_153, %dma_start3A_154] : memref<8x128xi32, #tpu.memory_space<vmem>> -> memref<2x128xi32, #tpu.memory_space<vmem>>
    %dma_start3A_156 = arith.constant 0 : i32
    %dma_start3A_157 = tpu.memref_slice %arg4[%mul3A_152, %dma_start3A_156] : memref<16384x128xi32, #tpu.memory_space<hbm>> -> memref<2x128xi32, #tpu.memory_space<hbm>>
    %dma_start3A_158 = arith.constant 4 : i32
    %dma_start3A_159 = arith.constant 0 : i32
    %dma_start3A_160 = tpu.memref_slice %arg13[%dma_start3A_158, %dma_start3A_159] : memref<8x128xi32, #tpu.memory_space<vmem>> -> memref<2x128xi32, #tpu.memory_space<vmem>>
    %dma_start3A_161 = arith.constant 0 : i32
    %dma_start3A_162 = tpu.memref_slice %arg4[%mul3A_152, %dma_start3A_161] : memref<16384x128xi32, #tpu.memory_space<hbm>> -> memref<2x128xi32, #tpu.memory_space<hbm>>
    tpu.enqueue_dma source(%dma_start3A_162 : memref<2x128xi32, #tpu.memory_space<hbm>>) target(%dma_start3A_160 : memref<2x128xi32, #tpu.memory_space<vmem>>) target_semaphore(%arg21 : memref<!tpu.dma_semaphore, #tpu.memory_space<semaphore_mem>>)
    %mul3A_163 = arith.constant 2 : i32
    %mul3A_164 = arith.muli %min3A_102, %mul3A_163 : i32
    %dma_start3A_165 = arith.constant 4 : i32
    %dma_start3A_166 = arith.constant 0 : i32
    %dma_start3A_167 = tpu.memref_slice %arg15[%dma_start3A_165, %dma_start3A_166] : memref<8x128xf32, #tpu.memory_space<vmem>> -> memref<2x128xf32, #tpu.memory_space<vmem>>
    %dma_start3A_168 = arith.constant 0 : i32
    %dma_start3A_169 = tpu.memref_slice %arg8[%mul3A_164, %dma_start3A_168] : memref<16384x128xf32, #tpu.memory_space<hbm>> -> memref<2x128xf32, #tpu.memory_space<hbm>>
    %dma_start3A_170 = arith.constant 4 : i32
    %dma_start3A_171 = arith.constant 0 : i32
    %dma_start3A_172 = tpu.memref_slice %arg15[%dma_start3A_170, %dma_start3A_171] : memref<8x128xf32, #tpu.memory_space<vmem>> -> memref<2x128xf32, #tpu.memory_space<vmem>>
    %dma_start3A_173 = arith.constant 0 : i32
    %dma_start3A_174 = tpu.memref_slice %arg8[%mul3A_164, %dma_start3A_173] : memref<16384x128xf32, #tpu.memory_space<hbm>> -> memref<2x128xf32, #tpu.memory_space<hbm>>
    tpu.enqueue_dma source(%dma_start3A_174 : memref<2x128xf32, #tpu.memory_space<hbm>>) target(%dma_start3A_172 : memref<2x128xf32, #tpu.memory_space<vmem>>) target_semaphore(%arg21 : memref<!tpu.dma_semaphore, #tpu.memory_space<semaphore_mem>>)
    %mul3A_175 = arith.constant 2 : i32
    %mul3A_176 = arith.muli %min3A_102, %mul3A_175 : i32
    %dma_start3A_177 = arith.constant 6 : i32
    %dma_start3A_178 = arith.constant 0 : i32
    %dma_start3A_179 = tpu.memref_slice %arg13[%dma_start3A_177, %dma_start3A_178] : memref<8x128xi32, #tpu.memory_space<vmem>> -> memref<2x128xi32, #tpu.memory_space<vmem>>
    %dma_start3A_180 = arith.constant 0 : i32
    %dma_start3A_181 = tpu.memref_slice %arg5[%mul3A_176, %dma_start3A_180] : memref<16384x128xi32, #tpu.memory_space<hbm>> -> memref<2x128xi32, #tpu.memory_space<hbm>>
    %dma_start3A_182 = arith.constant 6 : i32
    %dma_start3A_183 = arith.constant 0 : i32
    %dma_start3A_184 = tpu.memref_slice %arg13[%dma_start3A_182, %dma_start3A_183] : memref<8x128xi32, #tpu.memory_space<vmem>> -> memref<2x128xi32, #tpu.memory_space<vmem>>
    %dma_start3A_185 = arith.constant 0 : i32
    %dma_start3A_186 = tpu.memref_slice %arg5[%mul3A_176, %dma_start3A_185] : memref<16384x128xi32, #tpu.memory_space<hbm>> -> memref<2x128xi32, #tpu.memory_space<hbm>>
    tpu.enqueue_dma source(%dma_start3A_186 : memref<2x128xi32, #tpu.memory_space<hbm>>) target(%dma_start3A_184 : memref<2x128xi32, #tpu.memory_space<vmem>>) target_semaphore(%arg21 : memref<!tpu.dma_semaphore, #tpu.memory_space<semaphore_mem>>)
    %mul3A_187 = arith.constant 2 : i32
    %mul3A_188 = arith.muli %min3A_102, %mul3A_187 : i32
    %dma_start3A_189 = arith.constant 6 : i32
    %dma_start3A_190 = arith.constant 0 : i32
    %dma_start3A_191 = tpu.memref_slice %arg15[%dma_start3A_189, %dma_start3A_190] : memref<8x128xf32, #tpu.memory_space<vmem>> -> memref<2x128xf32, #tpu.memory_space<vmem>>
    %dma_start3A_192 = arith.constant 0 : i32
    %dma_start3A_193 = tpu.memref_slice %arg9[%mul3A_188, %dma_start3A_192] : memref<16384x128xf32, #tpu.memory_space<hbm>> -> memref<2x128xf32, #tpu.memory_space<hbm>>
    %dma_start3A_194 = arith.constant 6 : i32
    %dma_start3A_195 = arith.constant 0 : i32
    %dma_start3A_196 = tpu.memref_slice %arg15[%dma_start3A_194, %dma_start3A_195] : memref<8x128xf32, #tpu.memory_space<vmem>> -> memref<2x128xf32, #tpu.memory_space<vmem>>
    %dma_start3A_197 = arith.constant 0 : i32
    %dma_start3A_198 = tpu.memref_slice %arg9[%mul3A_188, %dma_start3A_197] : memref<16384x128xf32, #tpu.memory_space<hbm>> -> memref<2x128xf32, #tpu.memory_space<hbm>>
    tpu.enqueue_dma source(%dma_start3A_198 : memref<2x128xf32, #tpu.memory_space<hbm>>) target(%dma_start3A_196 : memref<2x128xf32, #tpu.memory_space<vmem>>) target_semaphore(%arg21 : memref<!tpu.dma_semaphore, #tpu.memory_space<semaphore_mem>>)
    %mul3A_199 = arith.constant 16 : i32
    %mul3A_200 = arith.muli %mul3A_2, %mul3A_199 : i32
    %dma_start3A_201 = arith.constant 0 : i32
    %dma_start3A_202 = tpu.memref_slice %arg11[%mul3A_200, %dma_start3A_201] : memref<131072x32xf32, #tpu.memory_space<hbm>> -> memref<16x32xf32, #tpu.memory_space<hbm>>
    %dma_start3A_203 = arith.constant 0 : i32
    %dma_start3A_204 = tpu.memref_slice %arg11[%mul3A_200, %dma_start3A_203] : memref<131072x32xf32, #tpu.memory_space<hbm>> -> memref<16x32xf32, #tpu.memory_space<hbm>>
    tpu.enqueue_dma source(%arg18 : memref<16x32xf32, #tpu.memory_space<vmem>>) target(%dma_start3A_204 : memref<16x32xf32, #tpu.memory_space<hbm>>) target_semaphore(%arg24 : memref<!tpu.dma_semaphore, #tpu.memory_space<semaphore_mem>>)
    %mul3A_205 = arith.constant 16 : i32
    %mul3A_206 = arith.muli %mul3A_2, %mul3A_205 : i32
    %add3A_207 = arith.constant 16 : i32
    %add3A_208 = arith.addi %mul3A_206, %add3A_207 : i32
    %dma_start3A_209 = arith.constant 0 : i32
    %dma_start3A_210 = tpu.memref_slice %arg11[%add3A_208, %dma_start3A_209] : memref<131072x32xf32, #tpu.memory_space<hbm>> -> memref<16x32xf32, #tpu.memory_space<hbm>>
    %dma_start3A_211 = arith.constant 0 : i32
    %dma_start3A_212 = tpu.memref_slice %arg11[%add3A_208, %dma_start3A_211] : memref<131072x32xf32, #tpu.memory_space<hbm>> -> memref<16x32xf32, #tpu.memory_space<hbm>>
    tpu.enqueue_dma source(%arg19 : memref<16x32xf32, #tpu.memory_space<vmem>>) target(%dma_start3A_212 : memref<16x32xf32, #tpu.memory_space<hbm>>) target_semaphore(%arg25 : memref<!tpu.dma_semaphore, #tpu.memory_space<semaphore_mem>>)
    %dma_wait3A = arith.constant 0 : i32
    %dma_wait3A_213 = arith.constant 0 : i32
    %dma_wait3A_214 = tpu.memref_slice %arg2[%dma_wait3A, %dma_wait3A_213] : memref<16384x128xi32, #tpu.memory_space<hbm>> -> memref<8x128xi32, #tpu.memory_space<hbm>>
    %dma_wait3A_215 = arith.constant 0 : i32
    %dma_wait3A_216 = arith.constant 0 : i32
    %dma_wait3A_217 = tpu.memref_slice %arg2[%dma_wait3A_215, %dma_wait3A_216] : memref<16384x128xi32, #tpu.memory_space<hbm>> -> memref<8x128xi32, #tpu.memory_space<hbm>>
    tpu.wait_dma2 semaphore(%arg20 : memref<!tpu.dma_semaphore, #tpu.memory_space<semaphore_mem>>) src(%dma_wait3A_217 : memref<8x128xi32, #tpu.memory_space<hbm>>) dst(%arg12 : memref<8x128xi32, #tpu.memory_space<vmem>>)
    %dma_wait3A_218 = arith.constant 0 : i32
    %dma_wait3A_219 = arith.constant 0 : i32
    %dma_wait3A_220 = tpu.memref_slice %arg6[%dma_wait3A_218, %dma_wait3A_219] : memref<16384x128xf32, #tpu.memory_space<hbm>> -> memref<8x128xf32, #tpu.memory_space<hbm>>
    %dma_wait3A_221 = arith.constant 0 : i32
    %dma_wait3A_222 = arith.constant 0 : i32
    %dma_wait3A_223 = tpu.memref_slice %arg6[%dma_wait3A_221, %dma_wait3A_222] : memref<16384x128xf32, #tpu.memory_space<hbm>> -> memref<8x128xf32, #tpu.memory_space<hbm>>
    tpu.wait_dma2 semaphore(%arg20 : memref<!tpu.dma_semaphore, #tpu.memory_space<semaphore_mem>>) src(%dma_wait3A_223 : memref<8x128xf32, #tpu.memory_space<hbm>>) dst(%arg14 : memref<8x128xf32, #tpu.memory_space<vmem>>)
    %dma_start3A_224 = arith.constant 0 : i32
    %dma_start3A_225 = arith.constant 0 : i32
    %dma_start3A_226 = arith.constant 0 : i32
    %dma_start3A_227 = tpu.memref_slice %arg16[%dma_start3A_225, %dma_start3A_226] : memref<1024x32xf32, #tpu.memory_space<vmem>> -> memref<128x32xf32, #tpu.memory_space<vmem>>
    %dma_start3A_228 = arith.constant 0 : i32
    %dma_start3A_229 = tpu.memref_slice %arg12[%dma_start3A_224, %dma_start3A_228] : memref<8x128xi32, #tpu.memory_space<vmem>> -> memref<1x128xi32, #tpu.memory_space<vmem>>
    %dma_start3A_230 = tpu.memref_squeeze %dma_start3A_229 : memref<1x128xi32, #tpu.memory_space<vmem>> -> memref<128xi32, #tpu.memory_space<vmem>>
    %dma_start3A_231 = arith.constant 0 : i32
    %dma_start3A_232 = arith.constant 0 : i32
    %dma_start3A_233 = tpu.memref_slice %arg10[%dma_start3A_231, %dma_start3A_232] : memref<360448x32xf32, #tpu.memory_space<hbm>> -> memref<360448x32xf32, #tpu.memory_space<hbm>>
    tpu.enqueue_indirect_dma source(%dma_start3A_233 : memref<360448x32xf32, #tpu.memory_space<hbm>>) target(%dma_start3A_227 : memref<128x32xf32, #tpu.memory_space<vmem>>) offsets(%dma_start3A_230 : memref<128xi32, #tpu.memory_space<vmem>>) semaphore(%arg22 : memref<!tpu.dma_semaphore, #tpu.memory_space<semaphore_mem>>)
    %dma_start3A_234 = arith.constant 1 : i32
    %dma_start3A_235 = arith.constant 128 : i32
    %dma_start3A_236 = arith.constant 0 : i32
    %dma_start3A_237 = tpu.memref_slice %arg16[%dma_start3A_235, %dma_start3A_236] : memref<1024x32xf32, #tpu.memory_space<vmem>> -> memref<128x32xf32, #tpu.memory_space<vmem>>
    %dma_start3A_238 = arith.constant 0 : i32
    %dma_start3A_239 = tpu.memref_slice %arg12[%dma_start3A_234, %dma_start3A_238] : memref<8x128xi32, #tpu.memory_space<vmem>> -> memref<1x128xi32, #tpu.memory_space<vmem>>
    %dma_start3A_240 = tpu.memref_squeeze %dma_start3A_239 : memref<1x128xi32, #tpu.memory_space<vmem>> -> memref<128xi32, #tpu.memory_space<vmem>>
    %dma_start3A_241 = arith.constant 0 : i32
    %dma_start3A_242 = arith.constant 0 : i32
    %dma_start3A_243 = tpu.memref_slice %arg10[%dma_start3A_241, %dma_start3A_242] : memref<360448x32xf32, #tpu.memory_space<hbm>> -> memref<360448x32xf32, #tpu.memory_space<hbm>>
    tpu.enqueue_indirect_dma source(%dma_start3A_243 : memref<360448x32xf32, #tpu.memory_space<hbm>>) target(%dma_start3A_237 : memref<128x32xf32, #tpu.memory_space<vmem>>) offsets(%dma_start3A_240 : memref<128xi32, #tpu.memory_space<vmem>>) semaphore(%arg22 : memref<!tpu.dma_semaphore, #tpu.memory_space<semaphore_mem>>)
    %dma_start3A_244 = arith.constant 2 : i32
    %dma_start3A_245 = arith.constant 256 : i32
    %dma_start3A_246 = arith.constant 0 : i32
    %dma_start3A_247 = tpu.memref_slice %arg16[%dma_start3A_245, %dma_start3A_246] : memref<1024x32xf32, #tpu.memory_space<vmem>> -> memref<128x32xf32, #tpu.memory_space<vmem>>
    %dma_start3A_248 = arith.constant 0 : i32
    %dma_start3A_249 = tpu.memref_slice %arg12[%dma_start3A_244, %dma_start3A_248] : memref<8x128xi32, #tpu.memory_space<vmem>> -> memref<1x128xi32, #tpu.memory_space<vmem>>
    %dma_start3A_250 = tpu.memref_squeeze %dma_start3A_249 : memref<1x128xi32, #tpu.memory_space<vmem>> -> memref<128xi32, #tpu.memory_space<vmem>>
    %dma_start3A_251 = arith.constant 0 : i32
    %dma_start3A_252 = arith.constant 0 : i32
    %dma_start3A_253 = tpu.memref_slice %arg10[%dma_start3A_251, %dma_start3A_252] : memref<360448x32xf32, #tpu.memory_space<hbm>> -> memref<360448x32xf32, #tpu.memory_space<hbm>>
    tpu.enqueue_indirect_dma source(%dma_start3A_253 : memref<360448x32xf32, #tpu.memory_space<hbm>>) target(%dma_start3A_247 : memref<128x32xf32, #tpu.memory_space<vmem>>) offsets(%dma_start3A_250 : memref<128xi32, #tpu.memory_space<vmem>>) semaphore(%arg22 : memref<!tpu.dma_semaphore, #tpu.memory_space<semaphore_mem>>)
    %dma_start3A_254 = arith.constant 3 : i32
    %dma_start3A_255 = arith.constant 384 : i32
    %dma_start3A_256 = arith.constant 0 : i32
    %dma_start3A_257 = tpu.memref_slice %arg16[%dma_start3A_255, %dma_start3A_256] : memref<1024x32xf32, #tpu.memory_space<vmem>> -> memref<128x32xf32, #tpu.memory_space<vmem>>
    %dma_start3A_258 = arith.constant 0 : i32
    %dma_start3A_259 = tpu.memref_slice %arg12[%dma_start3A_254, %dma_start3A_258] : memref<8x128xi32, #tpu.memory_space<vmem>> -> memref<1x128xi32, #tpu.memory_space<vmem>>
    %dma_start3A_260 = tpu.memref_squeeze %dma_start3A_259 : memref<1x128xi32, #tpu.memory_space<vmem>> -> memref<128xi32, #tpu.memory_space<vmem>>
    %dma_start3A_261 = arith.constant 0 : i32
    %dma_start3A_262 = arith.constant 0 : i32
    %dma_start3A_263 = tpu.memref_slice %arg10[%dma_start3A_261, %dma_start3A_262] : memref<360448x32xf32, #tpu.memory_space<hbm>> -> memref<360448x32xf32, #tpu.memory_space<hbm>>
    tpu.enqueue_indirect_dma source(%dma_start3A_263 : memref<360448x32xf32, #tpu.memory_space<hbm>>) target(%dma_start3A_257 : memref<128x32xf32, #tpu.memory_space<vmem>>) offsets(%dma_start3A_260 : memref<128xi32, #tpu.memory_space<vmem>>) semaphore(%arg22 : memref<!tpu.dma_semaphore, #tpu.memory_space<semaphore_mem>>)
    %dma_start3A_264 = arith.constant 4 : i32
    %dma_start3A_265 = arith.constant 512 : i32
    %dma_start3A_266 = arith.constant 0 : i32
    %dma_start3A_267 = tpu.memref_slice %arg16[%dma_start3A_265, %dma_start3A_266] : memref<1024x32xf32, #tpu.memory_space<vmem>> -> memref<128x32xf32, #tpu.memory_space<vmem>>
    %dma_start3A_268 = arith.constant 0 : i32
    %dma_start3A_269 = tpu.memref_slice %arg12[%dma_start3A_264, %dma_start3A_268] : memref<8x128xi32, #tpu.memory_space<vmem>> -> memref<1x128xi32, #tpu.memory_space<vmem>>
    %dma_start3A_270 = tpu.memref_squeeze %dma_start3A_269 : memref<1x128xi32, #tpu.memory_space<vmem>> -> memref<128xi32, #tpu.memory_space<vmem>>
    %dma_start3A_271 = arith.constant 0 : i32
    %dma_start3A_272 = arith.constant 0 : i32
    %dma_start3A_273 = tpu.memref_slice %arg10[%dma_start3A_271, %dma_start3A_272] : memref<360448x32xf32, #tpu.memory_space<hbm>> -> memref<360448x32xf32, #tpu.memory_space<hbm>>
    tpu.enqueue_indirect_dma source(%dma_start3A_273 : memref<360448x32xf32, #tpu.memory_space<hbm>>) target(%dma_start3A_267 : memref<128x32xf32, #tpu.memory_space<vmem>>) offsets(%dma_start3A_270 : memref<128xi32, #tpu.memory_space<vmem>>) semaphore(%arg22 : memref<!tpu.dma_semaphore, #tpu.memory_space<semaphore_mem>>)
    %dma_start3A_274 = arith.constant 5 : i32
    %dma_start3A_275 = arith.constant 640 : i32
    %dma_start3A_276 = arith.constant 0 : i32
    %dma_start3A_277 = tpu.memref_slice %arg16[%dma_start3A_275, %dma_start3A_276] : memref<1024x32xf32, #tpu.memory_space<vmem>> -> memref<128x32xf32, #tpu.memory_space<vmem>>
    %dma_start3A_278 = arith.constant 0 : i32
    %dma_start3A_279 = tpu.memref_slice %arg12[%dma_start3A_274, %dma_start3A_278] : memref<8x128xi32, #tpu.memory_space<vmem>> -> memref<1x128xi32, #tpu.memory_space<vmem>>
    %dma_start3A_280 = tpu.memref_squeeze %dma_start3A_279 : memref<1x128xi32, #tpu.memory_space<vmem>> -> memref<128xi32, #tpu.memory_space<vmem>>
    %dma_start3A_281 = arith.constant 0 : i32
    %dma_start3A_282 = arith.constant 0 : i32
    %dma_start3A_283 = tpu.memref_slice %arg10[%dma_start3A_281, %dma_start3A_282] : memref<360448x32xf32, #tpu.memory_space<hbm>> -> memref<360448x32xf32, #tpu.memory_space<hbm>>
    tpu.enqueue_indirect_dma source(%dma_start3A_283 : memref<360448x32xf32, #tpu.memory_space<hbm>>) target(%dma_start3A_277 : memref<128x32xf32, #tpu.memory_space<vmem>>) offsets(%dma_start3A_280 : memref<128xi32, #tpu.memory_space<vmem>>) semaphore(%arg22 : memref<!tpu.dma_semaphore, #tpu.memory_space<semaphore_mem>>)
    %dma_start3A_284 = arith.constant 6 : i32
    %dma_start3A_285 = arith.constant 768 : i32
    %dma_start3A_286 = arith.constant 0 : i32
    %dma_start3A_287 = tpu.memref_slice %arg16[%dma_start3A_285, %dma_start3A_286] : memref<1024x32xf32, #tpu.memory_space<vmem>> -> memref<128x32xf32, #tpu.memory_space<vmem>>
    %dma_start3A_288 = arith.constant 0 : i32
    %dma_start3A_289 = tpu.memref_slice %arg12[%dma_start3A_284, %dma_start3A_288] : memref<8x128xi32, #tpu.memory_space<vmem>> -> memref<1x128xi32, #tpu.memory_space<vmem>>
    %dma_start3A_290 = tpu.memref_squeeze %dma_start3A_289 : memref<1x128xi32, #tpu.memory_space<vmem>> -> memref<128xi32, #tpu.memory_space<vmem>>
    %dma_start3A_291 = arith.constant 0 : i32
    %dma_start3A_292 = arith.constant 0 : i32
    %dma_start3A_293 = tpu.memref_slice %arg10[%dma_start3A_291, %dma_start3A_292] : memref<360448x32xf32, #tpu.memory_space<hbm>> -> memref<360448x32xf32, #tpu.memory_space<hbm>>
    tpu.enqueue_indirect_dma source(%dma_start3A_293 : memref<360448x32xf32, #tpu.memory_space<hbm>>) target(%dma_start3A_287 : memref<128x32xf32, #tpu.memory_space<vmem>>) offsets(%dma_start3A_290 : memref<128xi32, #tpu.memory_space<vmem>>) semaphore(%arg22 : memref<!tpu.dma_semaphore, #tpu.memory_space<semaphore_mem>>)
    %dma_start3A_294 = arith.constant 7 : i32
    %dma_start3A_295 = arith.constant 896 : i32
    %dma_start3A_296 = arith.constant 0 : i32
    %dma_start3A_297 = tpu.memref_slice %arg16[%dma_start3A_295, %dma_start3A_296] : memref<1024x32xf32, #tpu.memory_space<vmem>> -> memref<128x32xf32, #tpu.memory_space<vmem>>
    %dma_start3A_298 = arith.constant 0 : i32
    %dma_start3A_299 = tpu.memref_slice %arg12[%dma_start3A_294, %dma_start3A_298] : memref<8x128xi32, #tpu.memory_space<vmem>> -> memref<1x128xi32, #tpu.memory_space<vmem>>
    %dma_start3A_300 = tpu.memref_squeeze %dma_start3A_299 : memref<1x128xi32, #tpu.memory_space<vmem>> -> memref<128xi32, #tpu.memory_space<vmem>>
    %dma_start3A_301 = arith.constant 0 : i32
    %dma_start3A_302 = arith.constant 0 : i32
    %dma_start3A_303 = tpu.memref_slice %arg10[%dma_start3A_301, %dma_start3A_302] : memref<360448x32xf32, #tpu.memory_space<hbm>> -> memref<360448x32xf32, #tpu.memory_space<hbm>>
    tpu.enqueue_indirect_dma source(%dma_start3A_303 : memref<360448x32xf32, #tpu.memory_space<hbm>>) target(%dma_start3A_297 : memref<128x32xf32, #tpu.memory_space<vmem>>) offsets(%dma_start3A_300 : memref<128xi32, #tpu.memory_space<vmem>>) semaphore(%arg22 : memref<!tpu.dma_semaphore, #tpu.memory_space<semaphore_mem>>)
    %scan3A = arith.constant 0 : i32
    %scan3A_304 = arith.constant 128 : i32
    %scan3A_305 = arith.addi %scan3A, %scan3A_304 : i32
    %scan3A_306 = arith.constant 1 : i32
    scf.for %scan3A_428 = %scan3A to %scan3A_305 step %scan3A_306  : i32 {
      %mul3A_429 = arith.constant 2 : i32
      %mul3A_430 = arith.muli %scan3A_428, %mul3A_429 : i32
      %add3A_431 = arith.constant 0 : i32
      %add3A_432 = arith.addi %add3A_431, %mul3A_430 : i32
      %add3A_433 = arith.addi %mul3A_2, %add3A_432 : i32
      %add3A_434 = arith.constant 0 : i32
      %add3A_435 = arith.addi %add3A_433, %add3A_434 : i32
      %dma_wait3A_436 = arith.constant 0 : i32
      %dma_wait3A_437 = arith.constant 0 : i32
      %dma_wait3A_438 = tpu.memref_slice %arg2[%dma_wait3A_436, %dma_wait3A_437] : memref<16384x128xi32, #tpu.memory_space<hbm>> -> memref<8x128xi32, #tpu.memory_space<hbm>>
      %dma_wait3A_439 = arith.constant 0 : i32
      %dma_wait3A_440 = arith.constant 0 : i32
      %dma_wait3A_441 = tpu.memref_slice %arg2[%dma_wait3A_439, %dma_wait3A_440] : memref<16384x128xi32, #tpu.memory_space<hbm>> -> memref<8x128xi32, #tpu.memory_space<hbm>>
      tpu.wait_dma2 semaphore(%arg21 : memref<!tpu.dma_semaphore, #tpu.memory_space<semaphore_mem>>) src(%dma_wait3A_441 : memref<8x128xi32, #tpu.memory_space<hbm>>) dst(%arg13 : memref<8x128xi32, #tpu.memory_space<vmem>>)
      %dma_wait3A_442 = arith.constant 0 : i32
      %dma_wait3A_443 = arith.constant 0 : i32
      %dma_wait3A_444 = tpu.memref_slice %arg6[%dma_wait3A_442, %dma_wait3A_443] : memref<16384x128xf32, #tpu.memory_space<hbm>> -> memref<8x128xf32, #tpu.memory_space<hbm>>
      %dma_wait3A_445 = arith.constant 0 : i32
      %dma_wait3A_446 = arith.constant 0 : i32
      %dma_wait3A_447 = tpu.memref_slice %arg6[%dma_wait3A_445, %dma_wait3A_446] : memref<16384x128xf32, #tpu.memory_space<hbm>> -> memref<8x128xf32, #tpu.memory_space<hbm>>
      tpu.wait_dma2 semaphore(%arg21 : memref<!tpu.dma_semaphore, #tpu.memory_space<semaphore_mem>>) src(%dma_wait3A_447 : memref<8x128xf32, #tpu.memory_space<hbm>>) dst(%arg15 : memref<8x128xf32, #tpu.memory_space<vmem>>)
      %dma_start3A_448 = arith.constant 0 : i32
      %dma_start3A_449 = arith.constant 0 : i32
      %dma_start3A_450 = arith.constant 0 : i32
      %dma_start3A_451 = tpu.memref_slice %arg17[%dma_start3A_449, %dma_start3A_450] : memref<1024x32xf32, #tpu.memory_space<vmem>> -> memref<128x32xf32, #tpu.memory_space<vmem>>
      %dma_start3A_452 = arith.constant 0 : i32
      %dma_start3A_453 = tpu.memref_slice %arg13[%dma_start3A_448, %dma_start3A_452] : memref<8x128xi32, #tpu.memory_space<vmem>> -> memref<1x128xi32, #tpu.memory_space<vmem>>
      %dma_start3A_454 = tpu.memref_squeeze %dma_start3A_453 : memref<1x128xi32, #tpu.memory_space<vmem>> -> memref<128xi32, #tpu.memory_space<vmem>>
      %dma_start3A_455 = arith.constant 0 : i32
      %dma_start3A_456 = arith.constant 0 : i32
      %dma_start3A_457 = tpu.memref_slice %arg10[%dma_start3A_455, %dma_start3A_456] : memref<360448x32xf32, #tpu.memory_space<hbm>> -> memref<360448x32xf32, #tpu.memory_space<hbm>>
      tpu.enqueue_indirect_dma source(%dma_start3A_457 : memref<360448x32xf32, #tpu.memory_space<hbm>>) target(%dma_start3A_451 : memref<128x32xf32, #tpu.memory_space<vmem>>) offsets(%dma_start3A_454 : memref<128xi32, #tpu.memory_space<vmem>>) semaphore(%arg23 : memref<!tpu.dma_semaphore, #tpu.memory_space<semaphore_mem>>)
      %dma_start3A_458 = arith.constant 1 : i32
      %dma_start3A_459 = arith.constant 128 : i32
      %dma_start3A_460 = arith.constant 0 : i32
      %dma_start3A_461 = tpu.memref_slice %arg17[%dma_start3A_459, %dma_start3A_460] : memref<1024x32xf32, #tpu.memory_space<vmem>> -> memref<128x32xf32, #tpu.memory_space<vmem>>
      %dma_start3A_462 = arith.constant 0 : i32
      %dma_start3A_463 = tpu.memref_slice %arg13[%dma_start3A_458, %dma_start3A_462] : memref<8x128xi32, #tpu.memory_space<vmem>> -> memref<1x128xi32, #tpu.memory_space<vmem>>
      %dma_start3A_464 = tpu.memref_squeeze %dma_start3A_463 : memref<1x128xi32, #tpu.memory_space<vmem>> -> memref<128xi32, #tpu.memory_space<vmem>>
      %dma_start3A_465 = arith.constant 0 : i32
      %dma_start3A_466 = arith.constant 0 : i32
      %dma_start3A_467 = tpu.memref_slice %arg10[%dma_start3A_465, %dma_start3A_466] : memref<360448x32xf32, #tpu.memory_space<hbm>> -> memref<360448x32xf32, #tpu.memory_space<hbm>>
      tpu.enqueue_indirect_dma source(%dma_start3A_467 : memref<360448x32xf32, #tpu.memory_space<hbm>>) target(%dma_start3A_461 : memref<128x32xf32, #tpu.memory_space<vmem>>) offsets(%dma_start3A_464 : memref<128xi32, #tpu.memory_space<vmem>>) semaphore(%arg23 : memref<!tpu.dma_semaphore, #tpu.memory_space<semaphore_mem>>)
      %dma_start3A_468 = arith.constant 2 : i32
      %dma_start3A_469 = arith.constant 256 : i32
      %dma_start3A_470 = arith.constant 0 : i32
      %dma_start3A_471 = tpu.memref_slice %arg17[%dma_start3A_469, %dma_start3A_470] : memref<1024x32xf32, #tpu.memory_space<vmem>> -> memref<128x32xf32, #tpu.memory_space<vmem>>
      %dma_start3A_472 = arith.constant 0 : i32
      %dma_start3A_473 = tpu.memref_slice %arg13[%dma_start3A_468, %dma_start3A_472] : memref<8x128xi32, #tpu.memory_space<vmem>> -> memref<1x128xi32, #tpu.memory_space<vmem>>
      %dma_start3A_474 = tpu.memref_squeeze %dma_start3A_473 : memref<1x128xi32, #tpu.memory_space<vmem>> -> memref<128xi32, #tpu.memory_space<vmem>>
      %dma_start3A_475 = arith.constant 0 : i32
      %dma_start3A_476 = arith.constant 0 : i32
      %dma_start3A_477 = tpu.memref_slice %arg10[%dma_start3A_475, %dma_start3A_476] : memref<360448x32xf32, #tpu.memory_space<hbm>> -> memref<360448x32xf32, #tpu.memory_space<hbm>>
      tpu.enqueue_indirect_dma source(%dma_start3A_477 : memref<360448x32xf32, #tpu.memory_space<hbm>>) target(%dma_start3A_471 : memref<128x32xf32, #tpu.memory_space<vmem>>) offsets(%dma_start3A_474 : memref<128xi32, #tpu.memory_space<vmem>>) semaphore(%arg23 : memref<!tpu.dma_semaphore, #tpu.memory_space<semaphore_mem>>)
      %dma_start3A_478 = arith.constant 3 : i32
      %dma_start3A_479 = arith.constant 384 : i32
      %dma_start3A_480 = arith.constant 0 : i32
      %dma_start3A_481 = tpu.memref_slice %arg17[%dma_start3A_479, %dma_start3A_480] : memref<1024x32xf32, #tpu.memory_space<vmem>> -> memref<128x32xf32, #tpu.memory_space<vmem>>
      %dma_start3A_482 = arith.constant 0 : i32
      %dma_start3A_483 = tpu.memref_slice %arg13[%dma_start3A_478, %dma_start3A_482] : memref<8x128xi32, #tpu.memory_space<vmem>> -> memref<1x128xi32, #tpu.memory_space<vmem>>
      %dma_start3A_484 = tpu.memref_squeeze %dma_start3A_483 : memref<1x128xi32, #tpu.memory_space<vmem>> -> memref<128xi32, #tpu.memory_space<vmem>>
      %dma_start3A_485 = arith.constant 0 : i32
      %dma_start3A_486 = arith.constant 0 : i32
      %dma_start3A_487 = tpu.memref_slice %arg10[%dma_start3A_485, %dma_start3A_486] : memref<360448x32xf32, #tpu.memory_space<hbm>> -> memref<360448x32xf32, #tpu.memory_space<hbm>>
      tpu.enqueue_indirect_dma source(%dma_start3A_487 : memref<360448x32xf32, #tpu.memory_space<hbm>>) target(%dma_start3A_481 : memref<128x32xf32, #tpu.memory_space<vmem>>) offsets(%dma_start3A_484 : memref<128xi32, #tpu.memory_space<vmem>>) semaphore(%arg23 : memref<!tpu.dma_semaphore, #tpu.memory_space<semaphore_mem>>)
      %dma_start3A_488 = arith.constant 4 : i32
      %dma_start3A_489 = arith.constant 512 : i32
      %dma_start3A_490 = arith.constant 0 : i32
      %dma_start3A_491 = tpu.memref_slice %arg17[%dma_start3A_489, %dma_start3A_490] : memref<1024x32xf32, #tpu.memory_space<vmem>> -> memref<128x32xf32, #tpu.memory_space<vmem>>
      %dma_start3A_492 = arith.constant 0 : i32
      %dma_start3A_493 = tpu.memref_slice %arg13[%dma_start3A_488, %dma_start3A_492] : memref<8x128xi32, #tpu.memory_space<vmem>> -> memref<1x128xi32, #tpu.memory_space<vmem>>
      %dma_start3A_494 = tpu.memref_squeeze %dma_start3A_493 : memref<1x128xi32, #tpu.memory_space<vmem>> -> memref<128xi32, #tpu.memory_space<vmem>>
      %dma_start3A_495 = arith.constant 0 : i32
      %dma_start3A_496 = arith.constant 0 : i32
      %dma_start3A_497 = tpu.memref_slice %arg10[%dma_start3A_495, %dma_start3A_496] : memref<360448x32xf32, #tpu.memory_space<hbm>> -> memref<360448x32xf32, #tpu.memory_space<hbm>>
      tpu.enqueue_indirect_dma source(%dma_start3A_497 : memref<360448x32xf32, #tpu.memory_space<hbm>>) target(%dma_start3A_491 : memref<128x32xf32, #tpu.memory_space<vmem>>) offsets(%dma_start3A_494 : memref<128xi32, #tpu.memory_space<vmem>>) semaphore(%arg23 : memref<!tpu.dma_semaphore, #tpu.memory_space<semaphore_mem>>)
      %dma_start3A_498 = arith.constant 5 : i32
      %dma_start3A_499 = arith.constant 640 : i32
      %dma_start3A_500 = arith.constant 0 : i32
      %dma_start3A_501 = tpu.memref_slice %arg17[%dma_start3A_499, %dma_start3A_500] : memref<1024x32xf32, #tpu.memory_space<vmem>> -> memref<128x32xf32, #tpu.memory_space<vmem>>
      %dma_start3A_502 = arith.constant 0 : i32
      %dma_start3A_503 = tpu.memref_slice %arg13[%dma_start3A_498, %dma_start3A_502] : memref<8x128xi32, #tpu.memory_space<vmem>> -> memref<1x128xi32, #tpu.memory_space<vmem>>
      %dma_start3A_504 = tpu.memref_squeeze %dma_start3A_503 : memref<1x128xi32, #tpu.memory_space<vmem>> -> memref<128xi32, #tpu.memory_space<vmem>>
      %dma_start3A_505 = arith.constant 0 : i32
      %dma_start3A_506 = arith.constant 0 : i32
      %dma_start3A_507 = tpu.memref_slice %arg10[%dma_start3A_505, %dma_start3A_506] : memref<360448x32xf32, #tpu.memory_space<hbm>> -> memref<360448x32xf32, #tpu.memory_space<hbm>>
      tpu.enqueue_indirect_dma source(%dma_start3A_507 : memref<360448x32xf32, #tpu.memory_space<hbm>>) target(%dma_start3A_501 : memref<128x32xf32, #tpu.memory_space<vmem>>) offsets(%dma_start3A_504 : memref<128xi32, #tpu.memory_space<vmem>>) semaphore(%arg23 : memref<!tpu.dma_semaphore, #tpu.memory_space<semaphore_mem>>)
      %dma_start3A_508 = arith.constant 6 : i32
      %dma_start3A_509 = arith.constant 768 : i32
      %dma_start3A_510 = arith.constant 0 : i32
      %dma_start3A_511 = tpu.memref_slice %arg17[%dma_start3A_509, %dma_start3A_510] : memref<1024x32xf32, #tpu.memory_space<vmem>> -> memref<128x32xf32, #tpu.memory_space<vmem>>
      %dma_start3A_512 = arith.constant 0 : i32
      %dma_start3A_513 = tpu.memref_slice %arg13[%dma_start3A_508, %dma_start3A_512] : memref<8x128xi32, #tpu.memory_space<vmem>> -> memref<1x128xi32, #tpu.memory_space<vmem>>
      %dma_start3A_514 = tpu.memref_squeeze %dma_start3A_513 : memref<1x128xi32, #tpu.memory_space<vmem>> -> memref<128xi32, #tpu.memory_space<vmem>>
      %dma_start3A_515 = arith.constant 0 : i32
      %dma_start3A_516 = arith.constant 0 : i32
      %dma_start3A_517 = tpu.memref_slice %arg10[%dma_start3A_515, %dma_start3A_516] : memref<360448x32xf32, #tpu.memory_space<hbm>> -> memref<360448x32xf32, #tpu.memory_space<hbm>>
      tpu.enqueue_indirect_dma source(%dma_start3A_517 : memref<360448x32xf32, #tpu.memory_space<hbm>>) target(%dma_start3A_511 : memref<128x32xf32, #tpu.memory_space<vmem>>) offsets(%dma_start3A_514 : memref<128xi32, #tpu.memory_space<vmem>>) semaphore(%arg23 : memref<!tpu.dma_semaphore, #tpu.memory_space<semaphore_mem>>)
      %dma_start3A_518 = arith.constant 7 : i32
      %dma_start3A_519 = arith.constant 896 : i32
      %dma_start3A_520 = arith.constant 0 : i32
      %dma_start3A_521 = tpu.memref_slice %arg17[%dma_start3A_519, %dma_start3A_520] : memref<1024x32xf32, #tpu.memory_space<vmem>> -> memref<128x32xf32, #tpu.memory_space<vmem>>
      %dma_start3A_522 = arith.constant 0 : i32
      %dma_start3A_523 = tpu.memref_slice %arg13[%dma_start3A_518, %dma_start3A_522] : memref<8x128xi32, #tpu.memory_space<vmem>> -> memref<1x128xi32, #tpu.memory_space<vmem>>
      %dma_start3A_524 = tpu.memref_squeeze %dma_start3A_523 : memref<1x128xi32, #tpu.memory_space<vmem>> -> memref<128xi32, #tpu.memory_space<vmem>>
      %dma_start3A_525 = arith.constant 0 : i32
      %dma_start3A_526 = arith.constant 0 : i32
      %dma_start3A_527 = tpu.memref_slice %arg10[%dma_start3A_525, %dma_start3A_526] : memref<360448x32xf32, #tpu.memory_space<hbm>> -> memref<360448x32xf32, #tpu.memory_space<hbm>>
      tpu.enqueue_indirect_dma source(%dma_start3A_527 : memref<360448x32xf32, #tpu.memory_space<hbm>>) target(%dma_start3A_521 : memref<128x32xf32, #tpu.memory_space<vmem>>) offsets(%dma_start3A_524 : memref<128xi32, #tpu.memory_space<vmem>>) semaphore(%arg23 : memref<!tpu.dma_semaphore, #tpu.memory_space<semaphore_mem>>)
      %dma_wait3A_528 = arith.constant 0 : i32
      %dma_wait3A_529 = arith.constant 0 : i32
      %dma_wait3A_530 = tpu.memref_slice %arg16[%dma_wait3A_528, %dma_wait3A_529] : memref<1024x32xf32, #tpu.memory_space<vmem>> -> memref<128x32xf32, #tpu.memory_space<vmem>>
      %dma_wait3A_531 = arith.constant 0 : i32
      %dma_wait3A_532 = arith.constant 0 : i32
      %dma_wait3A_533 = tpu.memref_slice %arg10[%dma_wait3A_531, %dma_wait3A_532] : memref<360448x32xf32, #tpu.memory_space<hbm>> -> memref<128x32xf32, #tpu.memory_space<hbm>>
      %dma_wait3A_534 = arith.constant 0 : i32
      %dma_wait3A_535 = arith.constant 0 : i32
      %dma_wait3A_536 = tpu.memref_slice %arg16[%dma_wait3A_534, %dma_wait3A_535] : memref<1024x32xf32, #tpu.memory_space<vmem>> -> memref<128x32xf32, #tpu.memory_space<vmem>>
      %dma_wait3A_537 = arith.constant 0 : i32
      %dma_wait3A_538 = arith.constant 0 : i32
      %dma_wait3A_539 = tpu.memref_slice %arg10[%dma_wait3A_537, %dma_wait3A_538] : memref<360448x32xf32, #tpu.memory_space<hbm>> -> memref<128x32xf32, #tpu.memory_space<hbm>>
      tpu.wait_dma2 semaphore(%arg22 : memref<!tpu.dma_semaphore, #tpu.memory_space<semaphore_mem>>) src(%dma_wait3A_539 : memref<128x32xf32, #tpu.memory_space<hbm>>) dst(%dma_wait3A_536 : memref<128x32xf32, #tpu.memory_space<vmem>>)
      %dma_wait3A_540 = arith.constant 128 : i32
      %dma_wait3A_541 = arith.constant 0 : i32
      %dma_wait3A_542 = tpu.memref_slice %arg16[%dma_wait3A_540, %dma_wait3A_541] : memref<1024x32xf32, #tpu.memory_space<vmem>> -> memref<128x32xf32, #tpu.memory_space<vmem>>
      %dma_wait3A_543 = arith.constant 0 : i32
      %dma_wait3A_544 = arith.constant 0 : i32
      %dma_wait3A_545 = tpu.memref_slice %arg10[%dma_wait3A_543, %dma_wait3A_544] : memref<360448x32xf32, #tpu.memory_space<hbm>> -> memref<128x32xf32, #tpu.memory_space<hbm>>
      %dma_wait3A_546 = arith.constant 128 : i32
      %dma_wait3A_547 = arith.constant 0 : i32
      %dma_wait3A_548 = tpu.memref_slice %arg16[%dma_wait3A_546, %dma_wait3A_547] : memref<1024x32xf32, #tpu.memory_space<vmem>> -> memref<128x32xf32, #tpu.memory_space<vmem>>
      %dma_wait3A_549 = arith.constant 0 : i32
      %dma_wait3A_550 = arith.constant 0 : i32
      %dma_wait3A_551 = tpu.memref_slice %arg10[%dma_wait3A_549, %dma_wait3A_550] : memref<360448x32xf32, #tpu.memory_space<hbm>> -> memref<128x32xf32, #tpu.memory_space<hbm>>
      tpu.wait_dma2 semaphore(%arg22 : memref<!tpu.dma_semaphore, #tpu.memory_space<semaphore_mem>>) src(%dma_wait3A_551 : memref<128x32xf32, #tpu.memory_space<hbm>>) dst(%dma_wait3A_548 : memref<128x32xf32, #tpu.memory_space<vmem>>)
      %dma_wait3A_552 = arith.constant 256 : i32
      %dma_wait3A_553 = arith.constant 0 : i32
      %dma_wait3A_554 = tpu.memref_slice %arg16[%dma_wait3A_552, %dma_wait3A_553] : memref<1024x32xf32, #tpu.memory_space<vmem>> -> memref<128x32xf32, #tpu.memory_space<vmem>>
      %dma_wait3A_555 = arith.constant 0 : i32
      %dma_wait3A_556 = arith.constant 0 : i32
      %dma_wait3A_557 = tpu.memref_slice %arg10[%dma_wait3A_555, %dma_wait3A_556] : memref<360448x32xf32, #tpu.memory_space<hbm>> -> memref<128x32xf32, #tpu.memory_space<hbm>>
      %dma_wait3A_558 = arith.constant 256 : i32
      %dma_wait3A_559 = arith.constant 0 : i32
      %dma_wait3A_560 = tpu.memref_slice %arg16[%dma_wait3A_558, %dma_wait3A_559] : memref<1024x32xf32, #tpu.memory_space<vmem>> -> memref<128x32xf32, #tpu.memory_space<vmem>>
      %dma_wait3A_561 = arith.constant 0 : i32
      %dma_wait3A_562 = arith.constant 0 : i32
      %dma_wait3A_563 = tpu.memref_slice %arg10[%dma_wait3A_561, %dma_wait3A_562] : memref<360448x32xf32, #tpu.memory_space<hbm>> -> memref<128x32xf32, #tpu.memory_space<hbm>>
      tpu.wait_dma2 semaphore(%arg22 : memref<!tpu.dma_semaphore, #tpu.memory_space<semaphore_mem>>) src(%dma_wait3A_563 : memref<128x32xf32, #tpu.memory_space<hbm>>) dst(%dma_wait3A_560 : memref<128x32xf32, #tpu.memory_space<vmem>>)
      %dma_wait3A_564 = arith.constant 384 : i32
      %dma_wait3A_565 = arith.constant 0 : i32
      %dma_wait3A_566 = tpu.memref_slice %arg16[%dma_wait3A_564, %dma_wait3A_565] : memref<1024x32xf32, #tpu.memory_space<vmem>> -> memref<128x32xf32, #tpu.memory_space<vmem>>
      %dma_wait3A_567 = arith.constant 0 : i32
      %dma_wait3A_568 = arith.constant 0 : i32
      %dma_wait3A_569 = tpu.memref_slice %arg10[%dma_wait3A_567, %dma_wait3A_568] : memref<360448x32xf32, #tpu.memory_space<hbm>> -> memref<128x32xf32, #tpu.memory_space<hbm>>
      %dma_wait3A_570 = arith.constant 384 : i32
      %dma_wait3A_571 = arith.constant 0 : i32
      %dma_wait3A_572 = tpu.memref_slice %arg16[%dma_wait3A_570, %dma_wait3A_571] : memref<1024x32xf32, #tpu.memory_space<vmem>> -> memref<128x32xf32, #tpu.memory_space<vmem>>
      %dma_wait3A_573 = arith.constant 0 : i32
      %dma_wait3A_574 = arith.constant 0 : i32
      %dma_wait3A_575 = tpu.memref_slice %arg10[%dma_wait3A_573, %dma_wait3A_574] : memref<360448x32xf32, #tpu.memory_space<hbm>> -> memref<128x32xf32, #tpu.memory_space<hbm>>
      tpu.wait_dma2 semaphore(%arg22 : memref<!tpu.dma_semaphore, #tpu.memory_space<semaphore_mem>>) src(%dma_wait3A_575 : memref<128x32xf32, #tpu.memory_space<hbm>>) dst(%dma_wait3A_572 : memref<128x32xf32, #tpu.memory_space<vmem>>)
      %dma_wait3A_576 = arith.constant 512 : i32
      %dma_wait3A_577 = arith.constant 0 : i32
      %dma_wait3A_578 = tpu.memref_slice %arg16[%dma_wait3A_576, %dma_wait3A_577] : memref<1024x32xf32, #tpu.memory_space<vmem>> -> memref<128x32xf32, #tpu.memory_space<vmem>>
      %dma_wait3A_579 = arith.constant 0 : i32
      %dma_wait3A_580 = arith.constant 0 : i32
      %dma_wait3A_581 = tpu.memref_slice %arg10[%dma_wait3A_579, %dma_wait3A_580] : memref<360448x32xf32, #tpu.memory_space<hbm>> -> memref<128x32xf32, #tpu.memory_space<hbm>>
      %dma_wait3A_582 = arith.constant 512 : i32
      %dma_wait3A_583 = arith.constant 0 : i32
      %dma_wait3A_584 = tpu.memref_slice %arg16[%dma_wait3A_582, %dma_wait3A_583] : memref<1024x32xf32, #tpu.memory_space<vmem>> -> memref<128x32xf32, #tpu.memory_space<vmem>>
      %dma_wait3A_585 = arith.constant 0 : i32
      %dma_wait3A_586 = arith.constant 0 : i32
      %dma_wait3A_587 = tpu.memref_slice %arg10[%dma_wait3A_585, %dma_wait3A_586] : memref<360448x32xf32, #tpu.memory_space<hbm>> -> memref<128x32xf32, #tpu.memory_space<hbm>>
      tpu.wait_dma2 semaphore(%arg22 : memref<!tpu.dma_semaphore, #tpu.memory_space<semaphore_mem>>) src(%dma_wait3A_587 : memref<128x32xf32, #tpu.memory_space<hbm>>) dst(%dma_wait3A_584 : memref<128x32xf32, #tpu.memory_space<vmem>>)
      %dma_wait3A_588 = arith.constant 640 : i32
      %dma_wait3A_589 = arith.constant 0 : i32
      %dma_wait3A_590 = tpu.memref_slice %arg16[%dma_wait3A_588, %dma_wait3A_589] : memref<1024x32xf32, #tpu.memory_space<vmem>> -> memref<128x32xf32, #tpu.memory_space<vmem>>
      %dma_wait3A_591 = arith.constant 0 : i32
      %dma_wait3A_592 = arith.constant 0 : i32
      %dma_wait3A_593 = tpu.memref_slice %arg10[%dma_wait3A_591, %dma_wait3A_592] : memref<360448x32xf32, #tpu.memory_space<hbm>> -> memref<128x32xf32, #tpu.memory_space<hbm>>
      %dma_wait3A_594 = arith.constant 640 : i32
      %dma_wait3A_595 = arith.constant 0 : i32
      %dma_wait3A_596 = tpu.memref_slice %arg16[%dma_wait3A_594, %dma_wait3A_595] : memref<1024x32xf32, #tpu.memory_space<vmem>> -> memref<128x32xf32, #tpu.memory_space<vmem>>
      %dma_wait3A_597 = arith.constant 0 : i32
      %dma_wait3A_598 = arith.constant 0 : i32
      %dma_wait3A_599 = tpu.memref_slice %arg10[%dma_wait3A_597, %dma_wait3A_598] : memref<360448x32xf32, #tpu.memory_space<hbm>> -> memref<128x32xf32, #tpu.memory_space<hbm>>
      tpu.wait_dma2 semaphore(%arg22 : memref<!tpu.dma_semaphore, #tpu.memory_space<semaphore_mem>>) src(%dma_wait3A_599 : memref<128x32xf32, #tpu.memory_space<hbm>>) dst(%dma_wait3A_596 : memref<128x32xf32, #tpu.memory_space<vmem>>)
      %dma_wait3A_600 = arith.constant 768 : i32
      %dma_wait3A_601 = arith.constant 0 : i32
      %dma_wait3A_602 = tpu.memref_slice %arg16[%dma_wait3A_600, %dma_wait3A_601] : memref<1024x32xf32, #tpu.memory_space<vmem>> -> memref<128x32xf32, #tpu.memory_space<vmem>>
      %dma_wait3A_603 = arith.constant 0 : i32
      %dma_wait3A_604 = arith.constant 0 : i32
      %dma_wait3A_605 = tpu.memref_slice %arg10[%dma_wait3A_603, %dma_wait3A_604] : memref<360448x32xf32, #tpu.memory_space<hbm>> -> memref<128x32xf32, #tpu.memory_space<hbm>>
      %dma_wait3A_606 = arith.constant 768 : i32
      %dma_wait3A_607 = arith.constant 0 : i32
      %dma_wait3A_608 = tpu.memref_slice %arg16[%dma_wait3A_606, %dma_wait3A_607] : memref<1024x32xf32, #tpu.memory_space<vmem>> -> memref<128x32xf32, #tpu.memory_space<vmem>>
      %dma_wait3A_609 = arith.constant 0 : i32
      %dma_wait3A_610 = arith.constant 0 : i32
      %dma_wait3A_611 = tpu.memref_slice %arg10[%dma_wait3A_609, %dma_wait3A_610] : memref<360448x32xf32, #tpu.memory_space<hbm>> -> memref<128x32xf32, #tpu.memory_space<hbm>>
      tpu.wait_dma2 semaphore(%arg22 : memref<!tpu.dma_semaphore, #tpu.memory_space<semaphore_mem>>) src(%dma_wait3A_611 : memref<128x32xf32, #tpu.memory_space<hbm>>) dst(%dma_wait3A_608 : memref<128x32xf32, #tpu.memory_space<vmem>>)
      %dma_wait3A_612 = arith.constant 896 : i32
      %dma_wait3A_613 = arith.constant 0 : i32
      %dma_wait3A_614 = tpu.memref_slice %arg16[%dma_wait3A_612, %dma_wait3A_613] : memref<1024x32xf32, #tpu.memory_space<vmem>> -> memref<128x32xf32, #tpu.memory_space<vmem>>
      %dma_wait3A_615 = arith.constant 0 : i32
      %dma_wait3A_616 = arith.constant 0 : i32
      %dma_wait3A_617 = tpu.memref_slice %arg10[%dma_wait3A_615, %dma_wait3A_616] : memref<360448x32xf32, #tpu.memory_space<hbm>> -> memref<128x32xf32, #tpu.memory_space<hbm>>
      %dma_wait3A_618 = arith.constant 896 : i32
      %dma_wait3A_619 = arith.constant 0 : i32
      %dma_wait3A_620 = tpu.memref_slice %arg16[%dma_wait3A_618, %dma_wait3A_619] : memref<1024x32xf32, #tpu.memory_space<vmem>> -> memref<128x32xf32, #tpu.memory_space<vmem>>
      %dma_wait3A_621 = arith.constant 0 : i32
      %dma_wait3A_622 = arith.constant 0 : i32
      %dma_wait3A_623 = tpu.memref_slice %arg10[%dma_wait3A_621, %dma_wait3A_622] : memref<360448x32xf32, #tpu.memory_space<hbm>> -> memref<128x32xf32, #tpu.memory_space<hbm>>
      tpu.wait_dma2 semaphore(%arg22 : memref<!tpu.dma_semaphore, #tpu.memory_space<semaphore_mem>>) src(%dma_wait3A_623 : memref<128x32xf32, #tpu.memory_space<hbm>>) dst(%dma_wait3A_620 : memref<128x32xf32, #tpu.memory_space<vmem>>)
      %dma_wait3A_624 = arith.constant 0 : i32
      %dma_wait3A_625 = arith.constant 0 : i32
      %dma_wait3A_626 = tpu.memref_slice %arg11[%dma_wait3A_624, %dma_wait3A_625] : memref<131072x32xf32, #tpu.memory_space<hbm>> -> memref<16x32xf32, #tpu.memory_space<hbm>>
      %dma_wait3A_627 = arith.constant 0 : i32
      %dma_wait3A_628 = arith.constant 0 : i32
      %dma_wait3A_629 = tpu.memref_slice %arg11[%dma_wait3A_627, %dma_wait3A_628] : memref<131072x32xf32, #tpu.memory_space<hbm>> -> memref<16x32xf32, #tpu.memory_space<hbm>>
      tpu.wait_dma2 semaphore(%arg24 : memref<!tpu.dma_semaphore, #tpu.memory_space<semaphore_mem>>) src(%arg18 : memref<16x32xf32, #tpu.memory_space<vmem>>) dst(%dma_wait3A_629 : memref<16x32xf32, #tpu.memory_space<hbm>>)
      %scan3A_630 = arith.constant 0 : i32
      %scan3A_631 = arith.constant 16 : i32
      %scan3A_632 = arith.addi %scan3A_630, %scan3A_631 : i32
      %scan3A_633 = arith.constant 1 : i32
      scf.for %scan3A_1049 = %scan3A_630 to %scan3A_632 step %scan3A_633  : i32 {
        %mul3A_1050 = arith.constant 1 : i32
        %mul3A_1051 = arith.muli %scan3A_1049, %mul3A_1050 : i32
        %add3A_1052 = arith.constant 0 : i32
        %add3A_1053 = arith.addi %add3A_1052, %mul3A_1051 : i32
        %and3A = arith.constant 7 : i32
        %and3A_1054 = arith.andi %add3A_1053, %and3A : i32
        %mul3A_1055 = arith.constant 16 : i32
        %mul3A_1056 = arith.muli %and3A_1054, %mul3A_1055 : i32
        %shift_right_arithmetic3A = arith.constant 3 : i32
        %shift_right_arithmetic3A_1057 = arith.shrsi %add3A_1053, %shift_right_arithmetic3A : i32
        %broadcast_in_dim3A = arith.constant 0.000000e+00 : f32
        %broadcast_in_dim3A_1058 = vector.broadcast %broadcast_in_dim3A : f32 to vector<16xf32>
        %broadcast_in_dim3A_1059 = arith.constant 0.000000e+00 : f32
        %broadcast_in_dim3A_1060 = vector.broadcast %broadcast_in_dim3A_1059 : f32 to vector<16xf32>
        %add3A_1061 = arith.constant 0 : i32
        %add3A_1062 = arith.addi %add3A_1061, %shift_right_arithmetic3A_1057 : i32
        %get3A = arith.index_cast %add3A_1062 : i32 to index
        %get3A_1063 = arith.index_cast %mul3A_1056 : i32 to index
        %get3A_1064 = tpu.vector_load %arg14[%get3A, %get3A_1063] {strides = array<i32>} : memref<8x128xf32, #tpu.memory_space<vmem>>, vector<16xf32>,
        %add3A_1065 = arith.constant 0 : i32
        %add3A_1066 = arith.addi %add3A_1065, %shift_right_arithmetic3A_1057 : i32
        %mul3A_1067 = arith.constant 128 : i32
        %mul3A_1068 = arith.muli %add3A_1066, %mul3A_1067 : i32
        %add3A_1069 = arith.addi %mul3A_1068, %mul3A_1056 : i32
        %broadcast_in_dim3A_1070 = arith.constant 0 : i32
        %broadcast_in_dim3A_1071 = vector.broadcast %broadcast_in_dim3A_1070 : i32 to vector<16x1xi32>
        %gather3A = vector.shape_cast %broadcast_in_dim3A_1071 : vector<16x1xi32> to vector<16xi32>
        %gather3A_1072 = tpu.dynamic_gather %get3A_1064[%gather3A] in [0] : vector<16xf32>, vector<16xi32> -> vector<16xf32>
        %add3A_1073 = arith.constant 0 : i32
        %add3A_1074 = arith.addi %add3A_1069, %add3A_1073 : i32
        %get3A_1075 = arith.index_cast %add3A_1074 : i32 to index
        %get3A_1076 = arith.constant 0 : index
        %get3A_1077 = tpu.vector_load %arg16[%get3A_1075, %get3A_1076] {strides = array<i32>} : memref<1024x32xf32, #tpu.memory_space<vmem>>, vector<16xf32>,
        %add3A_1078 = arith.constant 0 : i32
        %add3A_1079 = arith.addi %add3A_1069, %add3A_1078 : i32
        %get3A_1080 = arith.index_cast %add3A_1079 : i32 to index
        %get3A_1081 = arith.constant 16 : index
        %get3A_1082 = tpu.vector_load %arg16[%get3A_1080, %get3A_1081] {strides = array<i32>} : memref<1024x32xf32, #tpu.memory_space<vmem>>, vector<16xf32>,
        %mul3A_1083 = arith.mulf %gather3A_1072, %get3A_1077 : vector<16xf32>
        %add3A_1084 = arith.addf %broadcast_in_dim3A_1058, %mul3A_1083 : vector<16xf32>
        %mul3A_1085 = arith.mulf %gather3A_1072, %get3A_1082 : vector<16xf32>
        %add3A_1086 = arith.addf %broadcast_in_dim3A_1060, %mul3A_1085 : vector<16xf32>
        %broadcast_in_dim3A_1087 = arith.constant 1 : i32
        %broadcast_in_dim3A_1088 = vector.broadcast %broadcast_in_dim3A_1087 : i32 to vector<16x1xi32>
        %gather3A_1089 = vector.shape_cast %broadcast_in_dim3A_1088 : vector<16x1xi32> to vector<16xi32>
        %gather3A_1090 = tpu.dynamic_gather %get3A_1064[%gather3A_1089] in [0] : vector<16xf32>, vector<16xi32> -> vector<16xf32>
        %add3A_1091 = arith.constant 1 : i32
        %add3A_1092 = arith.addi %add3A_1069, %add3A_1091 : i32
        %get3A_1093 = arith.index_cast %add3A_1092 : i32 to index
        %get3A_1094 = arith.constant 0 : index
        %get3A_1095 = tpu.vector_load %arg16[%get3A_1093, %get3A_1094] {strides = array<i32>} : memref<1024x32xf32, #tpu.memory_space<vmem>>, vector<16xf32>,
        %add3A_1096 = arith.constant 1 : i32
        %add3A_1097 = arith.addi %add3A_1069, %add3A_1096 : i32
        %get3A_1098 = arith.index_cast %add3A_1097 : i32 to index
        %get3A_1099 = arith.constant 16 : index
        %get3A_1100 = tpu.vector_load %arg16[%get3A_1098, %get3A_1099] {strides = array<i32>} : memref<1024x32xf32, #tpu.memory_space<vmem>>, vector<16xf32>,
        %mul3A_1101 = arith.mulf %gather3A_1090, %get3A_1095 : vector<16xf32>
        %add3A_1102 = arith.addf %add3A_1084, %mul3A_1101 : vector<16xf32>
        %mul3A_1103 = arith.mulf %gather3A_1090, %get3A_1100 : vector<16xf32>
        %add3A_1104 = arith.addf %add3A_1086, %mul3A_1103 : vector<16xf32>
        %broadcast_in_dim3A_1105 = arith.constant 2 : i32
        %broadcast_in_dim3A_1106 = vector.broadcast %broadcast_in_dim3A_1105 : i32 to vector<16x1xi32>
        %gather3A_1107 = vector.shape_cast %broadcast_in_dim3A_1106 : vector<16x1xi32> to vector<16xi32>
        %gather3A_1108 = tpu.dynamic_gather %get3A_1064[%gather3A_1107] in [0] : vector<16xf32>, vector<16xi32> -> vector<16xf32>
        %add3A_1109 = arith.constant 2 : i32
        %add3A_1110 = arith.addi %add3A_1069, %add3A_1109 : i32
        %get3A_1111 = arith.index_cast %add3A_1110 : i32 to index
        %get3A_1112 = arith.constant 0 : index
        %get3A_1113 = tpu.vector_load %arg16[%get3A_1111, %get3A_1112] {strides = array<i32>} : memref<1024x32xf32, #tpu.memory_space<vmem>>, vector<16xf32>,
        %add3A_1114 = arith.constant 2 : i32
        %add3A_1115 = arith.addi %add3A_1069, %add3A_1114 : i32
        %get3A_1116 = arith.index_cast %add3A_1115 : i32 to index
        %get3A_1117 = arith.constant 16 : index
        %get3A_1118 = tpu.vector_load %arg16[%get3A_1116, %get3A_1117] {strides = array<i32>} : memref<1024x32xf32, #tpu.memory_space<vmem>>, vector<16xf32>,
        %mul3A_1119 = arith.mulf %gather3A_1108, %get3A_1113 : vector<16xf32>
        %add3A_1120 = arith.addf %add3A_1102, %mul3A_1119 : vector<16xf32>
        %mul3A_1121 = arith.mulf %gather3A_1108, %get3A_1118 : vector<16xf32>
        %add3A_1122 = arith.addf %add3A_1104, %mul3A_1121 : vector<16xf32>
        %broadcast_in_dim3A_1123 = arith.constant 3 : i32
        %broadcast_in_dim3A_1124 = vector.broadcast %broadcast_in_dim3A_1123 : i32 to vector<16x1xi32>
        %gather3A_1125 = vector.shape_cast %broadcast_in_dim3A_1124 : vector<16x1xi32> to vector<16xi32>
        %gather3A_1126 = tpu.dynamic_gather %get3A_1064[%gather3A_1125] in [0] : vector<16xf32>, vector<16xi32> -> vector<16xf32>
        %add3A_1127 = arith.constant 3 : i32
        %add3A_1128 = arith.addi %add3A_1069, %add3A_1127 : i32
        %get3A_1129 = arith.index_cast %add3A_1128 : i32 to index
        %get3A_1130 = arith.constant 0 : index
        %get3A_1131 = tpu.vector_load %arg16[%get3A_1129, %get3A_1130] {strides = array<i32>} : memref<1024x32xf32, #tpu.memory_space<vmem>>, vector<16xf32>,
        %add3A_1132 = arith.constant 3 : i32
        %add3A_1133 = arith.addi %add3A_1069, %add3A_1132 : i32
        %get3A_1134 = arith.index_cast %add3A_1133 : i32 to index
        %get3A_1135 = arith.constant 16 : index
        %get3A_1136 = tpu.vector_load %arg16[%get3A_1134, %get3A_1135] {strides = array<i32>} : memref<1024x32xf32, #tpu.memory_space<vmem>>, vector<16xf32>,
        %mul3A_1137 = arith.mulf %gather3A_1126, %get3A_1131 : vector<16xf32>
        %add3A_1138 = arith.addf %add3A_1120, %mul3A_1137 : vector<16xf32>
        %mul3A_1139 = arith.mulf %gather3A_1126, %get3A_1136 : vector<16xf32>
        %add3A_1140 = arith.addf %add3A_1122, %mul3A_1139 : vector<16xf32>
        %broadcast_in_dim3A_1141 = arith.constant 4 : i32
        %broadcast_in_dim3A_1142 = vector.broadcast %broadcast_in_dim3A_1141 : i32 to vector<16x1xi32>
        %gather3A_1143 = vector.shape_cast %broadcast_in_dim3A_1142 : vector<16x1xi32> to vector<16xi32>
        %gather3A_1144 = tpu.dynamic_gather %get3A_1064[%gather3A_1143] in [0] : vector<16xf32>, vector<16xi32> -> vector<16xf32>
        %add3A_1145 = arith.constant 4 : i32
        %add3A_1146 = arith.addi %add3A_1069, %add3A_1145 : i32
        %get3A_1147 = arith.index_cast %add3A_1146 : i32 to index
        %get3A_1148 = arith.constant 0 : index
        %get3A_1149 = tpu.vector_load %arg16[%get3A_1147, %get3A_1148] {strides = array<i32>} : memref<1024x32xf32, #tpu.memory_space<vmem>>, vector<16xf32>,
        %add3A_1150 = arith.constant 4 : i32
        %add3A_1151 = arith.addi %add3A_1069, %add3A_1150 : i32
        %get3A_1152 = arith.index_cast %add3A_1151 : i32 to index
        %get3A_1153 = arith.constant 16 : index
        %get3A_1154 = tpu.vector_load %arg16[%get3A_1152, %get3A_1153] {strides = array<i32>} : memref<1024x32xf32, #tpu.memory_space<vmem>>, vector<16xf32>,
        %mul3A_1155 = arith.mulf %gather3A_1144, %get3A_1149 : vector<16xf32>
        %add3A_1156 = arith.addf %add3A_1138, %mul3A_1155 : vector<16xf32>
        %mul3A_1157 = arith.mulf %gather3A_1144, %get3A_1154 : vector<16xf32>
        %add3A_1158 = arith.addf %add3A_1140, %mul3A_1157 : vector<16xf32>
        %broadcast_in_dim3A_1159 = arith.constant 5 : i32
        %broadcast_in_dim3A_1160 = vector.broadcast %broadcast_in_dim3A_1159 : i32 to vector<16x1xi32>
        %gather3A_1161 = vector.shape_cast %broadcast_in_dim3A_1160 : vector<16x1xi32> to vector<16xi32>
        %gather3A_1162 = tpu.dynamic_gather %get3A_1064[%gather3A_1161] in [0] : vector<16xf32>, vector<16xi32> -> vector<16xf32>
        %add3A_1163 = arith.constant 5 : i32
        %add3A_1164 = arith.addi %add3A_1069, %add3A_1163 : i32
        %get3A_1165 = arith.index_cast %add3A_1164 : i32 to index
        %get3A_1166 = arith.constant 0 : index
        %get3A_1167 = tpu.vector_load %arg16[%get3A_1165, %get3A_1166] {strides = array<i32>} : memref<1024x32xf32, #tpu.memory_space<vmem>>, vector<16xf32>,
        %add3A_1168 = arith.constant 5 : i32
        %add3A_1169 = arith.addi %add3A_1069, %add3A_1168 : i32
        %get3A_1170 = arith.index_cast %add3A_1169 : i32 to index
        %get3A_1171 = arith.constant 16 : index
        %get3A_1172 = tpu.vector_load %arg16[%get3A_1170, %get3A_1171] {strides = array<i32>} : memref<1024x32xf32, #tpu.memory_space<vmem>>, vector<16xf32>,
        %mul3A_1173 = arith.mulf %gather3A_1162, %get3A_1167 : vector<16xf32>
        %add3A_1174 = arith.addf %add3A_1156, %mul3A_1173 : vector<16xf32>
        %mul3A_1175 = arith.mulf %gather3A_1162, %get3A_1172 : vector<16xf32>
        %add3A_1176 = arith.addf %add3A_1158, %mul3A_1175 : vector<16xf32>
        %broadcast_in_dim3A_1177 = arith.constant 6 : i32
        %broadcast_in_dim3A_1178 = vector.broadcast %broadcast_in_dim3A_1177 : i32 to vector<16x1xi32>
        %gather3A_1179 = vector.shape_cast %broadcast_in_dim3A_1178 : vector<16x1xi32> to vector<16xi32>
        %gather3A_1180 = tpu.dynamic_gather %get3A_1064[%gather3A_1179] in [0] : vector<16xf32>, vector<16xi32> -> vector<16xf32>
        %add3A_1181 = arith.constant 6 : i32
        %add3A_1182 = arith.addi %add3A_1069, %add3A_1181 : i32
        %get3A_1183 = arith.index_cast %add3A_1182 : i32 to index
        %get3A_1184 = arith.constant 0 : index
        %get3A_1185 = tpu.vector_load %arg16[%get3A_1183, %get3A_1184] {strides = array<i32>} : memref<1024x32xf32, #tpu.memory_space<vmem>>, vector<16xf32>,
        %add3A_1186 = arith.constant 6 : i32
        %add3A_1187 = arith.addi %add3A_1069, %add3A_1186 : i32
        %get3A_1188 = arith.index_cast %add3A_1187 : i32 to index
        %get3A_1189 = arith.constant 16 : index
        %get3A_1190 = tpu.vector_load %arg16[%get3A_1188, %get3A_1189] {strides = array<i32>} : memref<1024x32xf32, #tpu.memory_space<vmem>>, vector<16xf32>,
        %mul3A_1191 = arith.mulf %gather3A_1180, %get3A_1185 : vector<16xf32>
        %add3A_1192 = arith.addf %add3A_1174, %mul3A_1191 : vector<16xf32>
        %mul3A_1193 = arith.mulf %gather3A_1180, %get3A_1190 : vector<16xf32>
        %add3A_1194 = arith.addf %add3A_1176, %mul3A_1193 : vector<16xf32>
        %broadcast_in_dim3A_1195 = arith.constant 7 : i32
        %broadcast_in_dim3A_1196 = vector.broadcast %broadcast_in_dim3A_1195 : i32 to vector<16x1xi32>
        %gather3A_1197 = vector.shape_cast %broadcast_in_dim3A_1196 : vector<16x1xi32> to vector<16xi32>
        %gather3A_1198 = tpu.dynamic_gather %get3A_1064[%gather3A_1197] in [0] : vector<16xf32>, vector<16xi32> -> vector<16xf32>
        %add3A_1199 = arith.constant 7 : i32
        %add3A_1200 = arith.addi %add3A_1069, %add3A_1199 : i32
        %get3A_1201 = arith.index_cast %add3A_1200 : i32 to index
        %get3A_1202 = arith.constant 0 : index
        %get3A_1203 = tpu.vector_load %arg16[%get3A_1201, %get3A_1202] {strides = array<i32>} : memref<1024x32xf32, #tpu.memory_space<vmem>>, vector<16xf32>,
        %add3A_1204 = arith.constant 7 : i32
        %add3A_1205 = arith.addi %add3A_1069, %add3A_1204 : i32
        %get3A_1206 = arith.index_cast %add3A_1205 : i32 to index
        %get3A_1207 = arith.constant 16 : index
        %get3A_1208 = tpu.vector_load %arg16[%get3A_1206, %get3A_1207] {strides = array<i32>} : memref<1024x32xf32, #tpu.memory_space<vmem>>, vector<16xf32>,
        %mul3A_1209 = arith.mulf %gather3A_1198, %get3A_1203 : vector<16xf32>
        %add3A_1210 = arith.addf %add3A_1192, %mul3A_1209 : vector<16xf32>
        %mul3A_1211 = arith.mulf %gather3A_1198, %get3A_1208 : vector<16xf32>
        %add3A_1212 = arith.addf %add3A_1194, %mul3A_1211 : vector<16xf32>
        %broadcast_in_dim3A_1213 = arith.constant 8 : i32
        %broadcast_in_dim3A_1214 = vector.broadcast %broadcast_in_dim3A_1213 : i32 to vector<16x1xi32>
        %gather3A_1215 = vector.shape_cast %broadcast_in_dim3A_1214 : vector<16x1xi32> to vector<16xi32>
        %gather3A_1216 = tpu.dynamic_gather %get3A_1064[%gather3A_1215] in [0] : vector<16xf32>, vector<16xi32> -> vector<16xf32>
        %add3A_1217 = arith.constant 8 : i32
        %add3A_1218 = arith.addi %add3A_1069, %add3A_1217 : i32
        %get3A_1219 = arith.index_cast %add3A_1218 : i32 to index
        %get3A_1220 = arith.constant 0 : index
        %get3A_1221 = tpu.vector_load %arg16[%get3A_1219, %get3A_1220] {strides = array<i32>} : memref<1024x32xf32, #tpu.memory_space<vmem>>, vector<16xf32>,
        %add3A_1222 = arith.constant 8 : i32
        %add3A_1223 = arith.addi %add3A_1069, %add3A_1222 : i32
        %get3A_1224 = arith.index_cast %add3A_1223 : i32 to index
        %get3A_1225 = arith.constant 16 : index
        %get3A_1226 = tpu.vector_load %arg16[%get3A_1224, %get3A_1225] {strides = array<i32>} : memref<1024x32xf32, #tpu.memory_space<vmem>>, vector<16xf32>,
        %mul3A_1227 = arith.mulf %gather3A_1216, %get3A_1221 : vector<16xf32>
        %add3A_1228 = arith.addf %add3A_1210, %mul3A_1227 : vector<16xf32>
        %mul3A_1229 = arith.mulf %gather3A_1216, %get3A_1226 : vector<16xf32>
        %add3A_1230 = arith.addf %add3A_1212, %mul3A_1229 : vector<16xf32>
        %broadcast_in_dim3A_1231 = arith.constant 9 : i32
        %broadcast_in_dim3A_1232 = vector.broadcast %broadcast_in_dim3A_1231 : i32 to vector<16x1xi32>
        %gather3A_1233 = vector.shape_cast %broadcast_in_dim3A_1232 : vector<16x1xi32> to vector<16xi32>
        %gather3A_1234 = tpu.dynamic_gather %get3A_1064[%gather3A_1233] in [0] : vector<16xf32>, vector<16xi32> -> vector<16xf32>
        %add3A_1235 = arith.constant 9 : i32
        %add3A_1236 = arith.addi %add3A_1069, %add3A_1235 : i32
        %get3A_1237 = arith.index_cast %add3A_1236 : i32 to index
        %get3A_1238 = arith.constant 0 : index
        %get3A_1239 = tpu.vector_load %arg16[%get3A_1237, %get3A_1238] {strides = array<i32>} : memref<1024x32xf32, #tpu.memory_space<vmem>>, vector<16xf32>,
        %add3A_1240 = arith.constant 9 : i32
        %add3A_1241 = arith.addi %add3A_1069, %add3A_1240 : i32
        %get3A_1242 = arith.index_cast %add3A_1241 : i32 to index
        %get3A_1243 = arith.constant 16 : index
        %get3A_1244 = tpu.vector_load %arg16[%get3A_1242, %get3A_1243] {strides = array<i32>} : memref<1024x32xf32, #tpu.memory_space<vmem>>, vector<16xf32>,
        %mul3A_1245 = arith.mulf %gather3A_1234, %get3A_1239 : vector<16xf32>
        %add3A_1246 = arith.addf %add3A_1228, %mul3A_1245 : vector<16xf32>
        %mul3A_1247 = arith.mulf %gather3A_1234, %get3A_1244 : vector<16xf32>
        %add3A_1248 = arith.addf %add3A_1230, %mul3A_1247 : vector<16xf32>
        %broadcast_in_dim3A_1249 = arith.constant 10 : i32
        %broadcast_in_dim3A_1250 = vector.broadcast %broadcast_in_dim3A_1249 : i32 to vector<16x1xi32>
        %gather3A_1251 = vector.shape_cast %broadcast_in_dim3A_1250 : vector<16x1xi32> to vector<16xi32>
        %gather3A_1252 = tpu.dynamic_gather %get3A_1064[%gather3A_1251] in [0] : vector<16xf32>, vector<16xi32> -> vector<16xf32>
        %add3A_1253 = arith.constant 10 : i32
        %add3A_1254 = arith.addi %add3A_1069, %add3A_1253 : i32
        %get3A_1255 = arith.index_cast %add3A_1254 : i32 to index
        %get3A_1256 = arith.constant 0 : index
        %get3A_1257 = tpu.vector_load %arg16[%get3A_1255, %get3A_1256] {strides = array<i32>} : memref<1024x32xf32, #tpu.memory_space<vmem>>, vector<16xf32>,
        %add3A_1258 = arith.constant 10 : i32
        %add3A_1259 = arith.addi %add3A_1069, %add3A_1258 : i32
        %get3A_1260 = arith.index_cast %add3A_1259 : i32 to index
        %get3A_1261 = arith.constant 16 : index
        %get3A_1262 = tpu.vector_load %arg16[%get3A_1260, %get3A_1261] {strides = array<i32>} : memref<1024x32xf32, #tpu.memory_space<vmem>>, vector<16xf32>,
        %mul3A_1263 = arith.mulf %gather3A_1252, %get3A_1257 : vector<16xf32>
        %add3A_1264 = arith.addf %add3A_1246, %mul3A_1263 : vector<16xf32>
        %mul3A_1265 = arith.mulf %gather3A_1252, %get3A_1262 : vector<16xf32>
        %add3A_1266 = arith.addf %add3A_1248, %mul3A_1265 : vector<16xf32>
        %broadcast_in_dim3A_1267 = arith.constant 11 : i32
        %broadcast_in_dim3A_1268 = vector.broadcast %broadcast_in_dim3A_1267 : i32 to vector<16x1xi32>
        %gather3A_1269 = vector.shape_cast %broadcast_in_dim3A_1268 : vector<16x1xi32> to vector<16xi32>
        %gather3A_1270 = tpu.dynamic_gather %get3A_1064[%gather3A_1269] in [0] : vector<16xf32>, vector<16xi32> -> vector<16xf32>
        %add3A_1271 = arith.constant 11 : i32
        %add3A_1272 = arith.addi %add3A_1069, %add3A_1271 : i32
        %get3A_1273 = arith.index_cast %add3A_1272 : i32 to index
        %get3A_1274 = arith.constant 0 : index
        %get3A_1275 = tpu.vector_load %arg16[%get3A_1273, %get3A_1274] {strides = array<i32>} : memref<1024x32xf32, #tpu.memory_space<vmem>>, vector<16xf32>,
        %add3A_1276 = arith.constant 11 : i32
        %add3A_1277 = arith.addi %add3A_1069, %add3A_1276 : i32
        %get3A_1278 = arith.index_cast %add3A_1277 : i32 to index
        %get3A_1279 = arith.constant 16 : index
        %get3A_1280 = tpu.vector_load %arg16[%get3A_1278, %get3A_1279] {strides = array<i32>} : memref<1024x32xf32, #tpu.memory_space<vmem>>, vector<16xf32>,
        %mul3A_1281 = arith.mulf %gather3A_1270, %get3A_1275 : vector<16xf32>
        %add3A_1282 = arith.addf %add3A_1264, %mul3A_1281 : vector<16xf32>
        %mul3A_1283 = arith.mulf %gather3A_1270, %get3A_1280 : vector<16xf32>
        %add3A_1284 = arith.addf %add3A_1266, %mul3A_1283 : vector<16xf32>
        %broadcast_in_dim3A_1285 = arith.constant 12 : i32
        %broadcast_in_dim3A_1286 = vector.broadcast %broadcast_in_dim3A_1285 : i32 to vector<16x1xi32>
        %gather3A_1287 = vector.shape_cast %broadcast_in_dim3A_1286 : vector<16x1xi32> to vector<16xi32>
        %gather3A_1288 = tpu.dynamic_gather %get3A_1064[%gather3A_1287] in [0] : vector<16xf32>, vector<16xi32> -> vector<16xf32>
        %add3A_1289 = arith.constant 12 : i32
        %add3A_1290 = arith.addi %add3A_1069, %add3A_1289 : i32
        %get3A_1291 = arith.index_cast %add3A_1290 : i32 to index
        %get3A_1292 = arith.constant 0 : index
        %get3A_1293 = tpu.vector_load %arg16[%get3A_1291, %get3A_1292] {strides = array<i32>} : memref<1024x32xf32, #tpu.memory_space<vmem>>, vector<16xf32>,
        %add3A_1294 = arith.constant 12 : i32
        %add3A_1295 = arith.addi %add3A_1069, %add3A_1294 : i32
        %get3A_1296 = arith.index_cast %add3A_1295 : i32 to index
        %get3A_1297 = arith.constant 16 : index
        %get3A_1298 = tpu.vector_load %arg16[%get3A_1296, %get3A_1297] {strides = array<i32>} : memref<1024x32xf32, #tpu.memory_space<vmem>>, vector<16xf32>,
        %mul3A_1299 = arith.mulf %gather3A_1288, %get3A_1293 : vector<16xf32>
        %add3A_1300 = arith.addf %add3A_1282, %mul3A_1299 : vector<16xf32>
        %mul3A_1301 = arith.mulf %gather3A_1288, %get3A_1298 : vector<16xf32>
        %add3A_1302 = arith.addf %add3A_1284, %mul3A_1301 : vector<16xf32>
        %broadcast_in_dim3A_1303 = arith.constant 13 : i32
        %broadcast_in_dim3A_1304 = vector.broadcast %broadcast_in_dim3A_1303 : i32 to vector<16x1xi32>
        %gather3A_1305 = vector.shape_cast %broadcast_in_dim3A_1304 : vector<16x1xi32> to vector<16xi32>
        %gather3A_1306 = tpu.dynamic_gather %get3A_1064[%gather3A_1305] in [0] : vector<16xf32>, vector<16xi32> -> vector<16xf32>
        %add3A_1307 = arith.constant 13 : i32
        %add3A_1308 = arith.addi %add3A_1069, %add3A_1307 : i32
        %get3A_1309 = arith.index_cast %add3A_1308 : i32 to index
        %get3A_1310 = arith.constant 0 : index
        %get3A_1311 = tpu.vector_load %arg16[%get3A_1309, %get3A_1310] {strides = array<i32>} : memref<1024x32xf32, #tpu.memory_space<vmem>>, vector<16xf32>,
        %add3A_1312 = arith.constant 13 : i32
        %add3A_1313 = arith.addi %add3A_1069, %add3A_1312 : i32
        %get3A_1314 = arith.index_cast %add3A_1313 : i32 to index
        %get3A_1315 = arith.constant 16 : index
        %get3A_1316 = tpu.vector_load %arg16[%get3A_1314, %get3A_1315] {strides = array<i32>} : memref<1024x32xf32, #tpu.memory_space<vmem>>, vector<16xf32>,
        %mul3A_1317 = arith.mulf %gather3A_1306, %get3A_1311 : vector<16xf32>
        %add3A_1318 = arith.addf %add3A_1300, %mul3A_1317 : vector<16xf32>
        %mul3A_1319 = arith.mulf %gather3A_1306, %get3A_1316 : vector<16xf32>
        %add3A_1320 = arith.addf %add3A_1302, %mul3A_1319 : vector<16xf32>
        %broadcast_in_dim3A_1321 = arith.constant 14 : i32
        %broadcast_in_dim3A_1322 = vector.broadcast %broadcast_in_dim3A_1321 : i32 to vector<16x1xi32>
        %gather3A_1323 = vector.shape_cast %broadcast_in_dim3A_1322 : vector<16x1xi32> to vector<16xi32>
        %gather3A_1324 = tpu.dynamic_gather %get3A_1064[%gather3A_1323] in [0] : vector<16xf32>, vector<16xi32> -> vector<16xf32>
        %add3A_1325 = arith.constant 14 : i32
        %add3A_1326 = arith.addi %add3A_1069, %add3A_1325 : i32
        %get3A_1327 = arith.index_cast %add3A_1326 : i32 to index
        %get3A_1328 = arith.constant 0 : index
        %get3A_1329 = tpu.vector_load %arg16[%get3A_1327, %get3A_1328] {strides = array<i32>} : memref<1024x32xf32, #tpu.memory_space<vmem>>, vector<16xf32>,
        %add3A_1330 = arith.constant 14 : i32
        %add3A_1331 = arith.addi %add3A_1069, %add3A_1330 : i32
        %get3A_1332 = arith.index_cast %add3A_1331 : i32 to index
        %get3A_1333 = arith.constant 16 : index
        %get3A_1334 = tpu.vector_load %arg16[%get3A_1332, %get3A_1333] {strides = array<i32>} : memref<1024x32xf32, #tpu.memory_space<vmem>>, vector<16xf32>,
        %mul3A_1335 = arith.mulf %gather3A_1324, %get3A_1329 : vector<16xf32>
        %add3A_1336 = arith.addf %add3A_1318, %mul3A_1335 : vector<16xf32>
        %mul3A_1337 = arith.mulf %gather3A_1324, %get3A_1334 : vector<16xf32>
        %add3A_1338 = arith.addf %add3A_1320, %mul3A_1337 : vector<16xf32>
        %broadcast_in_dim3A_1339 = arith.constant 15 : i32
        %broadcast_in_dim3A_1340 = vector.broadcast %broadcast_in_dim3A_1339 : i32 to vector<16x1xi32>
        %gather3A_1341 = vector.shape_cast %broadcast_in_dim3A_1340 : vector<16x1xi32> to vector<16xi32>
        %gather3A_1342 = tpu.dynamic_gather %get3A_1064[%gather3A_1341] in [0] : vector<16xf32>, vector<16xi32> -> vector<16xf32>
        %add3A_1343 = arith.constant 15 : i32
        %add3A_1344 = arith.addi %add3A_1069, %add3A_1343 : i32
        %get3A_1345 = arith.index_cast %add3A_1344 : i32 to index
        %get3A_1346 = arith.constant 0 : index
        %get3A_1347 = tpu.vector_load %arg16[%get3A_1345, %get3A_1346] {strides = array<i32>} : memref<1024x32xf32, #tpu.memory_space<vmem>>, vector<16xf32>,
        %add3A_1348 = arith.constant 15 : i32
        %add3A_1349 = arith.addi %add3A_1069, %add3A_1348 : i32
        %get3A_1350 = arith.index_cast %add3A_1349 : i32 to index
        %get3A_1351 = arith.constant 16 : index
        %get3A_1352 = tpu.vector_load %arg16[%get3A_1350, %get3A_1351] {strides = array<i32>} : memref<1024x32xf32, #tpu.memory_space<vmem>>, vector<16xf32>,
        %mul3A_1353 = arith.mulf %gather3A_1342, %get3A_1347 : vector<16xf32>
        %add3A_1354 = arith.addf %add3A_1336, %mul3A_1353 : vector<16xf32>
        %mul3A_1355 = arith.mulf %gather3A_1342, %get3A_1352 : vector<16xf32>
        %add3A_1356 = arith.addf %add3A_1338, %mul3A_1355 : vector<16xf32>
        %add3A_1357 = arith.constant 2 : i32
        %add3A_1358 = arith.addi %add3A_1357, %shift_right_arithmetic3A_1057 : i32
        %get3A_1359 = arith.index_cast %add3A_1358 : i32 to index
        %get3A_1360 = arith.index_cast %mul3A_1056 : i32 to index
        %get3A_1361 = tpu.vector_load %arg14[%get3A_1359, %get3A_1360] {strides = array<i32>} : memref<8x128xf32, #tpu.memory_space<vmem>>, vector<16xf32>,
        %add3A_1362 = arith.constant 2 : i32
        %add3A_1363 = arith.addi %add3A_1362, %shift_right_arithmetic3A_1057 : i32
        %mul3A_1364 = arith.constant 128 : i32
        %mul3A_1365 = arith.muli %add3A_1363, %mul3A_1364 : i32
        %add3A_1366 = arith.addi %mul3A_1365, %mul3A_1056 : i32
        %broadcast_in_dim3A_1367 = arith.constant 0 : i32
        %broadcast_in_dim3A_1368 = vector.broadcast %broadcast_in_dim3A_1367 : i32 to vector<16x1xi32>
        %gather3A_1369 = vector.shape_cast %broadcast_in_dim3A_1368 : vector<16x1xi32> to vector<16xi32>
        %gather3A_1370 = tpu.dynamic_gather %get3A_1361[%gather3A_1369] in [0] : vector<16xf32>, vector<16xi32> -> vector<16xf32>
        %add3A_1371 = arith.constant 0 : i32
        %add3A_1372 = arith.addi %add3A_1366, %add3A_1371 : i32
        %get3A_1373 = arith.index_cast %add3A_1372 : i32 to index
        %get3A_1374 = arith.constant 0 : index
        %get3A_1375 = tpu.vector_load %arg16[%get3A_1373, %get3A_1374] {strides = array<i32>} : memref<1024x32xf32, #tpu.memory_space<vmem>>, vector<16xf32>,
        %add3A_1376 = arith.constant 0 : i32
        %add3A_1377 = arith.addi %add3A_1366, %add3A_1376 : i32
        %get3A_1378 = arith.index_cast %add3A_1377 : i32 to index
        %get3A_1379 = arith.constant 16 : index
        %get3A_1380 = tpu.vector_load %arg16[%get3A_1378, %get3A_1379] {strides = array<i32>} : memref<1024x32xf32, #tpu.memory_space<vmem>>, vector<16xf32>,
        %mul3A_1381 = arith.mulf %gather3A_1370, %get3A_1375 : vector<16xf32>
        %add3A_1382 = arith.addf %add3A_1354, %mul3A_1381 : vector<16xf32>
        %mul3A_1383 = arith.mulf %gather3A_1370, %get3A_1380 : vector<16xf32>
        %add3A_1384 = arith.addf %add3A_1356, %mul3A_1383 : vector<16xf32>
        %broadcast_in_dim3A_1385 = arith.constant 1 : i32
        %broadcast_in_dim3A_1386 = vector.broadcast %broadcast_in_dim3A_1385 : i32 to vector<16x1xi32>
        %gather3A_1387 = vector.shape_cast %broadcast_in_dim3A_1386 : vector<16x1xi32> to vector<16xi32>
        %gather3A_1388 = tpu.dynamic_gather %get3A_1361[%gather3A_1387] in [0] : vector<16xf32>, vector<16xi32> -> vector<16xf32>
        %add3A_1389 = arith.constant 1 : i32
        %add3A_1390 = arith.addi %add3A_1366, %add3A_1389 : i32
        %get3A_1391 = arith.index_cast %add3A_1390 : i32 to index
        %get3A_1392 = arith.constant 0 : index
        %get3A_1393 = tpu.vector_load %arg16[%get3A_1391, %get3A_1392] {strides = array<i32>} : memref<1024x32xf32, #tpu.memory_space<vmem>>, vector<16xf32>,
        %add3A_1394 = arith.constant 1 : i32
        %add3A_1395 = arith.addi %add3A_1366, %add3A_1394 : i32
        %get3A_1396 = arith.index_cast %add3A_1395 : i32 to index
        %get3A_1397 = arith.constant 16 : index
        %get3A_1398 = tpu.vector_load %arg16[%get3A_1396, %get3A_1397] {strides = array<i32>} : memref<1024x32xf32, #tpu.memory_space<vmem>>, vector<16xf32>,
        %mul3A_1399 = arith.mulf %gather3A_1388, %get3A_1393 : vector<16xf32>
        %add3A_1400 = arith.addf %add3A_1382, %mul3A_1399 : vector<16xf32>
        %mul3A_1401 = arith.mulf %gather3A_1388, %get3A_1398 : vector<16xf32>
        %add3A_1402 = arith.addf %add3A_1384, %mul3A_1401 : vector<16xf32>
        %broadcast_in_dim3A_1403 = arith.constant 2 : i32
        %broadcast_in_dim3A_1404 = vector.broadcast %broadcast_in_dim3A_1403 : i32 to vector<16x1xi32>
        %gather3A_1405 = vector.shape_cast %broadcast_in_dim3A_1404 : vector<16x1xi32> to vector<16xi32>
        %gather3A_1406 = tpu.dynamic_gather %get3A_1361[%gather3A_1405] in [0] : vector<16xf32>, vector<16xi32> -> vector<16xf32>
        %add3A_1407 = arith.constant 2 : i32
        %add3A_1408 = arith.addi %add3A_1366, %add3A_1407 : i32
        %get3A_1409 = arith.index_cast %add3A_1408 : i32 to index
        %get3A_1410 = arith.constant 0 : index
        %get3A_1411 = tpu.vector_load %arg16[%get3A_1409, %get3A_1410] {strides = array<i32>} : memref<1024x32xf32, #tpu.memory_space<vmem>>, vector<16xf32>,
        %add3A_1412 = arith.constant 2 : i32
        %add3A_1413 = arith.addi %add3A_1366, %add3A_1412 : i32
        %get3A_1414 = arith.index_cast %add3A_1413 : i32 to index
        %get3A_1415 = arith.constant 16 : index
        %get3A_1416 = tpu.vector_load %arg16[%get3A_1414, %get3A_1415] {strides = array<i32>} : memref<1024x32xf32, #tpu.memory_space<vmem>>, vector<16xf32>,
        %mul3A_1417 = arith.mulf %gather3A_1406, %get3A_1411 : vector<16xf32>
        %add3A_1418 = arith.addf %add3A_1400, %mul3A_1417 : vector<16xf32>
        %mul3A_1419 = arith.mulf %gather3A_1406, %get3A_1416 : vector<16xf32>
        %add3A_1420 = arith.addf %add3A_1402, %mul3A_1419 : vector<16xf32>
        %broadcast_in_dim3A_1421 = arith.constant 3 : i32
        %broadcast_in_dim3A_1422 = vector.broadcast %broadcast_in_dim3A_1421 : i32 to vector<16x1xi32>
        %gather3A_1423 = vector.shape_cast %broadcast_in_dim3A_1422 : vector<16x1xi32> to vector<16xi32>
        %gather3A_1424 = tpu.dynamic_gather %get3A_1361[%gather3A_1423] in [0] : vector<16xf32>, vector<16xi32> -> vector<16xf32>
        %add3A_1425 = arith.constant 3 : i32
        %add3A_1426 = arith.addi %add3A_1366, %add3A_1425 : i32
        %get3A_1427 = arith.index_cast %add3A_1426 : i32 to index
        %get3A_1428 = arith.constant 0 : index
        %get3A_1429 = tpu.vector_load %arg16[%get3A_1427, %get3A_1428] {strides = array<i32>} : memref<1024x32xf32, #tpu.memory_space<vmem>>, vector<16xf32>,
        %add3A_1430 = arith.constant 3 : i32
        %add3A_1431 = arith.addi %add3A_1366, %add3A_1430 : i32
        %get3A_1432 = arith.index_cast %add3A_1431 : i32 to index
        %get3A_1433 = arith.constant 16 : index
        %get3A_1434 = tpu.vector_load %arg16[%get3A_1432, %get3A_1433] {strides = array<i32>} : memref<1024x32xf32, #tpu.memory_space<vmem>>, vector<16xf32>,
        %mul3A_1435 = arith.mulf %gather3A_1424, %get3A_1429 : vector<16xf32>
        %add3A_1436 = arith.addf %add3A_1418, %mul3A_1435 : vector<16xf32>
        %mul3A_1437 = arith.mulf %gather3A_1424, %get3A_1434 : vector<16xf32>
        %add3A_1438 = arith.addf %add3A_1420, %mul3A_1437 : vector<16xf32>
        %broadcast_in_dim3A_1439 = arith.constant 4 : i32
        %broadcast_in_dim3A_1440 = vector.broadcast %broadcast_in_dim3A_1439 : i32 to vector<16x1xi32>
        %gather3A_1441 = vector.shape_cast %broadcast_in_dim3A_1440 : vector<16x1xi32> to vector<16xi32>
        %gather3A_1442 = tpu.dynamic_gather %get3A_1361[%gather3A_1441] in [0] : vector<16xf32>, vector<16xi32> -> vector<16xf32>
        %add3A_1443 = arith.constant 4 : i32
        %add3A_1444 = arith.addi %add3A_1366, %add3A_1443 : i32
        %get3A_1445 = arith.index_cast %add3A_1444 : i32 to index
        %get3A_1446 = arith.constant 0 : index
        %get3A_1447 = tpu.vector_load %arg16[%get3A_1445, %get3A_1446] {strides = array<i32>} : memref<1024x32xf32, #tpu.memory_space<vmem>>, vector<16xf32>,
        %add3A_1448 = arith.constant 4 : i32
        %add3A_1449 = arith.addi %add3A_1366, %add3A_1448 : i32
        %get3A_1450 = arith.index_cast %add3A_1449 : i32 to index
        %get3A_1451 = arith.constant 16 : index
        %get3A_1452 = tpu.vector_load %arg16[%get3A_1450, %get3A_1451] {strides = array<i32>} : memref<1024x32xf32, #tpu.memory_space<vmem>>, vector<16xf32>,
        %mul3A_1453 = arith.mulf %gather3A_1442, %get3A_1447 : vector<16xf32>
        %add3A_1454 = arith.addf %add3A_1436, %mul3A_1453 : vector<16xf32>
        %mul3A_1455 = arith.mulf %gather3A_1442, %get3A_1452 : vector<16xf32>
        %add3A_1456 = arith.addf %add3A_1438, %mul3A_1455 : vector<16xf32>
        %broadcast_in_dim3A_1457 = arith.constant 5 : i32
        %broadcast_in_dim3A_1458 = vector.broadcast %broadcast_in_dim3A_1457 : i32 to vector<16x1xi32>
        %gather3A_1459 = vector.shape_cast %broadcast_in_dim3A_1458 : vector<16x1xi32> to vector<16xi32>
        %gather3A_1460 = tpu.dynamic_gather %get3A_1361[%gather3A_1459] in [0] : vector<16xf32>, vector<16xi32> -> vector<16xf32>
        %add3A_1461 = arith.constant 5 : i32
        %add3A_1462 = arith.addi %add3A_1366, %add3A_1461 : i32
        %get3A_1463 = arith.index_cast %add3A_1462 : i32 to index
        %get3A_1464 = arith.constant 0 : index
        %get3A_1465 = tpu.vector_load %arg16[%get3A_1463, %get3A_1464] {strides = array<i32>} : memref<1024x32xf32, #tpu.memory_space<vmem>>, vector<16xf32>,
        %add3A_1466 = arith.constant 5 : i32
        %add3A_1467 = arith.addi %add3A_1366, %add3A_1466 : i32
        %get3A_1468 = arith.index_cast %add3A_1467 : i32 to index
        %get3A_1469 = arith.constant 16 : index
        %get3A_1470 = tpu.vector_load %arg16[%get3A_1468, %get3A_1469] {strides = array<i32>} : memref<1024x32xf32, #tpu.memory_space<vmem>>, vector<16xf32>,
        %mul3A_1471 = arith.mulf %gather3A_1460, %get3A_1465 : vector<16xf32>
        %add3A_1472 = arith.addf %add3A_1454, %mul3A_1471 : vector<16xf32>
        %mul3A_1473 = arith.mulf %gather3A_1460, %get3A_1470 : vector<16xf32>
        %add3A_1474 = arith.addf %add3A_1456, %mul3A_1473 : vector<16xf32>
        %broadcast_in_dim3A_1475 = arith.constant 6 : i32
        %broadcast_in_dim3A_1476 = vector.broadcast %broadcast_in_dim3A_1475 : i32 to vector<16x1xi32>
        %gather3A_1477 = vector.shape_cast %broadcast_in_dim3A_1476 : vector<16x1xi32> to vector<16xi32>
        %gather3A_1478 = tpu.dynamic_gather %get3A_1361[%gather3A_1477] in [0] : vector<16xf32>, vector<16xi32> -> vector<16xf32>
        %add3A_1479 = arith.constant 6 : i32
        %add3A_1480 = arith.addi %add3A_1366, %add3A_1479 : i32
        %get3A_1481 = arith.index_cast %add3A_1480 : i32 to index
        %get3A_1482 = arith.constant 0 : index
        %get3A_1483 = tpu.vector_load %arg16[%get3A_1481, %get3A_1482] {strides = array<i32>} : memref<1024x32xf32, #tpu.memory_space<vmem>>, vector<16xf32>,
        %add3A_1484 = arith.constant 6 : i32
        %add3A_1485 = arith.addi %add3A_1366, %add3A_1484 : i32
        %get3A_1486 = arith.index_cast %add3A_1485 : i32 to index
        %get3A_1487 = arith.constant 16 : index
        %get3A_1488 = tpu.vector_load %arg16[%get3A_1486, %get3A_1487] {strides = array<i32>} : memref<1024x32xf32, #tpu.memory_space<vmem>>, vector<16xf32>,
        %mul3A_1489 = arith.mulf %gather3A_1478, %get3A_1483 : vector<16xf32>
        %add3A_1490 = arith.addf %add3A_1472, %mul3A_1489 : vector<16xf32>
        %mul3A_1491 = arith.mulf %gather3A_1478, %get3A_1488 : vector<16xf32>
        %add3A_1492 = arith.addf %add3A_1474, %mul3A_1491 : vector<16xf32>
        %broadcast_in_dim3A_1493 = arith.constant 7 : i32
        %broadcast_in_dim3A_1494 = vector.broadcast %broadcast_in_dim3A_1493 : i32 to vector<16x1xi32>
        %gather3A_1495 = vector.shape_cast %broadcast_in_dim3A_1494 : vector<16x1xi32> to vector<16xi32>
        %gather3A_1496 = tpu.dynamic_gather %get3A_1361[%gather3A_1495] in [0] : vector<16xf32>, vector<16xi32> -> vector<16xf32>
        %add3A_1497 = arith.constant 7 : i32
        %add3A_1498 = arith.addi %add3A_1366, %add3A_1497 : i32
        %get3A_1499 = arith.index_cast %add3A_1498 : i32 to index
        %get3A_1500 = arith.constant 0 : index
        %get3A_1501 = tpu.vector_load %arg16[%get3A_1499, %get3A_1500] {strides = array<i32>} : memref<1024x32xf32, #tpu.memory_space<vmem>>, vector<16xf32>,
        %add3A_1502 = arith.constant 7 : i32
        %add3A_1503 = arith.addi %add3A_1366, %add3A_1502 : i32
        %get3A_1504 = arith.index_cast %add3A_1503 : i32 to index
        %get3A_1505 = arith.constant 16 : index
        %get3A_1506 = tpu.vector_load %arg16[%get3A_1504, %get3A_1505] {strides = array<i32>} : memref<1024x32xf32, #tpu.memory_space<vmem>>, vector<16xf32>,
        %mul3A_1507 = arith.mulf %gather3A_1496, %get3A_1501 : vector<16xf32>
        %add3A_1508 = arith.addf %add3A_1490, %mul3A_1507 : vector<16xf32>
        %mul3A_1509 = arith.mulf %gather3A_1496, %get3A_1506 : vector<16xf32>
        %add3A_1510 = arith.addf %add3A_1492, %mul3A_1509 : vector<16xf32>
        %broadcast_in_dim3A_1511 = arith.constant 8 : i32
        %broadcast_in_dim3A_1512 = vector.broadcast %broadcast_in_dim3A_1511 : i32 to vector<16x1xi32>
        %gather3A_1513 = vector.shape_cast %broadcast_in_dim3A_1512 : vector<16x1xi32> to vector<16xi32>
        %gather3A_1514 = tpu.dynamic_gather %get3A_1361[%gather3A_1513] in [0] : vector<16xf32>, vector<16xi32> -> vector<16xf32>
        %add3A_1515 = arith.constant 8 : i32
        %add3A_1516 = arith.addi %add3A_1366, %add3A_1515 : i32
        %get3A_1517 = arith.index_cast %add3A_1516 : i32 to index
        %get3A_1518 = arith.constant 0 : index
        %get3A_1519 = tpu.vector_load %arg16[%get3A_1517, %get3A_1518] {strides = array<i32>} : memref<1024x32xf32, #tpu.memory_space<vmem>>, vector<16xf32>,
        %add3A_1520 = arith.constant 8 : i32
        %add3A_1521 = arith.addi %add3A_1366, %add3A_1520 : i32
        %get3A_1522 = arith.index_cast %add3A_1521 : i32 to index
        %get3A_1523 = arith.constant 16 : index
        %get3A_1524 = tpu.vector_load %arg16[%get3A_1522, %get3A_1523] {strides = array<i32>} : memref<1024x32xf32, #tpu.memory_space<vmem>>, vector<16xf32>,
        %mul3A_1525 = arith.mulf %gather3A_1514, %get3A_1519 : vector<16xf32>
        %add3A_1526 = arith.addf %add3A_1508, %mul3A_1525 : vector<16xf32>
        %mul3A_1527 = arith.mulf %gather3A_1514, %get3A_1524 : vector<16xf32>
        %add3A_1528 = arith.addf %add3A_1510, %mul3A_1527 : vector<16xf32>
        %broadcast_in_dim3A_1529 = arith.constant 9 : i32
        %broadcast_in_dim3A_1530 = vector.broadcast %broadcast_in_dim3A_1529 : i32 to vector<16x1xi32>
        %gather3A_1531 = vector.shape_cast %broadcast_in_dim3A_1530 : vector<16x1xi32> to vector<16xi32>
        %gather3A_1532 = tpu.dynamic_gather %get3A_1361[%gather3A_1531] in [0] : vector<16xf32>, vector<16xi32> -> vector<16xf32>
        %add3A_1533 = arith.constant 9 : i32
        %add3A_1534 = arith.addi %add3A_1366, %add3A_1533 : i32
        %get3A_1535 = arith.index_cast %add3A_1534 : i32 to index
        %get3A_1536 = arith.constant 0 : index
        %get3A_1537 = tpu.vector_load %arg16[%get3A_1535, %get3A_1536] {strides = array<i32>} : memref<1024x32xf32, #tpu.memory_space<vmem>>, vector<16xf32>,
        %add3A_1538 = arith.constant 9 : i32
        %add3A_1539 = arith.addi %add3A_1366, %add3A_1538 : i32
        %get3A_1540 = arith.index_cast %add3A_1539 : i32 to index
        %get3A_1541 = arith.constant 16 : index
        %get3A_1542 = tpu.vector_load %arg16[%get3A_1540, %get3A_1541] {strides = array<i32>} : memref<1024x32xf32, #tpu.memory_space<vmem>>, vector<16xf32>,
        %mul3A_1543 = arith.mulf %gather3A_1532, %get3A_1537 : vector<16xf32>
        %add3A_1544 = arith.addf %add3A_1526, %mul3A_1543 : vector<16xf32>
        %mul3A_1545 = arith.mulf %gather3A_1532, %get3A_1542 : vector<16xf32>
        %add3A_1546 = arith.addf %add3A_1528, %mul3A_1545 : vector<16xf32>
        %broadcast_in_dim3A_1547 = arith.constant 10 : i32
        %broadcast_in_dim3A_1548 = vector.broadcast %broadcast_in_dim3A_1547 : i32 to vector<16x1xi32>
        %gather3A_1549 = vector.shape_cast %broadcast_in_dim3A_1548 : vector<16x1xi32> to vector<16xi32>
        %gather3A_1550 = tpu.dynamic_gather %get3A_1361[%gather3A_1549] in [0] : vector<16xf32>, vector<16xi32> -> vector<16xf32>
        %add3A_1551 = arith.constant 10 : i32
        %add3A_1552 = arith.addi %add3A_1366, %add3A_1551 : i32
        %get3A_1553 = arith.index_cast %add3A_1552 : i32 to index
        %get3A_1554 = arith.constant 0 : index
        %get3A_1555 = tpu.vector_load %arg16[%get3A_1553, %get3A_1554] {strides = array<i32>} : memref<1024x32xf32, #tpu.memory_space<vmem>>, vector<16xf32>,
        %add3A_1556 = arith.constant 10 : i32
        %add3A_1557 = arith.addi %add3A_1366, %add3A_1556 : i32
        %get3A_1558 = arith.index_cast %add3A_1557 : i32 to index
        %get3A_1559 = arith.constant 16 : index
        %get3A_1560 = tpu.vector_load %arg16[%get3A_1558, %get3A_1559] {strides = array<i32>} : memref<1024x32xf32, #tpu.memory_space<vmem>>, vector<16xf32>,
        %mul3A_1561 = arith.mulf %gather3A_1550, %get3A_1555 : vector<16xf32>
        %add3A_1562 = arith.addf %add3A_1544, %mul3A_1561 : vector<16xf32>
        %mul3A_1563 = arith.mulf %gather3A_1550, %get3A_1560 : vector<16xf32>
        %add3A_1564 = arith.addf %add3A_1546, %mul3A_1563 : vector<16xf32>
        %broadcast_in_dim3A_1565 = arith.constant 11 : i32
        %broadcast_in_dim3A_1566 = vector.broadcast %broadcast_in_dim3A_1565 : i32 to vector<16x1xi32>
        %gather3A_1567 = vector.shape_cast %broadcast_in_dim3A_1566 : vector<16x1xi32> to vector<16xi32>
        %gather3A_1568 = tpu.dynamic_gather %get3A_1361[%gather3A_1567] in [0] : vector<16xf32>, vector<16xi32> -> vector<16xf32>
        %add3A_1569 = arith.constant 11 : i32
        %add3A_1570 = arith.addi %add3A_1366, %add3A_1569 : i32
        %get3A_1571 = arith.index_cast %add3A_1570 : i32 to index
        %get3A_1572 = arith.constant 0 : index
        %get3A_1573 = tpu.vector_load %arg16[%get3A_1571, %get3A_1572] {strides = array<i32>} : memref<1024x32xf32, #tpu.memory_space<vmem>>, vector<16xf32>,
        %add3A_1574 = arith.constant 11 : i32
        %add3A_1575 = arith.addi %add3A_1366, %add3A_1574 : i32
        %get3A_1576 = arith.index_cast %add3A_1575 : i32 to index
        %get3A_1577 = arith.constant 16 : index
        %get3A_1578 = tpu.vector_load %arg16[%get3A_1576, %get3A_1577] {strides = array<i32>} : memref<1024x32xf32, #tpu.memory_space<vmem>>, vector<16xf32>,
        %mul3A_1579 = arith.mulf %gather3A_1568, %get3A_1573 : vector<16xf32>
        %add3A_1580 = arith.addf %add3A_1562, %mul3A_1579 : vector<16xf32>
        %mul3A_1581 = arith.mulf %gather3A_1568, %get3A_1578 : vector<16xf32>
        %add3A_1582 = arith.addf %add3A_1564, %mul3A_1581 : vector<16xf32>
        %broadcast_in_dim3A_1583 = arith.constant 12 : i32
        %broadcast_in_dim3A_1584 = vector.broadcast %broadcast_in_dim3A_1583 : i32 to vector<16x1xi32>
        %gather3A_1585 = vector.shape_cast %broadcast_in_dim3A_1584 : vector<16x1xi32> to vector<16xi32>
        %gather3A_1586 = tpu.dynamic_gather %get3A_1361[%gather3A_1585] in [0] : vector<16xf32>, vector<16xi32> -> vector<16xf32>
        %add3A_1587 = arith.constant 12 : i32
        %add3A_1588 = arith.addi %add3A_1366, %add3A_1587 : i32
        %get3A_1589 = arith.index_cast %add3A_1588 : i32 to index
        %get3A_1590 = arith.constant 0 : index
        %get3A_1591 = tpu.vector_load %arg16[%get3A_1589, %get3A_1590] {strides = array<i32>} : memref<1024x32xf32, #tpu.memory_space<vmem>>, vector<16xf32>,
        %add3A_1592 = arith.constant 12 : i32
        %add3A_1593 = arith.addi %add3A_1366, %add3A_1592 : i32
        %get3A_1594 = arith.index_cast %add3A_1593 : i32 to index
        %get3A_1595 = arith.constant 16 : index
        %get3A_1596 = tpu.vector_load %arg16[%get3A_1594, %get3A_1595] {strides = array<i32>} : memref<1024x32xf32, #tpu.memory_space<vmem>>, vector<16xf32>,
        %mul3A_1597 = arith.mulf %gather3A_1586, %get3A_1591 : vector<16xf32>
        %add3A_1598 = arith.addf %add3A_1580, %mul3A_1597 : vector<16xf32>
        %mul3A_1599 = arith.mulf %gather3A_1586, %get3A_1596 : vector<16xf32>
        %add3A_1600 = arith.addf %add3A_1582, %mul3A_1599 : vector<16xf32>
        %broadcast_in_dim3A_1601 = arith.constant 13 : i32
        %broadcast_in_dim3A_1602 = vector.broadcast %broadcast_in_dim3A_1601 : i32 to vector<16x1xi32>
        %gather3A_1603 = vector.shape_cast %broadcast_in_dim3A_1602 : vector<16x1xi32> to vector<16xi32>
        %gather3A_1604 = tpu.dynamic_gather %get3A_1361[%gather3A_1603] in [0] : vector<16xf32>, vector<16xi32> -> vector<16xf32>
        %add3A_1605 = arith.constant 13 : i32
        %add3A_1606 = arith.addi %add3A_1366, %add3A_1605 : i32
        %get3A_1607 = arith.index_cast %add3A_1606 : i32 to index
        %get3A_1608 = arith.constant 0 : index
        %get3A_1609 = tpu.vector_load %arg16[%get3A_1607, %get3A_1608] {strides = array<i32>} : memref<1024x32xf32, #tpu.memory_space<vmem>>, vector<16xf32>,
        %add3A_1610 = arith.constant 13 : i32
        %add3A_1611 = arith.addi %add3A_1366, %add3A_1610 : i32
        %get3A_1612 = arith.index_cast %add3A_1611 : i32 to index
        %get3A_1613 = arith.constant 16 : index
        %get3A_1614 = tpu.vector_load %arg16[%get3A_1612, %get3A_1613] {strides = array<i32>} : memref<1024x32xf32, #tpu.memory_space<vmem>>, vector<16xf32>,
        %mul3A_1615 = arith.mulf %gather3A_1604, %get3A_1609 : vector<16xf32>
        %add3A_1616 = arith.addf %add3A_1598, %mul3A_1615 : vector<16xf32>
        %mul3A_1617 = arith.mulf %gather3A_1604, %get3A_1614 : vector<16xf32>
        %add3A_1618 = arith.addf %add3A_1600, %mul3A_1617 : vector<16xf32>
        %broadcast_in_dim3A_1619 = arith.constant 14 : i32
        %broadcast_in_dim3A_1620 = vector.broadcast %broadcast_in_dim3A_1619 : i32 to vector<16x1xi32>
        %gather3A_1621 = vector.shape_cast %broadcast_in_dim3A_1620 : vector<16x1xi32> to vector<16xi32>
        %gather3A_1622 = tpu.dynamic_gather %get3A_1361[%gather3A_1621] in [0] : vector<16xf32>, vector<16xi32> -> vector<16xf32>
        %add3A_1623 = arith.constant 14 : i32
        %add3A_1624 = arith.addi %add3A_1366, %add3A_1623 : i32
        %get3A_1625 = arith.index_cast %add3A_1624 : i32 to index
        %get3A_1626 = arith.constant 0 : index
        %get3A_1627 = tpu.vector_load %arg16[%get3A_1625, %get3A_1626] {strides = array<i32>} : memref<1024x32xf32, #tpu.memory_space<vmem>>, vector<16xf32>,
        %add3A_1628 = arith.constant 14 : i32
        %add3A_1629 = arith.addi %add3A_1366, %add3A_1628 : i32
        %get3A_1630 = arith.index_cast %add3A_1629 : i32 to index
        %get3A_1631 = arith.constant 16 : index
        %get3A_1632 = tpu.vector_load %arg16[%get3A_1630, %get3A_1631] {strides = array<i32>} : memref<1024x32xf32, #tpu.memory_space<vmem>>, vector<16xf32>,
        %mul3A_1633 = arith.mulf %gather3A_1622, %get3A_1627 : vector<16xf32>
        %add3A_1634 = arith.addf %add3A_1616, %mul3A_1633 : vector<16xf32>
        %mul3A_1635 = arith.mulf %gather3A_1622, %get3A_1632 : vector<16xf32>
        %add3A_1636 = arith.addf %add3A_1618, %mul3A_1635 : vector<16xf32>
        %broadcast_in_dim3A_1637 = arith.constant 15 : i32
        %broadcast_in_dim3A_1638 = vector.broadcast %broadcast_in_dim3A_1637 : i32 to vector<16x1xi32>
        %gather3A_1639 = vector.shape_cast %broadcast_in_dim3A_1638 : vector<16x1xi32> to vector<16xi32>
        %gather3A_1640 = tpu.dynamic_gather %get3A_1361[%gather3A_1639] in [0] : vector<16xf32>, vector<16xi32> -> vector<16xf32>
        %add3A_1641 = arith.constant 15 : i32
        %add3A_1642 = arith.addi %add3A_1366, %add3A_1641 : i32
        %get3A_1643 = arith.index_cast %add3A_1642 : i32 to index
        %get3A_1644 = arith.constant 0 : index
        %get3A_1645 = tpu.vector_load %arg16[%get3A_1643, %get3A_1644] {strides = array<i32>} : memref<1024x32xf32, #tpu.memory_space<vmem>>, vector<16xf32>,
        %add3A_1646 = arith.constant 15 : i32
        %add3A_1647 = arith.addi %add3A_1366, %add3A_1646 : i32
        %get3A_1648 = arith.index_cast %add3A_1647 : i32 to index
        %get3A_1649 = arith.constant 16 : index
        %get3A_1650 = tpu.vector_load %arg16[%get3A_1648, %get3A_1649] {strides = array<i32>} : memref<1024x32xf32, #tpu.memory_space<vmem>>, vector<16xf32>,
        %mul3A_1651 = arith.mulf %gather3A_1640, %get3A_1645 : vector<16xf32>
        %add3A_1652 = arith.addf %add3A_1634, %mul3A_1651 : vector<16xf32>
        %mul3A_1653 = arith.mulf %gather3A_1640, %get3A_1650 : vector<16xf32>
        %add3A_1654 = arith.addf %add3A_1636, %mul3A_1653 : vector<16xf32>
        %add3A_1655 = arith.constant 4 : i32
        %add3A_1656 = arith.addi %add3A_1655, %shift_right_arithmetic3A_1057 : i32
        %get3A_1657 = arith.index_cast %add3A_1656 : i32 to index
        %get3A_1658 = arith.index_cast %mul3A_1056 : i32 to index
        %get3A_1659 = tpu.vector_load %arg14[%get3A_1657, %get3A_1658] {strides = array<i32>} : memref<8x128xf32, #tpu.memory_space<vmem>>, vector<16xf32>,
        %add3A_1660 = arith.constant 4 : i32
        %add3A_1661 = arith.addi %add3A_1660, %shift_right_arithmetic3A_1057 : i32
        %mul3A_1662 = arith.constant 128 : i32
        %mul3A_1663 = arith.muli %add3A_1661, %mul3A_1662 : i32
        %add3A_1664 = arith.addi %mul3A_1663, %mul3A_1056 : i32
        %broadcast_in_dim3A_1665 = arith.constant 0 : i32
        %broadcast_in_dim3A_1666 = vector.broadcast %broadcast_in_dim3A_1665 : i32 to vector<16x1xi32>
        %gather3A_1667 = vector.shape_cast %broadcast_in_dim3A_1666 : vector<16x1xi32> to vector<16xi32>
        %gather3A_1668 = tpu.dynamic_gather %get3A_1659[%gather3A_1667] in [0] : vector<16xf32>, vector<16xi32> -> vector<16xf32>
        %add3A_1669 = arith.constant 0 : i32
        %add3A_1670 = arith.addi %add3A_1664, %add3A_1669 : i32
        %get3A_1671 = arith.index_cast %add3A_1670 : i32 to index
        %get3A_1672 = arith.constant 0 : index
        %get3A_1673 = tpu.vector_load %arg16[%get3A_1671, %get3A_1672] {strides = array<i32>} : memref<1024x32xf32, #tpu.memory_space<vmem>>, vector<16xf32>,
        %add3A_1674 = arith.constant 0 : i32
        %add3A_1675 = arith.addi %add3A_1664, %add3A_1674 : i32
        %get3A_1676 = arith.index_cast %add3A_1675 : i32 to index
        %get3A_1677 = arith.constant 16 : index
        %get3A_1678 = tpu.vector_load %arg16[%get3A_1676, %get3A_1677] {strides = array<i32>} : memref<1024x32xf32, #tpu.memory_space<vmem>>, vector<16xf32>,
        %mul3A_1679 = arith.mulf %gather3A_1668, %get3A_1673 : vector<16xf32>
        %add3A_1680 = arith.addf %add3A_1652, %mul3A_1679 : vector<16xf32>
        %mul3A_1681 = arith.mulf %gather3A_1668, %get3A_1678 : vector<16xf32>
        %add3A_1682 = arith.addf %add3A_1654, %mul3A_1681 : vector<16xf32>
        %broadcast_in_dim3A_1683 = arith.constant 1 : i32
        %broadcast_in_dim3A_1684 = vector.broadcast %broadcast_in_dim3A_1683 : i32 to vector<16x1xi32>
        %gather3A_1685 = vector.shape_cast %broadcast_in_dim3A_1684 : vector<16x1xi32> to vector<16xi32>
        %gather3A_1686 = tpu.dynamic_gather %get3A_1659[%gather3A_1685] in [0] : vector<16xf32>, vector<16xi32> -> vector<16xf32>
        %add3A_1687 = arith.constant 1 : i32
        %add3A_1688 = arith.addi %add3A_1664, %add3A_1687 : i32
        %get3A_1689 = arith.index_cast %add3A_1688 : i32 to index
        %get3A_1690 = arith.constant 0 : index
        %get3A_1691 = tpu.vector_load %arg16[%get3A_1689, %get3A_1690] {strides = array<i32>} : memref<1024x32xf32, #tpu.memory_space<vmem>>, vector<16xf32>,
        %add3A_1692 = arith.constant 1 : i32
        %add3A_1693 = arith.addi %add3A_1664, %add3A_1692 : i32
        %get3A_1694 = arith.index_cast %add3A_1693 : i32 to index
        %get3A_1695 = arith.constant 16 : index
        %get3A_1696 = tpu.vector_load %arg16[%get3A_1694, %get3A_1695] {strides = array<i32>} : memref<1024x32xf32, #tpu.memory_space<vmem>>, vector<16xf32>,
        %mul3A_1697 = arith.mulf %gather3A_1686, %get3A_1691 : vector<16xf32>
        %add3A_1698 = arith.addf %add3A_1680, %mul3A_1697 : vector<16xf32>
        %mul3A_1699 = arith.mulf %gather3A_1686, %get3A_1696 : vector<16xf32>
        %add3A_1700 = arith.addf %add3A_1682, %mul3A_1699 : vector<16xf32>
        %broadcast_in_dim3A_1701 = arith.constant 2 : i32
        %broadcast_in_dim3A_1702 = vector.broadcast %broadcast_in_dim3A_1701 : i32 to vector<16x1xi32>
        %gather3A_1703 = vector.shape_cast %broadcast_in_dim3A_1702 : vector<16x1xi32> to vector<16xi32>
        %gather3A_1704 = tpu.dynamic_gather %get3A_1659[%gather3A_1703] in [0] : vector<16xf32>, vector<16xi32> -> vector<16xf32>
        %add3A_1705 = arith.constant 2 : i32
        %add3A_1706 = arith.addi %add3A_1664, %add3A_1705 : i32
        %get3A_1707 = arith.index_cast %add3A_1706 : i32 to index
        %get3A_1708 = arith.constant 0 : index
        %get3A_1709 = tpu.vector_load %arg16[%get3A_1707, %get3A_1708] {strides = array<i32>} : memref<1024x32xf32, #tpu.memory_space<vmem>>, vector<16xf32>,
        %add3A_1710 = arith.constant 2 : i32
        %add3A_1711 = arith.addi %add3A_1664, %add3A_1710 : i32
        %get3A_1712 = arith.index_cast %add3A_1711 : i32 to index
        %get3A_1713 = arith.constant 16 : index
        %get3A_1714 = tpu.vector_load %arg16[%get3A_1712, %get3A_1713] {strides = array<i32>} : memref<1024x32xf32, #tpu.memory_space<vmem>>, vector<16xf32>,
        %mul3A_1715 = arith.mulf %gather3A_1704, %get3A_1709 : vector<16xf32>
        %add3A_1716 = arith.addf %add3A_1698, %mul3A_1715 : vector<16xf32>
        %mul3A_1717 = arith.mulf %gather3A_1704, %get3A_1714 : vector<16xf32>
        %add3A_1718 = arith.addf %add3A_1700, %mul3A_1717 : vector<16xf32>
        %broadcast_in_dim3A_1719 = arith.constant 3 : i32
        %broadcast_in_dim3A_1720 = vector.broadcast %broadcast_in_dim3A_1719 : i32 to vector<16x1xi32>
        %gather3A_1721 = vector.shape_cast %broadcast_in_dim3A_1720 : vector<16x1xi32> to vector<16xi32>
        %gather3A_1722 = tpu.dynamic_gather %get3A_1659[%gather3A_1721] in [0] : vector<16xf32>, vector<16xi32> -> vector<16xf32>
        %add3A_1723 = arith.constant 3 : i32
        %add3A_1724 = arith.addi %add3A_1664, %add3A_1723 : i32
        %get3A_1725 = arith.index_cast %add3A_1724 : i32 to index
        %get3A_1726 = arith.constant 0 : index
        %get3A_1727 = tpu.vector_load %arg16[%get3A_1725, %get3A_1726] {strides = array<i32>} : memref<1024x32xf32, #tpu.memory_space<vmem>>, vector<16xf32>,
        %add3A_1728 = arith.constant 3 : i32
        %add3A_1729 = arith.addi %add3A_1664, %add3A_1728 : i32
        %get3A_1730 = arith.index_cast %add3A_1729 : i32 to index
        %get3A_1731 = arith.constant 16 : index
        %get3A_1732 = tpu.vector_load %arg16[%get3A_1730, %get3A_1731] {strides = array<i32>} : memref<1024x32xf32, #tpu.memory_space<vmem>>, vector<16xf32>,
        %mul3A_1733 = arith.mulf %gather3A_1722, %get3A_1727 : vector<16xf32>
        %add3A_1734 = arith.addf %add3A_1716, %mul3A_1733 : vector<16xf32>
        %mul3A_1735 = arith.mulf %gather3A_1722, %get3A_1732 : vector<16xf32>
        %add3A_1736 = arith.addf %add3A_1718, %mul3A_1735 : vector<16xf32>
        %broadcast_in_dim3A_1737 = arith.constant 4 : i32
        %broadcast_in_dim3A_1738 = vector.broadcast %broadcast_in_dim3A_1737 : i32 to vector<16x1xi32>
        %gather3A_1739 = vector.shape_cast %broadcast_in_dim3A_1738 : vector<16x1xi32> to vector<16xi32>
        %gather3A_1740 = tpu.dynamic_gather %get3A_1659[%gather3A_1739] in [0] : vector<16xf32>, vector<16xi32> -> vector<16xf32>
        %add3A_1741 = arith.constant 4 : i32
        %add3A_1742 = arith.addi %add3A_1664, %add3A_1741 : i32
        %get3A_1743 = arith.index_cast %add3A_1742 : i32 to index
        %get3A_1744 = arith.constant 0 : index
        %get3A_1745 = tpu.vector_load %arg16[%get3A_1743, %get3A_1744] {strides = array<i32>} : memref<1024x32xf32, #tpu.memory_space<vmem>>, vector<16xf32>,
        %add3A_1746 = arith.constant 4 : i32
        %add3A_1747 = arith.addi %add3A_1664, %add3A_1746 : i32
        %get3A_1748 = arith.index_cast %add3A_1747 : i32 to index
        %get3A_1749 = arith.constant 16 : index
        %get3A_1750 = tpu.vector_load %arg16[%get3A_1748, %get3A_1749] {strides = array<i32>} : memref<1024x32xf32, #tpu.memory_space<vmem>>, vector<16xf32>,
        %mul3A_1751 = arith.mulf %gather3A_1740, %get3A_1745 : vector<16xf32>
        %add3A_1752 = arith.addf %add3A_1734, %mul3A_1751 : vector<16xf32>
        %mul3A_1753 = arith.mulf %gather3A_1740, %get3A_1750 : vector<16xf32>
        %add3A_1754 = arith.addf %add3A_1736, %mul3A_1753 : vector<16xf32>
        %broadcast_in_dim3A_1755 = arith.constant 5 : i32
        %broadcast_in_dim3A_1756 = vector.broadcast %broadcast_in_dim3A_1755 : i32 to vector<16x1xi32>
        %gather3A_1757 = vector.shape_cast %broadcast_in_dim3A_1756 : vector<16x1xi32> to vector<16xi32>
        %gather3A_1758 = tpu.dynamic_gather %get3A_1659[%gather3A_1757] in [0] : vector<16xf32>, vector<16xi32> -> vector<16xf32>
        %add3A_1759 = arith.constant 5 : i32
        %add3A_1760 = arith.addi %add3A_1664, %add3A_1759 : i32
        %get3A_1761 = arith.index_cast %add3A_1760 : i32 to index
        %get3A_1762 = arith.constant 0 : index
        %get3A_1763 = tpu.vector_load %arg16[%get3A_1761, %get3A_1762] {strides = array<i32>} : memref<1024x32xf32, #tpu.memory_space<vmem>>, vector<16xf32>,
        %add3A_1764 = arith.constant 5 : i32
        %add3A_1765 = arith.addi %add3A_1664, %add3A_1764 : i32
        %get3A_1766 = arith.index_cast %add3A_1765 : i32 to index
        %get3A_1767 = arith.constant 16 : index
        %get3A_1768 = tpu.vector_load %arg16[%get3A_1766, %get3A_1767] {strides = array<i32>} : memref<1024x32xf32, #tpu.memory_space<vmem>>, vector<16xf32>,
        %mul3A_1769 = arith.mulf %gather3A_1758, %get3A_1763 : vector<16xf32>
        %add3A_1770 = arith.addf %add3A_1752, %mul3A_1769 : vector<16xf32>
        %mul3A_1771 = arith.mulf %gather3A_1758, %get3A_1768 : vector<16xf32>
        %add3A_1772 = arith.addf %add3A_1754, %mul3A_1771 : vector<16xf32>
        %broadcast_in_dim3A_1773 = arith.constant 6 : i32
        %broadcast_in_dim3A_1774 = vector.broadcast %broadcast_in_dim3A_1773 : i32 to vector<16x1xi32>
        %gather3A_1775 = vector.shape_cast %broadcast_in_dim3A_1774 : vector<16x1xi32> to vector<16xi32>
        %gather3A_1776 = tpu.dynamic_gather %get3A_1659[%gather3A_1775] in [0] : vector<16xf32>, vector<16xi32> -> vector<16xf32>
        %add3A_1777 = arith.constant 6 : i32
        %add3A_1778 = arith.addi %add3A_1664, %add3A_1777 : i32
        %get3A_1779 = arith.index_cast %add3A_1778 : i32 to index
        %get3A_1780 = arith.constant 0 : index
        %get3A_1781 = tpu.vector_load %arg16[%get3A_1779, %get3A_1780] {strides = array<i32>} : memref<1024x32xf32, #tpu.memory_space<vmem>>, vector<16xf32>,
        %add3A_1782 = arith.constant 6 : i32
        %add3A_1783 = arith.addi %add3A_1664, %add3A_1782 : i32
        %get3A_1784 = arith.index_cast %add3A_1783 : i32 to index
        %get3A_1785 = arith.constant 16 : index
        %get3A_1786 = tpu.vector_load %arg16[%get3A_1784, %get3A_1785] {strides = array<i32>} : memref<1024x32xf32, #tpu.memory_space<vmem>>, vector<16xf32>,
        %mul3A_1787 = arith.mulf %gather3A_1776, %get3A_1781 : vector<16xf32>
        %add3A_1788 = arith.addf %add3A_1770, %mul3A_1787 : vector<16xf32>
        %mul3A_1789 = arith.mulf %gather3A_1776, %get3A_1786 : vector<16xf32>
        %add3A_1790 = arith.addf %add3A_1772, %mul3A_1789 : vector<16xf32>
        %broadcast_in_dim3A_1791 = arith.constant 7 : i32
        %broadcast_in_dim3A_1792 = vector.broadcast %broadcast_in_dim3A_1791 : i32 to vector<16x1xi32>
        %gather3A_1793 = vector.shape_cast %broadcast_in_dim3A_1792 : vector<16x1xi32> to vector<16xi32>
        %gather3A_1794 = tpu.dynamic_gather %get3A_1659[%gather3A_1793] in [0] : vector<16xf32>, vector<16xi32> -> vector<16xf32>
        %add3A_1795 = arith.constant 7 : i32
        %add3A_1796 = arith.addi %add3A_1664, %add3A_1795 : i32
        %get3A_1797 = arith.index_cast %add3A_1796 : i32 to index
        %get3A_1798 = arith.constant 0 : index
        %get3A_1799 = tpu.vector_load %arg16[%get3A_1797, %get3A_1798] {strides = array<i32>} : memref<1024x32xf32, #tpu.memory_space<vmem>>, vector<16xf32>,
        %add3A_1800 = arith.constant 7 : i32
        %add3A_1801 = arith.addi %add3A_1664, %add3A_1800 : i32
        %get3A_1802 = arith.index_cast %add3A_1801 : i32 to index
        %get3A_1803 = arith.constant 16 : index
        %get3A_1804 = tpu.vector_load %arg16[%get3A_1802, %get3A_1803] {strides = array<i32>} : memref<1024x32xf32, #tpu.memory_space<vmem>>, vector<16xf32>,
        %mul3A_1805 = arith.mulf %gather3A_1794, %get3A_1799 : vector<16xf32>
        %add3A_1806 = arith.addf %add3A_1788, %mul3A_1805 : vector<16xf32>
        %mul3A_1807 = arith.mulf %gather3A_1794, %get3A_1804 : vector<16xf32>
        %add3A_1808 = arith.addf %add3A_1790, %mul3A_1807 : vector<16xf32>
        %broadcast_in_dim3A_1809 = arith.constant 8 : i32
        %broadcast_in_dim3A_1810 = vector.broadcast %broadcast_in_dim3A_1809 : i32 to vector<16x1xi32>
        %gather3A_1811 = vector.shape_cast %broadcast_in_dim3A_1810 : vector<16x1xi32> to vector<16xi32>
        %gather3A_1812 = tpu.dynamic_gather %get3A_1659[%gather3A_1811] in [0] : vector<16xf32>, vector<16xi32> -> vector<16xf32>
        %add3A_1813 = arith.constant 8 : i32
        %add3A_1814 = arith.addi %add3A_1664, %add3A_1813 : i32
        %get3A_1815 = arith.index_cast %add3A_1814 : i32 to index
        %get3A_1816 = arith.constant 0 : index
        %get3A_1817 = tpu.vector_load %arg16[%get3A_1815, %get3A_1816] {strides = array<i32>} : memref<1024x32xf32, #tpu.memory_space<vmem>>, vector<16xf32>,
        %add3A_1818 = arith.constant 8 : i32
        %add3A_1819 = arith.addi %add3A_1664, %add3A_1818 : i32
        %get3A_1820 = arith.index_cast %add3A_1819 : i32 to index
        %get3A_1821 = arith.constant 16 : index
        %get3A_1822 = tpu.vector_load %arg16[%get3A_1820, %get3A_1821] {strides = array<i32>} : memref<1024x32xf32, #tpu.memory_space<vmem>>, vector<16xf32>,
        %mul3A_1823 = arith.mulf %gather3A_1812, %get3A_1817 : vector<16xf32>
        %add3A_1824 = arith.addf %add3A_1806, %mul3A_1823 : vector<16xf32>
        %mul3A_1825 = arith.mulf %gather3A_1812, %get3A_1822 : vector<16xf32>
        %add3A_1826 = arith.addf %add3A_1808, %mul3A_1825 : vector<16xf32>
        %broadcast_in_dim3A_1827 = arith.constant 9 : i32
        %broadcast_in_dim3A_1828 = vector.broadcast %broadcast_in_dim3A_1827 : i32 to vector<16x1xi32>
        %gather3A_1829 = vector.shape_cast %broadcast_in_dim3A_1828 : vector<16x1xi32> to vector<16xi32>
        %gather3A_1830 = tpu.dynamic_gather %get3A_1659[%gather3A_1829] in [0] : vector<16xf32>, vector<16xi32> -> vector<16xf32>
        %add3A_1831 = arith.constant 9 : i32
        %add3A_1832 = arith.addi %add3A_1664, %add3A_1831 : i32
        %get3A_1833 = arith.index_cast %add3A_1832 : i32 to index
        %get3A_1834 = arith.constant 0 : index
        %get3A_1835 = tpu.vector_load %arg16[%get3A_1833, %get3A_1834] {strides = array<i32>} : memref<1024x32xf32, #tpu.memory_space<vmem>>, vector<16xf32>,
        %add3A_1836 = arith.constant 9 : i32
        %add3A_1837 = arith.addi %add3A_1664, %add3A_1836 : i32
        %get3A_1838 = arith.index_cast %add3A_1837 : i32 to index
        %get3A_1839 = arith.constant 16 : index
        %get3A_1840 = tpu.vector_load %arg16[%get3A_1838, %get3A_1839] {strides = array<i32>} : memref<1024x32xf32, #tpu.memory_space<vmem>>, vector<16xf32>,
        %mul3A_1841 = arith.mulf %gather3A_1830, %get3A_1835 : vector<16xf32>
        %add3A_1842 = arith.addf %add3A_1824, %mul3A_1841 : vector<16xf32>
        %mul3A_1843 = arith.mulf %gather3A_1830, %get3A_1840 : vector<16xf32>
        %add3A_1844 = arith.addf %add3A_1826, %mul3A_1843 : vector<16xf32>
        %broadcast_in_dim3A_1845 = arith.constant 10 : i32
        %broadcast_in_dim3A_1846 = vector.broadcast %broadcast_in_dim3A_1845 : i32 to vector<16x1xi32>
        %gather3A_1847 = vector.shape_cast %broadcast_in_dim3A_1846 : vector<16x1xi32> to vector<16xi32>
        %gather3A_1848 = tpu.dynamic_gather %get3A_1659[%gather3A_1847] in [0] : vector<16xf32>, vector<16xi32> -> vector<16xf32>
        %add3A_1849 = arith.constant 10 : i32
        %add3A_1850 = arith.addi %add3A_1664, %add3A_1849 : i32
        %get3A_1851 = arith.index_cast %add3A_1850 : i32 to index
        %get3A_1852 = arith.constant 0 : index
        %get3A_1853 = tpu.vector_load %arg16[%get3A_1851, %get3A_1852] {strides = array<i32>} : memref<1024x32xf32, #tpu.memory_space<vmem>>, vector<16xf32>,
        %add3A_1854 = arith.constant 10 : i32
        %add3A_1855 = arith.addi %add3A_1664, %add3A_1854 : i32
        %get3A_1856 = arith.index_cast %add3A_1855 : i32 to index
        %get3A_1857 = arith.constant 16 : index
        %get3A_1858 = tpu.vector_load %arg16[%get3A_1856, %get3A_1857] {strides = array<i32>} : memref<1024x32xf32, #tpu.memory_space<vmem>>, vector<16xf32>,
        %mul3A_1859 = arith.mulf %gather3A_1848, %get3A_1853 : vector<16xf32>
        %add3A_1860 = arith.addf %add3A_1842, %mul3A_1859 : vector<16xf32>
        %mul3A_1861 = arith.mulf %gather3A_1848, %get3A_1858 : vector<16xf32>
        %add3A_1862 = arith.addf %add3A_1844, %mul3A_1861 : vector<16xf32>
        %broadcast_in_dim3A_1863 = arith.constant 11 : i32
        %broadcast_in_dim3A_1864 = vector.broadcast %broadcast_in_dim3A_1863 : i32 to vector<16x1xi32>
        %gather3A_1865 = vector.shape_cast %broadcast_in_dim3A_1864 : vector<16x1xi32> to vector<16xi32>
        %gather3A_1866 = tpu.dynamic_gather %get3A_1659[%gather3A_1865] in [0] : vector<16xf32>, vector<16xi32> -> vector<16xf32>
        %add3A_1867 = arith.constant 11 : i32
        %add3A_1868 = arith.addi %add3A_1664, %add3A_1867 : i32
        %get3A_1869 = arith.index_cast %add3A_1868 : i32 to index
        %get3A_1870 = arith.constant 0 : index
        %get3A_1871 = tpu.vector_load %arg16[%get3A_1869, %get3A_1870] {strides = array<i32>} : memref<1024x32xf32, #tpu.memory_space<vmem>>, vector<16xf32>,
        %add3A_1872 = arith.constant 11 : i32
        %add3A_1873 = arith.addi %add3A_1664, %add3A_1872 : i32
        %get3A_1874 = arith.index_cast %add3A_1873 : i32 to index
        %get3A_1875 = arith.constant 16 : index
        %get3A_1876 = tpu.vector_load %arg16[%get3A_1874, %get3A_1875] {strides = array<i32>} : memref<1024x32xf32, #tpu.memory_space<vmem>>, vector<16xf32>,
        %mul3A_1877 = arith.mulf %gather3A_1866, %get3A_1871 : vector<16xf32>
        %add3A_1878 = arith.addf %add3A_1860, %mul3A_1877 : vector<16xf32>
        %mul3A_1879 = arith.mulf %gather3A_1866, %get3A_1876 : vector<16xf32>
        %add3A_1880 = arith.addf %add3A_1862, %mul3A_1879 : vector<16xf32>
        %broadcast_in_dim3A_1881 = arith.constant 12 : i32
        %broadcast_in_dim3A_1882 = vector.broadcast %broadcast_in_dim3A_1881 : i32 to vector<16x1xi32>
        %gather3A_1883 = vector.shape_cast %broadcast_in_dim3A_1882 : vector<16x1xi32> to vector<16xi32>
        %gather3A_1884 = tpu.dynamic_gather %get3A_1659[%gather3A_1883] in [0] : vector<16xf32>, vector<16xi32> -> vector<16xf32>
        %add3A_1885 = arith.constant 12 : i32
        %add3A_1886 = arith.addi %add3A_1664, %add3A_1885 : i32
        %get3A_1887 = arith.index_cast %add3A_1886 : i32 to index
        %get3A_1888 = arith.constant 0 : index
        %get3A_1889 = tpu.vector_load %arg16[%get3A_1887, %get3A_1888] {strides = array<i32>} : memref<1024x32xf32, #tpu.memory_space<vmem>>, vector<16xf32>,
        %add3A_1890 = arith.constant 12 : i32
        %add3A_1891 = arith.addi %add3A_1664, %add3A_1890 : i32
        %get3A_1892 = arith.index_cast %add3A_1891 : i32 to index
        %get3A_1893 = arith.constant 16 : index
        %get3A_1894 = tpu.vector_load %arg16[%get3A_1892, %get3A_1893] {strides = array<i32>} : memref<1024x32xf32, #tpu.memory_space<vmem>>, vector<16xf32>,
        %mul3A_1895 = arith.mulf %gather3A_1884, %get3A_1889 : vector<16xf32>
        %add3A_1896 = arith.addf %add3A_1878, %mul3A_1895 : vector<16xf32>
        %mul3A_1897 = arith.mulf %gather3A_1884, %get3A_1894 : vector<16xf32>
        %add3A_1898 = arith.addf %add3A_1880, %mul3A_1897 : vector<16xf32>
        %broadcast_in_dim3A_1899 = arith.constant 13 : i32
        %broadcast_in_dim3A_1900 = vector.broadcast %broadcast_in_dim3A_1899 : i32 to vector<16x1xi32>
        %gather3A_1901 = vector.shape_cast %broadcast_in_dim3A_1900 : vector<16x1xi32> to vector<16xi32>
        %gather3A_1902 = tpu.dynamic_gather %get3A_1659[%gather3A_1901] in [0] : vector<16xf32>, vector<16xi32> -> vector<16xf32>
        %add3A_1903 = arith.constant 13 : i32
        %add3A_1904 = arith.addi %add3A_1664, %add3A_1903 : i32
        %get3A_1905 = arith.index_cast %add3A_1904 : i32 to index
        %get3A_1906 = arith.constant 0 : index
        %get3A_1907 = tpu.vector_load %arg16[%get3A_1905, %get3A_1906] {strides = array<i32>} : memref<1024x32xf32, #tpu.memory_space<vmem>>, vector<16xf32>,
        %add3A_1908 = arith.constant 13 : i32
        %add3A_1909 = arith.addi %add3A_1664, %add3A_1908 : i32
        %get3A_1910 = arith.index_cast %add3A_1909 : i32 to index
        %get3A_1911 = arith.constant 16 : index
        %get3A_1912 = tpu.vector_load %arg16[%get3A_1910, %get3A_1911] {strides = array<i32>} : memref<1024x32xf32, #tpu.memory_space<vmem>>, vector<16xf32>,
        %mul3A_1913 = arith.mulf %gather3A_1902, %get3A_1907 : vector<16xf32>
        %add3A_1914 = arith.addf %add3A_1896, %mul3A_1913 : vector<16xf32>
        %mul3A_1915 = arith.mulf %gather3A_1902, %get3A_1912 : vector<16xf32>
        %add3A_1916 = arith.addf %add3A_1898, %mul3A_1915 : vector<16xf32>
        %broadcast_in_dim3A_1917 = arith.constant 14 : i32
        %broadcast_in_dim3A_1918 = vector.broadcast %broadcast_in_dim3A_1917 : i32 to vector<16x1xi32>
        %gather3A_1919 = vector.shape_cast %broadcast_in_dim3A_1918 : vector<16x1xi32> to vector<16xi32>
        %gather3A_1920 = tpu.dynamic_gather %get3A_1659[%gather3A_1919] in [0] : vector<16xf32>, vector<16xi32> -> vector<16xf32>
        %add3A_1921 = arith.constant 14 : i32
        %add3A_1922 = arith.addi %add3A_1664, %add3A_1921 : i32
        %get3A_1923 = arith.index_cast %add3A_1922 : i32 to index
        %get3A_1924 = arith.constant 0 : index
        %get3A_1925 = tpu.vector_load %arg16[%get3A_1923, %get3A_1924] {strides = array<i32>} : memref<1024x32xf32, #tpu.memory_space<vmem>>, vector<16xf32>,
        %add3A_1926 = arith.constant 14 : i32
        %add3A_1927 = arith.addi %add3A_1664, %add3A_1926 : i32
        %get3A_1928 = arith.index_cast %add3A_1927 : i32 to index
        %get3A_1929 = arith.constant 16 : index
        %get3A_1930 = tpu.vector_load %arg16[%get3A_1928, %get3A_1929] {strides = array<i32>} : memref<1024x32xf32, #tpu.memory_space<vmem>>, vector<16xf32>,
        %mul3A_1931 = arith.mulf %gather3A_1920, %get3A_1925 : vector<16xf32>
        %add3A_1932 = arith.addf %add3A_1914, %mul3A_1931 : vector<16xf32>
        %mul3A_1933 = arith.mulf %gather3A_1920, %get3A_1930 : vector<16xf32>
        %add3A_1934 = arith.addf %add3A_1916, %mul3A_1933 : vector<16xf32>
        %broadcast_in_dim3A_1935 = arith.constant 15 : i32
        %broadcast_in_dim3A_1936 = vector.broadcast %broadcast_in_dim3A_1935 : i32 to vector<16x1xi32>
        %gather3A_1937 = vector.shape_cast %broadcast_in_dim3A_1936 : vector<16x1xi32> to vector<16xi32>
        %gather3A_1938 = tpu.dynamic_gather %get3A_1659[%gather3A_1937] in [0] : vector<16xf32>, vector<16xi32> -> vector<16xf32>
        %add3A_1939 = arith.constant 15 : i32
        %add3A_1940 = arith.addi %add3A_1664, %add3A_1939 : i32
        %get3A_1941 = arith.index_cast %add3A_1940 : i32 to index
        %get3A_1942 = arith.constant 0 : index
        %get3A_1943 = tpu.vector_load %arg16[%get3A_1941, %get3A_1942] {strides = array<i32>} : memref<1024x32xf32, #tpu.memory_space<vmem>>, vector<16xf32>,
        %add3A_1944 = arith.constant 15 : i32
        %add3A_1945 = arith.addi %add3A_1664, %add3A_1944 : i32
        %get3A_1946 = arith.index_cast %add3A_1945 : i32 to index
        %get3A_1947 = arith.constant 16 : index
        %get3A_1948 = tpu.vector_load %arg16[%get3A_1946, %get3A_1947] {strides = array<i32>} : memref<1024x32xf32, #tpu.memory_space<vmem>>, vector<16xf32>,
        %mul3A_1949 = arith.mulf %gather3A_1938, %get3A_1943 : vector<16xf32>
        %add3A_1950 = arith.addf %add3A_1932, %mul3A_1949 : vector<16xf32>
        %mul3A_1951 = arith.mulf %gather3A_1938, %get3A_1948 : vector<16xf32>
        %add3A_1952 = arith.addf %add3A_1934, %mul3A_1951 : vector<16xf32>
        %add3A_1953 = arith.constant 6 : i32
        %add3A_1954 = arith.addi %add3A_1953, %shift_right_arithmetic3A_1057 : i32
        %get3A_1955 = arith.index_cast %add3A_1954 : i32 to index
        %get3A_1956 = arith.index_cast %mul3A_1056 : i32 to index
        %get3A_1957 = tpu.vector_load %arg14[%get3A_1955, %get3A_1956] {strides = array<i32>} : memref<8x128xf32, #tpu.memory_space<vmem>>, vector<16xf32>,
        %add3A_1958 = arith.constant 6 : i32
        %add3A_1959 = arith.addi %add3A_1958, %shift_right_arithmetic3A_1057 : i32
        %mul3A_1960 = arith.constant 128 : i32
        %mul3A_1961 = arith.muli %add3A_1959, %mul3A_1960 : i32
        %add3A_1962 = arith.addi %mul3A_1961, %mul3A_1056 : i32
        %broadcast_in_dim3A_1963 = arith.constant 0 : i32
        %broadcast_in_dim3A_1964 = vector.broadcast %broadcast_in_dim3A_1963 : i32 to vector<16x1xi32>
        %gather3A_1965 = vector.shape_cast %broadcast_in_dim3A_1964 : vector<16x1xi32> to vector<16xi32>
        %gather3A_1966 = tpu.dynamic_gather %get3A_1957[%gather3A_1965] in [0] : vector<16xf32>, vector<16xi32> -> vector<16xf32>
        %add3A_1967 = arith.constant 0 : i32
        %add3A_1968 = arith.addi %add3A_1962, %add3A_1967 : i32
        %get3A_1969 = arith.index_cast %add3A_1968 : i32 to index
        %get3A_1970 = arith.constant 0 : index
        %get3A_1971 = tpu.vector_load %arg16[%get3A_1969, %get3A_1970] {strides = array<i32>} : memref<1024x32xf32, #tpu.memory_space<vmem>>, vector<16xf32>,
        %add3A_1972 = arith.constant 0 : i32
        %add3A_1973 = arith.addi %add3A_1962, %add3A_1972 : i32
        %get3A_1974 = arith.index_cast %add3A_1973 : i32 to index
        %get3A_1975 = arith.constant 16 : index
        %get3A_1976 = tpu.vector_load %arg16[%get3A_1974, %get3A_1975] {strides = array<i32>} : memref<1024x32xf32, #tpu.memory_space<vmem>>, vector<16xf32>,
        %mul3A_1977 = arith.mulf %gather3A_1966, %get3A_1971 : vector<16xf32>
        %add3A_1978 = arith.addf %add3A_1950, %mul3A_1977 : vector<16xf32>
        %mul3A_1979 = arith.mulf %gather3A_1966, %get3A_1976 : vector<16xf32>
        %add3A_1980 = arith.addf %add3A_1952, %mul3A_1979 : vector<16xf32>
        %broadcast_in_dim3A_1981 = arith.constant 1 : i32
        %broadcast_in_dim3A_1982 = vector.broadcast %broadcast_in_dim3A_1981 : i32 to vector<16x1xi32>
        %gather3A_1983 = vector.shape_cast %broadcast_in_dim3A_1982 : vector<16x1xi32> to vector<16xi32>
        %gather3A_1984 = tpu.dynamic_gather %get3A_1957[%gather3A_1983] in [0] : vector<16xf32>, vector<16xi32> -> vector<16xf32>
        %add3A_1985 = arith.constant 1 : i32
        %add3A_1986 = arith.addi %add3A_1962, %add3A_1985 : i32
        %get3A_1987 = arith.index_cast %add3A_1986 : i32 to index
        %get3A_1988 = arith.constant 0 : index
        %get3A_1989 = tpu.vector_load %arg16[%get3A_1987, %get3A_1988] {strides = array<i32>} : memref<1024x32xf32, #tpu.memory_space<vmem>>, vector<16xf32>,
        %add3A_1990 = arith.constant 1 : i32
        %add3A_1991 = arith.addi %add3A_1962, %add3A_1990 : i32
        %get3A_1992 = arith.index_cast %add3A_1991 : i32 to index
        %get3A_1993 = arith.constant 16 : index
        %get3A_1994 = tpu.vector_load %arg16[%get3A_1992, %get3A_1993] {strides = array<i32>} : memref<1024x32xf32, #tpu.memory_space<vmem>>, vector<16xf32>,
        %mul3A_1995 = arith.mulf %gather3A_1984, %get3A_1989 : vector<16xf32>
        %add3A_1996 = arith.addf %add3A_1978, %mul3A_1995 : vector<16xf32>
        %mul3A_1997 = arith.mulf %gather3A_1984, %get3A_1994 : vector<16xf32>
        %add3A_1998 = arith.addf %add3A_1980, %mul3A_1997 : vector<16xf32>
        %broadcast_in_dim3A_1999 = arith.constant 2 : i32
        %broadcast_in_dim3A_2000 = vector.broadcast %broadcast_in_dim3A_1999 : i32 to vector<16x1xi32>
        %gather3A_2001 = vector.shape_cast %broadcast_in_dim3A_2000 : vector<16x1xi32> to vector<16xi32>
        %gather3A_2002 = tpu.dynamic_gather %get3A_1957[%gather3A_2001] in [0] : vector<16xf32>, vector<16xi32> -> vector<16xf32>
        %add3A_2003 = arith.constant 2 : i32
        %add3A_2004 = arith.addi %add3A_1962, %add3A_2003 : i32
        %get3A_2005 = arith.index_cast %add3A_2004 : i32 to index
        %get3A_2006 = arith.constant 0 : index
        %get3A_2007 = tpu.vector_load %arg16[%get3A_2005, %get3A_2006] {strides = array<i32>} : memref<1024x32xf32, #tpu.memory_space<vmem>>, vector<16xf32>,
        %add3A_2008 = arith.constant 2 : i32
        %add3A_2009 = arith.addi %add3A_1962, %add3A_2008 : i32
        %get3A_2010 = arith.index_cast %add3A_2009 : i32 to index
        %get3A_2011 = arith.constant 16 : index
        %get3A_2012 = tpu.vector_load %arg16[%get3A_2010, %get3A_2011] {strides = array<i32>} : memref<1024x32xf32, #tpu.memory_space<vmem>>, vector<16xf32>,
        %mul3A_2013 = arith.mulf %gather3A_2002, %get3A_2007 : vector<16xf32>
        %add3A_2014 = arith.addf %add3A_1996, %mul3A_2013 : vector<16xf32>
        %mul3A_2015 = arith.mulf %gather3A_2002, %get3A_2012 : vector<16xf32>
        %add3A_2016 = arith.addf %add3A_1998, %mul3A_2015 : vector<16xf32>
        %broadcast_in_dim3A_2017 = arith.constant 3 : i32
        %broadcast_in_dim3A_2018 = vector.broadcast %broadcast_in_dim3A_2017 : i32 to vector<16x1xi32>
        %gather3A_2019 = vector.shape_cast %broadcast_in_dim3A_2018 : vector<16x1xi32> to vector<16xi32>
        %gather3A_2020 = tpu.dynamic_gather %get3A_1957[%gather3A_2019] in [0] : vector<16xf32>, vector<16xi32> -> vector<16xf32>
        %add3A_2021 = arith.constant 3 : i32
        %add3A_2022 = arith.addi %add3A_1962, %add3A_2021 : i32
        %get3A_2023 = arith.index_cast %add3A_2022 : i32 to index
        %get3A_2024 = arith.constant 0 : index
        %get3A_2025 = tpu.vector_load %arg16[%get3A_2023, %get3A_2024] {strides = array<i32>} : memref<1024x32xf32, #tpu.memory_space<vmem>>, vector<16xf32>,
        %add3A_2026 = arith.constant 3 : i32
        %add3A_2027 = arith.addi %add3A_1962, %add3A_2026 : i32
        %get3A_2028 = arith.index_cast %add3A_2027 : i32 to index
        %get3A_2029 = arith.constant 16 : index
        %get3A_2030 = tpu.vector_load %arg16[%get3A_2028, %get3A_2029] {strides = array<i32>} : memref<1024x32xf32, #tpu.memory_space<vmem>>, vector<16xf32>,
        %mul3A_2031 = arith.mulf %gather3A_2020, %get3A_2025 : vector<16xf32>
        %add3A_2032 = arith.addf %add3A_2014, %mul3A_2031 : vector<16xf32>
        %mul3A_2033 = arith.mulf %gather3A_2020, %get3A_2030 : vector<16xf32>
        %add3A_2034 = arith.addf %add3A_2016, %mul3A_2033 : vector<16xf32>
        %broadcast_in_dim3A_2035 = arith.constant 4 : i32
        %broadcast_in_dim3A_2036 = vector.broadcast %broadcast_in_dim3A_2035 : i32 to vector<16x1xi32>
        %gather3A_2037 = vector.shape_cast %broadcast_in_dim3A_2036 : vector<16x1xi32> to vector<16xi32>
        %gather3A_2038 = tpu.dynamic_gather %get3A_1957[%gather3A_2037] in [0] : vector<16xf32>, vector<16xi32> -> vector<16xf32>
        %add3A_2039 = arith.constant 4 : i32
        %add3A_2040 = arith.addi %add3A_1962, %add3A_2039 : i32
        %get3A_2041 = arith.index_cast %add3A_2040 : i32 to index
        %get3A_2042 = arith.constant 0 : index
        %get3A_2043 = tpu.vector_load %arg16[%get3A_2041, %get3A_2042] {strides = array<i32>} : memref<1024x32xf32, #tpu.memory_space<vmem>>, vector<16xf32>,
        %add3A_2044 = arith.constant 4 : i32
        %add3A_2045 = arith.addi %add3A_1962, %add3A_2044 : i32
        %get3A_2046 = arith.index_cast %add3A_2045 : i32 to index
        %get3A_2047 = arith.constant 16 : index
        %get3A_2048 = tpu.vector_load %arg16[%get3A_2046, %get3A_2047] {strides = array<i32>} : memref<1024x32xf32, #tpu.memory_space<vmem>>, vector<16xf32>,
        %mul3A_2049 = arith.mulf %gather3A_2038, %get3A_2043 : vector<16xf32>
        %add3A_2050 = arith.addf %add3A_2032, %mul3A_2049 : vector<16xf32>
        %mul3A_2051 = arith.mulf %gather3A_2038, %get3A_2048 : vector<16xf32>
        %add3A_2052 = arith.addf %add3A_2034, %mul3A_2051 : vector<16xf32>
        %broadcast_in_dim3A_2053 = arith.constant 5 : i32
        %broadcast_in_dim3A_2054 = vector.broadcast %broadcast_in_dim3A_2053 : i32 to vector<16x1xi32>
        %gather3A_2055 = vector.shape_cast %broadcast_in_dim3A_2054 : vector<16x1xi32> to vector<16xi32>
        %gather3A_2056 = tpu.dynamic_gather %get3A_1957[%gather3A_2055] in [0] : vector<16xf32>, vector<16xi32> -> vector<16xf32>
        %add3A_2057 = arith.constant 5 : i32
        %add3A_2058 = arith.addi %add3A_1962, %add3A_2057 : i32
        %get3A_2059 = arith.index_cast %add3A_2058 : i32 to index
        %get3A_2060 = arith.constant 0 : index
        %get3A_2061 = tpu.vector_load %arg16[%get3A_2059, %get3A_2060] {strides = array<i32>} : memref<1024x32xf32, #tpu.memory_space<vmem>>, vector<16xf32>,
        %add3A_2062 = arith.constant 5 : i32
        %add3A_2063 = arith.addi %add3A_1962, %add3A_2062 : i32
        %get3A_2064 = arith.index_cast %add3A_2063 : i32 to index
        %get3A_2065 = arith.constant 16 : index
        %get3A_2066 = tpu.vector_load %arg16[%get3A_2064, %get3A_2065] {strides = array<i32>} : memref<1024x32xf32, #tpu.memory_space<vmem>>, vector<16xf32>,
        %mul3A_2067 = arith.mulf %gather3A_2056, %get3A_2061 : vector<16xf32>
        %add3A_2068 = arith.addf %add3A_2050, %mul3A_2067 : vector<16xf32>
        %mul3A_2069 = arith.mulf %gather3A_2056, %get3A_2066 : vector<16xf32>
        %add3A_2070 = arith.addf %add3A_2052, %mul3A_2069 : vector<16xf32>
        %broadcast_in_dim3A_2071 = arith.constant 6 : i32
        %broadcast_in_dim3A_2072 = vector.broadcast %broadcast_in_dim3A_2071 : i32 to vector<16x1xi32>
        %gather3A_2073 = vector.shape_cast %broadcast_in_dim3A_2072 : vector<16x1xi32> to vector<16xi32>
        %gather3A_2074 = tpu.dynamic_gather %get3A_1957[%gather3A_2073] in [0] : vector<16xf32>, vector<16xi32> -> vector<16xf32>
        %add3A_2075 = arith.constant 6 : i32
        %add3A_2076 = arith.addi %add3A_1962, %add3A_2075 : i32
        %get3A_2077 = arith.index_cast %add3A_2076 : i32 to index
        %get3A_2078 = arith.constant 0 : index
        %get3A_2079 = tpu.vector_load %arg16[%get3A_2077, %get3A_2078] {strides = array<i32>} : memref<1024x32xf32, #tpu.memory_space<vmem>>, vector<16xf32>,
        %add3A_2080 = arith.constant 6 : i32
        %add3A_2081 = arith.addi %add3A_1962, %add3A_2080 : i32
        %get3A_2082 = arith.index_cast %add3A_2081 : i32 to index
        %get3A_2083 = arith.constant 16 : index
        %get3A_2084 = tpu.vector_load %arg16[%get3A_2082, %get3A_2083] {strides = array<i32>} : memref<1024x32xf32, #tpu.memory_space<vmem>>, vector<16xf32>,
        %mul3A_2085 = arith.mulf %gather3A_2074, %get3A_2079 : vector<16xf32>
        %add3A_2086 = arith.addf %add3A_2068, %mul3A_2085 : vector<16xf32>
        %mul3A_2087 = arith.mulf %gather3A_2074, %get3A_2084 : vector<16xf32>
        %add3A_2088 = arith.addf %add3A_2070, %mul3A_2087 : vector<16xf32>
        %broadcast_in_dim3A_2089 = arith.constant 7 : i32
        %broadcast_in_dim3A_2090 = vector.broadcast %broadcast_in_dim3A_2089 : i32 to vector<16x1xi32>
        %gather3A_2091 = vector.shape_cast %broadcast_in_dim3A_2090 : vector<16x1xi32> to vector<16xi32>
        %gather3A_2092 = tpu.dynamic_gather %get3A_1957[%gather3A_2091] in [0] : vector<16xf32>, vector<16xi32> -> vector<16xf32>
        %add3A_2093 = arith.constant 7 : i32
        %add3A_2094 = arith.addi %add3A_1962, %add3A_2093 : i32
        %get3A_2095 = arith.index_cast %add3A_2094 : i32 to index
        %get3A_2096 = arith.constant 0 : index
        %get3A_2097 = tpu.vector_load %arg16[%get3A_2095, %get3A_2096] {strides = array<i32>} : memref<1024x32xf32, #tpu.memory_space<vmem>>, vector<16xf32>,
        %add3A_2098 = arith.constant 7 : i32
        %add3A_2099 = arith.addi %add3A_1962, %add3A_2098 : i32
        %get3A_2100 = arith.index_cast %add3A_2099 : i32 to index
        %get3A_2101 = arith.constant 16 : index
        %get3A_2102 = tpu.vector_load %arg16[%get3A_2100, %get3A_2101] {strides = array<i32>} : memref<1024x32xf32, #tpu.memory_space<vmem>>, vector<16xf32>,
        %mul3A_2103 = arith.mulf %gather3A_2092, %get3A_2097 : vector<16xf32>
        %add3A_2104 = arith.addf %add3A_2086, %mul3A_2103 : vector<16xf32>
        %mul3A_2105 = arith.mulf %gather3A_2092, %get3A_2102 : vector<16xf32>
        %add3A_2106 = arith.addf %add3A_2088, %mul3A_2105 : vector<16xf32>
        %broadcast_in_dim3A_2107 = arith.constant 8 : i32
        %broadcast_in_dim3A_2108 = vector.broadcast %broadcast_in_dim3A_2107 : i32 to vector<16x1xi32>
        %gather3A_2109 = vector.shape_cast %broadcast_in_dim3A_2108 : vector<16x1xi32> to vector<16xi32>
        %gather3A_2110 = tpu.dynamic_gather %get3A_1957[%gather3A_2109] in [0] : vector<16xf32>, vector<16xi32> -> vector<16xf32>
        %add3A_2111 = arith.constant 8 : i32
        %add3A_2112 = arith.addi %add3A_1962, %add3A_2111 : i32
        %get3A_2113 = arith.index_cast %add3A_2112 : i32 to index
        %get3A_2114 = arith.constant 0 : index
        %get3A_2115 = tpu.vector_load %arg16[%get3A_2113, %get3A_2114] {strides = array<i32>} : memref<1024x32xf32, #tpu.memory_space<vmem>>, vector<16xf32>,
        %add3A_2116 = arith.constant 8 : i32
        %add3A_2117 = arith.addi %add3A_1962, %add3A_2116 : i32
        %get3A_2118 = arith.index_cast %add3A_2117 : i32 to index
        %get3A_2119 = arith.constant 16 : index
        %get3A_2120 = tpu.vector_load %arg16[%get3A_2118, %get3A_2119] {strides = array<i32>} : memref<1024x32xf32, #tpu.memory_space<vmem>>, vector<16xf32>,
        %mul3A_2121 = arith.mulf %gather3A_2110, %get3A_2115 : vector<16xf32>
        %add3A_2122 = arith.addf %add3A_2104, %mul3A_2121 : vector<16xf32>
        %mul3A_2123 = arith.mulf %gather3A_2110, %get3A_2120 : vector<16xf32>
        %add3A_2124 = arith.addf %add3A_2106, %mul3A_2123 : vector<16xf32>
        %broadcast_in_dim3A_2125 = arith.constant 9 : i32
        %broadcast_in_dim3A_2126 = vector.broadcast %broadcast_in_dim3A_2125 : i32 to vector<16x1xi32>
        %gather3A_2127 = vector.shape_cast %broadcast_in_dim3A_2126 : vector<16x1xi32> to vector<16xi32>
        %gather3A_2128 = tpu.dynamic_gather %get3A_1957[%gather3A_2127] in [0] : vector<16xf32>, vector<16xi32> -> vector<16xf32>
        %add3A_2129 = arith.constant 9 : i32
        %add3A_2130 = arith.addi %add3A_1962, %add3A_2129 : i32
        %get3A_2131 = arith.index_cast %add3A_2130 : i32 to index
        %get3A_2132 = arith.constant 0 : index
        %get3A_2133 = tpu.vector_load %arg16[%get3A_2131, %get3A_2132] {strides = array<i32>} : memref<1024x32xf32, #tpu.memory_space<vmem>>, vector<16xf32>,
        %add3A_2134 = arith.constant 9 : i32
        %add3A_2135 = arith.addi %add3A_1962, %add3A_2134 : i32
        %get3A_2136 = arith.index_cast %add3A_2135 : i32 to index
        %get3A_2137 = arith.constant 16 : index
        %get3A_2138 = tpu.vector_load %arg16[%get3A_2136, %get3A_2137] {strides = array<i32>} : memref<1024x32xf32, #tpu.memory_space<vmem>>, vector<16xf32>,
        %mul3A_2139 = arith.mulf %gather3A_2128, %get3A_2133 : vector<16xf32>
        %add3A_2140 = arith.addf %add3A_2122, %mul3A_2139 : vector<16xf32>
        %mul3A_2141 = arith.mulf %gather3A_2128, %get3A_2138 : vector<16xf32>
        %add3A_2142 = arith.addf %add3A_2124, %mul3A_2141 : vector<16xf32>
        %broadcast_in_dim3A_2143 = arith.constant 10 : i32
        %broadcast_in_dim3A_2144 = vector.broadcast %broadcast_in_dim3A_2143 : i32 to vector<16x1xi32>
        %gather3A_2145 = vector.shape_cast %broadcast_in_dim3A_2144 : vector<16x1xi32> to vector<16xi32>
        %gather3A_2146 = tpu.dynamic_gather %get3A_1957[%gather3A_2145] in [0] : vector<16xf32>, vector<16xi32> -> vector<16xf32>
        %add3A_2147 = arith.constant 10 : i32
        %add3A_2148 = arith.addi %add3A_1962, %add3A_2147 : i32
        %get3A_2149 = arith.index_cast %add3A_2148 : i32 to index
        %get3A_2150 = arith.constant 0 : index
        %get3A_2151 = tpu.vector_load %arg16[%get3A_2149, %get3A_2150] {strides = array<i32>} : memref<1024x32xf32, #tpu.memory_space<vmem>>, vector<16xf32>,
        %add3A_2152 = arith.constant 10 : i32
        %add3A_2153 = arith.addi %add3A_1962, %add3A_2152 : i32
        %get3A_2154 = arith.index_cast %add3A_2153 : i32 to index
        %get3A_2155 = arith.constant 16 : index
        %get3A_2156 = tpu.vector_load %arg16[%get3A_2154, %get3A_2155] {strides = array<i32>} : memref<1024x32xf32, #tpu.memory_space<vmem>>, vector<16xf32>,
        %mul3A_2157 = arith.mulf %gather3A_2146, %get3A_2151 : vector<16xf32>
        %add3A_2158 = arith.addf %add3A_2140, %mul3A_2157 : vector<16xf32>
        %mul3A_2159 = arith.mulf %gather3A_2146, %get3A_2156 : vector<16xf32>
        %add3A_2160 = arith.addf %add3A_2142, %mul3A_2159 : vector<16xf32>
        %broadcast_in_dim3A_2161 = arith.constant 11 : i32
        %broadcast_in_dim3A_2162 = vector.broadcast %broadcast_in_dim3A_2161 : i32 to vector<16x1xi32>
        %gather3A_2163 = vector.shape_cast %broadcast_in_dim3A_2162 : vector<16x1xi32> to vector<16xi32>
        %gather3A_2164 = tpu.dynamic_gather %get3A_1957[%gather3A_2163] in [0] : vector<16xf32>, vector<16xi32> -> vector<16xf32>
        %add3A_2165 = arith.constant 11 : i32
        %add3A_2166 = arith.addi %add3A_1962, %add3A_2165 : i32
        %get3A_2167 = arith.index_cast %add3A_2166 : i32 to index
        %get3A_2168 = arith.constant 0 : index
        %get3A_2169 = tpu.vector_load %arg16[%get3A_2167, %get3A_2168] {strides = array<i32>} : memref<1024x32xf32, #tpu.memory_space<vmem>>, vector<16xf32>,
        %add3A_2170 = arith.constant 11 : i32
        %add3A_2171 = arith.addi %add3A_1962, %add3A_2170 : i32
        %get3A_2172 = arith.index_cast %add3A_2171 : i32 to index
        %get3A_2173 = arith.constant 16 : index
        %get3A_2174 = tpu.vector_load %arg16[%get3A_2172, %get3A_2173] {strides = array<i32>} : memref<1024x32xf32, #tpu.memory_space<vmem>>, vector<16xf32>,
        %mul3A_2175 = arith.mulf %gather3A_2164, %get3A_2169 : vector<16xf32>
        %add3A_2176 = arith.addf %add3A_2158, %mul3A_2175 : vector<16xf32>
        %mul3A_2177 = arith.mulf %gather3A_2164, %get3A_2174 : vector<16xf32>
        %add3A_2178 = arith.addf %add3A_2160, %mul3A_2177 : vector<16xf32>
        %broadcast_in_dim3A_2179 = arith.constant 12 : i32
        %broadcast_in_dim3A_2180 = vector.broadcast %broadcast_in_dim3A_2179 : i32 to vector<16x1xi32>
        %gather3A_2181 = vector.shape_cast %broadcast_in_dim3A_2180 : vector<16x1xi32> to vector<16xi32>
        %gather3A_2182 = tpu.dynamic_gather %get3A_1957[%gather3A_2181] in [0] : vector<16xf32>, vector<16xi32> -> vector<16xf32>
        %add3A_2183 = arith.constant 12 : i32
        %add3A_2184 = arith.addi %add3A_1962, %add3A_2183 : i32
        %get3A_2185 = arith.index_cast %add3A_2184 : i32 to index
        %get3A_2186 = arith.constant 0 : index
        %get3A_2187 = tpu.vector_load %arg16[%get3A_2185, %get3A_2186] {strides = array<i32>} : memref<1024x32xf32, #tpu.memory_space<vmem>>, vector<16xf32>,
        %add3A_2188 = arith.constant 12 : i32
        %add3A_2189 = arith.addi %add3A_1962, %add3A_2188 : i32
        %get3A_2190 = arith.index_cast %add3A_2189 : i32 to index
        %get3A_2191 = arith.constant 16 : index
        %get3A_2192 = tpu.vector_load %arg16[%get3A_2190, %get3A_2191] {strides = array<i32>} : memref<1024x32xf32, #tpu.memory_space<vmem>>, vector<16xf32>,
        %mul3A_2193 = arith.mulf %gather3A_2182, %get3A_2187 : vector<16xf32>
        %add3A_2194 = arith.addf %add3A_2176, %mul3A_2193 : vector<16xf32>
        %mul3A_2195 = arith.mulf %gather3A_2182, %get3A_2192 : vector<16xf32>
        %add3A_2196 = arith.addf %add3A_2178, %mul3A_2195 : vector<16xf32>
        %broadcast_in_dim3A_2197 = arith.constant 13 : i32
        %broadcast_in_dim3A_2198 = vector.broadcast %broadcast_in_dim3A_2197 : i32 to vector<16x1xi32>
        %gather3A_2199 = vector.shape_cast %broadcast_in_dim3A_2198 : vector<16x1xi32> to vector<16xi32>
        %gather3A_2200 = tpu.dynamic_gather %get3A_1957[%gather3A_2199] in [0] : vector<16xf32>, vector<16xi32> -> vector<16xf32>
        %add3A_2201 = arith.constant 13 : i32
        %add3A_2202 = arith.addi %add3A_1962, %add3A_2201 : i32
        %get3A_2203 = arith.index_cast %add3A_2202 : i32 to index
        %get3A_2204 = arith.constant 0 : index
        %get3A_2205 = tpu.vector_load %arg16[%get3A_2203, %get3A_2204] {strides = array<i32>} : memref<1024x32xf32, #tpu.memory_space<vmem>>, vector<16xf32>,
        %add3A_2206 = arith.constant 13 : i32
        %add3A_2207 = arith.addi %add3A_1962, %add3A_2206 : i32
        %get3A_2208 = arith.index_cast %add3A_2207 : i32 to index
        %get3A_2209 = arith.constant 16 : index
        %get3A_2210 = tpu.vector_load %arg16[%get3A_2208, %get3A_2209] {strides = array<i32>} : memref<1024x32xf32, #tpu.memory_space<vmem>>, vector<16xf32>,
        %mul3A_2211 = arith.mulf %gather3A_2200, %get3A_2205 : vector<16xf32>
        %add3A_2212 = arith.addf %add3A_2194, %mul3A_2211 : vector<16xf32>
        %mul3A_2213 = arith.mulf %gather3A_2200, %get3A_2210 : vector<16xf32>
        %add3A_2214 = arith.addf %add3A_2196, %mul3A_2213 : vector<16xf32>
        %broadcast_in_dim3A_2215 = arith.constant 14 : i32
        %broadcast_in_dim3A_2216 = vector.broadcast %broadcast_in_dim3A_2215 : i32 to vector<16x1xi32>
        %gather3A_2217 = vector.shape_cast %broadcast_in_dim3A_2216 : vector<16x1xi32> to vector<16xi32>
        %gather3A_2218 = tpu.dynamic_gather %get3A_1957[%gather3A_2217] in [0] : vector<16xf32>, vector<16xi32> -> vector<16xf32>
        %add3A_2219 = arith.constant 14 : i32
        %add3A_2220 = arith.addi %add3A_1962, %add3A_2219 : i32
        %get3A_2221 = arith.index_cast %add3A_2220 : i32 to index
        %get3A_2222 = arith.constant 0 : index
        %get3A_2223 = tpu.vector_load %arg16[%get3A_2221, %get3A_2222] {strides = array<i32>} : memref<1024x32xf32, #tpu.memory_space<vmem>>, vector<16xf32>,
        %add3A_2224 = arith.constant 14 : i32
        %add3A_2225 = arith.addi %add3A_1962, %add3A_2224 : i32
        %get3A_2226 = arith.index_cast %add3A_2225 : i32 to index
        %get3A_2227 = arith.constant 16 : index
        %get3A_2228 = tpu.vector_load %arg16[%get3A_2226, %get3A_2227] {strides = array<i32>} : memref<1024x32xf32, #tpu.memory_space<vmem>>, vector<16xf32>,
        %mul3A_2229 = arith.mulf %gather3A_2218, %get3A_2223 : vector<16xf32>
        %add3A_2230 = arith.addf %add3A_2212, %mul3A_2229 : vector<16xf32>
        %mul3A_2231 = arith.mulf %gather3A_2218, %get3A_2228 : vector<16xf32>
        %add3A_2232 = arith.addf %add3A_2214, %mul3A_2231 : vector<16xf32>
        %broadcast_in_dim3A_2233 = arith.constant 15 : i32
        %broadcast_in_dim3A_2234 = vector.broadcast %broadcast_in_dim3A_2233 : i32 to vector<16x1xi32>
        %gather3A_2235 = vector.shape_cast %broadcast_in_dim3A_2234 : vector<16x1xi32> to vector<16xi32>
        %gather3A_2236 = tpu.dynamic_gather %get3A_1957[%gather3A_2235] in [0] : vector<16xf32>, vector<16xi32> -> vector<16xf32>
        %add3A_2237 = arith.constant 15 : i32
        %add3A_2238 = arith.addi %add3A_1962, %add3A_2237 : i32
        %get3A_2239 = arith.index_cast %add3A_2238 : i32 to index
        %get3A_2240 = arith.constant 0 : index
        %get3A_2241 = tpu.vector_load %arg16[%get3A_2239, %get3A_2240] {strides = array<i32>} : memref<1024x32xf32, #tpu.memory_space<vmem>>, vector<16xf32>,
        %add3A_2242 = arith.constant 15 : i32
        %add3A_2243 = arith.addi %add3A_1962, %add3A_2242 : i32
        %get3A_2244 = arith.index_cast %add3A_2243 : i32 to index
        %get3A_2245 = arith.constant 16 : index
        %get3A_2246 = tpu.vector_load %arg16[%get3A_2244, %get3A_2245] {strides = array<i32>} : memref<1024x32xf32, #tpu.memory_space<vmem>>, vector<16xf32>,
        %mul3A_2247 = arith.mulf %gather3A_2236, %get3A_2241 : vector<16xf32>
        %add3A_2248 = arith.addf %add3A_2230, %mul3A_2247 : vector<16xf32>
        %mul3A_2249 = arith.mulf %gather3A_2236, %get3A_2246 : vector<16xf32>
        %add3A_2250 = arith.addf %add3A_2232, %mul3A_2249 : vector<16xf32>
        %swap3A = arith.index_cast %add3A_1053 : i32 to index
        %swap3A_2251 = arith.constant 0 : index
        %swap3A_2252 = tpu.vector_load %arg18[%swap3A, %swap3A_2251] {strides = array<i32>} : memref<16x32xf32, #tpu.memory_space<vmem>>, vector<16xf32>,
        tpu.vector_store %arg18[%swap3A, %swap3A_2251], %add3A_2248 {strides = array<i32>} : memref<16x32xf32, #tpu.memory_space<vmem>>, vector<16xf32>,
        %swap3A_2253 = arith.index_cast %add3A_1053 : i32 to index
        %swap3A_2254 = arith.constant 16 : index
        %swap3A_2255 = tpu.vector_load %arg18[%swap3A_2253, %swap3A_2254] {strides = array<i32>} : memref<16x32xf32, #tpu.memory_space<vmem>>, vector<16xf32>,
        tpu.vector_store %arg18[%swap3A_2253, %swap3A_2254], %add3A_2250 {strides = array<i32>} : memref<16x32xf32, #tpu.memory_space<vmem>>, vector<16xf32>,
      }
      %scan3A_634 = arith.constant 16 : i32
      %mul3A_635 = arith.constant 16 : i32
      %mul3A_636 = arith.muli %add3A_435, %mul3A_635 : i32
      %dma_start3A_637 = arith.constant 0 : i32
      %dma_start3A_638 = tpu.memref_slice %arg11[%mul3A_636, %dma_start3A_637] : memref<131072x32xf32, #tpu.memory_space<hbm>> -> memref<16x32xf32, #tpu.memory_space<hbm>>
      %dma_start3A_639 = arith.constant 0 : i32
      %dma_start3A_640 = tpu.memref_slice %arg11[%mul3A_636, %dma_start3A_639] : memref<131072x32xf32, #tpu.memory_space<hbm>> -> memref<16x32xf32, #tpu.memory_space<hbm>>
      tpu.enqueue_dma source(%arg18 : memref<16x32xf32, #tpu.memory_space<vmem>>) target(%dma_start3A_640 : memref<16x32xf32, #tpu.memory_space<hbm>>) target_semaphore(%arg24 : memref<!tpu.dma_semaphore, #tpu.memory_space<semaphore_mem>>)
      %add3A_641 = arith.constant 2 : i32
      %add3A_642 = arith.addi %add3A_435, %add3A_641 : i32
      %min3A_643 = arith.constant 8191 : i32
      %min3A_644 = arith.minsi %add3A_642, %min3A_643 : i32
      %mul3A_645 = arith.constant 2 : i32
      %mul3A_646 = arith.muli %min3A_644, %mul3A_645 : i32
      %dma_start3A_647 = arith.constant 0 : i32
      %dma_start3A_648 = arith.constant 0 : i32
      %dma_start3A_649 = tpu.memref_slice %arg12[%dma_start3A_647, %dma_start3A_648] : memref<8x128xi32, #tpu.memory_space<vmem>> -> memref<2x128xi32, #tpu.memory_space<vmem>>
      %dma_start3A_650 = arith.constant 0 : i32
      %dma_start3A_651 = tpu.memref_slice %arg2[%mul3A_646, %dma_start3A_650] : memref<16384x128xi32, #tpu.memory_space<hbm>> -> memref<2x128xi32, #tpu.memory_space<hbm>>
      %dma_start3A_652 = arith.constant 0 : i32
      %dma_start3A_653 = arith.constant 0 : i32
      %dma_start3A_654 = tpu.memref_slice %arg12[%dma_start3A_652, %dma_start3A_653] : memref<8x128xi32, #tpu.memory_space<vmem>> -> memref<2x128xi32, #tpu.memory_space<vmem>>
      %dma_start3A_655 = arith.constant 0 : i32
      %dma_start3A_656 = tpu.memref_slice %arg2[%mul3A_646, %dma_start3A_655] : memref<16384x128xi32, #tpu.memory_space<hbm>> -> memref<2x128xi32, #tpu.memory_space<hbm>>
      tpu.enqueue_dma source(%dma_start3A_656 : memref<2x128xi32, #tpu.memory_space<hbm>>) target(%dma_start3A_654 : memref<2x128xi32, #tpu.memory_space<vmem>>) target_semaphore(%arg20 : memref<!tpu.dma_semaphore, #tpu.memory_space<semaphore_mem>>)
      %mul3A_657 = arith.constant 2 : i32
      %mul3A_658 = arith.muli %min3A_644, %mul3A_657 : i32
      %dma_start3A_659 = arith.constant 0 : i32
      %dma_start3A_660 = arith.constant 0 : i32
      %dma_start3A_661 = tpu.memref_slice %arg14[%dma_start3A_659, %dma_start3A_660] : memref<8x128xf32, #tpu.memory_space<vmem>> -> memref<2x128xf32, #tpu.memory_space<vmem>>
      %dma_start3A_662 = arith.constant 0 : i32
      %dma_start3A_663 = tpu.memref_slice %arg6[%mul3A_658, %dma_start3A_662] : memref<16384x128xf32, #tpu.memory_space<hbm>> -> memref<2x128xf32, #tpu.memory_space<hbm>>
      %dma_start3A_664 = arith.constant 0 : i32
      %dma_start3A_665 = arith.constant 0 : i32
      %dma_start3A_666 = tpu.memref_slice %arg14[%dma_start3A_664, %dma_start3A_665] : memref<8x128xf32, #tpu.memory_space<vmem>> -> memref<2x128xf32, #tpu.memory_space<vmem>>
      %dma_start3A_667 = arith.constant 0 : i32
      %dma_start3A_668 = tpu.memref_slice %arg6[%mul3A_658, %dma_start3A_667] : memref<16384x128xf32, #tpu.memory_space<hbm>> -> memref<2x128xf32, #tpu.memory_space<hbm>>
      tpu.enqueue_dma source(%dma_start3A_668 : memref<2x128xf32, #tpu.memory_space<hbm>>) target(%dma_start3A_666 : memref<2x128xf32, #tpu.memory_space<vmem>>) target_semaphore(%arg20 : memref<!tpu.dma_semaphore, #tpu.memory_space<semaphore_mem>>)
      %mul3A_669 = arith.constant 2 : i32
      %mul3A_670 = arith.muli %min3A_644, %mul3A_669 : i32
      %dma_start3A_671 = arith.constant 2 : i32
      %dma_start3A_672 = arith.constant 0 : i32
      %dma_start3A_673 = tpu.memref_slice %arg12[%dma_start3A_671, %dma_start3A_672] : memref<8x128xi32, #tpu.memory_space<vmem>> -> memref<2x128xi32, #tpu.memory_space<vmem>>
      %dma_start3A_674 = arith.constant 0 : i32
      %dma_start3A_675 = tpu.memref_slice %arg3[%mul3A_670, %dma_start3A_674] : memref<16384x128xi32, #tpu.memory_space<hbm>> -> memref<2x128xi32, #tpu.memory_space<hbm>>
      %dma_start3A_676 = arith.constant 2 : i32
      %dma_start3A_677 = arith.constant 0 : i32
      %dma_start3A_678 = tpu.memref_slice %arg12[%dma_start3A_676, %dma_start3A_677] : memref<8x128xi32, #tpu.memory_space<vmem>> -> memref<2x128xi32, #tpu.memory_space<vmem>>
      %dma_start3A_679 = arith.constant 0 : i32
      %dma_start3A_680 = tpu.memref_slice %arg3[%mul3A_670, %dma_start3A_679] : memref<16384x128xi32, #tpu.memory_space<hbm>> -> memref<2x128xi32, #tpu.memory_space<hbm>>
      tpu.enqueue_dma source(%dma_start3A_680 : memref<2x128xi32, #tpu.memory_space<hbm>>) target(%dma_start3A_678 : memref<2x128xi32, #tpu.memory_space<vmem>>) target_semaphore(%arg20 : memref<!tpu.dma_semaphore, #tpu.memory_space<semaphore_mem>>)
      %mul3A_681 = arith.constant 2 : i32
      %mul3A_682 = arith.muli %min3A_644, %mul3A_681 : i32
      %dma_start3A_683 = arith.constant 2 : i32
      %dma_start3A_684 = arith.constant 0 : i32
      %dma_start3A_685 = tpu.memref_slice %arg14[%dma_start3A_683, %dma_start3A_684] : memref<8x128xf32, #tpu.memory_space<vmem>> -> memref<2x128xf32, #tpu.memory_space<vmem>>
      %dma_start3A_686 = arith.constant 0 : i32
      %dma_start3A_687 = tpu.memref_slice %arg7[%mul3A_682, %dma_start3A_686] : memref<16384x128xf32, #tpu.memory_space<hbm>> -> memref<2x128xf32, #tpu.memory_space<hbm>>
      %dma_start3A_688 = arith.constant 2 : i32
      %dma_start3A_689 = arith.constant 0 : i32
      %dma_start3A_690 = tpu.memref_slice %arg14[%dma_start3A_688, %dma_start3A_689] : memref<8x128xf32, #tpu.memory_space<vmem>> -> memref<2x128xf32, #tpu.memory_space<vmem>>
      %dma_start3A_691 = arith.constant 0 : i32
      %dma_start3A_692 = tpu.memref_slice %arg7[%mul3A_682, %dma_start3A_691] : memref<16384x128xf32, #tpu.memory_space<hbm>> -> memref<2x128xf32, #tpu.memory_space<hbm>>
      tpu.enqueue_dma source(%dma_start3A_692 : memref<2x128xf32, #tpu.memory_space<hbm>>) target(%dma_start3A_690 : memref<2x128xf32, #tpu.memory_space<vmem>>) target_semaphore(%arg20 : memref<!tpu.dma_semaphore, #tpu.memory_space<semaphore_mem>>)
      %mul3A_693 = arith.constant 2 : i32
      %mul3A_694 = arith.muli %min3A_644, %mul3A_693 : i32
      %dma_start3A_695 = arith.constant 4 : i32
      %dma_start3A_696 = arith.constant 0 : i32
      %dma_start3A_697 = tpu.memref_slice %arg12[%dma_start3A_695, %dma_start3A_696] : memref<8x128xi32, #tpu.memory_space<vmem>> -> memref<2x128xi32, #tpu.memory_space<vmem>>
      %dma_start3A_698 = arith.constant 0 : i32
      %dma_start3A_699 = tpu.memref_slice %arg4[%mul3A_694, %dma_start3A_698] : memref<16384x128xi32, #tpu.memory_space<hbm>> -> memref<2x128xi32, #tpu.memory_space<hbm>>
      %dma_start3A_700 = arith.constant 4 : i32
      %dma_start3A_701 = arith.constant 0 : i32
      %dma_start3A_702 = tpu.memref_slice %arg12[%dma_start3A_700, %dma_start3A_701] : memref<8x128xi32, #tpu.memory_space<vmem>> -> memref<2x128xi32, #tpu.memory_space<vmem>>
      %dma_start3A_703 = arith.constant 0 : i32
      %dma_start3A_704 = tpu.memref_slice %arg4[%mul3A_694, %dma_start3A_703] : memref<16384x128xi32, #tpu.memory_space<hbm>> -> memref<2x128xi32, #tpu.memory_space<hbm>>
      tpu.enqueue_dma source(%dma_start3A_704 : memref<2x128xi32, #tpu.memory_space<hbm>>) target(%dma_start3A_702 : memref<2x128xi32, #tpu.memory_space<vmem>>) target_semaphore(%arg20 : memref<!tpu.dma_semaphore, #tpu.memory_space<semaphore_mem>>)
      %mul3A_705 = arith.constant 2 : i32
      %mul3A_706 = arith.muli %min3A_644, %mul3A_705 : i32
      %dma_start3A_707 = arith.constant 4 : i32
      %dma_start3A_708 = arith.constant 0 : i32
      %dma_start3A_709 = tpu.memref_slice %arg14[%dma_start3A_707, %dma_start3A_708] : memref<8x128xf32, #tpu.memory_space<vmem>> -> memref<2x128xf32, #tpu.memory_space<vmem>>
      %dma_start3A_710 = arith.constant 0 : i32
      %dma_start3A_711 = tpu.memref_slice %arg8[%mul3A_706, %dma_start3A_710] : memref<16384x128xf32, #tpu.memory_space<hbm>> -> memref<2x128xf32, #tpu.memory_space<hbm>>
      %dma_start3A_712 = arith.constant 4 : i32
      %dma_start3A_713 = arith.constant 0 : i32
      %dma_start3A_714 = tpu.memref_slice %arg14[%dma_start3A_712, %dma_start3A_713] : memref<8x128xf32, #tpu.memory_space<vmem>> -> memref<2x128xf32, #tpu.memory_space<vmem>>
      %dma_start3A_715 = arith.constant 0 : i32
      %dma_start3A_716 = tpu.memref_slice %arg8[%mul3A_706, %dma_start3A_715] : memref<16384x128xf32, #tpu.memory_space<hbm>> -> memref<2x128xf32, #tpu.memory_space<hbm>>
      tpu.enqueue_dma source(%dma_start3A_716 : memref<2x128xf32, #tpu.memory_space<hbm>>) target(%dma_start3A_714 : memref<2x128xf32, #tpu.memory_space<vmem>>) target_semaphore(%arg20 : memref<!tpu.dma_semaphore, #tpu.memory_space<semaphore_mem>>)
      %mul3A_717 = arith.constant 2 : i32
      %mul3A_718 = arith.muli %min3A_644, %mul3A_717 : i32
      %dma_start3A_719 = arith.constant 6 : i32
      %dma_start3A_720 = arith.constant 0 : i32
      %dma_start3A_721 = tpu.memref_slice %arg12[%dma_start3A_719, %dma_start3A_720] : memref<8x128xi32, #tpu.memory_space<vmem>> -> memref<2x128xi32, #tpu.memory_space<vmem>>
      %dma_start3A_722 = arith.constant 0 : i32
      %dma_start3A_723 = tpu.memref_slice %arg5[%mul3A_718, %dma_start3A_722] : memref<16384x128xi32, #tpu.memory_space<hbm>> -> memref<2x128xi32, #tpu.memory_space<hbm>>
      %dma_start3A_724 = arith.constant 6 : i32
      %dma_start3A_725 = arith.constant 0 : i32
      %dma_start3A_726 = tpu.memref_slice %arg12[%dma_start3A_724, %dma_start3A_725] : memref<8x128xi32, #tpu.memory_space<vmem>> -> memref<2x128xi32, #tpu.memory_space<vmem>>
      %dma_start3A_727 = arith.constant 0 : i32
      %dma_start3A_728 = tpu.memref_slice %arg5[%mul3A_718, %dma_start3A_727] : memref<16384x128xi32, #tpu.memory_space<hbm>> -> memref<2x128xi32, #tpu.memory_space<hbm>>
      tpu.enqueue_dma source(%dma_start3A_728 : memref<2x128xi32, #tpu.memory_space<hbm>>) target(%dma_start3A_726 : memref<2x128xi32, #tpu.memory_space<vmem>>) target_semaphore(%arg20 : memref<!tpu.dma_semaphore, #tpu.memory_space<semaphore_mem>>)
      %mul3A_729 = arith.constant 2 : i32
      %mul3A_730 = arith.muli %min3A_644, %mul3A_729 : i32
      %dma_start3A_731 = arith.constant 6 : i32
      %dma_start3A_732 = arith.constant 0 : i32
      %dma_start3A_733 = tpu.memref_slice %arg14[%dma_start3A_731, %dma_start3A_732] : memref<8x128xf32, #tpu.memory_space<vmem>> -> memref<2x128xf32, #tpu.memory_space<vmem>>
      %dma_start3A_734 = arith.constant 0 : i32
      %dma_start3A_735 = tpu.memref_slice %arg9[%mul3A_730, %dma_start3A_734] : memref<16384x128xf32, #tpu.memory_space<hbm>> -> memref<2x128xf32, #tpu.memory_space<hbm>>
      %dma_start3A_736 = arith.constant 6 : i32
      %dma_start3A_737 = arith.constant 0 : i32
      %dma_start3A_738 = tpu.memref_slice %arg14[%dma_start3A_736, %dma_start3A_737] : memref<8x128xf32, #tpu.memory_space<vmem>> -> memref<2x128xf32, #tpu.memory_space<vmem>>
      %dma_start3A_739 = arith.constant 0 : i32
      %dma_start3A_740 = tpu.memref_slice %arg9[%mul3A_730, %dma_start3A_739] : memref<16384x128xf32, #tpu.memory_space<hbm>> -> memref<2x128xf32, #tpu.memory_space<hbm>>
      tpu.enqueue_dma source(%dma_start3A_740 : memref<2x128xf32, #tpu.memory_space<hbm>>) target(%dma_start3A_738 : memref<2x128xf32, #tpu.memory_space<vmem>>) target_semaphore(%arg20 : memref<!tpu.dma_semaphore, #tpu.memory_space<semaphore_mem>>)
      %add3A_741 = arith.addi %mul3A_2, %add3A_432 : i32
      %add3A_742 = arith.constant 1 : i32
      %add3A_743 = arith.addi %add3A_741, %add3A_742 : i32
      %dma_wait3A_744 = arith.constant 0 : i32
      %dma_wait3A_745 = arith.constant 0 : i32
      %dma_wait3A_746 = tpu.memref_slice %arg2[%dma_wait3A_744, %dma_wait3A_745] : memref<16384x128xi32, #tpu.memory_space<hbm>> -> memref<8x128xi32, #tpu.memory_space<hbm>>
      %dma_wait3A_747 = arith.constant 0 : i32
      %dma_wait3A_748 = arith.constant 0 : i32
      %dma_wait3A_749 = tpu.memref_slice %arg2[%dma_wait3A_747, %dma_wait3A_748] : memref<16384x128xi32, #tpu.memory_space<hbm>> -> memref<8x128xi32, #tpu.memory_space<hbm>>
      tpu.wait_dma2 semaphore(%arg20 : memref<!tpu.dma_semaphore, #tpu.memory_space<semaphore_mem>>) src(%dma_wait3A_749 : memref<8x128xi32, #tpu.memory_space<hbm>>) dst(%arg12 : memref<8x128xi32, #tpu.memory_space<vmem>>)
      %dma_wait3A_750 = arith.constant 0 : i32
      %dma_wait3A_751 = arith.constant 0 : i32
      %dma_wait3A_752 = tpu.memref_slice %arg6[%dma_wait3A_750, %dma_wait3A_751] : memref<16384x128xf32, #tpu.memory_space<hbm>> -> memref<8x128xf32, #tpu.memory_space<hbm>>
      %dma_wait3A_753 = arith.constant 0 : i32
      %dma_wait3A_754 = arith.constant 0 : i32
      %dma_wait3A_755 = tpu.memref_slice %arg6[%dma_wait3A_753, %dma_wait3A_754] : memref<16384x128xf32, #tpu.memory_space<hbm>> -> memref<8x128xf32, #tpu.memory_space<hbm>>
      tpu.wait_dma2 semaphore(%arg20 : memref<!tpu.dma_semaphore, #tpu.memory_space<semaphore_mem>>) src(%dma_wait3A_755 : memref<8x128xf32, #tpu.memory_space<hbm>>) dst(%arg14 : memref<8x128xf32, #tpu.memory_space<vmem>>)
      %dma_start3A_756 = arith.constant 0 : i32
      %dma_start3A_757 = arith.constant 0 : i32
      %dma_start3A_758 = arith.constant 0 : i32
      %dma_start3A_759 = tpu.memref_slice %arg16[%dma_start3A_757, %dma_start3A_758] : memref<1024x32xf32, #tpu.memory_space<vmem>> -> memref<128x32xf32, #tpu.memory_space<vmem>>
      %dma_start3A_760 = arith.constant 0 : i32
      %dma_start3A_761 = tpu.memref_slice %arg12[%dma_start3A_756, %dma_start3A_760] : memref<8x128xi32, #tpu.memory_space<vmem>> -> memref<1x128xi32, #tpu.memory_space<vmem>>
      %dma_start3A_762 = tpu.memref_squeeze %dma_start3A_761 : memref<1x128xi32, #tpu.memory_space<vmem>> -> memref<128xi32, #tpu.memory_space<vmem>>
      %dma_start3A_763 = arith.constant 0 : i32
      %dma_start3A_764 = arith.constant 0 : i32
      %dma_start3A_765 = tpu.memref_slice %arg10[%dma_start3A_763, %dma_start3A_764] : memref<360448x32xf32, #tpu.memory_space<hbm>> -> memref<360448x32xf32, #tpu.memory_space<hbm>>
      tpu.enqueue_indirect_dma source(%dma_start3A_765 : memref<360448x32xf32, #tpu.memory_space<hbm>>) target(%dma_start3A_759 : memref<128x32xf32, #tpu.memory_space<vmem>>) offsets(%dma_start3A_762 : memref<128xi32, #tpu.memory_space<vmem>>) semaphore(%arg22 : memref<!tpu.dma_semaphore, #tpu.memory_space<semaphore_mem>>)
      %dma_start3A_766 = arith.constant 1 : i32
      %dma_start3A_767 = arith.constant 128 : i32
      %dma_start3A_768 = arith.constant 0 : i32
      %dma_start3A_769 = tpu.memref_slice %arg16[%dma_start3A_767, %dma_start3A_768] : memref<1024x32xf32, #tpu.memory_space<vmem>> -> memref<128x32xf32, #tpu.memory_space<vmem>>
      %dma_start3A_770 = arith.constant 0 : i32
      %dma_start3A_771 = tpu.memref_slice %arg12[%dma_start3A_766, %dma_start3A_770] : memref<8x128xi32, #tpu.memory_space<vmem>> -> memref<1x128xi32, #tpu.memory_space<vmem>>
      %dma_start3A_772 = tpu.memref_squeeze %dma_start3A_771 : memref<1x128xi32, #tpu.memory_space<vmem>> -> memref<128xi32, #tpu.memory_space<vmem>>
      %dma_start3A_773 = arith.constant 0 : i32
      %dma_start3A_774 = arith.constant 0 : i32
      %dma_start3A_775 = tpu.memref_slice %arg10[%dma_start3A_773, %dma_start3A_774] : memref<360448x32xf32, #tpu.memory_space<hbm>> -> memref<360448x32xf32, #tpu.memory_space<hbm>>
      tpu.enqueue_indirect_dma source(%dma_start3A_775 : memref<360448x32xf32, #tpu.memory_space<hbm>>) target(%dma_start3A_769 : memref<128x32xf32, #tpu.memory_space<vmem>>) offsets(%dma_start3A_772 : memref<128xi32, #tpu.memory_space<vmem>>) semaphore(%arg22 : memref<!tpu.dma_semaphore, #tpu.memory_space<semaphore_mem>>)
      %dma_start3A_776 = arith.constant 2 : i32
      %dma_start3A_777 = arith.constant 256 : i32
      %dma_start3A_778 = arith.constant 0 : i32
      %dma_start3A_779 = tpu.memref_slice %arg16[%dma_start3A_777, %dma_start3A_778] : memref<1024x32xf32, #tpu.memory_space<vmem>> -> memref<128x32xf32, #tpu.memory_space<vmem>>
      %dma_start3A_780 = arith.constant 0 : i32
      %dma_start3A_781 = tpu.memref_slice %arg12[%dma_start3A_776, %dma_start3A_780] : memref<8x128xi32, #tpu.memory_space<vmem>> -> memref<1x128xi32, #tpu.memory_space<vmem>>
      %dma_start3A_782 = tpu.memref_squeeze %dma_start3A_781 : memref<1x128xi32, #tpu.memory_space<vmem>> -> memref<128xi32, #tpu.memory_space<vmem>>
      %dma_start3A_783 = arith.constant 0 : i32
      %dma_start3A_784 = arith.constant 0 : i32
      %dma_start3A_785 = tpu.memref_slice %arg10[%dma_start3A_783, %dma_start3A_784] : memref<360448x32xf32, #tpu.memory_space<hbm>> -> memref<360448x32xf32, #tpu.memory_space<hbm>>
      tpu.enqueue_indirect_dma source(%dma_start3A_785 : memref<360448x32xf32, #tpu.memory_space<hbm>>) target(%dma_start3A_779 : memref<128x32xf32, #tpu.memory_space<vmem>>) offsets(%dma_start3A_782 : memref<128xi32, #tpu.memory_space<vmem>>) semaphore(%arg22 : memref<!tpu.dma_semaphore, #tpu.memory_space<semaphore_mem>>)
      %dma_start3A_786 = arith.constant 3 : i32
      %dma_start3A_787 = arith.constant 384 : i32
      %dma_start3A_788 = arith.constant 0 : i32
      %dma_start3A_789 = tpu.memref_slice %arg16[%dma_start3A_787, %dma_start3A_788] : memref<1024x32xf32, #tpu.memory_space<vmem>> -> memref<128x32xf32, #tpu.memory_space<vmem>>
      %dma_start3A_790 = arith.constant 0 : i32
      %dma_start3A_791 = tpu.memref_slice %arg12[%dma_start3A_786, %dma_start3A_790] : memref<8x128xi32, #tpu.memory_space<vmem>> -> memref<1x128xi32, #tpu.memory_space<vmem>>
      %dma_start3A_792 = tpu.memref_squeeze %dma_start3A_791 : memref<1x128xi32, #tpu.memory_space<vmem>> -> memref<128xi32, #tpu.memory_space<vmem>>
      %dma_start3A_793 = arith.constant 0 : i32
      %dma_start3A_794 = arith.constant 0 : i32
      %dma_start3A_795 = tpu.memref_slice %arg10[%dma_start3A_793, %dma_start3A_794] : memref<360448x32xf32, #tpu.memory_space<hbm>> -> memref<360448x32xf32, #tpu.memory_space<hbm>>
      tpu.enqueue_indirect_dma source(%dma_start3A_795 : memref<360448x32xf32, #tpu.memory_space<hbm>>) target(%dma_start3A_789 : memref<128x32xf32, #tpu.memory_space<vmem>>) offsets(%dma_start3A_792 : memref<128xi32, #tpu.memory_space<vmem>>) semaphore(%arg22 : memref<!tpu.dma_semaphore, #tpu.memory_space<semaphore_mem>>)
      %dma_start3A_796 = arith.constant 4 : i32
      %dma_start3A_797 = arith.constant 512 : i32
      %dma_start3A_798 = arith.constant 0 : i32
      %dma_start3A_799 = tpu.memref_slice %arg16[%dma_start3A_797, %dma_start3A_798] : memref<1024x32xf32, #tpu.memory_space<vmem>> -> memref<128x32xf32, #tpu.memory_space<vmem>>
      %dma_start3A_800 = arith.constant 0 : i32
      %dma_start3A_801 = tpu.memref_slice %arg12[%dma_start3A_796, %dma_start3A_800] : memref<8x128xi32, #tpu.memory_space<vmem>> -> memref<1x128xi32, #tpu.memory_space<vmem>>
      %dma_start3A_802 = tpu.memref_squeeze %dma_start3A_801 : memref<1x128xi32, #tpu.memory_space<vmem>> -> memref<128xi32, #tpu.memory_space<vmem>>
      %dma_start3A_803 = arith.constant 0 : i32
      %dma_start3A_804 = arith.constant 0 : i32
      %dma_start3A_805 = tpu.memref_slice %arg10[%dma_start3A_803, %dma_start3A_804] : memref<360448x32xf32, #tpu.memory_space<hbm>> -> memref<360448x32xf32, #tpu.memory_space<hbm>>
      tpu.enqueue_indirect_dma source(%dma_start3A_805 : memref<360448x32xf32, #tpu.memory_space<hbm>>) target(%dma_start3A_799 : memref<128x32xf32, #tpu.memory_space<vmem>>) offsets(%dma_start3A_802 : memref<128xi32, #tpu.memory_space<vmem>>) semaphore(%arg22 : memref<!tpu.dma_semaphore, #tpu.memory_space<semaphore_mem>>)
      %dma_start3A_806 = arith.constant 5 : i32
      %dma_start3A_807 = arith.constant 640 : i32
      %dma_start3A_808 = arith.constant 0 : i32
      %dma_start3A_809 = tpu.memref_slice %arg16[%dma_start3A_807, %dma_start3A_808] : memref<1024x32xf32, #tpu.memory_space<vmem>> -> memref<128x32xf32, #tpu.memory_space<vmem>>
      %dma_start3A_810 = arith.constant 0 : i32
      %dma_start3A_811 = tpu.memref_slice %arg12[%dma_start3A_806, %dma_start3A_810] : memref<8x128xi32, #tpu.memory_space<vmem>> -> memref<1x128xi32, #tpu.memory_space<vmem>>
      %dma_start3A_812 = tpu.memref_squeeze %dma_start3A_811 : memref<1x128xi32, #tpu.memory_space<vmem>> -> memref<128xi32, #tpu.memory_space<vmem>>
      %dma_start3A_813 = arith.constant 0 : i32
      %dma_start3A_814 = arith.constant 0 : i32
      %dma_start3A_815 = tpu.memref_slice %arg10[%dma_start3A_813, %dma_start3A_814] : memref<360448x32xf32, #tpu.memory_space<hbm>> -> memref<360448x32xf32, #tpu.memory_space<hbm>>
      tpu.enqueue_indirect_dma source(%dma_start3A_815 : memref<360448x32xf32, #tpu.memory_space<hbm>>) target(%dma_start3A_809 : memref<128x32xf32, #tpu.memory_space<vmem>>) offsets(%dma_start3A_812 : memref<128xi32, #tpu.memory_space<vmem>>) semaphore(%arg22 : memref<!tpu.dma_semaphore, #tpu.memory_space<semaphore_mem>>)
      %dma_start3A_816 = arith.constant 6 : i32
      %dma_start3A_817 = arith.constant 768 : i32
      %dma_start3A_818 = arith.constant 0 : i32
      %dma_start3A_819 = tpu.memref_slice %arg16[%dma_start3A_817, %dma_start3A_818] : memref<1024x32xf32, #tpu.memory_space<vmem>> -> memref<128x32xf32, #tpu.memory_space<vmem>>
      %dma_start3A_820 = arith.constant 0 : i32
      %dma_start3A_821 = tpu.memref_slice %arg12[%dma_start3A_816, %dma_start3A_820] : memref<8x128xi32, #tpu.memory_space<vmem>> -> memref<1x128xi32, #tpu.memory_space<vmem>>
      %dma_start3A_822 = tpu.memref_squeeze %dma_start3A_821 : memref<1x128xi32, #tpu.memory_space<vmem>> -> memref<128xi32, #tpu.memory_space<vmem>>
      %dma_start3A_823 = arith.constant 0 : i32
      %dma_start3A_824 = arith.constant 0 : i32
      %dma_start3A_825 = tpu.memref_slice %arg10[%dma_start3A_823, %dma_start3A_824] : memref<360448x32xf32, #tpu.memory_space<hbm>> -> memref<360448x32xf32, #tpu.memory_space<hbm>>
      tpu.enqueue_indirect_dma source(%dma_start3A_825 : memref<360448x32xf32, #tpu.memory_space<hbm>>) target(%dma_start3A_819 : memref<128x32xf32, #tpu.memory_space<vmem>>) offsets(%dma_start3A_822 : memref<128xi32, #tpu.memory_space<vmem>>) semaphore(%arg22 : memref<!tpu.dma_semaphore, #tpu.memory_space<semaphore_mem>>)
      %dma_start3A_826 = arith.constant 7 : i32
      %dma_start3A_827 = arith.constant 896 : i32
      %dma_start3A_828 = arith.constant 0 : i32
      %dma_start3A_829 = tpu.memref_slice %arg16[%dma_start3A_827, %dma_start3A_828] : memref<1024x32xf32, #tpu.memory_space<vmem>> -> memref<128x32xf32, #tpu.memory_space<vmem>>
      %dma_start3A_830 = arith.constant 0 : i32
      %dma_start3A_831 = tpu.memref_slice %arg12[%dma_start3A_826, %dma_start3A_830] : memref<8x128xi32, #tpu.memory_space<vmem>> -> memref<1x128xi32, #tpu.memory_space<vmem>>
      %dma_start3A_832 = tpu.memref_squeeze %dma_start3A_831 : memref<1x128xi32, #tpu.memory_space<vmem>> -> memref<128xi32, #tpu.memory_space<vmem>>
      %dma_start3A_833 = arith.constant 0 : i32
      %dma_start3A_834 = arith.constant 0 : i32
      %dma_start3A_835 = tpu.memref_slice %arg10[%dma_start3A_833, %dma_start3A_834] : memref<360448x32xf32, #tpu.memory_space<hbm>> -> memref<360448x32xf32, #tpu.memory_space<hbm>>
      tpu.enqueue_indirect_dma source(%dma_start3A_835 : memref<360448x32xf32, #tpu.memory_space<hbm>>) target(%dma_start3A_829 : memref<128x32xf32, #tpu.memory_space<vmem>>) offsets(%dma_start3A_832 : memref<128xi32, #tpu.memory_space<vmem>>) semaphore(%arg22 : memref<!tpu.dma_semaphore, #tpu.memory_space<semaphore_mem>>)
      %dma_wait3A_836 = arith.constant 0 : i32
      %dma_wait3A_837 = arith.constant 0 : i32
      %dma_wait3A_838 = tpu.memref_slice %arg17[%dma_wait3A_836, %dma_wait3A_837] : memref<1024x32xf32, #tpu.memory_space<vmem>> -> memref<128x32xf32, #tpu.memory_space<vmem>>
      %dma_wait3A_839 = arith.constant 0 : i32
      %dma_wait3A_840 = arith.constant 0 : i32
      %dma_wait3A_841 = tpu.memref_slice %arg10[%dma_wait3A_839, %dma_wait3A_840] : memref<360448x32xf32, #tpu.memory_space<hbm>> -> memref<128x32xf32, #tpu.memory_space<hbm>>
      %dma_wait3A_842 = arith.constant 0 : i32
      %dma_wait3A_843 = arith.constant 0 : i32
      %dma_wait3A_844 = tpu.memref_slice %arg17[%dma_wait3A_842, %dma_wait3A_843] : memref<1024x32xf32, #tpu.memory_space<vmem>> -> memref<128x32xf32, #tpu.memory_space<vmem>>
      %dma_wait3A_845 = arith.constant 0 : i32
      %dma_wait3A_846 = arith.constant 0 : i32
      %dma_wait3A_847 = tpu.memref_slice %arg10[%dma_wait3A_845, %dma_wait3A_846] : memref<360448x32xf32, #tpu.memory_space<hbm>> -> memref<128x32xf32, #tpu.memory_space<hbm>>
      tpu.wait_dma2 semaphore(%arg23 : memref<!tpu.dma_semaphore, #tpu.memory_space<semaphore_mem>>) src(%dma_wait3A_847 : memref<128x32xf32, #tpu.memory_space<hbm>>) dst(%dma_wait3A_844 : memref<128x32xf32, #tpu.memory_space<vmem>>)
      %dma_wait3A_848 = arith.constant 128 : i32
      %dma_wait3A_849 = arith.constant 0 : i32
      %dma_wait3A_850 = tpu.memref_slice %arg17[%dma_wait3A_848, %dma_wait3A_849] : memref<1024x32xf32, #tpu.memory_space<vmem>> -> memref<128x32xf32, #tpu.memory_space<vmem>>
      %dma_wait3A_851 = arith.constant 0 : i32
      %dma_wait3A_852 = arith.constant 0 : i32
      %dma_wait3A_853 = tpu.memref_slice %arg10[%dma_wait3A_851, %dma_wait3A_852] : memref<360448x32xf32, #tpu.memory_space<hbm>> -> memref<128x32xf32, #tpu.memory_space<hbm>>
      %dma_wait3A_854 = arith.constant 128 : i32
      %dma_wait3A_855 = arith.constant 0 : i32
      %dma_wait3A_856 = tpu.memref_slice %arg17[%dma_wait3A_854, %dma_wait3A_855] : memref<1024x32xf32, #tpu.memory_space<vmem>> -> memref<128x32xf32, #tpu.memory_space<vmem>>
      %dma_wait3A_857 = arith.constant 0 : i32
      %dma_wait3A_858 = arith.constant 0 : i32
      %dma_wait3A_859 = tpu.memref_slice %arg10[%dma_wait3A_857, %dma_wait3A_858] : memref<360448x32xf32, #tpu.memory_space<hbm>> -> memref<128x32xf32, #tpu.memory_space<hbm>>
      tpu.wait_dma2 semaphore(%arg23 : memref<!tpu.dma_semaphore, #tpu.memory_space<semaphore_mem>>) src(%dma_wait3A_859 : memref<128x32xf32, #tpu.memory_space<hbm>>) dst(%dma_wait3A_856 : memref<128x32xf32, #tpu.memory_space<vmem>>)
      %dma_wait3A_860 = arith.constant 256 : i32
      %dma_wait3A_861 = arith.constant 0 : i32
      %dma_wait3A_862 = tpu.memref_slice %arg17[%dma_wait3A_860, %dma_wait3A_861] : memref<1024x32xf32, #tpu.memory_space<vmem>> -> memref<128x32xf32, #tpu.memory_space<vmem>>
      %dma_wait3A_863 = arith.constant 0 : i32
      %dma_wait3A_864 = arith.constant 0 : i32
      %dma_wait3A_865 = tpu.memref_slice %arg10[%dma_wait3A_863, %dma_wait3A_864] : memref<360448x32xf32, #tpu.memory_space<hbm>> -> memref<128x32xf32, #tpu.memory_space<hbm>>
      %dma_wait3A_866 = arith.constant 256 : i32
      %dma_wait3A_867 = arith.constant 0 : i32
      %dma_wait3A_868 = tpu.memref_slice %arg17[%dma_wait3A_866, %dma_wait3A_867] : memref<1024x32xf32, #tpu.memory_space<vmem>> -> memref<128x32xf32, #tpu.memory_space<vmem>>
      %dma_wait3A_869 = arith.constant 0 : i32
      %dma_wait3A_870 = arith.constant 0 : i32
      %dma_wait3A_871 = tpu.memref_slice %arg10[%dma_wait3A_869, %dma_wait3A_870] : memref<360448x32xf32, #tpu.memory_space<hbm>> -> memref<128x32xf32, #tpu.memory_space<hbm>>
      tpu.wait_dma2 semaphore(%arg23 : memref<!tpu.dma_semaphore, #tpu.memory_space<semaphore_mem>>) src(%dma_wait3A_871 : memref<128x32xf32, #tpu.memory_space<hbm>>) dst(%dma_wait3A_868 : memref<128x32xf32, #tpu.memory_space<vmem>>)
      %dma_wait3A_872 = arith.constant 384 : i32
      %dma_wait3A_873 = arith.constant 0 : i32
      %dma_wait3A_874 = tpu.memref_slice %arg17[%dma_wait3A_872, %dma_wait3A_873] : memref<1024x32xf32, #tpu.memory_space<vmem>> -> memref<128x32xf32, #tpu.memory_space<vmem>>
      %dma_wait3A_875 = arith.constant 0 : i32
      %dma_wait3A_876 = arith.constant 0 : i32
      %dma_wait3A_877 = tpu.memref_slice %arg10[%dma_wait3A_875, %dma_wait3A_876] : memref<360448x32xf32, #tpu.memory_space<hbm>> -> memref<128x32xf32, #tpu.memory_space<hbm>>
      %dma_wait3A_878 = arith.constant 384 : i32
      %dma_wait3A_879 = arith.constant 0 : i32
      %dma_wait3A_880 = tpu.memref_slice %arg17[%dma_wait3A_878, %dma_wait3A_879] : memref<1024x32xf32, #tpu.memory_space<vmem>> -> memref<128x32xf32, #tpu.memory_space<vmem>>
      %dma_wait3A_881 = arith.constant 0 : i32
      %dma_wait3A_882 = arith.constant 0 : i32
      %dma_wait3A_883 = tpu.memref_slice %arg10[%dma_wait3A_881, %dma_wait3A_882] : memref<360448x32xf32, #tpu.memory_space<hbm>> -> memref<128x32xf32, #tpu.memory_space<hbm>>
      tpu.wait_dma2 semaphore(%arg23 : memref<!tpu.dma_semaphore, #tpu.memory_space<semaphore_mem>>) src(%dma_wait3A_883 : memref<128x32xf32, #tpu.memory_space<hbm>>) dst(%dma_wait3A_880 : memref<128x32xf32, #tpu.memory_space<vmem>>)
      %dma_wait3A_884 = arith.constant 512 : i32
      %dma_wait3A_885 = arith.constant 0 : i32
      %dma_wait3A_886 = tpu.memref_slice %arg17[%dma_wait3A_884, %dma_wait3A_885] : memref<1024x32xf32, #tpu.memory_space<vmem>> -> memref<128x32xf32, #tpu.memory_space<vmem>>
      %dma_wait3A_887 = arith.constant 0 : i32
      %dma_wait3A_888 = arith.constant 0 : i32
      %dma_wait3A_889 = tpu.memref_slice %arg10[%dma_wait3A_887, %dma_wait3A_888] : memref<360448x32xf32, #tpu.memory_space<hbm>> -> memref<128x32xf32, #tpu.memory_space<hbm>>
      %dma_wait3A_890 = arith.constant 512 : i32
      %dma_wait3A_891 = arith.constant 0 : i32
      %dma_wait3A_892 = tpu.memref_slice %arg17[%dma_wait3A_890, %dma_wait3A_891] : memref<1024x32xf32, #tpu.memory_space<vmem>> -> memref<128x32xf32, #tpu.memory_space<vmem>>
      %dma_wait3A_893 = arith.constant 0 : i32
      %dma_wait3A_894 = arith.constant 0 : i32
      %dma_wait3A_895 = tpu.memref_slice %arg10[%dma_wait3A_893, %dma_wait3A_894] : memref<360448x32xf32, #tpu.memory_space<hbm>> -> memref<128x32xf32, #tpu.memory_space<hbm>>
      tpu.wait_dma2 semaphore(%arg23 : memref<!tpu.dma_semaphore, #tpu.memory_space<semaphore_mem>>) src(%dma_wait3A_895 : memref<128x32xf32, #tpu.memory_space<hbm>>) dst(%dma_wait3A_892 : memref<128x32xf32, #tpu.memory_space<vmem>>)
      %dma_wait3A_896 = arith.constant 640 : i32
      %dma_wait3A_897 = arith.constant 0 : i32
      %dma_wait3A_898 = tpu.memref_slice %arg17[%dma_wait3A_896, %dma_wait3A_897] : memref<1024x32xf32, #tpu.memory_space<vmem>> -> memref<128x32xf32, #tpu.memory_space<vmem>>
      %dma_wait3A_899 = arith.constant 0 : i32
      %dma_wait3A_900 = arith.constant 0 : i32
      %dma_wait3A_901 = tpu.memref_slice %arg10[%dma_wait3A_899, %dma_wait3A_900] : memref<360448x32xf32, #tpu.memory_space<hbm>> -> memref<128x32xf32, #tpu.memory_space<hbm>>
      %dma_wait3A_902 = arith.constant 640 : i32
      %dma_wait3A_903 = arith.constant 0 : i32
      %dma_wait3A_904 = tpu.memref_slice %arg17[%dma_wait3A_902, %dma_wait3A_903] : memref<1024x32xf32, #tpu.memory_space<vmem>> -> memref<128x32xf32, #tpu.memory_space<vmem>>
      %dma_wait3A_905 = arith.constant 0 : i32
      %dma_wait3A_906 = arith.constant 0 : i32
      %dma_wait3A_907 = tpu.memref_slice %arg10[%dma_wait3A_905, %dma_wait3A_906] : memref<360448x32xf32, #tpu.memory_space<hbm>> -> memref<128x32xf32, #tpu.memory_space<hbm>>
      tpu.wait_dma2 semaphore(%arg23 : memref<!tpu.dma_semaphore, #tpu.memory_space<semaphore_mem>>) src(%dma_wait3A_907 : memref<128x32xf32, #tpu.memory_space<hbm>>) dst(%dma_wait3A_904 : memref<128x32xf32, #tpu.memory_space<vmem>>)
      %dma_wait3A_908 = arith.constant 768 : i32
      %dma_wait3A_909 = arith.constant 0 : i32
      %dma_wait3A_910 = tpu.memref_slice %arg17[%dma_wait3A_908, %dma_wait3A_909] : memref<1024x32xf32, #tpu.memory_space<vmem>> -> memref<128x32xf32, #tpu.memory_space<vmem>>
      %dma_wait3A_911 = arith.constant 0 : i32
      %dma_wait3A_912 = arith.constant 0 : i32
      %dma_wait3A_913 = tpu.memref_slice %arg10[%dma_wait3A_911, %dma_wait3A_912] : memref<360448x32xf32, #tpu.memory_space<hbm>> -> memref<128x32xf32, #tpu.memory_space<hbm>>
      %dma_wait3A_914 = arith.constant 768 : i32
      %dma_wait3A_915 = arith.constant 0 : i32
      %dma_wait3A_916 = tpu.memref_slice %arg17[%dma_wait3A_914, %dma_wait3A_915] : memref<1024x32xf32, #tpu.memory_space<vmem>> -> memref<128x32xf32, #tpu.memory_space<vmem>>
      %dma_wait3A_917 = arith.constant 0 : i32
      %dma_wait3A_918 = arith.constant 0 : i32
      %dma_wait3A_919 = tpu.memref_slice %arg10[%dma_wait3A_917, %dma_wait3A_918] : memref<360448x32xf32, #tpu.memory_space<hbm>> -> memref<128x32xf32, #tpu.memory_space<hbm>>
      tpu.wait_dma2 semaphore(%arg23 : memref<!tpu.dma_semaphore, #tpu.memory_space<semaphore_mem>>) src(%dma_wait3A_919 : memref<128x32xf32, #tpu.memory_space<hbm>>) dst(%dma_wait3A_916 : memref<128x32xf32, #tpu.memory_space<vmem>>)
      %dma_wait3A_920 = arith.constant 896 : i32
      %dma_wait3A_921 = arith.constant 0 : i32
      %dma_wait3A_922 = tpu.memref_slice %arg17[%dma_wait3A_920, %dma_wait3A_921] : memref<1024x32xf32, #tpu.memory_space<vmem>> -> memref<128x32xf32, #tpu.memory_space<vmem>>
      %dma_wait3A_923 = arith.constant 0 : i32
      %dma_wait3A_924 = arith.constant 0 : i32
      %dma_wait3A_925 = tpu.memref_slice %arg10[%dma_wait3A_923, %dma_wait3A_924] : memref<360448x32xf32, #tpu.memory_space<hbm>> -> memref<128x32xf32, #tpu.memory_space<hbm>>
      %dma_wait3A_926 = arith.constant 896 : i32
      %dma_wait3A_927 = arith.constant 0 : i32
      %dma_wait3A_928 = tpu.memref_slice %arg17[%dma_wait3A_926, %dma_wait3A_927] : memref<1024x32xf32, #tpu.memory_space<vmem>> -> memref<128x32xf32, #tpu.memory_space<vmem>>
      %dma_wait3A_929 = arith.constant 0 : i32
      %dma_wait3A_930 = arith.constant 0 : i32
      %dma_wait3A_931 = tpu.memref_slice %arg10[%dma_wait3A_929, %dma_wait3A_930] : memref<360448x32xf32, #tpu.memory_space<hbm>> -> memref<128x32xf32, #tpu.memory_space<hbm>>
      tpu.wait_dma2 semaphore(%arg23 : memref<!tpu.dma_semaphore, #tpu.memory_space<semaphore_mem>>) src(%dma_wait3A_931 : memref<128x32xf32, #tpu.memory_space<hbm>>) dst(%dma_wait3A_928 : memref<128x32xf32, #tpu.memory_space<vmem>>)
      %dma_wait3A_932 = arith.constant 0 : i32
      %dma_wait3A_933 = arith.constant 0 : i32
      %dma_wait3A_934 = tpu.memref_slice %arg11[%dma_wait3A_932, %dma_wait3A_933] : memref<131072x32xf32, #tpu.memory_space<hbm>> -> memref<16x32xf32, #tpu.memory_space<hbm>>
      %dma_wait3A_935 = arith.constant 0 : i32
      %dma_wait3A_936 = arith.constant 0 : i32
      %dma_wait3A_937 = tpu.memref_slice %arg11[%dma_wait3A_935, %dma_wait3A_936] : memref<131072x32xf32, #tpu.memory_space<hbm>> -> memref<16x32xf32, #tpu.memory_space<hbm>>
      tpu.wait_dma2 semaphore(%arg25 : memref<!tpu.dma_semaphore, #tpu.memory_space<semaphore_mem>>) src(%arg19 : memref<16x32xf32, #tpu.memory_space<vmem>>) dst(%dma_wait3A_937 : memref<16x32xf32, #tpu.memory_space<hbm>>)
      %scan3A_938 = arith.constant 0 : i32
      %scan3A_939 = arith.constant 16 : i32
      %scan3A_940 = arith.addi %scan3A_938, %scan3A_939 : i32
      %scan3A_941 = arith.constant 1 : i32
      scf.for %scan3A_1049 = %scan3A_938 to %scan3A_940 step %scan3A_941  : i32 {
        %mul3A_1050 = arith.constant 1 : i32
        %mul3A_1051 = arith.muli %scan3A_1049, %mul3A_1050 : i32
        %add3A_1052 = arith.constant 0 : i32
        %add3A_1053 = arith.addi %add3A_1052, %mul3A_1051 : i32
        %and3A = arith.constant 7 : i32
        %and3A_1054 = arith.andi %add3A_1053, %and3A : i32
        %mul3A_1055 = arith.constant 16 : i32
        %mul3A_1056 = arith.muli %and3A_1054, %mul3A_1055 : i32
        %shift_right_arithmetic3A = arith.constant 3 : i32
        %shift_right_arithmetic3A_1057 = arith.shrsi %add3A_1053, %shift_right_arithmetic3A : i32
        %broadcast_in_dim3A = arith.constant 0.000000e+00 : f32
        %broadcast_in_dim3A_1058 = vector.broadcast %broadcast_in_dim3A : f32 to vector<16xf32>
        %broadcast_in_dim3A_1059 = arith.constant 0.000000e+00 : f32
        %broadcast_in_dim3A_1060 = vector.broadcast %broadcast_in_dim3A_1059 : f32 to vector<16xf32>
        %add3A_1061 = arith.constant 0 : i32
        %add3A_1062 = arith.addi %add3A_1061, %shift_right_arithmetic3A_1057 : i32
        %get3A = arith.index_cast %add3A_1062 : i32 to index
        %get3A_1063 = arith.index_cast %mul3A_1056 : i32 to index
        %get3A_1064 = tpu.vector_load %arg15[%get3A, %get3A_1063] {strides = array<i32>} : memref<8x128xf32, #tpu.memory_space<vmem>>, vector<16xf32>,
        %add3A_1065 = arith.constant 0 : i32
        %add3A_1066 = arith.addi %add3A_1065, %shift_right_arithmetic3A_1057 : i32
        %mul3A_1067 = arith.constant 128 : i32
        %mul3A_1068 = arith.muli %add3A_1066, %mul3A_1067 : i32
        %add3A_1069 = arith.addi %mul3A_1068, %mul3A_1056 : i32
        %broadcast_in_dim3A_1070 = arith.constant 0 : i32
        %broadcast_in_dim3A_1071 = vector.broadcast %broadcast_in_dim3A_1070 : i32 to vector<16x1xi32>
        %gather3A = vector.shape_cast %broadcast_in_dim3A_1071 : vector<16x1xi32> to vector<16xi32>
        %gather3A_1072 = tpu.dynamic_gather %get3A_1064[%gather3A] in [0] : vector<16xf32>, vector<16xi32> -> vector<16xf32>
        %add3A_1073 = arith.constant 0 : i32
        %add3A_1074 = arith.addi %add3A_1069, %add3A_1073 : i32
        %get3A_1075 = arith.index_cast %add3A_1074 : i32 to index
        %get3A_1076 = arith.constant 0 : index
        %get3A_1077 = tpu.vector_load %arg17[%get3A_1075, %get3A_1076] {strides = array<i32>} : memref<1024x32xf32, #tpu.memory_space<vmem>>, vector<16xf32>,
        %add3A_1078 = arith.constant 0 : i32
        %add3A_1079 = arith.addi %add3A_1069, %add3A_1078 : i32
        %get3A_1080 = arith.index_cast %add3A_1079 : i32 to index
        %get3A_1081 = arith.constant 16 : index
        %get3A_1082 = tpu.vector_load %arg17[%get3A_1080, %get3A_1081] {strides = array<i32>} : memref<1024x32xf32, #tpu.memory_space<vmem>>, vector<16xf32>,
        %mul3A_1083 = arith.mulf %gather3A_1072, %get3A_1077 : vector<16xf32>
        %add3A_1084 = arith.addf %broadcast_in_dim3A_1058, %mul3A_1083 : vector<16xf32>
        %mul3A_1085 = arith.mulf %gather3A_1072, %get3A_1082 : vector<16xf32>
        %add3A_1086 = arith.addf %broadcast_in_dim3A_1060, %mul3A_1085 : vector<16xf32>
        %broadcast_in_dim3A_1087 = arith.constant 1 : i32
        %broadcast_in_dim3A_1088 = vector.broadcast %broadcast_in_dim3A_1087 : i32 to vector<16x1xi32>
        %gather3A_1089 = vector.shape_cast %broadcast_in_dim3A_1088 : vector<16x1xi32> to vector<16xi32>
        %gather3A_1090 = tpu.dynamic_gather %get3A_1064[%gather3A_1089] in [0] : vector<16xf32>, vector<16xi32> -> vector<16xf32>
        %add3A_1091 = arith.constant 1 : i32
        %add3A_1092 = arith.addi %add3A_1069, %add3A_1091 : i32
        %get3A_1093 = arith.index_cast %add3A_1092 : i32 to index
        %get3A_1094 = arith.constant 0 : index
        %get3A_1095 = tpu.vector_load %arg17[%get3A_1093, %get3A_1094] {strides = array<i32>} : memref<1024x32xf32, #tpu.memory_space<vmem>>, vector<16xf32>,
        %add3A_1096 = arith.constant 1 : i32
        %add3A_1097 = arith.addi %add3A_1069, %add3A_1096 : i32
        %get3A_1098 = arith.index_cast %add3A_1097 : i32 to index
        %get3A_1099 = arith.constant 16 : index
        %get3A_1100 = tpu.vector_load %arg17[%get3A_1098, %get3A_1099] {strides = array<i32>} : memref<1024x32xf32, #tpu.memory_space<vmem>>, vector<16xf32>,
        %mul3A_1101 = arith.mulf %gather3A_1090, %get3A_1095 : vector<16xf32>
        %add3A_1102 = arith.addf %add3A_1084, %mul3A_1101 : vector<16xf32>
        %mul3A_1103 = arith.mulf %gather3A_1090, %get3A_1100 : vector<16xf32>
        %add3A_1104 = arith.addf %add3A_1086, %mul3A_1103 : vector<16xf32>
        %broadcast_in_dim3A_1105 = arith.constant 2 : i32
        %broadcast_in_dim3A_1106 = vector.broadcast %broadcast_in_dim3A_1105 : i32 to vector<16x1xi32>
        %gather3A_1107 = vector.shape_cast %broadcast_in_dim3A_1106 : vector<16x1xi32> to vector<16xi32>
        %gather3A_1108 = tpu.dynamic_gather %get3A_1064[%gather3A_1107] in [0] : vector<16xf32>, vector<16xi32> -> vector<16xf32>
        %add3A_1109 = arith.constant 2 : i32
        %add3A_1110 = arith.addi %add3A_1069, %add3A_1109 : i32
        %get3A_1111 = arith.index_cast %add3A_1110 : i32 to index
        %get3A_1112 = arith.constant 0 : index
        %get3A_1113 = tpu.vector_load %arg17[%get3A_1111, %get3A_1112] {strides = array<i32>} : memref<1024x32xf32, #tpu.memory_space<vmem>>, vector<16xf32>,
        %add3A_1114 = arith.constant 2 : i32
        %add3A_1115 = arith.addi %add3A_1069, %add3A_1114 : i32
        %get3A_1116 = arith.index_cast %add3A_1115 : i32 to index
        %get3A_1117 = arith.constant 16 : index
        %get3A_1118 = tpu.vector_load %arg17[%get3A_1116, %get3A_1117] {strides = array<i32>} : memref<1024x32xf32, #tpu.memory_space<vmem>>, vector<16xf32>,
        %mul3A_1119 = arith.mulf %gather3A_1108, %get3A_1113 : vector<16xf32>
        %add3A_1120 = arith.addf %add3A_1102, %mul3A_1119 : vector<16xf32>
        %mul3A_1121 = arith.mulf %gather3A_1108, %get3A_1118 : vector<16xf32>
        %add3A_1122 = arith.addf %add3A_1104, %mul3A_1121 : vector<16xf32>
        %broadcast_in_dim3A_1123 = arith.constant 3 : i32
        %broadcast_in_dim3A_1124 = vector.broadcast %broadcast_in_dim3A_1123 : i32 to vector<16x1xi32>
        %gather3A_1125 = vector.shape_cast %broadcast_in_dim3A_1124 : vector<16x1xi32> to vector<16xi32>
        %gather3A_1126 = tpu.dynamic_gather %get3A_1064[%gather3A_1125] in [0] : vector<16xf32>, vector<16xi32> -> vector<16xf32>
        %add3A_1127 = arith.constant 3 : i32
        %add3A_1128 = arith.addi %add3A_1069, %add3A_1127 : i32
        %get3A_1129 = arith.index_cast %add3A_1128 : i32 to index
        %get3A_1130 = arith.constant 0 : index
        %get3A_1131 = tpu.vector_load %arg17[%get3A_1129, %get3A_1130] {strides = array<i32>} : memref<1024x32xf32, #tpu.memory_space<vmem>>, vector<16xf32>,
        %add3A_1132 = arith.constant 3 : i32
        %add3A_1133 = arith.addi %add3A_1069, %add3A_1132 : i32
        %get3A_1134 = arith.index_cast %add3A_1133 : i32 to index
        %get3A_1135 = arith.constant 16 : index
        %get3A_1136 = tpu.vector_load %arg17[%get3A_1134, %get3A_1135] {strides = array<i32>} : memref<1024x32xf32, #tpu.memory_space<vmem>>, vector<16xf32>,
        %mul3A_1137 = arith.mulf %gather3A_1126, %get3A_1131 : vector<16xf32>
        %add3A_1138 = arith.addf %add3A_1120, %mul3A_1137 : vector<16xf32>
        %mul3A_1139 = arith.mulf %gather3A_1126, %get3A_1136 : vector<16xf32>
        %add3A_1140 = arith.addf %add3A_1122, %mul3A_1139 : vector<16xf32>
        %broadcast_in_dim3A_1141 = arith.constant 4 : i32
        %broadcast_in_dim3A_1142 = vector.broadcast %broadcast_in_dim3A_1141 : i32 to vector<16x1xi32>
        %gather3A_1143 = vector.shape_cast %broadcast_in_dim3A_1142 : vector<16x1xi32> to vector<16xi32>
        %gather3A_1144 = tpu.dynamic_gather %get3A_1064[%gather3A_1143] in [0] : vector<16xf32>, vector<16xi32> -> vector<16xf32>
        %add3A_1145 = arith.constant 4 : i32
        %add3A_1146 = arith.addi %add3A_1069, %add3A_1145 : i32
        %get3A_1147 = arith.index_cast %add3A_1146 : i32 to index
        %get3A_1148 = arith.constant 0 : index
        %get3A_1149 = tpu.vector_load %arg17[%get3A_1147, %get3A_1148] {strides = array<i32>} : memref<1024x32xf32, #tpu.memory_space<vmem>>, vector<16xf32>,
        %add3A_1150 = arith.constant 4 : i32
        %add3A_1151 = arith.addi %add3A_1069, %add3A_1150 : i32
        %get3A_1152 = arith.index_cast %add3A_1151 : i32 to index
        %get3A_1153 = arith.constant 16 : index
        %get3A_1154 = tpu.vector_load %arg17[%get3A_1152, %get3A_1153] {strides = array<i32>} : memref<1024x32xf32, #tpu.memory_space<vmem>>, vector<16xf32>,
        %mul3A_1155 = arith.mulf %gather3A_1144, %get3A_1149 : vector<16xf32>
        %add3A_1156 = arith.addf %add3A_1138, %mul3A_1155 : vector<16xf32>
        %mul3A_1157 = arith.mulf %gather3A_1144, %get3A_1154 : vector<16xf32>
        %add3A_1158 = arith.addf %add3A_1140, %mul3A_1157 : vector<16xf32>
        %broadcast_in_dim3A_1159 = arith.constant 5 : i32
        %broadcast_in_dim3A_1160 = vector.broadcast %broadcast_in_dim3A_1159 : i32 to vector<16x1xi32>
        %gather3A_1161 = vector.shape_cast %broadcast_in_dim3A_1160 : vector<16x1xi32> to vector<16xi32>
        %gather3A_1162 = tpu.dynamic_gather %get3A_1064[%gather3A_1161] in [0] : vector<16xf32>, vector<16xi32> -> vector<16xf32>
        %add3A_1163 = arith.constant 5 : i32
        %add3A_1164 = arith.addi %add3A_1069, %add3A_1163 : i32
        %get3A_1165 = arith.index_cast %add3A_1164 : i32 to index
        %get3A_1166 = arith.constant 0 : index
        %get3A_1167 = tpu.vector_load %arg17[%get3A_1165, %get3A_1166] {strides = array<i32>} : memref<1024x32xf32, #tpu.memory_space<vmem>>, vector<16xf32>,
        %add3A_1168 = arith.constant 5 : i32
        %add3A_1169 = arith.addi %add3A_1069, %add3A_1168 : i32
        %get3A_1170 = arith.index_cast %add3A_1169 : i32 to index
        %get3A_1171 = arith.constant 16 : index
        %get3A_1172 = tpu.vector_load %arg17[%get3A_1170, %get3A_1171] {strides = array<i32>} : memref<1024x32xf32, #tpu.memory_space<vmem>>, vector<16xf32>,
        %mul3A_1173 = arith.mulf %gather3A_1162, %get3A_1167 : vector<16xf32>
        %add3A_1174 = arith.addf %add3A_1156, %mul3A_1173 : vector<16xf32>
        %mul3A_1175 = arith.mulf %gather3A_1162, %get3A_1172 : vector<16xf32>
        %add3A_1176 = arith.addf %add3A_1158, %mul3A_1175 : vector<16xf32>
        %broadcast_in_dim3A_1177 = arith.constant 6 : i32
        %broadcast_in_dim3A_1178 = vector.broadcast %broadcast_in_dim3A_1177 : i32 to vector<16x1xi32>
        %gather3A_1179 = vector.shape_cast %broadcast_in_dim3A_1178 : vector<16x1xi32> to vector<16xi32>
        %gather3A_1180 = tpu.dynamic_gather %get3A_1064[%gather3A_1179] in [0] : vector<16xf32>, vector<16xi32> -> vector<16xf32>
        %add3A_1181 = arith.constant 6 : i32
        %add3A_1182 = arith.addi %add3A_1069, %add3A_1181 : i32
        %get3A_1183 = arith.index_cast %add3A_1182 : i32 to index
        %get3A_1184 = arith.constant 0 : index
        %get3A_1185 = tpu.vector_load %arg17[%get3A_1183, %get3A_1184] {strides = array<i32>} : memref<1024x32xf32, #tpu.memory_space<vmem>>, vector<16xf32>,
        %add3A_1186 = arith.constant 6 : i32
        %add3A_1187 = arith.addi %add3A_1069, %add3A_1186 : i32
        %get3A_1188 = arith.index_cast %add3A_1187 : i32 to index
        %get3A_1189 = arith.constant 16 : index
        %get3A_1190 = tpu.vector_load %arg17[%get3A_1188, %get3A_1189] {strides = array<i32>} : memref<1024x32xf32, #tpu.memory_space<vmem>>, vector<16xf32>,
        %mul3A_1191 = arith.mulf %gather3A_1180, %get3A_1185 : vector<16xf32>
        %add3A_1192 = arith.addf %add3A_1174, %mul3A_1191 : vector<16xf32>
        %mul3A_1193 = arith.mulf %gather3A_1180, %get3A_1190 : vector<16xf32>
        %add3A_1194 = arith.addf %add3A_1176, %mul3A_1193 : vector<16xf32>
        %broadcast_in_dim3A_1195 = arith.constant 7 : i32
        %broadcast_in_dim3A_1196 = vector.broadcast %broadcast_in_dim3A_1195 : i32 to vector<16x1xi32>
        %gather3A_1197 = vector.shape_cast %broadcast_in_dim3A_1196 : vector<16x1xi32> to vector<16xi32>
        %gather3A_1198 = tpu.dynamic_gather %get3A_1064[%gather3A_1197] in [0] : vector<16xf32>, vector<16xi32> -> vector<16xf32>
        %add3A_1199 = arith.constant 7 : i32
        %add3A_1200 = arith.addi %add3A_1069, %add3A_1199 : i32
        %get3A_1201 = arith.index_cast %add3A_1200 : i32 to index
        %get3A_1202 = arith.constant 0 : index
        %get3A_1203 = tpu.vector_load %arg17[%get3A_1201, %get3A_1202] {strides = array<i32>} : memref<1024x32xf32, #tpu.memory_space<vmem>>, vector<16xf32>,
        %add3A_1204 = arith.constant 7 : i32
        %add3A_1205 = arith.addi %add3A_1069, %add3A_1204 : i32
        %get3A_1206 = arith.index_cast %add3A_1205 : i32 to index
        %get3A_1207 = arith.constant 16 : index
        %get3A_1208 = tpu.vector_load %arg17[%get3A_1206, %get3A_1207] {strides = array<i32>} : memref<1024x32xf32, #tpu.memory_space<vmem>>, vector<16xf32>,
        %mul3A_1209 = arith.mulf %gather3A_1198, %get3A_1203 : vector<16xf32>
        %add3A_1210 = arith.addf %add3A_1192, %mul3A_1209 : vector<16xf32>
        %mul3A_1211 = arith.mulf %gather3A_1198, %get3A_1208 : vector<16xf32>
        %add3A_1212 = arith.addf %add3A_1194, %mul3A_1211 : vector<16xf32>
        %broadcast_in_dim3A_1213 = arith.constant 8 : i32
        %broadcast_in_dim3A_1214 = vector.broadcast %broadcast_in_dim3A_1213 : i32 to vector<16x1xi32>
        %gather3A_1215 = vector.shape_cast %broadcast_in_dim3A_1214 : vector<16x1xi32> to vector<16xi32>
        %gather3A_1216 = tpu.dynamic_gather %get3A_1064[%gather3A_1215] in [0] : vector<16xf32>, vector<16xi32> -> vector<16xf32>
        %add3A_1217 = arith.constant 8 : i32
        %add3A_1218 = arith.addi %add3A_1069, %add3A_1217 : i32
        %get3A_1219 = arith.index_cast %add3A_1218 : i32 to index
        %get3A_1220 = arith.constant 0 : index
        %get3A_1221 = tpu.vector_load %arg17[%get3A_1219, %get3A_1220] {strides = array<i32>} : memref<1024x32xf32, #tpu.memory_space<vmem>>, vector<16xf32>,
        %add3A_1222 = arith.constant 8 : i32
        %add3A_1223 = arith.addi %add3A_1069, %add3A_1222 : i32
        %get3A_1224 = arith.index_cast %add3A_1223 : i32 to index
        %get3A_1225 = arith.constant 16 : index
        %get3A_1226 = tpu.vector_load %arg17[%get3A_1224, %get3A_1225] {strides = array<i32>} : memref<1024x32xf32, #tpu.memory_space<vmem>>, vector<16xf32>,
        %mul3A_1227 = arith.mulf %gather3A_1216, %get3A_1221 : vector<16xf32>
        %add3A_1228 = arith.addf %add3A_1210, %mul3A_1227 : vector<16xf32>
        %mul3A_1229 = arith.mulf %gather3A_1216, %get3A_1226 : vector<16xf32>
        %add3A_1230 = arith.addf %add3A_1212, %mul3A_1229 : vector<16xf32>
        %broadcast_in_dim3A_1231 = arith.constant 9 : i32
        %broadcast_in_dim3A_1232 = vector.broadcast %broadcast_in_dim3A_1231 : i32 to vector<16x1xi32>
        %gather3A_1233 = vector.shape_cast %broadcast_in_dim3A_1232 : vector<16x1xi32> to vector<16xi32>
        %gather3A_1234 = tpu.dynamic_gather %get3A_1064[%gather3A_1233] in [0] : vector<16xf32>, vector<16xi32> -> vector<16xf32>
        %add3A_1235 = arith.constant 9 : i32
        %add3A_1236 = arith.addi %add3A_1069, %add3A_1235 : i32
        %get3A_1237 = arith.index_cast %add3A_1236 : i32 to index
        %get3A_1238 = arith.constant 0 : index
        %get3A_1239 = tpu.vector_load %arg17[%get3A_1237, %get3A_1238] {strides = array<i32>} : memref<1024x32xf32, #tpu.memory_space<vmem>>, vector<16xf32>,
        %add3A_1240 = arith.constant 9 : i32
        %add3A_1241 = arith.addi %add3A_1069, %add3A_1240 : i32
        %get3A_1242 = arith.index_cast %add3A_1241 : i32 to index
        %get3A_1243 = arith.constant 16 : index
        %get3A_1244 = tpu.vector_load %arg17[%get3A_1242, %get3A_1243] {strides = array<i32>} : memref<1024x32xf32, #tpu.memory_space<vmem>>, vector<16xf32>,
        %mul3A_1245 = arith.mulf %gather3A_1234, %get3A_1239 : vector<16xf32>
        %add3A_1246 = arith.addf %add3A_1228, %mul3A_1245 : vector<16xf32>
        %mul3A_1247 = arith.mulf %gather3A_1234, %get3A_1244 : vector<16xf32>
        %add3A_1248 = arith.addf %add3A_1230, %mul3A_1247 : vector<16xf32>
        %broadcast_in_dim3A_1249 = arith.constant 10 : i32
        %broadcast_in_dim3A_1250 = vector.broadcast %broadcast_in_dim3A_1249 : i32 to vector<16x1xi32>
        %gather3A_1251 = vector.shape_cast %broadcast_in_dim3A_1250 : vector<16x1xi32> to vector<16xi32>
        %gather3A_1252 = tpu.dynamic_gather %get3A_1064[%gather3A_1251] in [0] : vector<16xf32>, vector<16xi32> -> vector<16xf32>
        %add3A_1253 = arith.constant 10 : i32
        %add3A_1254 = arith.addi %add3A_1069, %add3A_1253 : i32
        %get3A_1255 = arith.index_cast %add3A_1254 : i32 to index
        %get3A_1256 = arith.constant 0 : index
        %get3A_1257 = tpu.vector_load %arg17[%get3A_1255, %get3A_1256] {strides = array<i32>} : memref<1024x32xf32, #tpu.memory_space<vmem>>, vector<16xf32>,
        %add3A_1258 = arith.constant 10 : i32
        %add3A_1259 = arith.addi %add3A_1069, %add3A_1258 : i32
        %get3A_1260 = arith.index_cast %add3A_1259 : i32 to index
        %get3A_1261 = arith.constant 16 : index
        %get3A_1262 = tpu.vector_load %arg17[%get3A_1260, %get3A_1261] {strides = array<i32>} : memref<1024x32xf32, #tpu.memory_space<vmem>>, vector<16xf32>,
        %mul3A_1263 = arith.mulf %gather3A_1252, %get3A_1257 : vector<16xf32>
        %add3A_1264 = arith.addf %add3A_1246, %mul3A_1263 : vector<16xf32>
        %mul3A_1265 = arith.mulf %gather3A_1252, %get3A_1262 : vector<16xf32>
        %add3A_1266 = arith.addf %add3A_1248, %mul3A_1265 : vector<16xf32>
        %broadcast_in_dim3A_1267 = arith.constant 11 : i32
        %broadcast_in_dim3A_1268 = vector.broadcast %broadcast_in_dim3A_1267 : i32 to vector<16x1xi32>
        %gather3A_1269 = vector.shape_cast %broadcast_in_dim3A_1268 : vector<16x1xi32> to vector<16xi32>
        %gather3A_1270 = tpu.dynamic_gather %get3A_1064[%gather3A_1269] in [0] : vector<16xf32>, vector<16xi32> -> vector<16xf32>
        %add3A_1271 = arith.constant 11 : i32
        %add3A_1272 = arith.addi %add3A_1069, %add3A_1271 : i32
        %get3A_1273 = arith.index_cast %add3A_1272 : i32 to index
        %get3A_1274 = arith.constant 0 : index
        %get3A_1275 = tpu.vector_load %arg17[%get3A_1273, %get3A_1274] {strides = array<i32>} : memref<1024x32xf32, #tpu.memory_space<vmem>>, vector<16xf32>,
        %add3A_1276 = arith.constant 11 : i32
        %add3A_1277 = arith.addi %add3A_1069, %add3A_1276 : i32
        %get3A_1278 = arith.index_cast %add3A_1277 : i32 to index
        %get3A_1279 = arith.constant 16 : index
        %get3A_1280 = tpu.vector_load %arg17[%get3A_1278, %get3A_1279] {strides = array<i32>} : memref<1024x32xf32, #tpu.memory_space<vmem>>, vector<16xf32>,
        %mul3A_1281 = arith.mulf %gather3A_1270, %get3A_1275 : vector<16xf32>
        %add3A_1282 = arith.addf %add3A_1264, %mul3A_1281 : vector<16xf32>
        %mul3A_1283 = arith.mulf %gather3A_1270, %get3A_1280 : vector<16xf32>
        %add3A_1284 = arith.addf %add3A_1266, %mul3A_1283 : vector<16xf32>
        %broadcast_in_dim3A_1285 = arith.constant 12 : i32
        %broadcast_in_dim3A_1286 = vector.broadcast %broadcast_in_dim3A_1285 : i32 to vector<16x1xi32>
        %gather3A_1287 = vector.shape_cast %broadcast_in_dim3A_1286 : vector<16x1xi32> to vector<16xi32>
        %gather3A_1288 = tpu.dynamic_gather %get3A_1064[%gather3A_1287] in [0] : vector<16xf32>, vector<16xi32> -> vector<16xf32>
        %add3A_1289 = arith.constant 12 : i32
        %add3A_1290 = arith.addi %add3A_1069, %add3A_1289 : i32
        %get3A_1291 = arith.index_cast %add3A_1290 : i32 to index
        %get3A_1292 = arith.constant 0 : index
        %get3A_1293 = tpu.vector_load %arg17[%get3A_1291, %get3A_1292] {strides = array<i32>} : memref<1024x32xf32, #tpu.memory_space<vmem>>, vector<16xf32>,
        %add3A_1294 = arith.constant 12 : i32
        %add3A_1295 = arith.addi %add3A_1069, %add3A_1294 : i32
        %get3A_1296 = arith.index_cast %add3A_1295 : i32 to index
        %get3A_1297 = arith.constant 16 : index
        %get3A_1298 = tpu.vector_load %arg17[%get3A_1296, %get3A_1297] {strides = array<i32>} : memref<1024x32xf32, #tpu.memory_space<vmem>>, vector<16xf32>,
        %mul3A_1299 = arith.mulf %gather3A_1288, %get3A_1293 : vector<16xf32>
        %add3A_1300 = arith.addf %add3A_1282, %mul3A_1299 : vector<16xf32>
        %mul3A_1301 = arith.mulf %gather3A_1288, %get3A_1298 : vector<16xf32>
        %add3A_1302 = arith.addf %add3A_1284, %mul3A_1301 : vector<16xf32>
        %broadcast_in_dim3A_1303 = arith.constant 13 : i32
        %broadcast_in_dim3A_1304 = vector.broadcast %broadcast_in_dim3A_1303 : i32 to vector<16x1xi32>
        %gather3A_1305 = vector.shape_cast %broadcast_in_dim3A_1304 : vector<16x1xi32> to vector<16xi32>
        %gather3A_1306 = tpu.dynamic_gather %get3A_1064[%gather3A_1305] in [0] : vector<16xf32>, vector<16xi32> -> vector<16xf32>
        %add3A_1307 = arith.constant 13 : i32
        %add3A_1308 = arith.addi %add3A_1069, %add3A_1307 : i32
        %get3A_1309 = arith.index_cast %add3A_1308 : i32 to index
        %get3A_1310 = arith.constant 0 : index
        %get3A_1311 = tpu.vector_load %arg17[%get3A_1309, %get3A_1310] {strides = array<i32>} : memref<1024x32xf32, #tpu.memory_space<vmem>>, vector<16xf32>,
        %add3A_1312 = arith.constant 13 : i32
        %add3A_1313 = arith.addi %add3A_1069, %add3A_1312 : i32
        %get3A_1314 = arith.index_cast %add3A_1313 : i32 to index
        %get3A_1315 = arith.constant 16 : index
        %get3A_1316 = tpu.vector_load %arg17[%get3A_1314, %get3A_1315] {strides = array<i32>} : memref<1024x32xf32, #tpu.memory_space<vmem>>, vector<16xf32>,
        %mul3A_1317 = arith.mulf %gather3A_1306, %get3A_1311 : vector<16xf32>
        %add3A_1318 = arith.addf %add3A_1300, %mul3A_1317 : vector<16xf32>
        %mul3A_1319 = arith.mulf %gather3A_1306, %get3A_1316 : vector<16xf32>
        %add3A_1320 = arith.addf %add3A_1302, %mul3A_1319 : vector<16xf32>
        %broadcast_in_dim3A_1321 = arith.constant 14 : i32
        %broadcast_in_dim3A_1322 = vector.broadcast %broadcast_in_dim3A_1321 : i32 to vector<16x1xi32>
        %gather3A_1323 = vector.shape_cast %broadcast_in_dim3A_1322 : vector<16x1xi32> to vector<16xi32>
        %gather3A_1324 = tpu.dynamic_gather %get3A_1064[%gather3A_1323] in [0] : vector<16xf32>, vector<16xi32> -> vector<16xf32>
        %add3A_1325 = arith.constant 14 : i32
        %add3A_1326 = arith.addi %add3A_1069, %add3A_1325 : i32
        %get3A_1327 = arith.index_cast %add3A_1326 : i32 to index
        %get3A_1328 = arith.constant 0 : index
        %get3A_1329 = tpu.vector_load %arg17[%get3A_1327, %get3A_1328] {strides = array<i32>} : memref<1024x32xf32, #tpu.memory_space<vmem>>, vector<16xf32>,
        %add3A_1330 = arith.constant 14 : i32
        %add3A_1331 = arith.addi %add3A_1069, %add3A_1330 : i32
        %get3A_1332 = arith.index_cast %add3A_1331 : i32 to index
        %get3A_1333 = arith.constant 16 : index
        %get3A_1334 = tpu.vector_load %arg17[%get3A_1332, %get3A_1333] {strides = array<i32>} : memref<1024x32xf32, #tpu.memory_space<vmem>>, vector<16xf32>,
        %mul3A_1335 = arith.mulf %gather3A_1324, %get3A_1329 : vector<16xf32>
        %add3A_1336 = arith.addf %add3A_1318, %mul3A_1335 : vector<16xf32>
        %mul3A_1337 = arith.mulf %gather3A_1324, %get3A_1334 : vector<16xf32>
        %add3A_1338 = arith.addf %add3A_1320, %mul3A_1337 : vector<16xf32>
        %broadcast_in_dim3A_1339 = arith.constant 15 : i32
        %broadcast_in_dim3A_1340 = vector.broadcast %broadcast_in_dim3A_1339 : i32 to vector<16x1xi32>
        %gather3A_1341 = vector.shape_cast %broadcast_in_dim3A_1340 : vector<16x1xi32> to vector<16xi32>
        %gather3A_1342 = tpu.dynamic_gather %get3A_1064[%gather3A_1341] in [0] : vector<16xf32>, vector<16xi32> -> vector<16xf32>
        %add3A_1343 = arith.constant 15 : i32
        %add3A_1344 = arith.addi %add3A_1069, %add3A_1343 : i32
        %get3A_1345 = arith.index_cast %add3A_1344 : i32 to index
        %get3A_1346 = arith.constant 0 : index
        %get3A_1347 = tpu.vector_load %arg17[%get3A_1345, %get3A_1346] {strides = array<i32>} : memref<1024x32xf32, #tpu.memory_space<vmem>>, vector<16xf32>,
        %add3A_1348 = arith.constant 15 : i32
        %add3A_1349 = arith.addi %add3A_1069, %add3A_1348 : i32
        %get3A_1350 = arith.index_cast %add3A_1349 : i32 to index
        %get3A_1351 = arith.constant 16 : index
        %get3A_1352 = tpu.vector_load %arg17[%get3A_1350, %get3A_1351] {strides = array<i32>} : memref<1024x32xf32, #tpu.memory_space<vmem>>, vector<16xf32>,
        %mul3A_1353 = arith.mulf %gather3A_1342, %get3A_1347 : vector<16xf32>
        %add3A_1354 = arith.addf %add3A_1336, %mul3A_1353 : vector<16xf32>
        %mul3A_1355 = arith.mulf %gather3A_1342, %get3A_1352 : vector<16xf32>
        %add3A_1356 = arith.addf %add3A_1338, %mul3A_1355 : vector<16xf32>
        %add3A_1357 = arith.constant 2 : i32
        %add3A_1358 = arith.addi %add3A_1357, %shift_right_arithmetic3A_1057 : i32
        %get3A_1359 = arith.index_cast %add3A_1358 : i32 to index
        %get3A_1360 = arith.index_cast %mul3A_1056 : i32 to index
        %get3A_1361 = tpu.vector_load %arg15[%get3A_1359, %get3A_1360] {strides = array<i32>} : memref<8x128xf32, #tpu.memory_space<vmem>>, vector<16xf32>,
        %add3A_1362 = arith.constant 2 : i32
        %add3A_1363 = arith.addi %add3A_1362, %shift_right_arithmetic3A_1057 : i32
        %mul3A_1364 = arith.constant 128 : i32
        %mul3A_1365 = arith.muli %add3A_1363, %mul3A_1364 : i32
        %add3A_1366 = arith.addi %mul3A_1365, %mul3A_1056 : i32
        %broadcast_in_dim3A_1367 = arith.constant 0 : i32
        %broadcast_in_dim3A_1368 = vector.broadcast %broadcast_in_dim3A_1367 : i32 to vector<16x1xi32>
        %gather3A_1369 = vector.shape_cast %broadcast_in_dim3A_1368 : vector<16x1xi32> to vector<16xi32>
        %gather3A_1370 = tpu.dynamic_gather %get3A_1361[%gather3A_1369] in [0] : vector<16xf32>, vector<16xi32> -> vector<16xf32>
        %add3A_1371 = arith.constant 0 : i32
        %add3A_1372 = arith.addi %add3A_1366, %add3A_1371 : i32
        %get3A_1373 = arith.index_cast %add3A_1372 : i32 to index
        %get3A_1374 = arith.constant 0 : index
        %get3A_1375 = tpu.vector_load %arg17[%get3A_1373, %get3A_1374] {strides = array<i32>} : memref<1024x32xf32, #tpu.memory_space<vmem>>, vector<16xf32>,
        %add3A_1376 = arith.constant 0 : i32
        %add3A_1377 = arith.addi %add3A_1366, %add3A_1376 : i32
        %get3A_1378 = arith.index_cast %add3A_1377 : i32 to index
        %get3A_1379 = arith.constant 16 : index
        %get3A_1380 = tpu.vector_load %arg17[%get3A_1378, %get3A_1379] {strides = array<i32>} : memref<1024x32xf32, #tpu.memory_space<vmem>>, vector<16xf32>,
        %mul3A_1381 = arith.mulf %gather3A_1370, %get3A_1375 : vector<16xf32>
        %add3A_1382 = arith.addf %add3A_1354, %mul3A_1381 : vector<16xf32>
        %mul3A_1383 = arith.mulf %gather3A_1370, %get3A_1380 : vector<16xf32>
        %add3A_1384 = arith.addf %add3A_1356, %mul3A_1383 : vector<16xf32>
        %broadcast_in_dim3A_1385 = arith.constant 1 : i32
        %broadcast_in_dim3A_1386 = vector.broadcast %broadcast_in_dim3A_1385 : i32 to vector<16x1xi32>
        %gather3A_1387 = vector.shape_cast %broadcast_in_dim3A_1386 : vector<16x1xi32> to vector<16xi32>
        %gather3A_1388 = tpu.dynamic_gather %get3A_1361[%gather3A_1387] in [0] : vector<16xf32>, vector<16xi32> -> vector<16xf32>
        %add3A_1389 = arith.constant 1 : i32
        %add3A_1390 = arith.addi %add3A_1366, %add3A_1389 : i32
        %get3A_1391 = arith.index_cast %add3A_1390 : i32 to index
        %get3A_1392 = arith.constant 0 : index
        %get3A_1393 = tpu.vector_load %arg17[%get3A_1391, %get3A_1392] {strides = array<i32>} : memref<1024x32xf32, #tpu.memory_space<vmem>>, vector<16xf32>,
        %add3A_1394 = arith.constant 1 : i32
        %add3A_1395 = arith.addi %add3A_1366, %add3A_1394 : i32
        %get3A_1396 = arith.index_cast %add3A_1395 : i32 to index
        %get3A_1397 = arith.constant 16 : index
        %get3A_1398 = tpu.vector_load %arg17[%get3A_1396, %get3A_1397] {strides = array<i32>} : memref<1024x32xf32, #tpu.memory_space<vmem>>, vector<16xf32>,
        %mul3A_1399 = arith.mulf %gather3A_1388, %get3A_1393 : vector<16xf32>
        %add3A_1400 = arith.addf %add3A_1382, %mul3A_1399 : vector<16xf32>
        %mul3A_1401 = arith.mulf %gather3A_1388, %get3A_1398 : vector<16xf32>
        %add3A_1402 = arith.addf %add3A_1384, %mul3A_1401 : vector<16xf32>
        %broadcast_in_dim3A_1403 = arith.constant 2 : i32
        %broadcast_in_dim3A_1404 = vector.broadcast %broadcast_in_dim3A_1403 : i32 to vector<16x1xi32>
        %gather3A_1405 = vector.shape_cast %broadcast_in_dim3A_1404 : vector<16x1xi32> to vector<16xi32>
        %gather3A_1406 = tpu.dynamic_gather %get3A_1361[%gather3A_1405] in [0] : vector<16xf32>, vector<16xi32> -> vector<16xf32>
        %add3A_1407 = arith.constant 2 : i32
        %add3A_1408 = arith.addi %add3A_1366, %add3A_1407 : i32
        %get3A_1409 = arith.index_cast %add3A_1408 : i32 to index
        %get3A_1410 = arith.constant 0 : index
        %get3A_1411 = tpu.vector_load %arg17[%get3A_1409, %get3A_1410] {strides = array<i32>} : memref<1024x32xf32, #tpu.memory_space<vmem>>, vector<16xf32>,
        %add3A_1412 = arith.constant 2 : i32
        %add3A_1413 = arith.addi %add3A_1366, %add3A_1412 : i32
        %get3A_1414 = arith.index_cast %add3A_1413 : i32 to index
        %get3A_1415 = arith.constant 16 : index
        %get3A_1416 = tpu.vector_load %arg17[%get3A_1414, %get3A_1415] {strides = array<i32>} : memref<1024x32xf32, #tpu.memory_space<vmem>>, vector<16xf32>,
        %mul3A_1417 = arith.mulf %gather3A_1406, %get3A_1411 : vector<16xf32>
        %add3A_1418 = arith.addf %add3A_1400, %mul3A_1417 : vector<16xf32>
        %mul3A_1419 = arith.mulf %gather3A_1406, %get3A_1416 : vector<16xf32>
        %add3A_1420 = arith.addf %add3A_1402, %mul3A_1419 : vector<16xf32>
        %broadcast_in_dim3A_1421 = arith.constant 3 : i32
        %broadcast_in_dim3A_1422 = vector.broadcast %broadcast_in_dim3A_1421 : i32 to vector<16x1xi32>
        %gather3A_1423 = vector.shape_cast %broadcast_in_dim3A_1422 : vector<16x1xi32> to vector<16xi32>
        %gather3A_1424 = tpu.dynamic_gather %get3A_1361[%gather3A_1423] in [0] : vector<16xf32>, vector<16xi32> -> vector<16xf32>
        %add3A_1425 = arith.constant 3 : i32
        %add3A_1426 = arith.addi %add3A_1366, %add3A_1425 : i32
        %get3A_1427 = arith.index_cast %add3A_1426 : i32 to index
        %get3A_1428 = arith.constant 0 : index
        %get3A_1429 = tpu.vector_load %arg17[%get3A_1427, %get3A_1428] {strides = array<i32>} : memref<1024x32xf32, #tpu.memory_space<vmem>>, vector<16xf32>,
        %add3A_1430 = arith.constant 3 : i32
        %add3A_1431 = arith.addi %add3A_1366, %add3A_1430 : i32
        %get3A_1432 = arith.index_cast %add3A_1431 : i32 to index
        %get3A_1433 = arith.constant 16 : index
        %get3A_1434 = tpu.vector_load %arg17[%get3A_1432, %get3A_1433] {strides = array<i32>} : memref<1024x32xf32, #tpu.memory_space<vmem>>, vector<16xf32>,
        %mul3A_1435 = arith.mulf %gather3A_1424, %get3A_1429 : vector<16xf32>
        %add3A_1436 = arith.addf %add3A_1418, %mul3A_1435 : vector<16xf32>
        %mul3A_1437 = arith.mulf %gather3A_1424, %get3A_1434 : vector<16xf32>
        %add3A_1438 = arith.addf %add3A_1420, %mul3A_1437 : vector<16xf32>
        %broadcast_in_dim3A_1439 = arith.constant 4 : i32
        %broadcast_in_dim3A_1440 = vector.broadcast %broadcast_in_dim3A_1439 : i32 to vector<16x1xi32>
        %gather3A_1441 = vector.shape_cast %broadcast_in_dim3A_1440 : vector<16x1xi32> to vector<16xi32>
        %gather3A_1442 = tpu.dynamic_gather %get3A_1361[%gather3A_1441] in [0] : vector<16xf32>, vector<16xi32> -> vector<16xf32>
        %add3A_1443 = arith.constant 4 : i32
        %add3A_1444 = arith.addi %add3A_1366, %add3A_1443 : i32
        %get3A_1445 = arith.index_cast %add3A_1444 : i32 to index
        %get3A_1446 = arith.constant 0 : index
        %get3A_1447 = tpu.vector_load %arg17[%get3A_1445, %get3A_1446] {strides = array<i32>} : memref<1024x32xf32, #tpu.memory_space<vmem>>, vector<16xf32>,
        %add3A_1448 = arith.constant 4 : i32
        %add3A_1449 = arith.addi %add3A_1366, %add3A_1448 : i32
        %get3A_1450 = arith.index_cast %add3A_1449 : i32 to index
        %get3A_1451 = arith.constant 16 : index
        %get3A_1452 = tpu.vector_load %arg17[%get3A_1450, %get3A_1451] {strides = array<i32>} : memref<1024x32xf32, #tpu.memory_space<vmem>>, vector<16xf32>,
        %mul3A_1453 = arith.mulf %gather3A_1442, %get3A_1447 : vector<16xf32>
        %add3A_1454 = arith.addf %add3A_1436, %mul3A_1453 : vector<16xf32>
        %mul3A_1455 = arith.mulf %gather3A_1442, %get3A_1452 : vector<16xf32>
        %add3A_1456 = arith.addf %add3A_1438, %mul3A_1455 : vector<16xf32>
        %broadcast_in_dim3A_1457 = arith.constant 5 : i32
        %broadcast_in_dim3A_1458 = vector.broadcast %broadcast_in_dim3A_1457 : i32 to vector<16x1xi32>
        %gather3A_1459 = vector.shape_cast %broadcast_in_dim3A_1458 : vector<16x1xi32> to vector<16xi32>
        %gather3A_1460 = tpu.dynamic_gather %get3A_1361[%gather3A_1459] in [0] : vector<16xf32>, vector<16xi32> -> vector<16xf32>
        %add3A_1461 = arith.constant 5 : i32
        %add3A_1462 = arith.addi %add3A_1366, %add3A_1461 : i32
        %get3A_1463 = arith.index_cast %add3A_1462 : i32 to index
        %get3A_1464 = arith.constant 0 : index
        %get3A_1465 = tpu.vector_load %arg17[%get3A_1463, %get3A_1464] {strides = array<i32>} : memref<1024x32xf32, #tpu.memory_space<vmem>>, vector<16xf32>,
        %add3A_1466 = arith.constant 5 : i32
        %add3A_1467 = arith.addi %add3A_1366, %add3A_1466 : i32
        %get3A_1468 = arith.index_cast %add3A_1467 : i32 to index
        %get3A_1469 = arith.constant 16 : index
        %get3A_1470 = tpu.vector_load %arg17[%get3A_1468, %get3A_1469] {strides = array<i32>} : memref<1024x32xf32, #tpu.memory_space<vmem>>, vector<16xf32>,
        %mul3A_1471 = arith.mulf %gather3A_1460, %get3A_1465 : vector<16xf32>
        %add3A_1472 = arith.addf %add3A_1454, %mul3A_1471 : vector<16xf32>
        %mul3A_1473 = arith.mulf %gather3A_1460, %get3A_1470 : vector<16xf32>
        %add3A_1474 = arith.addf %add3A_1456, %mul3A_1473 : vector<16xf32>
        %broadcast_in_dim3A_1475 = arith.constant 6 : i32
        %broadcast_in_dim3A_1476 = vector.broadcast %broadcast_in_dim3A_1475 : i32 to vector<16x1xi32>
        %gather3A_1477 = vector.shape_cast %broadcast_in_dim3A_1476 : vector<16x1xi32> to vector<16xi32>
        %gather3A_1478 = tpu.dynamic_gather %get3A_1361[%gather3A_1477] in [0] : vector<16xf32>, vector<16xi32> -> vector<16xf32>
        %add3A_1479 = arith.constant 6 : i32
        %add3A_1480 = arith.addi %add3A_1366, %add3A_1479 : i32
        %get3A_1481 = arith.index_cast %add3A_1480 : i32 to index
        %get3A_1482 = arith.constant 0 : index
        %get3A_1483 = tpu.vector_load %arg17[%get3A_1481, %get3A_1482] {strides = array<i32>} : memref<1024x32xf32, #tpu.memory_space<vmem>>, vector<16xf32>,
        %add3A_1484 = arith.constant 6 : i32
        %add3A_1485 = arith.addi %add3A_1366, %add3A_1484 : i32
        %get3A_1486 = arith.index_cast %add3A_1485 : i32 to index
        %get3A_1487 = arith.constant 16 : index
        %get3A_1488 = tpu.vector_load %arg17[%get3A_1486, %get3A_1487] {strides = array<i32>} : memref<1024x32xf32, #tpu.memory_space<vmem>>, vector<16xf32>,
        %mul3A_1489 = arith.mulf %gather3A_1478, %get3A_1483 : vector<16xf32>
        %add3A_1490 = arith.addf %add3A_1472, %mul3A_1489 : vector<16xf32>
        %mul3A_1491 = arith.mulf %gather3A_1478, %get3A_1488 : vector<16xf32>
        %add3A_1492 = arith.addf %add3A_1474, %mul3A_1491 : vector<16xf32>
        %broadcast_in_dim3A_1493 = arith.constant 7 : i32
        %broadcast_in_dim3A_1494 = vector.broadcast %broadcast_in_dim3A_1493 : i32 to vector<16x1xi32>
        %gather3A_1495 = vector.shape_cast %broadcast_in_dim3A_1494 : vector<16x1xi32> to vector<16xi32>
        %gather3A_1496 = tpu.dynamic_gather %get3A_1361[%gather3A_1495] in [0] : vector<16xf32>, vector<16xi32> -> vector<16xf32>
        %add3A_1497 = arith.constant 7 : i32
        %add3A_1498 = arith.addi %add3A_1366, %add3A_1497 : i32
        %get3A_1499 = arith.index_cast %add3A_1498 : i32 to index
        %get3A_1500 = arith.constant 0 : index
        %get3A_1501 = tpu.vector_load %arg17[%get3A_1499, %get3A_1500] {strides = array<i32>} : memref<1024x32xf32, #tpu.memory_space<vmem>>, vector<16xf32>,
        %add3A_1502 = arith.constant 7 : i32
        %add3A_1503 = arith.addi %add3A_1366, %add3A_1502 : i32
        %get3A_1504 = arith.index_cast %add3A_1503 : i32 to index
        %get3A_1505 = arith.constant 16 : index
        %get3A_1506 = tpu.vector_load %arg17[%get3A_1504, %get3A_1505] {strides = array<i32>} : memref<1024x32xf32, #tpu.memory_space<vmem>>, vector<16xf32>,
        %mul3A_1507 = arith.mulf %gather3A_1496, %get3A_1501 : vector<16xf32>
        %add3A_1508 = arith.addf %add3A_1490, %mul3A_1507 : vector<16xf32>
        %mul3A_1509 = arith.mulf %gather3A_1496, %get3A_1506 : vector<16xf32>
        %add3A_1510 = arith.addf %add3A_1492, %mul3A_1509 : vector<16xf32>
        %broadcast_in_dim3A_1511 = arith.constant 8 : i32
        %broadcast_in_dim3A_1512 = vector.broadcast %broadcast_in_dim3A_1511 : i32 to vector<16x1xi32>
        %gather3A_1513 = vector.shape_cast %broadcast_in_dim3A_1512 : vector<16x1xi32> to vector<16xi32>
        %gather3A_1514 = tpu.dynamic_gather %get3A_1361[%gather3A_1513] in [0] : vector<16xf32>, vector<16xi32> -> vector<16xf32>
        %add3A_1515 = arith.constant 8 : i32
        %add3A_1516 = arith.addi %add3A_1366, %add3A_1515 : i32
        %get3A_1517 = arith.index_cast %add3A_1516 : i32 to index
        %get3A_1518 = arith.constant 0 : index
        %get3A_1519 = tpu.vector_load %arg17[%get3A_1517, %get3A_1518] {strides = array<i32>} : memref<1024x32xf32, #tpu.memory_space<vmem>>, vector<16xf32>,
        %add3A_1520 = arith.constant 8 : i32
        %add3A_1521 = arith.addi %add3A_1366, %add3A_1520 : i32
        %get3A_1522 = arith.index_cast %add3A_1521 : i32 to index
        %get3A_1523 = arith.constant 16 : index
        %get3A_1524 = tpu.vector_load %arg17[%get3A_1522, %get3A_1523] {strides = array<i32>} : memref<1024x32xf32, #tpu.memory_space<vmem>>, vector<16xf32>,
        %mul3A_1525 = arith.mulf %gather3A_1514, %get3A_1519 : vector<16xf32>
        %add3A_1526 = arith.addf %add3A_1508, %mul3A_1525 : vector<16xf32>
        %mul3A_1527 = arith.mulf %gather3A_1514, %get3A_1524 : vector<16xf32>
        %add3A_1528 = arith.addf %add3A_1510, %mul3A_1527 : vector<16xf32>
        %broadcast_in_dim3A_1529 = arith.constant 9 : i32
        %broadcast_in_dim3A_1530 = vector.broadcast %broadcast_in_dim3A_1529 : i32 to vector<16x1xi32>
        %gather3A_1531 = vector.shape_cast %broadcast_in_dim3A_1530 : vector<16x1xi32> to vector<16xi32>
        %gather3A_1532 = tpu.dynamic_gather %get3A_1361[%gather3A_1531] in [0] : vector<16xf32>, vector<16xi32> -> vector<16xf32>
        %add3A_1533 = arith.constant 9 : i32
        %add3A_1534 = arith.addi %add3A_1366, %add3A_1533 : i32
        %get3A_1535 = arith.index_cast %add3A_1534 : i32 to index
        %get3A_1536 = arith.constant 0 : index
        %get3A_1537 = tpu.vector_load %arg17[%get3A_1535, %get3A_1536] {strides = array<i32>} : memref<1024x32xf32, #tpu.memory_space<vmem>>, vector<16xf32>,
        %add3A_1538 = arith.constant 9 : i32
        %add3A_1539 = arith.addi %add3A_1366, %add3A_1538 : i32
        %get3A_1540 = arith.index_cast %add3A_1539 : i32 to index
        %get3A_1541 = arith.constant 16 : index
        %get3A_1542 = tpu.vector_load %arg17[%get3A_1540, %get3A_1541] {strides = array<i32>} : memref<1024x32xf32, #tpu.memory_space<vmem>>, vector<16xf32>,
        %mul3A_1543 = arith.mulf %gather3A_1532, %get3A_1537 : vector<16xf32>
        %add3A_1544 = arith.addf %add3A_1526, %mul3A_1543 : vector<16xf32>
        %mul3A_1545 = arith.mulf %gather3A_1532, %get3A_1542 : vector<16xf32>
        %add3A_1546 = arith.addf %add3A_1528, %mul3A_1545 : vector<16xf32>
        %broadcast_in_dim3A_1547 = arith.constant 10 : i32
        %broadcast_in_dim3A_1548 = vector.broadcast %broadcast_in_dim3A_1547 : i32 to vector<16x1xi32>
        %gather3A_1549 = vector.shape_cast %broadcast_in_dim3A_1548 : vector<16x1xi32> to vector<16xi32>
        %gather3A_1550 = tpu.dynamic_gather %get3A_1361[%gather3A_1549] in [0] : vector<16xf32>, vector<16xi32> -> vector<16xf32>
        %add3A_1551 = arith.constant 10 : i32
        %add3A_1552 = arith.addi %add3A_1366, %add3A_1551 : i32
        %get3A_1553 = arith.index_cast %add3A_1552 : i32 to index
        %get3A_1554 = arith.constant 0 : index
        %get3A_1555 = tpu.vector_load %arg17[%get3A_1553, %get3A_1554] {strides = array<i32>} : memref<1024x32xf32, #tpu.memory_space<vmem>>, vector<16xf32>,
        %add3A_1556 = arith.constant 10 : i32
        %add3A_1557 = arith.addi %add3A_1366, %add3A_1556 : i32
        %get3A_1558 = arith.index_cast %add3A_1557 : i32 to index
        %get3A_1559 = arith.constant 16 : index
        %get3A_1560 = tpu.vector_load %arg17[%get3A_1558, %get3A_1559] {strides = array<i32>} : memref<1024x32xf32, #tpu.memory_space<vmem>>, vector<16xf32>,
        %mul3A_1561 = arith.mulf %gather3A_1550, %get3A_1555 : vector<16xf32>
        %add3A_1562 = arith.addf %add3A_1544, %mul3A_1561 : vector<16xf32>
        %mul3A_1563 = arith.mulf %gather3A_1550, %get3A_1560 : vector<16xf32>
        %add3A_1564 = arith.addf %add3A_1546, %mul3A_1563 : vector<16xf32>
        %broadcast_in_dim3A_1565 = arith.constant 11 : i32
        %broadcast_in_dim3A_1566 = vector.broadcast %broadcast_in_dim3A_1565 : i32 to vector<16x1xi32>
        %gather3A_1567 = vector.shape_cast %broadcast_in_dim3A_1566 : vector<16x1xi32> to vector<16xi32>
        %gather3A_1568 = tpu.dynamic_gather %get3A_1361[%gather3A_1567] in [0] : vector<16xf32>, vector<16xi32> -> vector<16xf32>
        %add3A_1569 = arith.constant 11 : i32
        %add3A_1570 = arith.addi %add3A_1366, %add3A_1569 : i32
        %get3A_1571 = arith.index_cast %add3A_1570 : i32 to index
        %get3A_1572 = arith.constant 0 : index
        %get3A_1573 = tpu.vector_load %arg17[%get3A_1571, %get3A_1572] {strides = array<i32>} : memref<1024x32xf32, #tpu.memory_space<vmem>>, vector<16xf32>,
        %add3A_1574 = arith.constant 11 : i32
        %add3A_1575 = arith.addi %add3A_1366, %add3A_1574 : i32
        %get3A_1576 = arith.index_cast %add3A_1575 : i32 to index
        %get3A_1577 = arith.constant 16 : index
        %get3A_1578 = tpu.vector_load %arg17[%get3A_1576, %get3A_1577] {strides = array<i32>} : memref<1024x32xf32, #tpu.memory_space<vmem>>, vector<16xf32>,
        %mul3A_1579 = arith.mulf %gather3A_1568, %get3A_1573 : vector<16xf32>
        %add3A_1580 = arith.addf %add3A_1562, %mul3A_1579 : vector<16xf32>
        %mul3A_1581 = arith.mulf %gather3A_1568, %get3A_1578 : vector<16xf32>
        %add3A_1582 = arith.addf %add3A_1564, %mul3A_1581 : vector<16xf32>
        %broadcast_in_dim3A_1583 = arith.constant 12 : i32
        %broadcast_in_dim3A_1584 = vector.broadcast %broadcast_in_dim3A_1583 : i32 to vector<16x1xi32>
        %gather3A_1585 = vector.shape_cast %broadcast_in_dim3A_1584 : vector<16x1xi32> to vector<16xi32>
        %gather3A_1586 = tpu.dynamic_gather %get3A_1361[%gather3A_1585] in [0] : vector<16xf32>, vector<16xi32> -> vector<16xf32>
        %add3A_1587 = arith.constant 12 : i32
        %add3A_1588 = arith.addi %add3A_1366, %add3A_1587 : i32
        %get3A_1589 = arith.index_cast %add3A_1588 : i32 to index
        %get3A_1590 = arith.constant 0 : index
        %get3A_1591 = tpu.vector_load %arg17[%get3A_1589, %get3A_1590] {strides = array<i32>} : memref<1024x32xf32, #tpu.memory_space<vmem>>, vector<16xf32>,
        %add3A_1592 = arith.constant 12 : i32
        %add3A_1593 = arith.addi %add3A_1366, %add3A_1592 : i32
        %get3A_1594 = arith.index_cast %add3A_1593 : i32 to index
        %get3A_1595 = arith.constant 16 : index
        %get3A_1596 = tpu.vector_load %arg17[%get3A_1594, %get3A_1595] {strides = array<i32>} : memref<1024x32xf32, #tpu.memory_space<vmem>>, vector<16xf32>,
        %mul3A_1597 = arith.mulf %gather3A_1586, %get3A_1591 : vector<16xf32>
        %add3A_1598 = arith.addf %add3A_1580, %mul3A_1597 : vector<16xf32>
        %mul3A_1599 = arith.mulf %gather3A_1586, %get3A_1596 : vector<16xf32>
        %add3A_1600 = arith.addf %add3A_1582, %mul3A_1599 : vector<16xf32>
        %broadcast_in_dim3A_1601 = arith.constant 13 : i32
        %broadcast_in_dim3A_1602 = vector.broadcast %broadcast_in_dim3A_1601 : i32 to vector<16x1xi32>
        %gather3A_1603 = vector.shape_cast %broadcast_in_dim3A_1602 : vector<16x1xi32> to vector<16xi32>
        %gather3A_1604 = tpu.dynamic_gather %get3A_1361[%gather3A_1603] in [0] : vector<16xf32>, vector<16xi32> -> vector<16xf32>
        %add3A_1605 = arith.constant 13 : i32
        %add3A_1606 = arith.addi %add3A_1366, %add3A_1605 : i32
        %get3A_1607 = arith.index_cast %add3A_1606 : i32 to index
        %get3A_1608 = arith.constant 0 : index
        %get3A_1609 = tpu.vector_load %arg17[%get3A_1607, %get3A_1608] {strides = array<i32>} : memref<1024x32xf32, #tpu.memory_space<vmem>>, vector<16xf32>,
        %add3A_1610 = arith.constant 13 : i32
        %add3A_1611 = arith.addi %add3A_1366, %add3A_1610 : i32
        %get3A_1612 = arith.index_cast %add3A_1611 : i32 to index
        %get3A_1613 = arith.constant 16 : index
        %get3A_1614 = tpu.vector_load %arg17[%get3A_1612, %get3A_1613] {strides = array<i32>} : memref<1024x32xf32, #tpu.memory_space<vmem>>, vector<16xf32>,
        %mul3A_1615 = arith.mulf %gather3A_1604, %get3A_1609 : vector<16xf32>
        %add3A_1616 = arith.addf %add3A_1598, %mul3A_1615 : vector<16xf32>
        %mul3A_1617 = arith.mulf %gather3A_1604, %get3A_1614 : vector<16xf32>
        %add3A_1618 = arith.addf %add3A_1600, %mul3A_1617 : vector<16xf32>
        %broadcast_in_dim3A_1619 = arith.constant 14 : i32
        %broadcast_in_dim3A_1620 = vector.broadcast %broadcast_in_dim3A_1619 : i32 to vector<16x1xi32>
        %gather3A_1621 = vector.shape_cast %broadcast_in_dim3A_1620 : vector<16x1xi32> to vector<16xi32>
        %gather3A_1622 = tpu.dynamic_gather %get3A_1361[%gather3A_1621] in [0] : vector<16xf32>, vector<16xi32> -> vector<16xf32>
        %add3A_1623 = arith.constant 14 : i32
        %add3A_1624 = arith.addi %add3A_1366, %add3A_1623 : i32
        %get3A_1625 = arith.index_cast %add3A_1624 : i32 to index
        %get3A_1626 = arith.constant 0 : index
        %get3A_1627 = tpu.vector_load %arg17[%get3A_1625, %get3A_1626] {strides = array<i32>} : memref<1024x32xf32, #tpu.memory_space<vmem>>, vector<16xf32>,
        %add3A_1628 = arith.constant 14 : i32
        %add3A_1629 = arith.addi %add3A_1366, %add3A_1628 : i32
        %get3A_1630 = arith.index_cast %add3A_1629 : i32 to index
        %get3A_1631 = arith.constant 16 : index
        %get3A_1632 = tpu.vector_load %arg17[%get3A_1630, %get3A_1631] {strides = array<i32>} : memref<1024x32xf32, #tpu.memory_space<vmem>>, vector<16xf32>,
        %mul3A_1633 = arith.mulf %gather3A_1622, %get3A_1627 : vector<16xf32>
        %add3A_1634 = arith.addf %add3A_1616, %mul3A_1633 : vector<16xf32>
        %mul3A_1635 = arith.mulf %gather3A_1622, %get3A_1632 : vector<16xf32>
        %add3A_1636 = arith.addf %add3A_1618, %mul3A_1635 : vector<16xf32>
        %broadcast_in_dim3A_1637 = arith.constant 15 : i32
        %broadcast_in_dim3A_1638 = vector.broadcast %broadcast_in_dim3A_1637 : i32 to vector<16x1xi32>
        %gather3A_1639 = vector.shape_cast %broadcast_in_dim3A_1638 : vector<16x1xi32> to vector<16xi32>
        %gather3A_1640 = tpu.dynamic_gather %get3A_1361[%gather3A_1639] in [0] : vector<16xf32>, vector<16xi32> -> vector<16xf32>
        %add3A_1641 = arith.constant 15 : i32
        %add3A_1642 = arith.addi %add3A_1366, %add3A_1641 : i32
        %get3A_1643 = arith.index_cast %add3A_1642 : i32 to index
        %get3A_1644 = arith.constant 0 : index
        %get3A_1645 = tpu.vector_load %arg17[%get3A_1643, %get3A_1644] {strides = array<i32>} : memref<1024x32xf32, #tpu.memory_space<vmem>>, vector<16xf32>,
        %add3A_1646 = arith.constant 15 : i32
        %add3A_1647 = arith.addi %add3A_1366, %add3A_1646 : i32
        %get3A_1648 = arith.index_cast %add3A_1647 : i32 to index
        %get3A_1649 = arith.constant 16 : index
        %get3A_1650 = tpu.vector_load %arg17[%get3A_1648, %get3A_1649] {strides = array<i32>} : memref<1024x32xf32, #tpu.memory_space<vmem>>, vector<16xf32>,
        %mul3A_1651 = arith.mulf %gather3A_1640, %get3A_1645 : vector<16xf32>
        %add3A_1652 = arith.addf %add3A_1634, %mul3A_1651 : vector<16xf32>
        %mul3A_1653 = arith.mulf %gather3A_1640, %get3A_1650 : vector<16xf32>
        %add3A_1654 = arith.addf %add3A_1636, %mul3A_1653 : vector<16xf32>
        %add3A_1655 = arith.constant 4 : i32
        %add3A_1656 = arith.addi %add3A_1655, %shift_right_arithmetic3A_1057 : i32
        %get3A_1657 = arith.index_cast %add3A_1656 : i32 to index
        %get3A_1658 = arith.index_cast %mul3A_1056 : i32 to index
        %get3A_1659 = tpu.vector_load %arg15[%get3A_1657, %get3A_1658] {strides = array<i32>} : memref<8x128xf32, #tpu.memory_space<vmem>>, vector<16xf32>,
        %add3A_1660 = arith.constant 4 : i32
        %add3A_1661 = arith.addi %add3A_1660, %shift_right_arithmetic3A_1057 : i32
        %mul3A_1662 = arith.constant 128 : i32
        %mul3A_1663 = arith.muli %add3A_1661, %mul3A_1662 : i32
        %add3A_1664 = arith.addi %mul3A_1663, %mul3A_1056 : i32
        %broadcast_in_dim3A_1665 = arith.constant 0 : i32
        %broadcast_in_dim3A_1666 = vector.broadcast %broadcast_in_dim3A_1665 : i32 to vector<16x1xi32>
        %gather3A_1667 = vector.shape_cast %broadcast_in_dim3A_1666 : vector<16x1xi32> to vector<16xi32>
        %gather3A_1668 = tpu.dynamic_gather %get3A_1659[%gather3A_1667] in [0] : vector<16xf32>, vector<16xi32> -> vector<16xf32>
        %add3A_1669 = arith.constant 0 : i32
        %add3A_1670 = arith.addi %add3A_1664, %add3A_1669 : i32
        %get3A_1671 = arith.index_cast %add3A_1670 : i32 to index
        %get3A_1672 = arith.constant 0 : index
        %get3A_1673 = tpu.vector_load %arg17[%get3A_1671, %get3A_1672] {strides = array<i32>} : memref<1024x32xf32, #tpu.memory_space<vmem>>, vector<16xf32>,
        %add3A_1674 = arith.constant 0 : i32
        %add3A_1675 = arith.addi %add3A_1664, %add3A_1674 : i32
        %get3A_1676 = arith.index_cast %add3A_1675 : i32 to index
        %get3A_1677 = arith.constant 16 : index
        %get3A_1678 = tpu.vector_load %arg17[%get3A_1676, %get3A_1677] {strides = array<i32>} : memref<1024x32xf32, #tpu.memory_space<vmem>>, vector<16xf32>,
        %mul3A_1679 = arith.mulf %gather3A_1668, %get3A_1673 : vector<16xf32>
        %add3A_1680 = arith.addf %add3A_1652, %mul3A_1679 : vector<16xf32>
        %mul3A_1681 = arith.mulf %gather3A_1668, %get3A_1678 : vector<16xf32>
        %add3A_1682 = arith.addf %add3A_1654, %mul3A_1681 : vector<16xf32>
        %broadcast_in_dim3A_1683 = arith.constant 1 : i32
        %broadcast_in_dim3A_1684 = vector.broadcast %broadcast_in_dim3A_1683 : i32 to vector<16x1xi32>
        %gather3A_1685 = vector.shape_cast %broadcast_in_dim3A_1684 : vector<16x1xi32> to vector<16xi32>
        %gather3A_1686 = tpu.dynamic_gather %get3A_1659[%gather3A_1685] in [0] : vector<16xf32>, vector<16xi32> -> vector<16xf32>
        %add3A_1687 = arith.constant 1 : i32
        %add3A_1688 = arith.addi %add3A_1664, %add3A_1687 : i32
        %get3A_1689 = arith.index_cast %add3A_1688 : i32 to index
        %get3A_1690 = arith.constant 0 : index
        %get3A_1691 = tpu.vector_load %arg17[%get3A_1689, %get3A_1690] {strides = array<i32>} : memref<1024x32xf32, #tpu.memory_space<vmem>>, vector<16xf32>,
        %add3A_1692 = arith.constant 1 : i32
        %add3A_1693 = arith.addi %add3A_1664, %add3A_1692 : i32
        %get3A_1694 = arith.index_cast %add3A_1693 : i32 to index
        %get3A_1695 = arith.constant 16 : index
        %get3A_1696 = tpu.vector_load %arg17[%get3A_1694, %get3A_1695] {strides = array<i32>} : memref<1024x32xf32, #tpu.memory_space<vmem>>, vector<16xf32>,
        %mul3A_1697 = arith.mulf %gather3A_1686, %get3A_1691 : vector<16xf32>
        %add3A_1698 = arith.addf %add3A_1680, %mul3A_1697 : vector<16xf32>
        %mul3A_1699 = arith.mulf %gather3A_1686, %get3A_1696 : vector<16xf32>
        %add3A_1700 = arith.addf %add3A_1682, %mul3A_1699 : vector<16xf32>
        %broadcast_in_dim3A_1701 = arith.constant 2 : i32
        %broadcast_in_dim3A_1702 = vector.broadcast %broadcast_in_dim3A_1701 : i32 to vector<16x1xi32>
        %gather3A_1703 = vector.shape_cast %broadcast_in_dim3A_1702 : vector<16x1xi32> to vector<16xi32>
        %gather3A_1704 = tpu.dynamic_gather %get3A_1659[%gather3A_1703] in [0] : vector<16xf32>, vector<16xi32> -> vector<16xf32>
        %add3A_1705 = arith.constant 2 : i32
        %add3A_1706 = arith.addi %add3A_1664, %add3A_1705 : i32
        %get3A_1707 = arith.index_cast %add3A_1706 : i32 to index
        %get3A_1708 = arith.constant 0 : index
        %get3A_1709 = tpu.vector_load %arg17[%get3A_1707, %get3A_1708] {strides = array<i32>} : memref<1024x32xf32, #tpu.memory_space<vmem>>, vector<16xf32>,
        %add3A_1710 = arith.constant 2 : i32
        %add3A_1711 = arith.addi %add3A_1664, %add3A_1710 : i32
        %get3A_1712 = arith.index_cast %add3A_1711 : i32 to index
        %get3A_1713 = arith.constant 16 : index
        %get3A_1714 = tpu.vector_load %arg17[%get3A_1712, %get3A_1713] {strides = array<i32>} : memref<1024x32xf32, #tpu.memory_space<vmem>>, vector<16xf32>,
        %mul3A_1715 = arith.mulf %gather3A_1704, %get3A_1709 : vector<16xf32>
        %add3A_1716 = arith.addf %add3A_1698, %mul3A_1715 : vector<16xf32>
        %mul3A_1717 = arith.mulf %gather3A_1704, %get3A_1714 : vector<16xf32>
        %add3A_1718 = arith.addf %add3A_1700, %mul3A_1717 : vector<16xf32>
        %broadcast_in_dim3A_1719 = arith.constant 3 : i32
        %broadcast_in_dim3A_1720 = vector.broadcast %broadcast_in_dim3A_1719 : i32 to vector<16x1xi32>
        %gather3A_1721 = vector.shape_cast %broadcast_in_dim3A_1720 : vector<16x1xi32> to vector<16xi32>
        %gather3A_1722 = tpu.dynamic_gather %get3A_1659[%gather3A_1721] in [0] : vector<16xf32>, vector<16xi32> -> vector<16xf32>
        %add3A_1723 = arith.constant 3 : i32
        %add3A_1724 = arith.addi %add3A_1664, %add3A_1723 : i32
        %get3A_1725 = arith.index_cast %add3A_1724 : i32 to index
        %get3A_1726 = arith.constant 0 : index
        %get3A_1727 = tpu.vector_load %arg17[%get3A_1725, %get3A_1726] {strides = array<i32>} : memref<1024x32xf32, #tpu.memory_space<vmem>>, vector<16xf32>,
        %add3A_1728 = arith.constant 3 : i32
        %add3A_1729 = arith.addi %add3A_1664, %add3A_1728 : i32
        %get3A_1730 = arith.index_cast %add3A_1729 : i32 to index
        %get3A_1731 = arith.constant 16 : index
        %get3A_1732 = tpu.vector_load %arg17[%get3A_1730, %get3A_1731] {strides = array<i32>} : memref<1024x32xf32, #tpu.memory_space<vmem>>, vector<16xf32>,
        %mul3A_1733 = arith.mulf %gather3A_1722, %get3A_1727 : vector<16xf32>
        %add3A_1734 = arith.addf %add3A_1716, %mul3A_1733 : vector<16xf32>
        %mul3A_1735 = arith.mulf %gather3A_1722, %get3A_1732 : vector<16xf32>
        %add3A_1736 = arith.addf %add3A_1718, %mul3A_1735 : vector<16xf32>
        %broadcast_in_dim3A_1737 = arith.constant 4 : i32
        %broadcast_in_dim3A_1738 = vector.broadcast %broadcast_in_dim3A_1737 : i32 to vector<16x1xi32>
        %gather3A_1739 = vector.shape_cast %broadcast_in_dim3A_1738 : vector<16x1xi32> to vector<16xi32>
        %gather3A_1740 = tpu.dynamic_gather %get3A_1659[%gather3A_1739] in [0] : vector<16xf32>, vector<16xi32> -> vector<16xf32>
        %add3A_1741 = arith.constant 4 : i32
        %add3A_1742 = arith.addi %add3A_1664, %add3A_1741 : i32
        %get3A_1743 = arith.index_cast %add3A_1742 : i32 to index
        %get3A_1744 = arith.constant 0 : index
        %get3A_1745 = tpu.vector_load %arg17[%get3A_1743, %get3A_1744] {strides = array<i32>} : memref<1024x32xf32, #tpu.memory_space<vmem>>, vector<16xf32>,
        %add3A_1746 = arith.constant 4 : i32
        %add3A_1747 = arith.addi %add3A_1664, %add3A_1746 : i32
        %get3A_1748 = arith.index_cast %add3A_1747 : i32 to index
        %get3A_1749 = arith.constant 16 : index
        %get3A_1750 = tpu.vector_load %arg17[%get3A_1748, %get3A_1749] {strides = array<i32>} : memref<1024x32xf32, #tpu.memory_space<vmem>>, vector<16xf32>,
        %mul3A_1751 = arith.mulf %gather3A_1740, %get3A_1745 : vector<16xf32>
        %add3A_1752 = arith.addf %add3A_1734, %mul3A_1751 : vector<16xf32>
        %mul3A_1753 = arith.mulf %gather3A_1740, %get3A_1750 : vector<16xf32>
        %add3A_1754 = arith.addf %add3A_1736, %mul3A_1753 : vector<16xf32>
        %broadcast_in_dim3A_1755 = arith.constant 5 : i32
        %broadcast_in_dim3A_1756 = vector.broadcast %broadcast_in_dim3A_1755 : i32 to vector<16x1xi32>
        %gather3A_1757 = vector.shape_cast %broadcast_in_dim3A_1756 : vector<16x1xi32> to vector<16xi32>
        %gather3A_1758 = tpu.dynamic_gather %get3A_1659[%gather3A_1757] in [0] : vector<16xf32>, vector<16xi32> -> vector<16xf32>
        %add3A_1759 = arith.constant 5 : i32
        %add3A_1760 = arith.addi %add3A_1664, %add3A_1759 : i32
        %get3A_1761 = arith.index_cast %add3A_1760 : i32 to index
        %get3A_1762 = arith.constant 0 : index
        %get3A_1763 = tpu.vector_load %arg17[%get3A_1761, %get3A_1762] {strides = array<i32>} : memref<1024x32xf32, #tpu.memory_space<vmem>>, vector<16xf32>,
        %add3A_1764 = arith.constant 5 : i32
        %add3A_1765 = arith.addi %add3A_1664, %add3A_1764 : i32
        %get3A_1766 = arith.index_cast %add3A_1765 : i32 to index
        %get3A_1767 = arith.constant 16 : index
        %get3A_1768 = tpu.vector_load %arg17[%get3A_1766, %get3A_1767] {strides = array<i32>} : memref<1024x32xf32, #tpu.memory_space<vmem>>, vector<16xf32>,
        %mul3A_1769 = arith.mulf %gather3A_1758, %get3A_1763 : vector<16xf32>
        %add3A_1770 = arith.addf %add3A_1752, %mul3A_1769 : vector<16xf32>
        %mul3A_1771 = arith.mulf %gather3A_1758, %get3A_1768 : vector<16xf32>
        %add3A_1772 = arith.addf %add3A_1754, %mul3A_1771 : vector<16xf32>
        %broadcast_in_dim3A_1773 = arith.constant 6 : i32
        %broadcast_in_dim3A_1774 = vector.broadcast %broadcast_in_dim3A_1773 : i32 to vector<16x1xi32>
        %gather3A_1775 = vector.shape_cast %broadcast_in_dim3A_1774 : vector<16x1xi32> to vector<16xi32>
        %gather3A_1776 = tpu.dynamic_gather %get3A_1659[%gather3A_1775] in [0] : vector<16xf32>, vector<16xi32> -> vector<16xf32>
        %add3A_1777 = arith.constant 6 : i32
        %add3A_1778 = arith.addi %add3A_1664, %add3A_1777 : i32
        %get3A_1779 = arith.index_cast %add3A_1778 : i32 to index
        %get3A_1780 = arith.constant 0 : index
        %get3A_1781 = tpu.vector_load %arg17[%get3A_1779, %get3A_1780] {strides = array<i32>} : memref<1024x32xf32, #tpu.memory_space<vmem>>, vector<16xf32>,
        %add3A_1782 = arith.constant 6 : i32
        %add3A_1783 = arith.addi %add3A_1664, %add3A_1782 : i32
        %get3A_1784 = arith.index_cast %add3A_1783 : i32 to index
        %get3A_1785 = arith.constant 16 : index
        %get3A_1786 = tpu.vector_load %arg17[%get3A_1784, %get3A_1785] {strides = array<i32>} : memref<1024x32xf32, #tpu.memory_space<vmem>>, vector<16xf32>,
        %mul3A_1787 = arith.mulf %gather3A_1776, %get3A_1781 : vector<16xf32>
        %add3A_1788 = arith.addf %add3A_1770, %mul3A_1787 : vector<16xf32>
        %mul3A_1789 = arith.mulf %gather3A_1776, %get3A_1786 : vector<16xf32>
        %add3A_1790 = arith.addf %add3A_1772, %mul3A_1789 : vector<16xf32>
        %broadcast_in_dim3A_1791 = arith.constant 7 : i32
        %broadcast_in_dim3A_1792 = vector.broadcast %broadcast_in_dim3A_1791 : i32 to vector<16x1xi32>
        %gather3A_1793 = vector.shape_cast %broadcast_in_dim3A_1792 : vector<16x1xi32> to vector<16xi32>
        %gather3A_1794 = tpu.dynamic_gather %get3A_1659[%gather3A_1793] in [0] : vector<16xf32>, vector<16xi32> -> vector<16xf32>
        %add3A_1795 = arith.constant 7 : i32
        %add3A_1796 = arith.addi %add3A_1664, %add3A_1795 : i32
        %get3A_1797 = arith.index_cast %add3A_1796 : i32 to index
        %get3A_1798 = arith.constant 0 : index
        %get3A_1799 = tpu.vector_load %arg17[%get3A_1797, %get3A_1798] {strides = array<i32>} : memref<1024x32xf32, #tpu.memory_space<vmem>>, vector<16xf32>,
        %add3A_1800 = arith.constant 7 : i32
        %add3A_1801 = arith.addi %add3A_1664, %add3A_1800 : i32
        %get3A_1802 = arith.index_cast %add3A_1801 : i32 to index
        %get3A_1803 = arith.constant 16 : index
        %get3A_1804 = tpu.vector_load %arg17[%get3A_1802, %get3A_1803] {strides = array<i32>} : memref<1024x32xf32, #tpu.memory_space<vmem>>, vector<16xf32>,
        %mul3A_1805 = arith.mulf %gather3A_1794, %get3A_1799 : vector<16xf32>
        %add3A_1806 = arith.addf %add3A_1788, %mul3A_1805 : vector<16xf32>
        %mul3A_1807 = arith.mulf %gather3A_1794, %get3A_1804 : vector<16xf32>
        %add3A_1808 = arith.addf %add3A_1790, %mul3A_1807 : vector<16xf32>
        %broadcast_in_dim3A_1809 = arith.constant 8 : i32
        %broadcast_in_dim3A_1810 = vector.broadcast %broadcast_in_dim3A_1809 : i32 to vector<16x1xi32>
        %gather3A_1811 = vector.shape_cast %broadcast_in_dim3A_1810 : vector<16x1xi32> to vector<16xi32>
        %gather3A_1812 = tpu.dynamic_gather %get3A_1659[%gather3A_1811] in [0] : vector<16xf32>, vector<16xi32> -> vector<16xf32>
        %add3A_1813 = arith.constant 8 : i32
        %add3A_1814 = arith.addi %add3A_1664, %add3A_1813 : i32
        %get3A_1815 = arith.index_cast %add3A_1814 : i32 to index
        %get3A_1816 = arith.constant 0 : index
        %get3A_1817 = tpu.vector_load %arg17[%get3A_1815, %get3A_1816] {strides = array<i32>} : memref<1024x32xf32, #tpu.memory_space<vmem>>, vector<16xf32>,
        %add3A_1818 = arith.constant 8 : i32
        %add3A_1819 = arith.addi %add3A_1664, %add3A_1818 : i32
        %get3A_1820 = arith.index_cast %add3A_1819 : i32 to index
        %get3A_1821 = arith.constant 16 : index
        %get3A_1822 = tpu.vector_load %arg17[%get3A_1820, %get3A_1821] {strides = array<i32>} : memref<1024x32xf32, #tpu.memory_space<vmem>>, vector<16xf32>,
        %mul3A_1823 = arith.mulf %gather3A_1812, %get3A_1817 : vector<16xf32>
        %add3A_1824 = arith.addf %add3A_1806, %mul3A_1823 : vector<16xf32>
        %mul3A_1825 = arith.mulf %gather3A_1812, %get3A_1822 : vector<16xf32>
        %add3A_1826 = arith.addf %add3A_1808, %mul3A_1825 : vector<16xf32>
        %broadcast_in_dim3A_1827 = arith.constant 9 : i32
        %broadcast_in_dim3A_1828 = vector.broadcast %broadcast_in_dim3A_1827 : i32 to vector<16x1xi32>
        %gather3A_1829 = vector.shape_cast %broadcast_in_dim3A_1828 : vector<16x1xi32> to vector<16xi32>
        %gather3A_1830 = tpu.dynamic_gather %get3A_1659[%gather3A_1829] in [0] : vector<16xf32>, vector<16xi32> -> vector<16xf32>
        %add3A_1831 = arith.constant 9 : i32
        %add3A_1832 = arith.addi %add3A_1664, %add3A_1831 : i32
        %get3A_1833 = arith.index_cast %add3A_1832 : i32 to index
        %get3A_1834 = arith.constant 0 : index
        %get3A_1835 = tpu.vector_load %arg17[%get3A_1833, %get3A_1834] {strides = array<i32>} : memref<1024x32xf32, #tpu.memory_space<vmem>>, vector<16xf32>,
        %add3A_1836 = arith.constant 9 : i32
        %add3A_1837 = arith.addi %add3A_1664, %add3A_1836 : i32
        %get3A_1838 = arith.index_cast %add3A_1837 : i32 to index
        %get3A_1839 = arith.constant 16 : index
        %get3A_1840 = tpu.vector_load %arg17[%get3A_1838, %get3A_1839] {strides = array<i32>} : memref<1024x32xf32, #tpu.memory_space<vmem>>, vector<16xf32>,
        %mul3A_1841 = arith.mulf %gather3A_1830, %get3A_1835 : vector<16xf32>
        %add3A_1842 = arith.addf %add3A_1824, %mul3A_1841 : vector<16xf32>
        %mul3A_1843 = arith.mulf %gather3A_1830, %get3A_1840 : vector<16xf32>
        %add3A_1844 = arith.addf %add3A_1826, %mul3A_1843 : vector<16xf32>
        %broadcast_in_dim3A_1845 = arith.constant 10 : i32
        %broadcast_in_dim3A_1846 = vector.broadcast %broadcast_in_dim3A_1845 : i32 to vector<16x1xi32>
        %gather3A_1847 = vector.shape_cast %broadcast_in_dim3A_1846 : vector<16x1xi32> to vector<16xi32>
        %gather3A_1848 = tpu.dynamic_gather %get3A_1659[%gather3A_1847] in [0] : vector<16xf32>, vector<16xi32> -> vector<16xf32>
        %add3A_1849 = arith.constant 10 : i32
        %add3A_1850 = arith.addi %add3A_1664, %add3A_1849 : i32
        %get3A_1851 = arith.index_cast %add3A_1850 : i32 to index
        %get3A_1852 = arith.constant 0 : index
        %get3A_1853 = tpu.vector_load %arg17[%get3A_1851, %get3A_1852] {strides = array<i32>} : memref<1024x32xf32, #tpu.memory_space<vmem>>, vector<16xf32>,
        %add3A_1854 = arith.constant 10 : i32
        %add3A_1855 = arith.addi %add3A_1664, %add3A_1854 : i32
        %get3A_1856 = arith.index_cast %add3A_1855 : i32 to index
        %get3A_1857 = arith.constant 16 : index
        %get3A_1858 = tpu.vector_load %arg17[%get3A_1856, %get3A_1857] {strides = array<i32>} : memref<1024x32xf32, #tpu.memory_space<vmem>>, vector<16xf32>,
        %mul3A_1859 = arith.mulf %gather3A_1848, %get3A_1853 : vector<16xf32>
        %add3A_1860 = arith.addf %add3A_1842, %mul3A_1859 : vector<16xf32>
        %mul3A_1861 = arith.mulf %gather3A_1848, %get3A_1858 : vector<16xf32>
        %add3A_1862 = arith.addf %add3A_1844, %mul3A_1861 : vector<16xf32>
        %broadcast_in_dim3A_1863 = arith.constant 11 : i32
        %broadcast_in_dim3A_1864 = vector.broadcast %broadcast_in_dim3A_1863 : i32 to vector<16x1xi32>
        %gather3A_1865 = vector.shape_cast %broadcast_in_dim3A_1864 : vector<16x1xi32> to vector<16xi32>
        %gather3A_1866 = tpu.dynamic_gather %get3A_1659[%gather3A_1865] in [0] : vector<16xf32>, vector<16xi32> -> vector<16xf32>
        %add3A_1867 = arith.constant 11 : i32
        %add3A_1868 = arith.addi %add3A_1664, %add3A_1867 : i32
        %get3A_1869 = arith.index_cast %add3A_1868 : i32 to index
        %get3A_1870 = arith.constant 0 : index
        %get3A_1871 = tpu.vector_load %arg17[%get3A_1869, %get3A_1870] {strides = array<i32>} : memref<1024x32xf32, #tpu.memory_space<vmem>>, vector<16xf32>,
        %add3A_1872 = arith.constant 11 : i32
        %add3A_1873 = arith.addi %add3A_1664, %add3A_1872 : i32
        %get3A_1874 = arith.index_cast %add3A_1873 : i32 to index
        %get3A_1875 = arith.constant 16 : index
        %get3A_1876 = tpu.vector_load %arg17[%get3A_1874, %get3A_1875] {strides = array<i32>} : memref<1024x32xf32, #tpu.memory_space<vmem>>, vector<16xf32>,
        %mul3A_1877 = arith.mulf %gather3A_1866, %get3A_1871 : vector<16xf32>
        %add3A_1878 = arith.addf %add3A_1860, %mul3A_1877 : vector<16xf32>
        %mul3A_1879 = arith.mulf %gather3A_1866, %get3A_1876 : vector<16xf32>
        %add3A_1880 = arith.addf %add3A_1862, %mul3A_1879 : vector<16xf32>
        %broadcast_in_dim3A_1881 = arith.constant 12 : i32
        %broadcast_in_dim3A_1882 = vector.broadcast %broadcast_in_dim3A_1881 : i32 to vector<16x1xi32>
        %gather3A_1883 = vector.shape_cast %broadcast_in_dim3A_1882 : vector<16x1xi32> to vector<16xi32>
        %gather3A_1884 = tpu.dynamic_gather %get3A_1659[%gather3A_1883] in [0] : vector<16xf32>, vector<16xi32> -> vector<16xf32>
        %add3A_1885 = arith.constant 12 : i32
        %add3A_1886 = arith.addi %add3A_1664, %add3A_1885 : i32
        %get3A_1887 = arith.index_cast %add3A_1886 : i32 to index
        %get3A_1888 = arith.constant 0 : index
        %get3A_1889 = tpu.vector_load %arg17[%get3A_1887, %get3A_1888] {strides = array<i32>} : memref<1024x32xf32, #tpu.memory_space<vmem>>, vector<16xf32>,
        %add3A_1890 = arith.constant 12 : i32
        %add3A_1891 = arith.addi %add3A_1664, %add3A_1890 : i32
        %get3A_1892 = arith.index_cast %add3A_1891 : i32 to index
        %get3A_1893 = arith.constant 16 : index
        %get3A_1894 = tpu.vector_load %arg17[%get3A_1892, %get3A_1893] {strides = array<i32>} : memref<1024x32xf32, #tpu.memory_space<vmem>>, vector<16xf32>,
        %mul3A_1895 = arith.mulf %gather3A_1884, %get3A_1889 : vector<16xf32>
        %add3A_1896 = arith.addf %add3A_1878, %mul3A_1895 : vector<16xf32>
        %mul3A_1897 = arith.mulf %gather3A_1884, %get3A_1894 : vector<16xf32>
        %add3A_1898 = arith.addf %add3A_1880, %mul3A_1897 : vector<16xf32>
        %broadcast_in_dim3A_1899 = arith.constant 13 : i32
        %broadcast_in_dim3A_1900 = vector.broadcast %broadcast_in_dim3A_1899 : i32 to vector<16x1xi32>
        %gather3A_1901 = vector.shape_cast %broadcast_in_dim3A_1900 : vector<16x1xi32> to vector<16xi32>
        %gather3A_1902 = tpu.dynamic_gather %get3A_1659[%gather3A_1901] in [0] : vector<16xf32>, vector<16xi32> -> vector<16xf32>
        %add3A_1903 = arith.constant 13 : i32
        %add3A_1904 = arith.addi %add3A_1664, %add3A_1903 : i32
        %get3A_1905 = arith.index_cast %add3A_1904 : i32 to index
        %get3A_1906 = arith.constant 0 : index
        %get3A_1907 = tpu.vector_load %arg17[%get3A_1905, %get3A_1906] {strides = array<i32>} : memref<1024x32xf32, #tpu.memory_space<vmem>>, vector<16xf32>,
        %add3A_1908 = arith.constant 13 : i32
        %add3A_1909 = arith.addi %add3A_1664, %add3A_1908 : i32
        %get3A_1910 = arith.index_cast %add3A_1909 : i32 to index
        %get3A_1911 = arith.constant 16 : index
        %get3A_1912 = tpu.vector_load %arg17[%get3A_1910, %get3A_1911] {strides = array<i32>} : memref<1024x32xf32, #tpu.memory_space<vmem>>, vector<16xf32>,
        %mul3A_1913 = arith.mulf %gather3A_1902, %get3A_1907 : vector<16xf32>
        %add3A_1914 = arith.addf %add3A_1896, %mul3A_1913 : vector<16xf32>
        %mul3A_1915 = arith.mulf %gather3A_1902, %get3A_1912 : vector<16xf32>
        %add3A_1916 = arith.addf %add3A_1898, %mul3A_1915 : vector<16xf32>
        %broadcast_in_dim3A_1917 = arith.constant 14 : i32
        %broadcast_in_dim3A_1918 = vector.broadcast %broadcast_in_dim3A_1917 : i32 to vector<16x1xi32>
        %gather3A_1919 = vector.shape_cast %broadcast_in_dim3A_1918 : vector<16x1xi32> to vector<16xi32>
        %gather3A_1920 = tpu.dynamic_gather %get3A_1659[%gather3A_1919] in [0] : vector<16xf32>, vector<16xi32> -> vector<16xf32>
        %add3A_1921 = arith.constant 14 : i32
        %add3A_1922 = arith.addi %add3A_1664, %add3A_1921 : i32
        %get3A_1923 = arith.index_cast %add3A_1922 : i32 to index
        %get3A_1924 = arith.constant 0 : index
        %get3A_1925 = tpu.vector_load %arg17[%get3A_1923, %get3A_1924] {strides = array<i32>} : memref<1024x32xf32, #tpu.memory_space<vmem>>, vector<16xf32>,
        %add3A_1926 = arith.constant 14 : i32
        %add3A_1927 = arith.addi %add3A_1664, %add3A_1926 : i32
        %get3A_1928 = arith.index_cast %add3A_1927 : i32 to index
        %get3A_1929 = arith.constant 16 : index
        %get3A_1930 = tpu.vector_load %arg17[%get3A_1928, %get3A_1929] {strides = array<i32>} : memref<1024x32xf32, #tpu.memory_space<vmem>>, vector<16xf32>,
        %mul3A_1931 = arith.mulf %gather3A_1920, %get3A_1925 : vector<16xf32>
        %add3A_1932 = arith.addf %add3A_1914, %mul3A_1931 : vector<16xf32>
        %mul3A_1933 = arith.mulf %gather3A_1920, %get3A_1930 : vector<16xf32>
        %add3A_1934 = arith.addf %add3A_1916, %mul3A_1933 : vector<16xf32>
        %broadcast_in_dim3A_1935 = arith.constant 15 : i32
        %broadcast_in_dim3A_1936 = vector.broadcast %broadcast_in_dim3A_1935 : i32 to vector<16x1xi32>
        %gather3A_1937 = vector.shape_cast %broadcast_in_dim3A_1936 : vector<16x1xi32> to vector<16xi32>
        %gather3A_1938 = tpu.dynamic_gather %get3A_1659[%gather3A_1937] in [0] : vector<16xf32>, vector<16xi32> -> vector<16xf32>
        %add3A_1939 = arith.constant 15 : i32
        %add3A_1940 = arith.addi %add3A_1664, %add3A_1939 : i32
        %get3A_1941 = arith.index_cast %add3A_1940 : i32 to index
        %get3A_1942 = arith.constant 0 : index
        %get3A_1943 = tpu.vector_load %arg17[%get3A_1941, %get3A_1942] {strides = array<i32>} : memref<1024x32xf32, #tpu.memory_space<vmem>>, vector<16xf32>,
        %add3A_1944 = arith.constant 15 : i32
        %add3A_1945 = arith.addi %add3A_1664, %add3A_1944 : i32
        %get3A_1946 = arith.index_cast %add3A_1945 : i32 to index
        %get3A_1947 = arith.constant 16 : index
        %get3A_1948 = tpu.vector_load %arg17[%get3A_1946, %get3A_1947] {strides = array<i32>} : memref<1024x32xf32, #tpu.memory_space<vmem>>, vector<16xf32>,
        %mul3A_1949 = arith.mulf %gather3A_1938, %get3A_1943 : vector<16xf32>
        %add3A_1950 = arith.addf %add3A_1932, %mul3A_1949 : vector<16xf32>
        %mul3A_1951 = arith.mulf %gather3A_1938, %get3A_1948 : vector<16xf32>
        %add3A_1952 = arith.addf %add3A_1934, %mul3A_1951 : vector<16xf32>
        %add3A_1953 = arith.constant 6 : i32
        %add3A_1954 = arith.addi %add3A_1953, %shift_right_arithmetic3A_1057 : i32
        %get3A_1955 = arith.index_cast %add3A_1954 : i32 to index
        %get3A_1956 = arith.index_cast %mul3A_1056 : i32 to index
        %get3A_1957 = tpu.vector_load %arg15[%get3A_1955, %get3A_1956] {strides = array<i32>} : memref<8x128xf32, #tpu.memory_space<vmem>>, vector<16xf32>,
        %add3A_1958 = arith.constant 6 : i32
        %add3A_1959 = arith.addi %add3A_1958, %shift_right_arithmetic3A_1057 : i32
        %mul3A_1960 = arith.constant 128 : i32
        %mul3A_1961 = arith.muli %add3A_1959, %mul3A_1960 : i32
        %add3A_1962 = arith.addi %mul3A_1961, %mul3A_1056 : i32
        %broadcast_in_dim3A_1963 = arith.constant 0 : i32
        %broadcast_in_dim3A_1964 = vector.broadcast %broadcast_in_dim3A_1963 : i32 to vector<16x1xi32>
        %gather3A_1965 = vector.shape_cast %broadcast_in_dim3A_1964 : vector<16x1xi32> to vector<16xi32>
        %gather3A_1966 = tpu.dynamic_gather %get3A_1957[%gather3A_1965] in [0] : vector<16xf32>, vector<16xi32> -> vector<16xf32>
        %add3A_1967 = arith.constant 0 : i32
        %add3A_1968 = arith.addi %add3A_1962, %add3A_1967 : i32
        %get3A_1969 = arith.index_cast %add3A_1968 : i32 to index
        %get3A_1970 = arith.constant 0 : index
        %get3A_1971 = tpu.vector_load %arg17[%get3A_1969, %get3A_1970] {strides = array<i32>} : memref<1024x32xf32, #tpu.memory_space<vmem>>, vector<16xf32>,
        %add3A_1972 = arith.constant 0 : i32
        %add3A_1973 = arith.addi %add3A_1962, %add3A_1972 : i32
        %get3A_1974 = arith.index_cast %add3A_1973 : i32 to index
        %get3A_1975 = arith.constant 16 : index
        %get3A_1976 = tpu.vector_load %arg17[%get3A_1974, %get3A_1975] {strides = array<i32>} : memref<1024x32xf32, #tpu.memory_space<vmem>>, vector<16xf32>,
        %mul3A_1977 = arith.mulf %gather3A_1966, %get3A_1971 : vector<16xf32>
        %add3A_1978 = arith.addf %add3A_1950, %mul3A_1977 : vector<16xf32>
        %mul3A_1979 = arith.mulf %gather3A_1966, %get3A_1976 : vector<16xf32>
        %add3A_1980 = arith.addf %add3A_1952, %mul3A_1979 : vector<16xf32>
        %broadcast_in_dim3A_1981 = arith.constant 1 : i32
        %broadcast_in_dim3A_1982 = vector.broadcast %broadcast_in_dim3A_1981 : i32 to vector<16x1xi32>
        %gather3A_1983 = vector.shape_cast %broadcast_in_dim3A_1982 : vector<16x1xi32> to vector<16xi32>
        %gather3A_1984 = tpu.dynamic_gather %get3A_1957[%gather3A_1983] in [0] : vector<16xf32>, vector<16xi32> -> vector<16xf32>
        %add3A_1985 = arith.constant 1 : i32
        %add3A_1986 = arith.addi %add3A_1962, %add3A_1985 : i32
        %get3A_1987 = arith.index_cast %add3A_1986 : i32 to index
        %get3A_1988 = arith.constant 0 : index
        %get3A_1989 = tpu.vector_load %arg17[%get3A_1987, %get3A_1988] {strides = array<i32>} : memref<1024x32xf32, #tpu.memory_space<vmem>>, vector<16xf32>,
        %add3A_1990 = arith.constant 1 : i32
        %add3A_1991 = arith.addi %add3A_1962, %add3A_1990 : i32
        %get3A_1992 = arith.index_cast %add3A_1991 : i32 to index
        %get3A_1993 = arith.constant 16 : index
        %get3A_1994 = tpu.vector_load %arg17[%get3A_1992, %get3A_1993] {strides = array<i32>} : memref<1024x32xf32, #tpu.memory_space<vmem>>, vector<16xf32>,
        %mul3A_1995 = arith.mulf %gather3A_1984, %get3A_1989 : vector<16xf32>
        %add3A_1996 = arith.addf %add3A_1978, %mul3A_1995 : vector<16xf32>
        %mul3A_1997 = arith.mulf %gather3A_1984, %get3A_1994 : vector<16xf32>
        %add3A_1998 = arith.addf %add3A_1980, %mul3A_1997 : vector<16xf32>
        %broadcast_in_dim3A_1999 = arith.constant 2 : i32
        %broadcast_in_dim3A_2000 = vector.broadcast %broadcast_in_dim3A_1999 : i32 to vector<16x1xi32>
        %gather3A_2001 = vector.shape_cast %broadcast_in_dim3A_2000 : vector<16x1xi32> to vector<16xi32>
        %gather3A_2002 = tpu.dynamic_gather %get3A_1957[%gather3A_2001] in [0] : vector<16xf32>, vector<16xi32> -> vector<16xf32>
        %add3A_2003 = arith.constant 2 : i32
        %add3A_2004 = arith.addi %add3A_1962, %add3A_2003 : i32
        %get3A_2005 = arith.index_cast %add3A_2004 : i32 to index
        %get3A_2006 = arith.constant 0 : index
        %get3A_2007 = tpu.vector_load %arg17[%get3A_2005, %get3A_2006] {strides = array<i32>} : memref<1024x32xf32, #tpu.memory_space<vmem>>, vector<16xf32>,
        %add3A_2008 = arith.constant 2 : i32
        %add3A_2009 = arith.addi %add3A_1962, %add3A_2008 : i32
        %get3A_2010 = arith.index_cast %add3A_2009 : i32 to index
        %get3A_2011 = arith.constant 16 : index
        %get3A_2012 = tpu.vector_load %arg17[%get3A_2010, %get3A_2011] {strides = array<i32>} : memref<1024x32xf32, #tpu.memory_space<vmem>>, vector<16xf32>,
        %mul3A_2013 = arith.mulf %gather3A_2002, %get3A_2007 : vector<16xf32>
        %add3A_2014 = arith.addf %add3A_1996, %mul3A_2013 : vector<16xf32>
        %mul3A_2015 = arith.mulf %gather3A_2002, %get3A_2012 : vector<16xf32>
        %add3A_2016 = arith.addf %add3A_1998, %mul3A_2015 : vector<16xf32>
        %broadcast_in_dim3A_2017 = arith.constant 3 : i32
        %broadcast_in_dim3A_2018 = vector.broadcast %broadcast_in_dim3A_2017 : i32 to vector<16x1xi32>
        %gather3A_2019 = vector.shape_cast %broadcast_in_dim3A_2018 : vector<16x1xi32> to vector<16xi32>
        %gather3A_2020 = tpu.dynamic_gather %get3A_1957[%gather3A_2019] in [0] : vector<16xf32>, vector<16xi32> -> vector<16xf32>
        %add3A_2021 = arith.constant 3 : i32
        %add3A_2022 = arith.addi %add3A_1962, %add3A_2021 : i32
        %get3A_2023 = arith.index_cast %add3A_2022 : i32 to index
        %get3A_2024 = arith.constant 0 : index
        %get3A_2025 = tpu.vector_load %arg17[%get3A_2023, %get3A_2024] {strides = array<i32>} : memref<1024x32xf32, #tpu.memory_space<vmem>>, vector<16xf32>,
        %add3A_2026 = arith.constant 3 : i32
        %add3A_2027 = arith.addi %add3A_1962, %add3A_2026 : i32
        %get3A_2028 = arith.index_cast %add3A_2027 : i32 to index
        %get3A_2029 = arith.constant 16 : index
        %get3A_2030 = tpu.vector_load %arg17[%get3A_2028, %get3A_2029] {strides = array<i32>} : memref<1024x32xf32, #tpu.memory_space<vmem>>, vector<16xf32>,
        %mul3A_2031 = arith.mulf %gather3A_2020, %get3A_2025 : vector<16xf32>
        %add3A_2032 = arith.addf %add3A_2014, %mul3A_2031 : vector<16xf32>
        %mul3A_2033 = arith.mulf %gather3A_2020, %get3A_2030 : vector<16xf32>
        %add3A_2034 = arith.addf %add3A_2016, %mul3A_2033 : vector<16xf32>
        %broadcast_in_dim3A_2035 = arith.constant 4 : i32
        %broadcast_in_dim3A_2036 = vector.broadcast %broadcast_in_dim3A_2035 : i32 to vector<16x1xi32>
        %gather3A_2037 = vector.shape_cast %broadcast_in_dim3A_2036 : vector<16x1xi32> to vector<16xi32>
        %gather3A_2038 = tpu.dynamic_gather %get3A_1957[%gather3A_2037] in [0] : vector<16xf32>, vector<16xi32> -> vector<16xf32>
        %add3A_2039 = arith.constant 4 : i32
        %add3A_2040 = arith.addi %add3A_1962, %add3A_2039 : i32
        %get3A_2041 = arith.index_cast %add3A_2040 : i32 to index
        %get3A_2042 = arith.constant 0 : index
        %get3A_2043 = tpu.vector_load %arg17[%get3A_2041, %get3A_2042] {strides = array<i32>} : memref<1024x32xf32, #tpu.memory_space<vmem>>, vector<16xf32>,
        %add3A_2044 = arith.constant 4 : i32
        %add3A_2045 = arith.addi %add3A_1962, %add3A_2044 : i32
        %get3A_2046 = arith.index_cast %add3A_2045 : i32 to index
        %get3A_2047 = arith.constant 16 : index
        %get3A_2048 = tpu.vector_load %arg17[%get3A_2046, %get3A_2047] {strides = array<i32>} : memref<1024x32xf32, #tpu.memory_space<vmem>>, vector<16xf32>,
        %mul3A_2049 = arith.mulf %gather3A_2038, %get3A_2043 : vector<16xf32>
        %add3A_2050 = arith.addf %add3A_2032, %mul3A_2049 : vector<16xf32>
        %mul3A_2051 = arith.mulf %gather3A_2038, %get3A_2048 : vector<16xf32>
        %add3A_2052 = arith.addf %add3A_2034, %mul3A_2051 : vector<16xf32>
        %broadcast_in_dim3A_2053 = arith.constant 5 : i32
        %broadcast_in_dim3A_2054 = vector.broadcast %broadcast_in_dim3A_2053 : i32 to vector<16x1xi32>
        %gather3A_2055 = vector.shape_cast %broadcast_in_dim3A_2054 : vector<16x1xi32> to vector<16xi32>
        %gather3A_2056 = tpu.dynamic_gather %get3A_1957[%gather3A_2055] in [0] : vector<16xf32>, vector<16xi32> -> vector<16xf32>
        %add3A_2057 = arith.constant 5 : i32
        %add3A_2058 = arith.addi %add3A_1962, %add3A_2057 : i32
        %get3A_2059 = arith.index_cast %add3A_2058 : i32 to index
        %get3A_2060 = arith.constant 0 : index
        %get3A_2061 = tpu.vector_load %arg17[%get3A_2059, %get3A_2060] {strides = array<i32>} : memref<1024x32xf32, #tpu.memory_space<vmem>>, vector<16xf32>,
        %add3A_2062 = arith.constant 5 : i32
        %add3A_2063 = arith.addi %add3A_1962, %add3A_2062 : i32
        %get3A_2064 = arith.index_cast %add3A_2063 : i32 to index
        %get3A_2065 = arith.constant 16 : index
        %get3A_2066 = tpu.vector_load %arg17[%get3A_2064, %get3A_2065] {strides = array<i32>} : memref<1024x32xf32, #tpu.memory_space<vmem>>, vector<16xf32>,
        %mul3A_2067 = arith.mulf %gather3A_2056, %get3A_2061 : vector<16xf32>
        %add3A_2068 = arith.addf %add3A_2050, %mul3A_2067 : vector<16xf32>
        %mul3A_2069 = arith.mulf %gather3A_2056, %get3A_2066 : vector<16xf32>
        %add3A_2070 = arith.addf %add3A_2052, %mul3A_2069 : vector<16xf32>
        %broadcast_in_dim3A_2071 = arith.constant 6 : i32
        %broadcast_in_dim3A_2072 = vector.broadcast %broadcast_in_dim3A_2071 : i32 to vector<16x1xi32>
        %gather3A_2073 = vector.shape_cast %broadcast_in_dim3A_2072 : vector<16x1xi32> to vector<16xi32>
        %gather3A_2074 = tpu.dynamic_gather %get3A_1957[%gather3A_2073] in [0] : vector<16xf32>, vector<16xi32> -> vector<16xf32>
        %add3A_2075 = arith.constant 6 : i32
        %add3A_2076 = arith.addi %add3A_1962, %add3A_2075 : i32
        %get3A_2077 = arith.index_cast %add3A_2076 : i32 to index
        %get3A_2078 = arith.constant 0 : index
        %get3A_2079 = tpu.vector_load %arg17[%get3A_2077, %get3A_2078] {strides = array<i32>} : memref<1024x32xf32, #tpu.memory_space<vmem>>, vector<16xf32>,
        %add3A_2080 = arith.constant 6 : i32
        %add3A_2081 = arith.addi %add3A_1962, %add3A_2080 : i32
        %get3A_2082 = arith.index_cast %add3A_2081 : i32 to index
        %get3A_2083 = arith.constant 16 : index
        %get3A_2084 = tpu.vector_load %arg17[%get3A_2082, %get3A_2083] {strides = array<i32>} : memref<1024x32xf32, #tpu.memory_space<vmem>>, vector<16xf32>,
        %mul3A_2085 = arith.mulf %gather3A_2074, %get3A_2079 : vector<16xf32>
        %add3A_2086 = arith.addf %add3A_2068, %mul3A_2085 : vector<16xf32>
        %mul3A_2087 = arith.mulf %gather3A_2074, %get3A_2084 : vector<16xf32>
        %add3A_2088 = arith.addf %add3A_2070, %mul3A_2087 : vector<16xf32>
        %broadcast_in_dim3A_2089 = arith.constant 7 : i32
        %broadcast_in_dim3A_2090 = vector.broadcast %broadcast_in_dim3A_2089 : i32 to vector<16x1xi32>
        %gather3A_2091 = vector.shape_cast %broadcast_in_dim3A_2090 : vector<16x1xi32> to vector<16xi32>
        %gather3A_2092 = tpu.dynamic_gather %get3A_1957[%gather3A_2091] in [0] : vector<16xf32>, vector<16xi32> -> vector<16xf32>
        %add3A_2093 = arith.constant 7 : i32
        %add3A_2094 = arith.addi %add3A_1962, %add3A_2093 : i32
        %get3A_2095 = arith.index_cast %add3A_2094 : i32 to index
        %get3A_2096 = arith.constant 0 : index
        %get3A_2097 = tpu.vector_load %arg17[%get3A_2095, %get3A_2096] {strides = array<i32>} : memref<1024x32xf32, #tpu.memory_space<vmem>>, vector<16xf32>,
        %add3A_2098 = arith.constant 7 : i32
        %add3A_2099 = arith.addi %add3A_1962, %add3A_2098 : i32
        %get3A_2100 = arith.index_cast %add3A_2099 : i32 to index
        %get3A_2101 = arith.constant 16 : index
        %get3A_2102 = tpu.vector_load %arg17[%get3A_2100, %get3A_2101] {strides = array<i32>} : memref<1024x32xf32, #tpu.memory_space<vmem>>, vector<16xf32>,
        %mul3A_2103 = arith.mulf %gather3A_2092, %get3A_2097 : vector<16xf32>
        %add3A_2104 = arith.addf %add3A_2086, %mul3A_2103 : vector<16xf32>
        %mul3A_2105 = arith.mulf %gather3A_2092, %get3A_2102 : vector<16xf32>
        %add3A_2106 = arith.addf %add3A_2088, %mul3A_2105 : vector<16xf32>
        %broadcast_in_dim3A_2107 = arith.constant 8 : i32
        %broadcast_in_dim3A_2108 = vector.broadcast %broadcast_in_dim3A_2107 : i32 to vector<16x1xi32>
        %gather3A_2109 = vector.shape_cast %broadcast_in_dim3A_2108 : vector<16x1xi32> to vector<16xi32>
        %gather3A_2110 = tpu.dynamic_gather %get3A_1957[%gather3A_2109] in [0] : vector<16xf32>, vector<16xi32> -> vector<16xf32>
        %add3A_2111 = arith.constant 8 : i32
        %add3A_2112 = arith.addi %add3A_1962, %add3A_2111 : i32
        %get3A_2113 = arith.index_cast %add3A_2112 : i32 to index
        %get3A_2114 = arith.constant 0 : index
        %get3A_2115 = tpu.vector_load %arg17[%get3A_2113, %get3A_2114] {strides = array<i32>} : memref<1024x32xf32, #tpu.memory_space<vmem>>, vector<16xf32>,
        %add3A_2116 = arith.constant 8 : i32
        %add3A_2117 = arith.addi %add3A_1962, %add3A_2116 : i32
        %get3A_2118 = arith.index_cast %add3A_2117 : i32 to index
        %get3A_2119 = arith.constant 16 : index
        %get3A_2120 = tpu.vector_load %arg17[%get3A_2118, %get3A_2119] {strides = array<i32>} : memref<1024x32xf32, #tpu.memory_space<vmem>>, vector<16xf32>,
        %mul3A_2121 = arith.mulf %gather3A_2110, %get3A_2115 : vector<16xf32>
        %add3A_2122 = arith.addf %add3A_2104, %mul3A_2121 : vector<16xf32>
        %mul3A_2123 = arith.mulf %gather3A_2110, %get3A_2120 : vector<16xf32>
        %add3A_2124 = arith.addf %add3A_2106, %mul3A_2123 : vector<16xf32>
        %broadcast_in_dim3A_2125 = arith.constant 9 : i32
        %broadcast_in_dim3A_2126 = vector.broadcast %broadcast_in_dim3A_2125 : i32 to vector<16x1xi32>
        %gather3A_2127 = vector.shape_cast %broadcast_in_dim3A_2126 : vector<16x1xi32> to vector<16xi32>
        %gather3A_2128 = tpu.dynamic_gather %get3A_1957[%gather3A_2127] in [0] : vector<16xf32>, vector<16xi32> -> vector<16xf32>
        %add3A_2129 = arith.constant 9 : i32
        %add3A_2130 = arith.addi %add3A_1962, %add3A_2129 : i32
        %get3A_2131 = arith.index_cast %add3A_2130 : i32 to index
        %get3A_2132 = arith.constant 0 : index
        %get3A_2133 = tpu.vector_load %arg17[%get3A_2131, %get3A_2132] {strides = array<i32>} : memref<1024x32xf32, #tpu.memory_space<vmem>>, vector<16xf32>,
        %add3A_2134 = arith.constant 9 : i32
        %add3A_2135 = arith.addi %add3A_1962, %add3A_2134 : i32
        %get3A_2136 = arith.index_cast %add3A_2135 : i32 to index
        %get3A_2137 = arith.constant 16 : index
        %get3A_2138 = tpu.vector_load %arg17[%get3A_2136, %get3A_2137] {strides = array<i32>} : memref<1024x32xf32, #tpu.memory_space<vmem>>, vector<16xf32>,
        %mul3A_2139 = arith.mulf %gather3A_2128, %get3A_2133 : vector<16xf32>
        %add3A_2140 = arith.addf %add3A_2122, %mul3A_2139 : vector<16xf32>
        %mul3A_2141 = arith.mulf %gather3A_2128, %get3A_2138 : vector<16xf32>
        %add3A_2142 = arith.addf %add3A_2124, %mul3A_2141 : vector<16xf32>
        %broadcast_in_dim3A_2143 = arith.constant 10 : i32
        %broadcast_in_dim3A_2144 = vector.broadcast %broadcast_in_dim3A_2143 : i32 to vector<16x1xi32>
        %gather3A_2145 = vector.shape_cast %broadcast_in_dim3A_2144 : vector<16x1xi32> to vector<16xi32>
        %gather3A_2146 = tpu.dynamic_gather %get3A_1957[%gather3A_2145] in [0] : vector<16xf32>, vector<16xi32> -> vector<16xf32>
        %add3A_2147 = arith.constant 10 : i32
        %add3A_2148 = arith.addi %add3A_1962, %add3A_2147 : i32
        %get3A_2149 = arith.index_cast %add3A_2148 : i32 to index
        %get3A_2150 = arith.constant 0 : index
        %get3A_2151 = tpu.vector_load %arg17[%get3A_2149, %get3A_2150] {strides = array<i32>} : memref<1024x32xf32, #tpu.memory_space<vmem>>, vector<16xf32>,
        %add3A_2152 = arith.constant 10 : i32
        %add3A_2153 = arith.addi %add3A_1962, %add3A_2152 : i32
        %get3A_2154 = arith.index_cast %add3A_2153 : i32 to index
        %get3A_2155 = arith.constant 16 : index
        %get3A_2156 = tpu.vector_load %arg17[%get3A_2154, %get3A_2155] {strides = array<i32>} : memref<1024x32xf32, #tpu.memory_space<vmem>>, vector<16xf32>,
        %mul3A_2157 = arith.mulf %gather3A_2146, %get3A_2151 : vector<16xf32>
        %add3A_2158 = arith.addf %add3A_2140, %mul3A_2157 : vector<16xf32>
        %mul3A_2159 = arith.mulf %gather3A_2146, %get3A_2156 : vector<16xf32>
        %add3A_2160 = arith.addf %add3A_2142, %mul3A_2159 : vector<16xf32>
        %broadcast_in_dim3A_2161 = arith.constant 11 : i32
        %broadcast_in_dim3A_2162 = vector.broadcast %broadcast_in_dim3A_2161 : i32 to vector<16x1xi32>
        %gather3A_2163 = vector.shape_cast %broadcast_in_dim3A_2162 : vector<16x1xi32> to vector<16xi32>
        %gather3A_2164 = tpu.dynamic_gather %get3A_1957[%gather3A_2163] in [0] : vector<16xf32>, vector<16xi32> -> vector<16xf32>
        %add3A_2165 = arith.constant 11 : i32
        %add3A_2166 = arith.addi %add3A_1962, %add3A_2165 : i32
        %get3A_2167 = arith.index_cast %add3A_2166 : i32 to index
        %get3A_2168 = arith.constant 0 : index
        %get3A_2169 = tpu.vector_load %arg17[%get3A_2167, %get3A_2168] {strides = array<i32>} : memref<1024x32xf32, #tpu.memory_space<vmem>>, vector<16xf32>,
        %add3A_2170 = arith.constant 11 : i32
        %add3A_2171 = arith.addi %add3A_1962, %add3A_2170 : i32
        %get3A_2172 = arith.index_cast %add3A_2171 : i32 to index
        %get3A_2173 = arith.constant 16 : index
        %get3A_2174 = tpu.vector_load %arg17[%get3A_2172, %get3A_2173] {strides = array<i32>} : memref<1024x32xf32, #tpu.memory_space<vmem>>, vector<16xf32>,
        %mul3A_2175 = arith.mulf %gather3A_2164, %get3A_2169 : vector<16xf32>
        %add3A_2176 = arith.addf %add3A_2158, %mul3A_2175 : vector<16xf32>
        %mul3A_2177 = arith.mulf %gather3A_2164, %get3A_2174 : vector<16xf32>
        %add3A_2178 = arith.addf %add3A_2160, %mul3A_2177 : vector<16xf32>
        %broadcast_in_dim3A_2179 = arith.constant 12 : i32
        %broadcast_in_dim3A_2180 = vector.broadcast %broadcast_in_dim3A_2179 : i32 to vector<16x1xi32>
        %gather3A_2181 = vector.shape_cast %broadcast_in_dim3A_2180 : vector<16x1xi32> to vector<16xi32>
        %gather3A_2182 = tpu.dynamic_gather %get3A_1957[%gather3A_2181] in [0] : vector<16xf32>, vector<16xi32> -> vector<16xf32>
        %add3A_2183 = arith.constant 12 : i32
        %add3A_2184 = arith.addi %add3A_1962, %add3A_2183 : i32
        %get3A_2185 = arith.index_cast %add3A_2184 : i32 to index
        %get3A_2186 = arith.constant 0 : index
        %get3A_2187 = tpu.vector_load %arg17[%get3A_2185, %get3A_2186] {strides = array<i32>} : memref<1024x32xf32, #tpu.memory_space<vmem>>, vector<16xf32>,
        %add3A_2188 = arith.constant 12 : i32
        %add3A_2189 = arith.addi %add3A_1962, %add3A_2188 : i32
        %get3A_2190 = arith.index_cast %add3A_2189 : i32 to index
        %get3A_2191 = arith.constant 16 : index
        %get3A_2192 = tpu.vector_load %arg17[%get3A_2190, %get3A_2191] {strides = array<i32>} : memref<1024x32xf32, #tpu.memory_space<vmem>>, vector<16xf32>,
        %mul3A_2193 = arith.mulf %gather3A_2182, %get3A_2187 : vector<16xf32>
        %add3A_2194 = arith.addf %add3A_2176, %mul3A_2193 : vector<16xf32>
        %mul3A_2195 = arith.mulf %gather3A_2182, %get3A_2192 : vector<16xf32>
        %add3A_2196 = arith.addf %add3A_2178, %mul3A_2195 : vector<16xf32>
        %broadcast_in_dim3A_2197 = arith.constant 13 : i32
        %broadcast_in_dim3A_2198 = vector.broadcast %broadcast_in_dim3A_2197 : i32 to vector<16x1xi32>
        %gather3A_2199 = vector.shape_cast %broadcast_in_dim3A_2198 : vector<16x1xi32> to vector<16xi32>
        %gather3A_2200 = tpu.dynamic_gather %get3A_1957[%gather3A_2199] in [0] : vector<16xf32>, vector<16xi32> -> vector<16xf32>
        %add3A_2201 = arith.constant 13 : i32
        %add3A_2202 = arith.addi %add3A_1962, %add3A_2201 : i32
        %get3A_2203 = arith.index_cast %add3A_2202 : i32 to index
        %get3A_2204 = arith.constant 0 : index
        %get3A_2205 = tpu.vector_load %arg17[%get3A_2203, %get3A_2204] {strides = array<i32>} : memref<1024x32xf32, #tpu.memory_space<vmem>>, vector<16xf32>,
        %add3A_2206 = arith.constant 13 : i32
        %add3A_2207 = arith.addi %add3A_1962, %add3A_2206 : i32
        %get3A_2208 = arith.index_cast %add3A_2207 : i32 to index
        %get3A_2209 = arith.constant 16 : index
        %get3A_2210 = tpu.vector_load %arg17[%get3A_2208, %get3A_2209] {strides = array<i32>} : memref<1024x32xf32, #tpu.memory_space<vmem>>, vector<16xf32>,
        %mul3A_2211 = arith.mulf %gather3A_2200, %get3A_2205 : vector<16xf32>
        %add3A_2212 = arith.addf %add3A_2194, %mul3A_2211 : vector<16xf32>
        %mul3A_2213 = arith.mulf %gather3A_2200, %get3A_2210 : vector<16xf32>
        %add3A_2214 = arith.addf %add3A_2196, %mul3A_2213 : vector<16xf32>
        %broadcast_in_dim3A_2215 = arith.constant 14 : i32
        %broadcast_in_dim3A_2216 = vector.broadcast %broadcast_in_dim3A_2215 : i32 to vector<16x1xi32>
        %gather3A_2217 = vector.shape_cast %broadcast_in_dim3A_2216 : vector<16x1xi32> to vector<16xi32>
        %gather3A_2218 = tpu.dynamic_gather %get3A_1957[%gather3A_2217] in [0] : vector<16xf32>, vector<16xi32> -> vector<16xf32>
        %add3A_2219 = arith.constant 14 : i32
        %add3A_2220 = arith.addi %add3A_1962, %add3A_2219 : i32
        %get3A_2221 = arith.index_cast %add3A_2220 : i32 to index
        %get3A_2222 = arith.constant 0 : index
        %get3A_2223 = tpu.vector_load %arg17[%get3A_2221, %get3A_2222] {strides = array<i32>} : memref<1024x32xf32, #tpu.memory_space<vmem>>, vector<16xf32>,
        %add3A_2224 = arith.constant 14 : i32
        %add3A_2225 = arith.addi %add3A_1962, %add3A_2224 : i32
        %get3A_2226 = arith.index_cast %add3A_2225 : i32 to index
        %get3A_2227 = arith.constant 16 : index
        %get3A_2228 = tpu.vector_load %arg17[%get3A_2226, %get3A_2227] {strides = array<i32>} : memref<1024x32xf32, #tpu.memory_space<vmem>>, vector<16xf32>,
        %mul3A_2229 = arith.mulf %gather3A_2218, %get3A_2223 : vector<16xf32>
        %add3A_2230 = arith.addf %add3A_2212, %mul3A_2229 : vector<16xf32>
        %mul3A_2231 = arith.mulf %gather3A_2218, %get3A_2228 : vector<16xf32>
        %add3A_2232 = arith.addf %add3A_2214, %mul3A_2231 : vector<16xf32>
        %broadcast_in_dim3A_2233 = arith.constant 15 : i32
        %broadcast_in_dim3A_2234 = vector.broadcast %broadcast_in_dim3A_2233 : i32 to vector<16x1xi32>
        %gather3A_2235 = vector.shape_cast %broadcast_in_dim3A_2234 : vector<16x1xi32> to vector<16xi32>
        %gather3A_2236 = tpu.dynamic_gather %get3A_1957[%gather3A_2235] in [0] : vector<16xf32>, vector<16xi32> -> vector<16xf32>
        %add3A_2237 = arith.constant 15 : i32
        %add3A_2238 = arith.addi %add3A_1962, %add3A_2237 : i32
        %get3A_2239 = arith.index_cast %add3A_2238 : i32 to index
        %get3A_2240 = arith.constant 0 : index
        %get3A_2241 = tpu.vector_load %arg17[%get3A_2239, %get3A_2240] {strides = array<i32>} : memref<1024x32xf32, #tpu.memory_space<vmem>>, vector<16xf32>,
        %add3A_2242 = arith.constant 15 : i32
        %add3A_2243 = arith.addi %add3A_1962, %add3A_2242 : i32
        %get3A_2244 = arith.index_cast %add3A_2243 : i32 to index
        %get3A_2245 = arith.constant 16 : index
        %get3A_2246 = tpu.vector_load %arg17[%get3A_2244, %get3A_2245] {strides = array<i32>} : memref<1024x32xf32, #tpu.memory_space<vmem>>, vector<16xf32>,
        %mul3A_2247 = arith.mulf %gather3A_2236, %get3A_2241 : vector<16xf32>
        %add3A_2248 = arith.addf %add3A_2230, %mul3A_2247 : vector<16xf32>
        %mul3A_2249 = arith.mulf %gather3A_2236, %get3A_2246 : vector<16xf32>
        %add3A_2250 = arith.addf %add3A_2232, %mul3A_2249 : vector<16xf32>
        %swap3A = arith.index_cast %add3A_1053 : i32 to index
        %swap3A_2251 = arith.constant 0 : index
        %swap3A_2252 = tpu.vector_load %arg19[%swap3A, %swap3A_2251] {strides = array<i32>} : memref<16x32xf32, #tpu.memory_space<vmem>>, vector<16xf32>,
        tpu.vector_store %arg19[%swap3A, %swap3A_2251], %add3A_2248 {strides = array<i32>} : memref<16x32xf32, #tpu.memory_space<vmem>>, vector<16xf32>,
        %swap3A_2253 = arith.index_cast %add3A_1053 : i32 to index
        %swap3A_2254 = arith.constant 16 : index
        %swap3A_2255 = tpu.vector_load %arg19[%swap3A_2253, %swap3A_2254] {strides = array<i32>} : memref<16x32xf32, #tpu.memory_space<vmem>>, vector<16xf32>,
        tpu.vector_store %arg19[%swap3A_2253, %swap3A_2254], %add3A_2250 {strides = array<i32>} : memref<16x32xf32, #tpu.memory_space<vmem>>, vector<16xf32>,
      }
      %scan3A_942 = arith.constant 16 : i32
      %mul3A_943 = arith.constant 16 : i32
      %mul3A_944 = arith.muli %add3A_743, %mul3A_943 : i32
      %dma_start3A_945 = arith.constant 0 : i32
      %dma_start3A_946 = tpu.memref_slice %arg11[%mul3A_944, %dma_start3A_945] : memref<131072x32xf32, #tpu.memory_space<hbm>> -> memref<16x32xf32, #tpu.memory_space<hbm>>
      %dma_start3A_947 = arith.constant 0 : i32
      %dma_start3A_948 = tpu.memref_slice %arg11[%mul3A_944, %dma_start3A_947] : memref<131072x32xf32, #tpu.memory_space<hbm>> -> memref<16x32xf32, #tpu.memory_space<hbm>>
      tpu.enqueue_dma source(%arg19 : memref<16x32xf32, #tpu.memory_space<vmem>>) target(%dma_start3A_948 : memref<16x32xf32, #tpu.memory_space<hbm>>) target_semaphore(%arg25 : memref<!tpu.dma_semaphore, #tpu.memory_space<semaphore_mem>>)
      %add3A_949 = arith.constant 2 : i32
      %add3A_950 = arith.addi %add3A_743, %add3A_949 : i32
      %min3A_951 = arith.constant 8191 : i32
      %min3A_952 = arith.minsi %add3A_950, %min3A_951 : i32
      %mul3A_953 = arith.constant 2 : i32
      %mul3A_954 = arith.muli %min3A_952, %mul3A_953 : i32
      %dma_start3A_955 = arith.constant 0 : i32
      %dma_start3A_956 = arith.constant 0 : i32
      %dma_start3A_957 = tpu.memref_slice %arg13[%dma_start3A_955, %dma_start3A_956] : memref<8x128xi32, #tpu.memory_space<vmem>> -> memref<2x128xi32, #tpu.memory_space<vmem>>
      %dma_start3A_958 = arith.constant 0 : i32
      %dma_start3A_959 = tpu.memref_slice %arg2[%mul3A_954, %dma_start3A_958] : memref<16384x128xi32, #tpu.memory_space<hbm>> -> memref<2x128xi32, #tpu.memory_space<hbm>>
      %dma_start3A_960 = arith.constant 0 : i32
      %dma_start3A_961 = arith.constant 0 : i32
      %dma_start3A_962 = tpu.memref_slice %arg13[%dma_start3A_960, %dma_start3A_961] : memref<8x128xi32, #tpu.memory_space<vmem>> -> memref<2x128xi32, #tpu.memory_space<vmem>>
      %dma_start3A_963 = arith.constant 0 : i32
      %dma_start3A_964 = tpu.memref_slice %arg2[%mul3A_954, %dma_start3A_963] : memref<16384x128xi32, #tpu.memory_space<hbm>> -> memref<2x128xi32, #tpu.memory_space<hbm>>
      tpu.enqueue_dma source(%dma_start3A_964 : memref<2x128xi32, #tpu.memory_space<hbm>>) target(%dma_start3A_962 : memref<2x128xi32, #tpu.memory_space<vmem>>) target_semaphore(%arg21 : memref<!tpu.dma_semaphore, #tpu.memory_space<semaphore_mem>>)
      %mul3A_965 = arith.constant 2 : i32
      %mul3A_966 = arith.muli %min3A_952, %mul3A_965 : i32
      %dma_start3A_967 = arith.constant 0 : i32
      %dma_start3A_968 = arith.constant 0 : i32
      %dma_start3A_969 = tpu.memref_slice %arg15[%dma_start3A_967, %dma_start3A_968] : memref<8x128xf32, #tpu.memory_space<vmem>> -> memref<2x128xf32, #tpu.memory_space<vmem>>
      %dma_start3A_970 = arith.constant 0 : i32
      %dma_start3A_971 = tpu.memref_slice %arg6[%mul3A_966, %dma_start3A_970] : memref<16384x128xf32, #tpu.memory_space<hbm>> -> memref<2x128xf32, #tpu.memory_space<hbm>>
      %dma_start3A_972 = arith.constant 0 : i32
      %dma_start3A_973 = arith.constant 0 : i32
      %dma_start3A_974 = tpu.memref_slice %arg15[%dma_start3A_972, %dma_start3A_973] : memref<8x128xf32, #tpu.memory_space<vmem>> -> memref<2x128xf32, #tpu.memory_space<vmem>>
      %dma_start3A_975 = arith.constant 0 : i32
      %dma_start3A_976 = tpu.memref_slice %arg6[%mul3A_966, %dma_start3A_975] : memref<16384x128xf32, #tpu.memory_space<hbm>> -> memref<2x128xf32, #tpu.memory_space<hbm>>
      tpu.enqueue_dma source(%dma_start3A_976 : memref<2x128xf32, #tpu.memory_space<hbm>>) target(%dma_start3A_974 : memref<2x128xf32, #tpu.memory_space<vmem>>) target_semaphore(%arg21 : memref<!tpu.dma_semaphore, #tpu.memory_space<semaphore_mem>>)
      %mul3A_977 = arith.constant 2 : i32
      %mul3A_978 = arith.muli %min3A_952, %mul3A_977 : i32
      %dma_start3A_979 = arith.constant 2 : i32
      %dma_start3A_980 = arith.constant 0 : i32
      %dma_start3A_981 = tpu.memref_slice %arg13[%dma_start3A_979, %dma_start3A_980] : memref<8x128xi32, #tpu.memory_space<vmem>> -> memref<2x128xi32, #tpu.memory_space<vmem>>
      %dma_start3A_982 = arith.constant 0 : i32
      %dma_start3A_983 = tpu.memref_slice %arg3[%mul3A_978, %dma_start3A_982] : memref<16384x128xi32, #tpu.memory_space<hbm>> -> memref<2x128xi32, #tpu.memory_space<hbm>>
      %dma_start3A_984 = arith.constant 2 : i32
      %dma_start3A_985 = arith.constant 0 : i32
      %dma_start3A_986 = tpu.memref_slice %arg13[%dma_start3A_984, %dma_start3A_985] : memref<8x128xi32, #tpu.memory_space<vmem>> -> memref<2x128xi32, #tpu.memory_space<vmem>>
      %dma_start3A_987 = arith.constant 0 : i32
      %dma_start3A_988 = tpu.memref_slice %arg3[%mul3A_978, %dma_start3A_987] : memref<16384x128xi32, #tpu.memory_space<hbm>> -> memref<2x128xi32, #tpu.memory_space<hbm>>
      tpu.enqueue_dma source(%dma_start3A_988 : memref<2x128xi32, #tpu.memory_space<hbm>>) target(%dma_start3A_986 : memref<2x128xi32, #tpu.memory_space<vmem>>) target_semaphore(%arg21 : memref<!tpu.dma_semaphore, #tpu.memory_space<semaphore_mem>>)
      %mul3A_989 = arith.constant 2 : i32
      %mul3A_990 = arith.muli %min3A_952, %mul3A_989 : i32
      %dma_start3A_991 = arith.constant 2 : i32
      %dma_start3A_992 = arith.constant 0 : i32
      %dma_start3A_993 = tpu.memref_slice %arg15[%dma_start3A_991, %dma_start3A_992] : memref<8x128xf32, #tpu.memory_space<vmem>> -> memref<2x128xf32, #tpu.memory_space<vmem>>
      %dma_start3A_994 = arith.constant 0 : i32
      %dma_start3A_995 = tpu.memref_slice %arg7[%mul3A_990, %dma_start3A_994] : memref<16384x128xf32, #tpu.memory_space<hbm>> -> memref<2x128xf32, #tpu.memory_space<hbm>>
      %dma_start3A_996 = arith.constant 2 : i32
      %dma_start3A_997 = arith.constant 0 : i32
      %dma_start3A_998 = tpu.memref_slice %arg15[%dma_start3A_996, %dma_start3A_997] : memref<8x128xf32, #tpu.memory_space<vmem>> -> memref<2x128xf32, #tpu.memory_space<vmem>>
      %dma_start3A_999 = arith.constant 0 : i32
      %dma_start3A_1000 = tpu.memref_slice %arg7[%mul3A_990, %dma_start3A_999] : memref<16384x128xf32, #tpu.memory_space<hbm>> -> memref<2x128xf32, #tpu.memory_space<hbm>>
      tpu.enqueue_dma source(%dma_start3A_1000 : memref<2x128xf32, #tpu.memory_space<hbm>>) target(%dma_start3A_998 : memref<2x128xf32, #tpu.memory_space<vmem>>) target_semaphore(%arg21 : memref<!tpu.dma_semaphore, #tpu.memory_space<semaphore_mem>>)
      %mul3A_1001 = arith.constant 2 : i32
      %mul3A_1002 = arith.muli %min3A_952, %mul3A_1001 : i32
      %dma_start3A_1003 = arith.constant 4 : i32
      %dma_start3A_1004 = arith.constant 0 : i32
      %dma_start3A_1005 = tpu.memref_slice %arg13[%dma_start3A_1003, %dma_start3A_1004] : memref<8x128xi32, #tpu.memory_space<vmem>> -> memref<2x128xi32, #tpu.memory_space<vmem>>
      %dma_start3A_1006 = arith.constant 0 : i32
      %dma_start3A_1007 = tpu.memref_slice %arg4[%mul3A_1002, %dma_start3A_1006] : memref<16384x128xi32, #tpu.memory_space<hbm>> -> memref<2x128xi32, #tpu.memory_space<hbm>>
      %dma_start3A_1008 = arith.constant 4 : i32
      %dma_start3A_1009 = arith.constant 0 : i32
      %dma_start3A_1010 = tpu.memref_slice %arg13[%dma_start3A_1008, %dma_start3A_1009] : memref<8x128xi32, #tpu.memory_space<vmem>> -> memref<2x128xi32, #tpu.memory_space<vmem>>
      %dma_start3A_1011 = arith.constant 0 : i32
      %dma_start3A_1012 = tpu.memref_slice %arg4[%mul3A_1002, %dma_start3A_1011] : memref<16384x128xi32, #tpu.memory_space<hbm>> -> memref<2x128xi32, #tpu.memory_space<hbm>>
      tpu.enqueue_dma source(%dma_start3A_1012 : memref<2x128xi32, #tpu.memory_space<hbm>>) target(%dma_start3A_1010 : memref<2x128xi32, #tpu.memory_space<vmem>>) target_semaphore(%arg21 : memref<!tpu.dma_semaphore, #tpu.memory_space<semaphore_mem>>)
      %mul3A_1013 = arith.constant 2 : i32
      %mul3A_1014 = arith.muli %min3A_952, %mul3A_1013 : i32
      %dma_start3A_1015 = arith.constant 4 : i32
      %dma_start3A_1016 = arith.constant 0 : i32
      %dma_start3A_1017 = tpu.memref_slice %arg15[%dma_start3A_1015, %dma_start3A_1016] : memref<8x128xf32, #tpu.memory_space<vmem>> -> memref<2x128xf32, #tpu.memory_space<vmem>>
      %dma_start3A_1018 = arith.constant 0 : i32
      %dma_start3A_1019 = tpu.memref_slice %arg8[%mul3A_1014, %dma_start3A_1018] : memref<16384x128xf32, #tpu.memory_space<hbm>> -> memref<2x128xf32, #tpu.memory_space<hbm>>
      %dma_start3A_1020 = arith.constant 4 : i32
      %dma_start3A_1021 = arith.constant 0 : i32
      %dma_start3A_1022 = tpu.memref_slice %arg15[%dma_start3A_1020, %dma_start3A_1021] : memref<8x128xf32, #tpu.memory_space<vmem>> -> memref<2x128xf32, #tpu.memory_space<vmem>>
      %dma_start3A_1023 = arith.constant 0 : i32
      %dma_start3A_1024 = tpu.memref_slice %arg8[%mul3A_1014, %dma_start3A_1023] : memref<16384x128xf32, #tpu.memory_space<hbm>> -> memref<2x128xf32, #tpu.memory_space<hbm>>
      tpu.enqueue_dma source(%dma_start3A_1024 : memref<2x128xf32, #tpu.memory_space<hbm>>) target(%dma_start3A_1022 : memref<2x128xf32, #tpu.memory_space<vmem>>) target_semaphore(%arg21 : memref<!tpu.dma_semaphore, #tpu.memory_space<semaphore_mem>>)
      %mul3A_1025 = arith.constant 2 : i32
      %mul3A_1026 = arith.muli %min3A_952, %mul3A_1025 : i32
      %dma_start3A_1027 = arith.constant 6 : i32
      %dma_start3A_1028 = arith.constant 0 : i32
      %dma_start3A_1029 = tpu.memref_slice %arg13[%dma_start3A_1027, %dma_start3A_1028] : memref<8x128xi32, #tpu.memory_space<vmem>> -> memref<2x128xi32, #tpu.memory_space<vmem>>
      %dma_start3A_1030 = arith.constant 0 : i32
      %dma_start3A_1031 = tpu.memref_slice %arg5[%mul3A_1026, %dma_start3A_1030] : memref<16384x128xi32, #tpu.memory_space<hbm>> -> memref<2x128xi32, #tpu.memory_space<hbm>>
      %dma_start3A_1032 = arith.constant 6 : i32
      %dma_start3A_1033 = arith.constant 0 : i32
      %dma_start3A_1034 = tpu.memref_slice %arg13[%dma_start3A_1032, %dma_start3A_1033] : memref<8x128xi32, #tpu.memory_space<vmem>> -> memref<2x128xi32, #tpu.memory_space<vmem>>
      %dma_start3A_1035 = arith.constant 0 : i32
      %dma_start3A_1036 = tpu.memref_slice %arg5[%mul3A_1026, %dma_start3A_1035] : memref<16384x128xi32, #tpu.memory_space<hbm>> -> memref<2x128xi32, #tpu.memory_space<hbm>>
      tpu.enqueue_dma source(%dma_start3A_1036 : memref<2x128xi32, #tpu.memory_space<hbm>>) target(%dma_start3A_1034 : memref<2x128xi32, #tpu.memory_space<vmem>>) target_semaphore(%arg21 : memref<!tpu.dma_semaphore, #tpu.memory_space<semaphore_mem>>)
      %mul3A_1037 = arith.constant 2 : i32
      %mul3A_1038 = arith.muli %min3A_952, %mul3A_1037 : i32
      %dma_start3A_1039 = arith.constant 6 : i32
      %dma_start3A_1040 = arith.constant 0 : i32
      %dma_start3A_1041 = tpu.memref_slice %arg15[%dma_start3A_1039, %dma_start3A_1040] : memref<8x128xf32, #tpu.memory_space<vmem>> -> memref<2x128xf32, #tpu.memory_space<vmem>>
      %dma_start3A_1042 = arith.constant 0 : i32
      %dma_start3A_1043 = tpu.memref_slice %arg9[%mul3A_1038, %dma_start3A_1042] : memref<16384x128xf32, #tpu.memory_space<hbm>> -> memref<2x128xf32, #tpu.memory_space<hbm>>
      %dma_start3A_1044 = arith.constant 6 : i32
      %dma_start3A_1045 = arith.constant 0 : i32
      %dma_start3A_1046 = tpu.memref_slice %arg15[%dma_start3A_1044, %dma_start3A_1045] : memref<8x128xf32, #tpu.memory_space<vmem>> -> memref<2x128xf32, #tpu.memory_space<vmem>>
      %dma_start3A_1047 = arith.constant 0 : i32
      %dma_start3A_1048 = tpu.memref_slice %arg9[%mul3A_1038, %dma_start3A_1047] : memref<16384x128xf32, #tpu.memory_space<hbm>> -> memref<2x128xf32, #tpu.memory_space<hbm>>
      tpu.enqueue_dma source(%dma_start3A_1048 : memref<2x128xf32, #tpu.memory_space<hbm>>) target(%dma_start3A_1046 : memref<2x128xf32, #tpu.memory_space<vmem>>) target_semaphore(%arg21 : memref<!tpu.dma_semaphore, #tpu.memory_space<semaphore_mem>>)
    }
    %scan3A_307 = arith.constant 128 : i32
    %dma_wait3A_308 = arith.constant 0 : i32
    %dma_wait3A_309 = arith.constant 0 : i32
    %dma_wait3A_310 = tpu.memref_slice %arg2[%dma_wait3A_308, %dma_wait3A_309] : memref<16384x128xi32, #tpu.memory_space<hbm>> -> memref<8x128xi32, #tpu.memory_space<hbm>>
    %dma_wait3A_311 = arith.constant 0 : i32
    %dma_wait3A_312 = arith.constant 0 : i32
    %dma_wait3A_313 = tpu.memref_slice %arg2[%dma_wait3A_311, %dma_wait3A_312] : memref<16384x128xi32, #tpu.memory_space<hbm>> -> memref<8x128xi32, #tpu.memory_space<hbm>>
    tpu.wait_dma2 semaphore(%arg21 : memref<!tpu.dma_semaphore, #tpu.memory_space<semaphore_mem>>) src(%dma_wait3A_313 : memref<8x128xi32, #tpu.memory_space<hbm>>) dst(%arg13 : memref<8x128xi32, #tpu.memory_space<vmem>>)
    %dma_wait3A_314 = arith.constant 0 : i32
    %dma_wait3A_315 = arith.constant 0 : i32
    %dma_wait3A_316 = tpu.memref_slice %arg6[%dma_wait3A_314, %dma_wait3A_315] : memref<16384x128xf32, #tpu.memory_space<hbm>> -> memref<8x128xf32, #tpu.memory_space<hbm>>
    %dma_wait3A_317 = arith.constant 0 : i32
    %dma_wait3A_318 = arith.constant 0 : i32
    %dma_wait3A_319 = tpu.memref_slice %arg6[%dma_wait3A_317, %dma_wait3A_318] : memref<16384x128xf32, #tpu.memory_space<hbm>> -> memref<8x128xf32, #tpu.memory_space<hbm>>
    tpu.wait_dma2 semaphore(%arg21 : memref<!tpu.dma_semaphore, #tpu.memory_space<semaphore_mem>>) src(%dma_wait3A_319 : memref<8x128xf32, #tpu.memory_space<hbm>>) dst(%arg15 : memref<8x128xf32, #tpu.memory_space<vmem>>)
    %dma_wait3A_320 = arith.constant 0 : i32
    %dma_wait3A_321 = arith.constant 0 : i32
    %dma_wait3A_322 = tpu.memref_slice %arg16[%dma_wait3A_320, %dma_wait3A_321] : memref<1024x32xf32, #tpu.memory_space<vmem>> -> memref<128x32xf32, #tpu.memory_space<vmem>>
    %dma_wait3A_323 = arith.constant 0 : i32
    %dma_wait3A_324 = arith.constant 0 : i32
    %dma_wait3A_325 = tpu.memref_slice %arg10[%dma_wait3A_323, %dma_wait3A_324] : memref<360448x32xf32, #tpu.memory_space<hbm>> -> memref<128x32xf32, #tpu.memory_space<hbm>>
    %dma_wait3A_326 = arith.constant 0 : i32
    %dma_wait3A_327 = arith.constant 0 : i32
    %dma_wait3A_328 = tpu.memref_slice %arg16[%dma_wait3A_326, %dma_wait3A_327] : memref<1024x32xf32, #tpu.memory_space<vmem>> -> memref<128x32xf32, #tpu.memory_space<vmem>>
    %dma_wait3A_329 = arith.constant 0 : i32
    %dma_wait3A_330 = arith.constant 0 : i32
    %dma_wait3A_331 = tpu.memref_slice %arg10[%dma_wait3A_329, %dma_wait3A_330] : memref<360448x32xf32, #tpu.memory_space<hbm>> -> memref<128x32xf32, #tpu.memory_space<hbm>>
    tpu.wait_dma2 semaphore(%arg22 : memref<!tpu.dma_semaphore, #tpu.memory_space<semaphore_mem>>) src(%dma_wait3A_331 : memref<128x32xf32, #tpu.memory_space<hbm>>) dst(%dma_wait3A_328 : memref<128x32xf32, #tpu.memory_space<vmem>>)
    %dma_wait3A_332 = arith.constant 128 : i32
    %dma_wait3A_333 = arith.constant 0 : i32
    %dma_wait3A_334 = tpu.memref_slice %arg16[%dma_wait3A_332, %dma_wait3A_333] : memref<1024x32xf32, #tpu.memory_space<vmem>> -> memref<128x32xf32, #tpu.memory_space<vmem>>
    %dma_wait3A_335 = arith.constant 0 : i32
    %dma_wait3A_336 = arith.constant 0 : i32
    %dma_wait3A_337 = tpu.memref_slice %arg10[%dma_wait3A_335, %dma_wait3A_336] : memref<360448x32xf32, #tpu.memory_space<hbm>> -> memref<128x32xf32, #tpu.memory_space<hbm>>
    %dma_wait3A_338 = arith.constant 128 : i32
    %dma_wait3A_339 = arith.constant 0 : i32
    %dma_wait3A_340 = tpu.memref_slice %arg16[%dma_wait3A_338, %dma_wait3A_339] : memref<1024x32xf32, #tpu.memory_space<vmem>> -> memref<128x32xf32, #tpu.memory_space<vmem>>
    %dma_wait3A_341 = arith.constant 0 : i32
    %dma_wait3A_342 = arith.constant 0 : i32
    %dma_wait3A_343 = tpu.memref_slice %arg10[%dma_wait3A_341, %dma_wait3A_342] : memref<360448x32xf32, #tpu.memory_space<hbm>> -> memref<128x32xf32, #tpu.memory_space<hbm>>
    tpu.wait_dma2 semaphore(%arg22 : memref<!tpu.dma_semaphore, #tpu.memory_space<semaphore_mem>>) src(%dma_wait3A_343 : memref<128x32xf32, #tpu.memory_space<hbm>>) dst(%dma_wait3A_340 : memref<128x32xf32, #tpu.memory_space<vmem>>)
    %dma_wait3A_344 = arith.constant 256 : i32
    %dma_wait3A_345 = arith.constant 0 : i32
    %dma_wait3A_346 = tpu.memref_slice %arg16[%dma_wait3A_344, %dma_wait3A_345] : memref<1024x32xf32, #tpu.memory_space<vmem>> -> memref<128x32xf32, #tpu.memory_space<vmem>>
    %dma_wait3A_347 = arith.constant 0 : i32
    %dma_wait3A_348 = arith.constant 0 : i32
    %dma_wait3A_349 = tpu.memref_slice %arg10[%dma_wait3A_347, %dma_wait3A_348] : memref<360448x32xf32, #tpu.memory_space<hbm>> -> memref<128x32xf32, #tpu.memory_space<hbm>>
    %dma_wait3A_350 = arith.constant 256 : i32
    %dma_wait3A_351 = arith.constant 0 : i32
    %dma_wait3A_352 = tpu.memref_slice %arg16[%dma_wait3A_350, %dma_wait3A_351] : memref<1024x32xf32, #tpu.memory_space<vmem>> -> memref<128x32xf32, #tpu.memory_space<vmem>>
    %dma_wait3A_353 = arith.constant 0 : i32
    %dma_wait3A_354 = arith.constant 0 : i32
    %dma_wait3A_355 = tpu.memref_slice %arg10[%dma_wait3A_353, %dma_wait3A_354] : memref<360448x32xf32, #tpu.memory_space<hbm>> -> memref<128x32xf32, #tpu.memory_space<hbm>>
    tpu.wait_dma2 semaphore(%arg22 : memref<!tpu.dma_semaphore, #tpu.memory_space<semaphore_mem>>) src(%dma_wait3A_355 : memref<128x32xf32, #tpu.memory_space<hbm>>) dst(%dma_wait3A_352 : memref<128x32xf32, #tpu.memory_space<vmem>>)
    %dma_wait3A_356 = arith.constant 384 : i32
    %dma_wait3A_357 = arith.constant 0 : i32
    %dma_wait3A_358 = tpu.memref_slice %arg16[%dma_wait3A_356, %dma_wait3A_357] : memref<1024x32xf32, #tpu.memory_space<vmem>> -> memref<128x32xf32, #tpu.memory_space<vmem>>
    %dma_wait3A_359 = arith.constant 0 : i32
    %dma_wait3A_360 = arith.constant 0 : i32
    %dma_wait3A_361 = tpu.memref_slice %arg10[%dma_wait3A_359, %dma_wait3A_360] : memref<360448x32xf32, #tpu.memory_space<hbm>> -> memref<128x32xf32, #tpu.memory_space<hbm>>
    %dma_wait3A_362 = arith.constant 384 : i32
    %dma_wait3A_363 = arith.constant 0 : i32
    %dma_wait3A_364 = tpu.memref_slice %arg16[%dma_wait3A_362, %dma_wait3A_363] : memref<1024x32xf32, #tpu.memory_space<vmem>> -> memref<128x32xf32, #tpu.memory_space<vmem>>
    %dma_wait3A_365 = arith.constant 0 : i32
    %dma_wait3A_366 = arith.constant 0 : i32
    %dma_wait3A_367 = tpu.memref_slice %arg10[%dma_wait3A_365, %dma_wait3A_366] : memref<360448x32xf32, #tpu.memory_space<hbm>> -> memref<128x32xf32, #tpu.memory_space<hbm>>
    tpu.wait_dma2 semaphore(%arg22 : memref<!tpu.dma_semaphore, #tpu.memory_space<semaphore_mem>>) src(%dma_wait3A_367 : memref<128x32xf32, #tpu.memory_space<hbm>>) dst(%dma_wait3A_364 : memref<128x32xf32, #tpu.memory_space<vmem>>)
    %dma_wait3A_368 = arith.constant 512 : i32
    %dma_wait3A_369 = arith.constant 0 : i32
    %dma_wait3A_370 = tpu.memref_slice %arg16[%dma_wait3A_368, %dma_wait3A_369] : memref<1024x32xf32, #tpu.memory_space<vmem>> -> memref<128x32xf32, #tpu.memory_space<vmem>>
    %dma_wait3A_371 = arith.constant 0 : i32
    %dma_wait3A_372 = arith.constant 0 : i32
    %dma_wait3A_373 = tpu.memref_slice %arg10[%dma_wait3A_371, %dma_wait3A_372] : memref<360448x32xf32, #tpu.memory_space<hbm>> -> memref<128x32xf32, #tpu.memory_space<hbm>>
    %dma_wait3A_374 = arith.constant 512 : i32
    %dma_wait3A_375 = arith.constant 0 : i32
    %dma_wait3A_376 = tpu.memref_slice %arg16[%dma_wait3A_374, %dma_wait3A_375] : memref<1024x32xf32, #tpu.memory_space<vmem>> -> memref<128x32xf32, #tpu.memory_space<vmem>>
    %dma_wait3A_377 = arith.constant 0 : i32
    %dma_wait3A_378 = arith.constant 0 : i32
    %dma_wait3A_379 = tpu.memref_slice %arg10[%dma_wait3A_377, %dma_wait3A_378] : memref<360448x32xf32, #tpu.memory_space<hbm>> -> memref<128x32xf32, #tpu.memory_space<hbm>>
    tpu.wait_dma2 semaphore(%arg22 : memref<!tpu.dma_semaphore, #tpu.memory_space<semaphore_mem>>) src(%dma_wait3A_379 : memref<128x32xf32, #tpu.memory_space<hbm>>) dst(%dma_wait3A_376 : memref<128x32xf32, #tpu.memory_space<vmem>>)
    %dma_wait3A_380 = arith.constant 640 : i32
    %dma_wait3A_381 = arith.constant 0 : i32
    %dma_wait3A_382 = tpu.memref_slice %arg16[%dma_wait3A_380, %dma_wait3A_381] : memref<1024x32xf32, #tpu.memory_space<vmem>> -> memref<128x32xf32, #tpu.memory_space<vmem>>
    %dma_wait3A_383 = arith.constant 0 : i32
    %dma_wait3A_384 = arith.constant 0 : i32
    %dma_wait3A_385 = tpu.memref_slice %arg10[%dma_wait3A_383, %dma_wait3A_384] : memref<360448x32xf32, #tpu.memory_space<hbm>> -> memref<128x32xf32, #tpu.memory_space<hbm>>
    %dma_wait3A_386 = arith.constant 640 : i32
    %dma_wait3A_387 = arith.constant 0 : i32
    %dma_wait3A_388 = tpu.memref_slice %arg16[%dma_wait3A_386, %dma_wait3A_387] : memref<1024x32xf32, #tpu.memory_space<vmem>> -> memref<128x32xf32, #tpu.memory_space<vmem>>
    %dma_wait3A_389 = arith.constant 0 : i32
    %dma_wait3A_390 = arith.constant 0 : i32
    %dma_wait3A_391 = tpu.memref_slice %arg10[%dma_wait3A_389, %dma_wait3A_390] : memref<360448x32xf32, #tpu.memory_space<hbm>> -> memref<128x32xf32, #tpu.memory_space<hbm>>
    tpu.wait_dma2 semaphore(%arg22 : memref<!tpu.dma_semaphore, #tpu.memory_space<semaphore_mem>>) src(%dma_wait3A_391 : memref<128x32xf32, #tpu.memory_space<hbm>>) dst(%dma_wait3A_388 : memref<128x32xf32, #tpu.memory_space<vmem>>)
    %dma_wait3A_392 = arith.constant 768 : i32
    %dma_wait3A_393 = arith.constant 0 : i32
    %dma_wait3A_394 = tpu.memref_slice %arg16[%dma_wait3A_392, %dma_wait3A_393] : memref<1024x32xf32, #tpu.memory_space<vmem>> -> memref<128x32xf32, #tpu.memory_space<vmem>>
    %dma_wait3A_395 = arith.constant 0 : i32
    %dma_wait3A_396 = arith.constant 0 : i32
    %dma_wait3A_397 = tpu.memref_slice %arg10[%dma_wait3A_395, %dma_wait3A_396] : memref<360448x32xf32, #tpu.memory_space<hbm>> -> memref<128x32xf32, #tpu.memory_space<hbm>>
    %dma_wait3A_398 = arith.constant 768 : i32
    %dma_wait3A_399 = arith.constant 0 : i32
    %dma_wait3A_400 = tpu.memref_slice %arg16[%dma_wait3A_398, %dma_wait3A_399] : memref<1024x32xf32, #tpu.memory_space<vmem>> -> memref<128x32xf32, #tpu.memory_space<vmem>>
    %dma_wait3A_401 = arith.constant 0 : i32
    %dma_wait3A_402 = arith.constant 0 : i32
    %dma_wait3A_403 = tpu.memref_slice %arg10[%dma_wait3A_401, %dma_wait3A_402] : memref<360448x32xf32, #tpu.memory_space<hbm>> -> memref<128x32xf32, #tpu.memory_space<hbm>>
    tpu.wait_dma2 semaphore(%arg22 : memref<!tpu.dma_semaphore, #tpu.memory_space<semaphore_mem>>) src(%dma_wait3A_403 : memref<128x32xf32, #tpu.memory_space<hbm>>) dst(%dma_wait3A_400 : memref<128x32xf32, #tpu.memory_space<vmem>>)
    %dma_wait3A_404 = arith.constant 896 : i32
    %dma_wait3A_405 = arith.constant 0 : i32
    %dma_wait3A_406 = tpu.memref_slice %arg16[%dma_wait3A_404, %dma_wait3A_405] : memref<1024x32xf32, #tpu.memory_space<vmem>> -> memref<128x32xf32, #tpu.memory_space<vmem>>
    %dma_wait3A_407 = arith.constant 0 : i32
    %dma_wait3A_408 = arith.constant 0 : i32
    %dma_wait3A_409 = tpu.memref_slice %arg10[%dma_wait3A_407, %dma_wait3A_408] : memref<360448x32xf32, #tpu.memory_space<hbm>> -> memref<128x32xf32, #tpu.memory_space<hbm>>
    %dma_wait3A_410 = arith.constant 896 : i32
    %dma_wait3A_411 = arith.constant 0 : i32
    %dma_wait3A_412 = tpu.memref_slice %arg16[%dma_wait3A_410, %dma_wait3A_411] : memref<1024x32xf32, #tpu.memory_space<vmem>> -> memref<128x32xf32, #tpu.memory_space<vmem>>
    %dma_wait3A_413 = arith.constant 0 : i32
    %dma_wait3A_414 = arith.constant 0 : i32
    %dma_wait3A_415 = tpu.memref_slice %arg10[%dma_wait3A_413, %dma_wait3A_414] : memref<360448x32xf32, #tpu.memory_space<hbm>> -> memref<128x32xf32, #tpu.memory_space<hbm>>
    tpu.wait_dma2 semaphore(%arg22 : memref<!tpu.dma_semaphore, #tpu.memory_space<semaphore_mem>>) src(%dma_wait3A_415 : memref<128x32xf32, #tpu.memory_space<hbm>>) dst(%dma_wait3A_412 : memref<128x32xf32, #tpu.memory_space<vmem>>)
    %dma_wait3A_416 = arith.constant 0 : i32
    %dma_wait3A_417 = arith.constant 0 : i32
    %dma_wait3A_418 = tpu.memref_slice %arg11[%dma_wait3A_416, %dma_wait3A_417] : memref<131072x32xf32, #tpu.memory_space<hbm>> -> memref<16x32xf32, #tpu.memory_space<hbm>>
    %dma_wait3A_419 = arith.constant 0 : i32
    %dma_wait3A_420 = arith.constant 0 : i32
    %dma_wait3A_421 = tpu.memref_slice %arg11[%dma_wait3A_419, %dma_wait3A_420] : memref<131072x32xf32, #tpu.memory_space<hbm>> -> memref<16x32xf32, #tpu.memory_space<hbm>>
    tpu.wait_dma2 semaphore(%arg24 : memref<!tpu.dma_semaphore, #tpu.memory_space<semaphore_mem>>) src(%arg18 : memref<16x32xf32, #tpu.memory_space<vmem>>) dst(%dma_wait3A_421 : memref<16x32xf32, #tpu.memory_space<hbm>>)
    %dma_wait3A_422 = arith.constant 0 : i32
    %dma_wait3A_423 = arith.constant 0 : i32
    %dma_wait3A_424 = tpu.memref_slice %arg11[%dma_wait3A_422, %dma_wait3A_423] : memref<131072x32xf32, #tpu.memory_space<hbm>> -> memref<16x32xf32, #tpu.memory_space<hbm>>
    %dma_wait3A_425 = arith.constant 0 : i32
    %dma_wait3A_426 = arith.constant 0 : i32
    %dma_wait3A_427 = tpu.memref_slice %arg11[%dma_wait3A_425, %dma_wait3A_426] : memref<131072x32xf32, #tpu.memory_space<hbm>> -> memref<16x32xf32, #tpu.memory_space<hbm>>
    tpu.wait_dma2 semaphore(%arg25 : memref<!tpu.dma_semaphore, #tpu.memory_space<semaphore_mem>>) src(%arg19 : memref<16x32xf32, #tpu.memory_space<vmem>>) dst(%dma_wait3A_427 : memref<16x32xf32, #tpu.memory_space<hbm>>)
    return
  }
}

module attributes {stable_mosaic.version = 14 : i64} {
  func.func @_vproj_body(%arg0: i32, %arg1: memref<1024x256xf32, #tpu.memory_space<vmem>>, %arg2: memref<256x256xf32, #tpu.memory_space<vmem>>, %arg3: memref<1x256xf32, #tpu.memory_space<vmem>>, %arg4: memref<2048x128xf32, #tpu.memory_space<vmem>>) attributes {dimension_semantics = [#tpu.dimension_semantics<arbitrary>], iteration_bounds = array<i64: 44>, scalar_prefetch = 0 : i64, scratch_operands = 0 : i64, tpu.core_type = #tpu.core_type<tc>, window_params = [{transform_indices = @transform_0, window_bounds = array<i64: 1024, 256>}, {pipeline_mode = #tpu.pipeline_mode<synchronous>, transform_indices = @transform_1, window_bounds = array<i64: 256, 256>}, {pipeline_mode = #tpu.pipeline_mode<synchronous>, transform_indices = @transform_2, window_bounds = array<i64: 1, 256>}, {transform_indices = @transform_3, window_bounds = array<i64: 2048, 128>}]} {
    %get3A = arith.constant 0 : index
    %get3A_0 = arith.constant 0 : index
    %get3A_1 = vector.load %arg1[%get3A, %get3A_0] : memref<1024x256xf32, #tpu.memory_space<vmem>>, vector<1024x256xf32>
    %get3A_2 = arith.constant 0 : index
    %get3A_3 = arith.constant 0 : index
    %get3A_4 = vector.load %arg2[%get3A_2, %get3A_3] : memref<256x256xf32, #tpu.memory_space<vmem>>, vector<256x256xf32>
    %dot_general3A = arith.constant dense<0.000000e+00> : vector<1024x256xf32>
    %dot_general3A_5 = tpu.matmul %get3A_1, %get3A_4, %dot_general3A {dimension_numbers = #tpu.dot_dimension_numbers<[1], [0], [0], [1], [0, 0, 1, 1], [], []>, transpose_lhs_hint = false} : vector<1024x256xf32>, vector<256x256xf32>, vector<1024x256xf32> -> vector<1024x256xf32>
    %get3A_6 = arith.constant 0 : index
    %get3A_7 = arith.constant 0 : index
    %get3A_8 = vector.load %arg3[%get3A_6, %get3A_7] : memref<1x256xf32, #tpu.memory_space<vmem>>, vector<1x256xf32>
    %add3A = vector.broadcast %get3A_8 : vector<1x256xf32> to vector<1024x256xf32>
    %add3A_9 = arith.addf %dot_general3A_5, %add3A : vector<1024x256xf32>
    %reshape3A = vector.shape_cast %add3A_9 : vector<1024x256xf32> to vector<2048x128xf32>
    %swap3A = arith.constant 0 : index
    %swap3A_10 = arith.constant 0 : index
    %swap3A_11 = vector.load %arg4[%swap3A, %swap3A_10] : memref<2048x128xf32, #tpu.memory_space<vmem>>, vector<2048x128xf32>
    tpu.vector_store %arg4[%swap3A, %swap3A_10], %reshape3A {strides = array<i32>} : memref<2048x128xf32, #tpu.memory_space<vmem>>, vector<2048x128xf32>,
    return
  }
  func.func @transform_0(%arg0: i32) -> (i32, i32) {
    %c0_i32 = arith.constant 0 : i32
    %c0_i32_0 = arith.constant 0 : i32
    return %arg0, %c0_i32 : i32, i32
  }
  func.func @transform_1(%arg0: i32) -> (i32, i32) {
    %c0_i32 = arith.constant 0 : i32
    %c0_i32_0 = arith.constant 0 : i32
    %c0_i32_1 = arith.constant 0 : i32
    return %c0_i32, %c0_i32_0 : i32, i32
  }
  func.func @transform_2(%arg0: i32) -> (i32, i32) {
    %c0_i32 = arith.constant 0 : i32
    %c0_i32_0 = arith.constant 0 : i32
    %c0_i32_1 = arith.constant 0 : i32
    return %c0_i32, %c0_i32_0 : i32, i32
  }
  func.func @transform_3(%arg0: i32) -> (i32, i32) {
    %c0_i32 = arith.constant 0 : i32
    %c0_i32_0 = arith.constant 0 : i32
    return %arg0, %c0_i32 : i32, i32
  }
}

module attributes {stable_mosaic.version = 14 : i64} {
  func.func @_prep_body(%arg0: i32, %arg1: memref<1024x256xf32, #tpu.memory_space<vmem>>, %arg2: memref<1024x256xf32, #tpu.memory_space<vmem>>, %arg3: memref<1024x8xf32, #tpu.memory_space<vmem>>, %arg4: memref<256x64xf32, #tpu.memory_space<vmem>>, %arg5: memref<1x64xf32, #tpu.memory_space<vmem>>, %arg6: memref<256x32xf32, #tpu.memory_space<vmem>>, %arg7: memref<1x32xf32, #tpu.memory_space<vmem>>, %arg8: memref<64x512xf32, #tpu.memory_space<vmem>>, %arg9: memref<64x512xf32, #tpu.memory_space<vmem>>, %arg10: memref<32x512xf32, #tpu.memory_space<vmem>>, %arg11: memref<8x512xf32, #tpu.memory_space<vmem>>, %arg12: memref<8x512xf32, #tpu.memory_space<vmem>>, %arg13: memref<32x32xf32, #tpu.memory_space<vmem>>, %arg14: memref<1024x128xi32, #tpu.memory_space<vmem>>, %arg15: memref<1024x128xi32, #tpu.memory_space<vmem>>, %arg16: memref<1024x128xi32, #tpu.memory_space<vmem>>, %arg17: memref<1024x128xi32, #tpu.memory_space<vmem>>, %arg18: memref<1024x128xf32, #tpu.memory_space<vmem>>, %arg19: memref<1024x128xf32, #tpu.memory_space<vmem>>, %arg20: memref<1024x128xf32, #tpu.memory_space<vmem>>, %arg21: memref<1024x128xf32, #tpu.memory_space<vmem>>) attributes {dimension_semantics = [#tpu.dimension_semantics<arbitrary>], iteration_bounds = array<i64: 16>, scalar_prefetch = 0 : i64, scratch_operands = 0 : i64, tpu.core_type = #tpu.core_type<tc>, window_params = [{transform_indices = @transform_0, window_bounds = array<i64: 1024, 256>}, {transform_indices = @transform_1, window_bounds = array<i64: 1024, 256>}, {transform_indices = @transform_2, window_bounds = array<i64: 1024, 8>}, {pipeline_mode = #tpu.pipeline_mode<synchronous>, transform_indices = @transform_3, window_bounds = array<i64: 256, 64>}, {pipeline_mode = #tpu.pipeline_mode<synchronous>, transform_indices = @transform_4, window_bounds = array<i64: 1, 64>}, {pipeline_mode = #tpu.pipeline_mode<synchronous>, transform_indices = @transform_5, window_bounds = array<i64: 256, 32>}, {pipeline_mode = #tpu.pipeline_mode<synchronous>, transform_indices = @transform_6, window_bounds = array<i64: 1, 32>}, {pipeline_mode = #tpu.pipeline_mode<synchronous>, transform_indices = @transform_7, window_bounds = array<i64: 64, 512>}, {pipeline_mode = #tpu.pipeline_mode<synchronous>, transform_indices = @transform_8, window_bounds = array<i64: 64, 512>}, {pipeline_mode = #tpu.pipeline_mode<synchronous>, transform_indices = @transform_9, window_bounds = array<i64: 32, 512>}, {pipeline_mode = #tpu.pipeline_mode<synchronous>, transform_indices = @transform_10, window_bounds = array<i64: 8, 512>}, {pipeline_mode = #tpu.pipeline_mode<synchronous>, transform_indices = @transform_11, window_bounds = array<i64: 8, 512>}, {pipeline_mode = #tpu.pipeline_mode<synchronous>, transform_indices = @transform_12, window_bounds = array<i64: 32, 32>}, {transform_indices = @transform_13, window_bounds = array<i64: 1024, 128>}, {transform_indices = @transform_14, window_bounds = array<i64: 1024, 128>}, {transform_indices = @transform_15, window_bounds = array<i64: 1024, 128>}, {transform_indices = @transform_16, window_bounds = array<i64: 1024, 128>}, {transform_indices = @transform_17, window_bounds = array<i64: 1024, 128>}, {transform_indices = @transform_18, window_bounds = array<i64: 1024, 128>}, {transform_indices = @transform_19, window_bounds = array<i64: 1024, 128>}, {transform_indices = @transform_20, window_bounds = array<i64: 1024, 128>}]} {
    %get3A = arith.constant 0 : index
    %get3A_0 = arith.constant 0 : index
    %get3A_1 = vector.load %arg1[%get3A, %get3A_0] : memref<1024x256xf32, #tpu.memory_space<vmem>>, vector<1024x256xf32>
    %get3A_2 = arith.constant 0 : index
    %get3A_3 = arith.constant 0 : index
    %get3A_4 = vector.load %arg2[%get3A_2, %get3A_3] : memref<1024x256xf32, #tpu.memory_space<vmem>>, vector<1024x256xf32>
    %add3A = arith.addf %get3A_1, %get3A_4 : vector<1024x256xf32>
    %get3A_5 = arith.constant 0 : index
    %get3A_6 = arith.constant 0 : index
    %get3A_7 = vector.load %arg4[%get3A_5, %get3A_6] : memref<256x64xf32, #tpu.memory_space<vmem>>, vector<256x64xf32>
    %dot_general3A = arith.constant dense<0.000000e+00> : vector<1024x64xf32>
    %dot_general3A_8 = tpu.matmul %add3A, %get3A_7, %dot_general3A {dimension_numbers = #tpu.dot_dimension_numbers<[1], [0], [0], [1], [0, 0, 1, 1], [], []>, precision = #tpu.contract_precision<fp32>, transpose_lhs_hint = false} : vector<1024x256xf32>, vector<256x64xf32>, vector<1024x64xf32> -> vector<1024x64xf32>
    %get3A_9 = arith.constant 0 : index
    %get3A_10 = arith.constant 0 : index
    %get3A_11 = vector.load %arg5[%get3A_9, %get3A_10] : memref<1x64xf32, #tpu.memory_space<vmem>>, vector<1x64xf32>
    %add3A_12 = vector.broadcast %get3A_11 : vector<1x64xf32> to vector<1024x64xf32>
    %add3A_13 = arith.addf %dot_general3A_8, %add3A_12 : vector<1024x64xf32>
    %get3A_14 = arith.constant 0 : index
    %get3A_15 = arith.constant 0 : index
    %get3A_16 = vector.load %arg6[%get3A_14, %get3A_15] : memref<256x32xf32, #tpu.memory_space<vmem>>, vector<256x32xf32>
    %dot_general3A_17 = arith.constant dense<0.000000e+00> : vector<1024x32xf32>
    %dot_general3A_18 = tpu.matmul %add3A, %get3A_16, %dot_general3A_17 {dimension_numbers = #tpu.dot_dimension_numbers<[1], [0], [0], [1], [0, 0, 1, 1], [], []>, transpose_lhs_hint = false} : vector<1024x256xf32>, vector<256x32xf32>, vector<1024x32xf32> -> vector<1024x32xf32>
    %get3A_19 = arith.constant 0 : index
    %get3A_20 = arith.constant 0 : index
    %get3A_21 = vector.load %arg7[%get3A_19, %get3A_20] : memref<1x32xf32, #tpu.memory_space<vmem>>, vector<1x32xf32>
    %add3A_22 = vector.broadcast %get3A_21 : vector<1x32xf32> to vector<1024x32xf32>
    %add3A_23 = arith.addf %dot_general3A_18, %add3A_22 : vector<1024x32xf32>
    %reduce_max3A = arith.constant dense<0xFF800000> : vector<1024xf32>
    %reduce_max3A_24 = vector.multi_reduction <maximumf>, %add3A_23, %reduce_max3A [1] : vector<1024x32xf32> to vector<1024xf32>
    %broadcast_in_dim3A = vector.shape_cast %reduce_max3A_24 : vector<1024xf32> to vector<1024x1xf32>
    %sub3A = vector.broadcast %broadcast_in_dim3A : vector<1024x1xf32> to vector<1024x32xf32>
    %sub3A_25 = arith.subf %add3A_23, %sub3A : vector<1024x32xf32>
    %exp3A = math.exp %sub3A_25 : vector<1024x32xf32>
    %get3A_26 = arith.constant 0 : index
    %get3A_27 = arith.constant 0 : index
    %get3A_28 = vector.load %arg13[%get3A_26, %get3A_27] : memref<32x32xf32, #tpu.memory_space<vmem>>, vector<32x32xf32>
    %dot_general3A_29 = arith.constant dense<0.000000e+00> : vector<1024x32xf32>
    %dot_general3A_30 = tpu.matmul %exp3A, %get3A_28, %dot_general3A_29 {dimension_numbers = #tpu.dot_dimension_numbers<[1], [0], [0], [1], [0, 0, 1, 1], [], []>, transpose_lhs_hint = false} : vector<1024x32xf32>, vector<32x32xf32>, vector<1024x32xf32> -> vector<1024x32xf32>
    %div3A = arith.divf %exp3A, %dot_general3A_30 : vector<1024x32xf32>
    %get3A_31 = arith.constant 0 : index
    %get3A_32 = arith.constant 0 : index
    %get3A_33 = vector.load %arg8[%get3A_31, %get3A_32] : memref<64x512xf32, #tpu.memory_space<vmem>>, vector<64x512xf32>
    %dot_general3A_34 = arith.constant dense<0.000000e+00> : vector<1024x512xf32>
    %dot_general3A_35 = tpu.matmul %add3A_13, %get3A_33, %dot_general3A_34 {dimension_numbers = #tpu.dot_dimension_numbers<[1], [0], [0], [1], [0, 0, 1, 1], [], []>, precision = #tpu.contract_precision<fp32>, transpose_lhs_hint = false} : vector<1024x64xf32>, vector<64x512xf32>, vector<1024x512xf32> -> vector<1024x512xf32>
    %get3A_36 = arith.constant 0 : index
    %get3A_37 = arith.constant 0 : index
    %get3A_38 = vector.load %arg9[%get3A_36, %get3A_37] : memref<64x512xf32, #tpu.memory_space<vmem>>, vector<64x512xf32>
    %dot_general3A_39 = arith.constant dense<0.000000e+00> : vector<1024x512xf32>
    %dot_general3A_40 = tpu.matmul %add3A_13, %get3A_38, %dot_general3A_39 {dimension_numbers = #tpu.dot_dimension_numbers<[1], [0], [0], [1], [0, 0, 1, 1], [], []>, precision = #tpu.contract_precision<fp32>, transpose_lhs_hint = false} : vector<1024x64xf32>, vector<64x512xf32>, vector<1024x512xf32> -> vector<1024x512xf32>
    %get3A_41 = arith.constant 0 : index
    %get3A_42 = arith.constant 0 : index
    %get3A_43 = vector.load %arg10[%get3A_41, %get3A_42] : memref<32x512xf32, #tpu.memory_space<vmem>>, vector<32x512xf32>
    %dot_general3A_44 = arith.constant dense<0.000000e+00> : vector<1024x512xf32>
    %dot_general3A_45 = tpu.matmul %div3A, %get3A_43, %dot_general3A_44 {dimension_numbers = #tpu.dot_dimension_numbers<[1], [0], [0], [1], [0, 0, 1, 1], [], []>, transpose_lhs_hint = false} : vector<1024x32xf32>, vector<32x512xf32>, vector<1024x512xf32> -> vector<1024x512xf32>
    %get3A_46 = arith.constant 0 : index
    %get3A_47 = arith.constant 0 : index
    %get3A_48 = vector.load %arg3[%get3A_46, %get3A_47] : memref<1024x8xf32, #tpu.memory_space<vmem>>, vector<1024x8xf32>
    %get3A_49 = arith.constant 0 : index
    %get3A_50 = arith.constant 0 : index
    %get3A_51 = vector.load %arg11[%get3A_49, %get3A_50] : memref<8x512xf32, #tpu.memory_space<vmem>>, vector<8x512xf32>
    %dot_general3A_52 = arith.constant dense<0.000000e+00> : vector<1024x512xf32>
    %dot_general3A_53 = tpu.matmul %get3A_48, %get3A_51, %dot_general3A_52 {dimension_numbers = #tpu.dot_dimension_numbers<[1], [0], [0], [1], [0, 0, 1, 1], [], []>, precision = #tpu.contract_precision<fp32>, transpose_lhs_hint = false} : vector<1024x8xf32>, vector<8x512xf32>, vector<1024x512xf32> -> vector<1024x512xf32>
    %get3A_54 = arith.constant 0 : index
    %get3A_55 = arith.constant 0 : index
    %get3A_56 = vector.load %arg12[%get3A_54, %get3A_55] : memref<8x512xf32, #tpu.memory_space<vmem>>, vector<8x512xf32>
    %dot_general3A_57 = arith.constant dense<0.000000e+00> : vector<1024x512xf32>
    %dot_general3A_58 = tpu.matmul %get3A_48, %get3A_56, %dot_general3A_57 {dimension_numbers = #tpu.dot_dimension_numbers<[1], [0], [0], [1], [0, 0, 1, 1], [], []>, precision = #tpu.contract_precision<fp32>, transpose_lhs_hint = false} : vector<1024x8xf32>, vector<8x512xf32>, vector<1024x512xf32> -> vector<1024x512xf32>
    %iota3A = tpu.iota {dimensions = array<i32: 1>} : vector<1024x512xi32>
    %shift_right_arithmetic3A = arith.constant 7 : i32
    %shift_right_arithmetic3A_59 = vector.broadcast %shift_right_arithmetic3A : i32 to vector<1024x512xi32>
    %shift_right_arithmetic3A_60 = arith.shrsi %iota3A, %shift_right_arithmetic3A_59 : vector<1024x512xi32>
    %and3A = arith.constant 1 : i32
    %and3A_61 = vector.broadcast %and3A : i32 to vector<1024x512xi32>
    %and3A_62 = arith.andi %shift_right_arithmetic3A_60, %and3A_61 : vector<1024x512xi32>
    %convert_element_type3A = arith.sitofp %and3A_62 : vector<1024x512xi32> to vector<1024x512xf32>
    %shift_right_arithmetic3A_63 = arith.constant 8 : i32
    %shift_right_arithmetic3A_64 = vector.broadcast %shift_right_arithmetic3A_63 : i32 to vector<1024x512xi32>
    %shift_right_arithmetic3A_65 = arith.shrsi %iota3A, %shift_right_arithmetic3A_64 : vector<1024x512xi32>
    %and3A_66 = arith.constant 1 : i32
    %and3A_67 = vector.broadcast %and3A_66 : i32 to vector<1024x512xi32>
    %and3A_68 = arith.andi %shift_right_arithmetic3A_65, %and3A_67 : vector<1024x512xi32>
    %convert_element_type3A_69 = arith.sitofp %and3A_68 : vector<1024x512xi32> to vector<1024x512xf32>
    %shift_right_arithmetic3A_70 = arith.constant 4 : i32
    %shift_right_arithmetic3A_71 = vector.broadcast %shift_right_arithmetic3A_70 : i32 to vector<1024x512xi32>
    %shift_right_arithmetic3A_72 = arith.shrsi %iota3A, %shift_right_arithmetic3A_71 : vector<1024x512xi32>
    %and3A_73 = arith.constant 7 : i32
    %and3A_74 = vector.broadcast %and3A_73 : i32 to vector<1024x512xi32>
    %and3A_75 = arith.andi %shift_right_arithmetic3A_72, %and3A_74 : vector<1024x512xi32>
    %shift_right_arithmetic3A_76 = arith.constant 2 : i32
    %shift_right_arithmetic3A_77 = vector.broadcast %shift_right_arithmetic3A_76 : i32 to vector<1024x512xi32>
    %shift_right_arithmetic3A_78 = arith.shrsi %iota3A, %shift_right_arithmetic3A_77 : vector<1024x512xi32>
    %and3A_79 = arith.constant 3 : i32
    %and3A_80 = vector.broadcast %and3A_79 : i32 to vector<1024x512xi32>
    %and3A_81 = arith.andi %shift_right_arithmetic3A_78, %and3A_80 : vector<1024x512xi32>
    %mul3A = arith.constant 1.760000e+02 : f32
    %mul3A_82 = vector.broadcast %mul3A : f32 to vector<1024x512xf32>
    %mul3A_83 = arith.mulf %dot_general3A_53, %mul3A_82 : vector<1024x512xf32>
    %add3A_84 = arith.addf %mul3A_83, %dot_general3A_35 : vector<1024x512xf32>
    %sub3A_85 = arith.constant 5.000000e-01 : f32
    %sub3A_86 = vector.broadcast %sub3A_85 : f32 to vector<1024x512xf32>
    %sub3A_87 = arith.subf %add3A_84, %sub3A_86 : vector<1024x512xf32>
    %mul3A_88 = arith.constant 6.400000e+01 : f32
    %mul3A_89 = vector.broadcast %mul3A_88 : f32 to vector<1024x512xf32>
    %mul3A_90 = arith.mulf %dot_general3A_58, %mul3A_89 : vector<1024x512xf32>
    %add3A_91 = arith.addf %mul3A_90, %dot_general3A_40 : vector<1024x512xf32>
    %sub3A_92 = arith.constant 5.000000e-01 : f32
    %sub3A_93 = vector.broadcast %sub3A_92 : f32 to vector<1024x512xf32>
    %sub3A_94 = arith.subf %add3A_91, %sub3A_93 : vector<1024x512xf32>
    %floor3A = math.floor %sub3A_87 : vector<1024x512xf32>
    %floor3A_95 = math.floor %sub3A_94 : vector<1024x512xf32>
    %sub3A_96 = arith.subf %sub3A_87, %floor3A : vector<1024x512xf32>
    %sub3A_97 = arith.subf %sub3A_94, %floor3A_95 : vector<1024x512xf32>
    %add3A_98 = arith.addf %floor3A, %convert_element_type3A : vector<1024x512xf32>
    %add3A_99 = arith.addf %floor3A_95, %convert_element_type3A_69 : vector<1024x512xf32>
    %mul3A_100 = arith.mulf %convert_element_type3A, %sub3A_96 : vector<1024x512xf32>
    %sub3A_101 = arith.constant 1.000000e+00 : f32
    %sub3A_102 = vector.broadcast %sub3A_101 : f32 to vector<1024x512xf32>
    %sub3A_103 = arith.subf %sub3A_102, %convert_element_type3A : vector<1024x512xf32>
    %sub3A_104 = arith.constant 1.000000e+00 : f32
    %sub3A_105 = vector.broadcast %sub3A_104 : f32 to vector<1024x512xf32>
    %sub3A_106 = arith.subf %sub3A_105, %sub3A_96 : vector<1024x512xf32>
    %mul3A_107 = arith.mulf %sub3A_103, %sub3A_106 : vector<1024x512xf32>
    %add3A_108 = arith.addf %mul3A_100, %mul3A_107 : vector<1024x512xf32>
    %mul3A_109 = arith.mulf %convert_element_type3A_69, %sub3A_97 : vector<1024x512xf32>
    %sub3A_110 = arith.constant 1.000000e+00 : f32
    %sub3A_111 = vector.broadcast %sub3A_110 : f32 to vector<1024x512xf32>
    %sub3A_112 = arith.subf %sub3A_111, %convert_element_type3A_69 : vector<1024x512xf32>
    %sub3A_113 = arith.constant 1.000000e+00 : f32
    %sub3A_114 = vector.broadcast %sub3A_113 : f32 to vector<1024x512xf32>
    %sub3A_115 = arith.subf %sub3A_114, %sub3A_97 : vector<1024x512xf32>
    %mul3A_116 = arith.mulf %sub3A_112, %sub3A_115 : vector<1024x512xf32>
    %add3A_117 = arith.addf %mul3A_109, %mul3A_116 : vector<1024x512xf32>
    %ge3A = arith.constant 0.000000e+00 : f32
    %ge3A_118 = vector.broadcast %ge3A : f32 to vector<1024x512xf32>
    %ge3A_119 = arith.cmpf oge, %add3A_98, %ge3A_118 : vector<1024x512xf32>
    %le3A = arith.constant 1.750000e+02 : f32
    %le3A_120 = vector.broadcast %le3A : f32 to vector<1024x512xf32>
    %le3A_121 = arith.cmpf ole, %add3A_98, %le3A_120 : vector<1024x512xf32>
    %and3A_122 = arith.andi %ge3A_119, %le3A_121 : vector<1024x512xi1>
    %ge3A_123 = arith.constant 0.000000e+00 : f32
    %ge3A_124 = vector.broadcast %ge3A_123 : f32 to vector<1024x512xf32>
    %ge3A_125 = arith.cmpf oge, %add3A_99, %ge3A_124 : vector<1024x512xf32>
    %and3A_126 = arith.andi %and3A_122, %ge3A_125 : vector<1024x512xi1>
    %le3A_127 = arith.constant 6.300000e+01 : f32
    %le3A_128 = vector.broadcast %le3A_127 : f32 to vector<1024x512xf32>
    %le3A_129 = arith.cmpf ole, %add3A_99, %le3A_128 : vector<1024x512xf32>
    %and3A_130 = arith.andi %and3A_126, %le3A_129 : vector<1024x512xi1>
    %jit3A = arith.constant 0.000000e+00 : f32
    %jit3A_131 = arith.constant 1.750000e+02 : f32
    %max3A = vector.broadcast %jit3A : f32 to vector<1024x512xf32>
    %max3A_132 = arith.maximumf %max3A, %add3A_98 : vector<1024x512xf32>
    %min3A = vector.broadcast %jit3A_131 : f32 to vector<1024x512xf32>
    %min3A_133 = arith.minimumf %min3A, %max3A_132 : vector<1024x512xf32>
    %convert_element_type3A_134 = arith.fptosi %min3A_133 : vector<1024x512xf32> to vector<1024x512xi32>
    %jit3A_135 = arith.constant 0.000000e+00 : f32
    %jit3A_136 = arith.constant 6.300000e+01 : f32
    %max3A_137 = vector.broadcast %jit3A_135 : f32 to vector<1024x512xf32>
    %max3A_138 = arith.maximumf %max3A_137, %add3A_99 : vector<1024x512xf32>
    %min3A_139 = vector.broadcast %jit3A_136 : f32 to vector<1024x512xf32>
    %min3A_140 = arith.minimumf %min3A_139, %max3A_138 : vector<1024x512xf32>
    %convert_element_type3A_141 = arith.fptosi %min3A_140 : vector<1024x512xf32> to vector<1024x512xi32>
    %mul3A_142 = arith.mulf %dot_general3A_45, %add3A_108 : vector<1024x512xf32>
    %mul3A_143 = arith.mulf %mul3A_142, %add3A_117 : vector<1024x512xf32>
    %convert_element_type3A_144 = arith.extui %and3A_130 : vector<1024x512xi1> to vector<1024x512xi32>
    %convert_element_type3A_145 = arith.sitofp %convert_element_type3A_144 : vector<1024x512xi32> to vector<1024x512xf32>
    %mul3A_146 = arith.mulf %mul3A_143, %convert_element_type3A_145 : vector<1024x512xf32>
    %mul3A_147 = arith.constant 90112 : i32
    %mul3A_148 = vector.broadcast %mul3A_147 : i32 to vector<1024x512xi32>
    %mul3A_149 = arith.muli %and3A_81, %mul3A_148 : vector<1024x512xi32>
    %mul3A_150 = arith.constant 176 : i32
    %mul3A_151 = vector.broadcast %mul3A_150 : i32 to vector<1024x512xi32>
    %mul3A_152 = arith.muli %convert_element_type3A_141, %mul3A_151 : vector<1024x512xi32>
    %add3A_153 = arith.addi %mul3A_152, %convert_element_type3A_134 : vector<1024x512xi32>
    %mul3A_154 = arith.constant 8 : i32
    %mul3A_155 = vector.broadcast %mul3A_154 : i32 to vector<1024x512xi32>
    %mul3A_156 = arith.muli %add3A_153, %mul3A_155 : vector<1024x512xi32>
    %add3A_157 = arith.addi %mul3A_149, %mul3A_156 : vector<1024x512xi32>
    %add3A_158 = arith.addi %add3A_157, %and3A_75 : vector<1024x512xi32>
    %slice3A = vector.extract_strided_slice %add3A_158 {offsets = [0, 0], sizes = [1024, 128], strides = [1, 1]} : vector<1024x512xi32> to vector<1024x128xi32>
    %swap3A = arith.constant 0 : index
    %swap3A_159 = arith.constant 0 : index
    %swap3A_160 = vector.load %arg14[%swap3A, %swap3A_159] : memref<1024x128xi32, #tpu.memory_space<vmem>>, vector<1024x128xi32>
    tpu.vector_store %arg14[%swap3A, %swap3A_159], %slice3A {strides = array<i32>} : memref<1024x128xi32, #tpu.memory_space<vmem>>, vector<1024x128xi32>,
    %slice3A_161 = vector.extract_strided_slice %mul3A_146 {offsets = [0, 0], sizes = [1024, 128], strides = [1, 1]} : vector<1024x512xf32> to vector<1024x128xf32>
    %swap3A_162 = arith.constant 0 : index
    %swap3A_163 = arith.constant 0 : index
    %swap3A_164 = vector.load %arg18[%swap3A_162, %swap3A_163] : memref<1024x128xf32, #tpu.memory_space<vmem>>, vector<1024x128xf32>
    tpu.vector_store %arg18[%swap3A_162, %swap3A_163], %slice3A_161 {strides = array<i32>} : memref<1024x128xf32, #tpu.memory_space<vmem>>, vector<1024x128xf32>,
    %slice3A_165 = vector.extract_strided_slice %add3A_158 {offsets = [0, 128], sizes = [1024, 128], strides = [1, 1]} : vector<1024x512xi32> to vector<1024x128xi32>
    %swap3A_166 = arith.constant 0 : index
    %swap3A_167 = arith.constant 0 : index
    %swap3A_168 = vector.load %arg15[%swap3A_166, %swap3A_167] : memref<1024x128xi32, #tpu.memory_space<vmem>>, vector<1024x128xi32>
    tpu.vector_store %arg15[%swap3A_166, %swap3A_167], %slice3A_165 {strides = array<i32>} : memref<1024x128xi32, #tpu.memory_space<vmem>>, vector<1024x128xi32>,
    %slice3A_169 = vector.extract_strided_slice %mul3A_146 {offsets = [0, 128], sizes = [1024, 128], strides = [1, 1]} : vector<1024x512xf32> to vector<1024x128xf32>
    %swap3A_170 = arith.constant 0 : index
    %swap3A_171 = arith.constant 0 : index
    %swap3A_172 = vector.load %arg19[%swap3A_170, %swap3A_171] : memref<1024x128xf32, #tpu.memory_space<vmem>>, vector<1024x128xf32>
    tpu.vector_store %arg19[%swap3A_170, %swap3A_171], %slice3A_169 {strides = array<i32>} : memref<1024x128xf32, #tpu.memory_space<vmem>>, vector<1024x128xf32>,
    %slice3A_173 = vector.extract_strided_slice %add3A_158 {offsets = [0, 256], sizes = [1024, 128], strides = [1, 1]} : vector<1024x512xi32> to vector<1024x128xi32>
    %swap3A_174 = arith.constant 0 : index
    %swap3A_175 = arith.constant 0 : index
    %swap3A_176 = vector.load %arg16[%swap3A_174, %swap3A_175] : memref<1024x128xi32, #tpu.memory_space<vmem>>, vector<1024x128xi32>
    tpu.vector_store %arg16[%swap3A_174, %swap3A_175], %slice3A_173 {strides = array<i32>} : memref<1024x128xi32, #tpu.memory_space<vmem>>, vector<1024x128xi32>,
    %slice3A_177 = vector.extract_strided_slice %mul3A_146 {offsets = [0, 256], sizes = [1024, 128], strides = [1, 1]} : vector<1024x512xf32> to vector<1024x128xf32>
    %swap3A_178 = arith.constant 0 : index
    %swap3A_179 = arith.constant 0 : index
    %swap3A_180 = vector.load %arg20[%swap3A_178, %swap3A_179] : memref<1024x128xf32, #tpu.memory_space<vmem>>, vector<1024x128xf32>
    tpu.vector_store %arg20[%swap3A_178, %swap3A_179], %slice3A_177 {strides = array<i32>} : memref<1024x128xf32, #tpu.memory_space<vmem>>, vector<1024x128xf32>,
    %slice3A_181 = vector.extract_strided_slice %add3A_158 {offsets = [0, 384], sizes = [1024, 128], strides = [1, 1]} : vector<1024x512xi32> to vector<1024x128xi32>
    %swap3A_182 = arith.constant 0 : index
    %swap3A_183 = arith.constant 0 : index
    %swap3A_184 = vector.load %arg17[%swap3A_182, %swap3A_183] : memref<1024x128xi32, #tpu.memory_space<vmem>>, vector<1024x128xi32>
    tpu.vector_store %arg17[%swap3A_182, %swap3A_183], %slice3A_181 {strides = array<i32>} : memref<1024x128xi32, #tpu.memory_space<vmem>>, vector<1024x128xi32>,
    %slice3A_185 = vector.extract_strided_slice %mul3A_146 {offsets = [0, 384], sizes = [1024, 128], strides = [1, 1]} : vector<1024x512xf32> to vector<1024x128xf32>
    %swap3A_186 = arith.constant 0 : index
    %swap3A_187 = arith.constant 0 : index
    %swap3A_188 = vector.load %arg21[%swap3A_186, %swap3A_187] : memref<1024x128xf32, #tpu.memory_space<vmem>>, vector<1024x128xf32>
    tpu.vector_store %arg21[%swap3A_186, %swap3A_187], %slice3A_185 {strides = array<i32>} : memref<1024x128xf32, #tpu.memory_space<vmem>>, vector<1024x128xf32>,
    return
  }
  func.func @transform_0(%arg0: i32) -> (i32, i32) {
    %c0_i32 = arith.constant 0 : i32
    %c0_i32_0 = arith.constant 0 : i32
    return %arg0, %c0_i32 : i32, i32
  }
  func.func @transform_1(%arg0: i32) -> (i32, i32) {
    %c0_i32 = arith.constant 0 : i32
    %c0_i32_0 = arith.constant 0 : i32
    return %arg0, %c0_i32 : i32, i32
  }
  func.func @transform_2(%arg0: i32) -> (i32, i32) {
    %c0_i32 = arith.constant 0 : i32
    %c0_i32_0 = arith.constant 0 : i32
    return %arg0, %c0_i32 : i32, i32
  }
  func.func @transform_3(%arg0: i32) -> (i32, i32) {
    %c0_i32 = arith.constant 0 : i32
    %c0_i32_0 = arith.constant 0 : i32
    %c0_i32_1 = arith.constant 0 : i32
    return %c0_i32, %c0_i32_0 : i32, i32
  }
  func.func @transform_4(%arg0: i32) -> (i32, i32) {
    %c0_i32 = arith.constant 0 : i32
    %c0_i32_0 = arith.constant 0 : i32
    %c0_i32_1 = arith.constant 0 : i32
    return %c0_i32, %c0_i32_0 : i32, i32
  }
  func.func @transform_5(%arg0: i32) -> (i32, i32) {
    %c0_i32 = arith.constant 0 : i32
    %c0_i32_0 = arith.constant 0 : i32
    %c0_i32_1 = arith.constant 0 : i32
    return %c0_i32, %c0_i32_0 : i32, i32
  }
  func.func @transform_6(%arg0: i32) -> (i32, i32) {
    %c0_i32 = arith.constant 0 : i32
    %c0_i32_0 = arith.constant 0 : i32
    %c0_i32_1 = arith.constant 0 : i32
    return %c0_i32, %c0_i32_0 : i32, i32
  }
  func.func @transform_7(%arg0: i32) -> (i32, i32) {
    %c0_i32 = arith.constant 0 : i32
    %c0_i32_0 = arith.constant 0 : i32
    %c0_i32_1 = arith.constant 0 : i32
    return %c0_i32, %c0_i32_0 : i32, i32
  }
  func.func @transform_8(%arg0: i32) -> (i32, i32) {
    %c0_i32 = arith.constant 0 : i32
    %c0_i32_0 = arith.constant 0 : i32
    %c0_i32_1 = arith.constant 0 : i32
    return %c0_i32, %c0_i32_0 : i32, i32
  }
  func.func @transform_9(%arg0: i32) -> (i32, i32) {
    %c0_i32 = arith.constant 0 : i32
    %c0_i32_0 = arith.constant 0 : i32
    %c0_i32_1 = arith.constant 0 : i32
    return %c0_i32, %c0_i32_0 : i32, i32
  }
  func.func @transform_10(%arg0: i32) -> (i32, i32) {
    %c0_i32 = arith.constant 0 : i32
    %c0_i32_0 = arith.constant 0 : i32
    %c0_i32_1 = arith.constant 0 : i32
    return %c0_i32, %c0_i32_0 : i32, i32
  }
  func.func @transform_11(%arg0: i32) -> (i32, i32) {
    %c0_i32 = arith.constant 0 : i32
    %c0_i32_0 = arith.constant 0 : i32
    %c0_i32_1 = arith.constant 0 : i32
    return %c0_i32, %c0_i32_0 : i32, i32
  }
  func.func @transform_12(%arg0: i32) -> (i32, i32) {
    %c0_i32 = arith.constant 0 : i32
    %c0_i32_0 = arith.constant 0 : i32
    %c0_i32_1 = arith.constant 0 : i32
    return %c0_i32, %c0_i32_0 : i32, i32
  }
  func.func @transform_13(%arg0: i32) -> (i32, i32) {
    %c0_i32 = arith.constant 0 : i32
    %c0_i32_0 = arith.constant 0 : i32
    return %arg0, %c0_i32 : i32, i32
  }
  func.func @transform_14(%arg0: i32) -> (i32, i32) {
    %c0_i32 = arith.constant 0 : i32
    %c0_i32_0 = arith.constant 0 : i32
    return %arg0, %c0_i32 : i32, i32
  }
  func.func @transform_15(%arg0: i32) -> (i32, i32) {
    %c0_i32 = arith.constant 0 : i32
    %c0_i32_0 = arith.constant 0 : i32
    return %arg0, %c0_i32 : i32, i32
  }
  func.func @transform_16(%arg0: i32) -> (i32, i32) {
    %c0_i32 = arith.constant 0 : i32
    %c0_i32_0 = arith.constant 0 : i32
    return %arg0, %c0_i32 : i32, i32
  }
  func.func @transform_17(%arg0: i32) -> (i32, i32) {
    %c0_i32 = arith.constant 0 : i32
    %c0_i32_0 = arith.constant 0 : i32
    return %arg0, %c0_i32 : i32, i32
  }
  func.func @transform_18(%arg0: i32) -> (i32, i32) {
    %c0_i32 = arith.constant 0 : i32
    %c0_i32_0 = arith.constant 0 : i32
    return %arg0, %c0_i32 : i32, i32
  }
  func.func @transform_19(%arg0: i32) -> (i32, i32) {
    %c0_i32 = arith.constant 0 : i32
    %c0_i32_0 = arith.constant 0 : i32
    return %arg0, %c0_i32 : i32, i32
  }
  func.func @transform_20(%arg0: i32) -> (i32, i32) {
    %c0_i32 = arith.constant 0 : i32
    %c0_i32_0 = arith.constant 0 : i32
    return %arg0, %c0_i32 : i32, i32
  }
}

module attributes {stable_mosaic.version = 14 : i64} {
  func.func @_out_body(%arg0: i32, %arg1: memref<1024x256xf32, #tpu.memory_space<vmem>>, %arg2: memref<256x256xf32, #tpu.memory_space<vmem>>, %arg3: memref<1x256xf32, #tpu.memory_space<vmem>>, %arg4: memref<1024x256xf32, #tpu.memory_space<vmem>>, %arg5: memref<1024x256xf32, #tpu.memory_space<vmem>>) attributes {dimension_semantics = [#tpu.dimension_semantics<arbitrary>], iteration_bounds = array<i64: 16>, scalar_prefetch = 0 : i64, scratch_operands = 0 : i64, tpu.core_type = #tpu.core_type<tc>, window_params = [{transform_indices = @transform_0, window_bounds = array<i64: 1024, 256>}, {pipeline_mode = #tpu.pipeline_mode<synchronous>, transform_indices = @transform_1, window_bounds = array<i64: 256, 256>}, {pipeline_mode = #tpu.pipeline_mode<synchronous>, transform_indices = @transform_2, window_bounds = array<i64: 1, 256>}, {transform_indices = @transform_3, window_bounds = array<i64: 1024, 256>}, {transform_indices = @transform_4, window_bounds = array<i64: 1024, 256>}]} {
    %get3A = arith.constant 0 : index
    %get3A_0 = arith.constant 0 : index
    %get3A_1 = vector.load %arg1[%get3A, %get3A_0] : memref<1024x256xf32, #tpu.memory_space<vmem>>, vector<1024x256xf32>
    %get3A_2 = arith.constant 0 : index
    %get3A_3 = arith.constant 0 : index
    %get3A_4 = vector.load %arg2[%get3A_2, %get3A_3] : memref<256x256xf32, #tpu.memory_space<vmem>>, vector<256x256xf32>
    %dot_general3A = arith.constant dense<0.000000e+00> : vector<1024x256xf32>
    %dot_general3A_5 = tpu.matmul %get3A_1, %get3A_4, %dot_general3A {dimension_numbers = #tpu.dot_dimension_numbers<[1], [0], [0], [1], [0, 0, 1, 1], [], []>, transpose_lhs_hint = false} : vector<1024x256xf32>, vector<256x256xf32>, vector<1024x256xf32> -> vector<1024x256xf32>
    %get3A_6 = arith.constant 0 : index
    %get3A_7 = arith.constant 0 : index
    %get3A_8 = vector.load %arg3[%get3A_6, %get3A_7] : memref<1x256xf32, #tpu.memory_space<vmem>>, vector<1x256xf32>
    %add3A = vector.broadcast %get3A_8 : vector<1x256xf32> to vector<1024x256xf32>
    %add3A_9 = arith.addf %dot_general3A_5, %add3A : vector<1024x256xf32>
    %get3A_10 = arith.constant 0 : index
    %get3A_11 = arith.constant 0 : index
    %get3A_12 = vector.load %arg4[%get3A_10, %get3A_11] : memref<1024x256xf32, #tpu.memory_space<vmem>>, vector<1024x256xf32>
    %add3A_13 = arith.addf %add3A_9, %get3A_12 : vector<1024x256xf32>
    %swap3A = arith.constant 0 : index
    %swap3A_14 = arith.constant 0 : index
    %swap3A_15 = vector.load %arg5[%swap3A, %swap3A_14] : memref<1024x256xf32, #tpu.memory_space<vmem>>, vector<1024x256xf32>
    tpu.vector_store %arg5[%swap3A, %swap3A_14], %add3A_13 {strides = array<i32>} : memref<1024x256xf32, #tpu.memory_space<vmem>>, vector<1024x256xf32>,
    return
  }
  func.func @transform_0(%arg0: i32) -> (i32, i32) {
    %c0_i32 = arith.constant 0 : i32
    %c0_i32_0 = arith.constant 0 : i32
    return %arg0, %c0_i32 : i32, i32
  }
  func.func @transform_1(%arg0: i32) -> (i32, i32) {
    %c0_i32 = arith.constant 0 : i32
    %c0_i32_0 = arith.constant 0 : i32
    %c0_i32_1 = arith.constant 0 : i32
    return %c0_i32, %c0_i32_0 : i32, i32
  }
  func.func @transform_2(%arg0: i32) -> (i32, i32) {
    %c0_i32 = arith.constant 0 : i32
    %c0_i32_0 = arith.constant 0 : i32
    %c0_i32_1 = arith.constant 0 : i32
    return %c0_i32, %c0_i32_0 : i32, i32
  }
  func.func @transform_3(%arg0: i32) -> (i32, i32) {
    %c0_i32 = arith.constant 0 : i32
    %c0_i32_0 = arith.constant 0 : i32
    return %arg0, %c0_i32 : i32, i32
  }
  func.func @transform_4(%arg0: i32) -> (i32, i32) {
    %c0_i32 = arith.constant 0 : i32
    %c0_i32_0 = arith.constant 0 : i32
    return %arg0, %c0_i32 : i32, i32
  }
}

</mosaic_0001>

<sc_bundles>
// kernel: kernel.6.cloned.1.call-start
scs
__scs_entry_jumppad:
0x0: {  	(pc) =	sbr.rel $0x88, $3  }
0x1: {  	(tag) =	ssettag $0x0;
	lr =	simm.s32 $0x1  }
0x2: {  	[smem:$0x3F95] =	sst lr;
	_ =	strace $0xD0000000  }
0x3: {  	_ = 	snop  }
0x4: {  	_ = 	snop  }
0x5: {  	_ = 	snop  }
0x6: {  	_ = 	snop  }
0x7: {  	_ = 	snop  }
__scs_overlays_trampoline_lowered:
0x8: {  	[smem:$0x3FA4] =	sst s0  }
0x9: {  	[smem:$0x3FA5] =	sst s1  }
0xa: {  	[smem:$0x3FA6] =	sst s2  }
0xb: {  	[smem:$0x3FA7] =	sst s3  }
0xc: {  	[smem:$0x3FA8] =	sst s4  }
0xd: {  	[smem:$0x3FA9] =	sst s5  }
0xe: {  	[smem:$0x3FAA] =	sst s6  }
0xf: {  	[smem:$0x3FAB] =	sst s7  }
0x10: {  	[smem:$0x3FAC] =	sst s8  }
0x11: {  	[smem:$0x3FAD] =	sst s9;
	s0 =	simm.s32 @!p0 $0x0  }
0x12: {  	s1 =	sld [smem:$0x3F93];
	s0 =	simm.s32 @p0 $0x1  }
0x13: {  	[smem:$0x3FAE] =	sst s0;
	s0 =	simm.s32 @!p1 $0x0  }
0x14: {  	s2 =	sld [smem:$0x3F92];
	s0 =	simm.s32 @p1 $0x1  }
0x15: {  	[smem:$0x3FAF] =	sst s0;
	s0 =	simm.s32 @!p2 $0x0  }
0x16: {  	s3 =	sld [smem:$0x3FDB];
	s0 =	simm.s32 @p2 $0x1  }
0x17: {  	s4 =	simm.s32 $0x1BF5;
	[smem:$0x3FB1] =	sst s0  }
0x18: {  	s0 =	sld [smem:$0x3F94];
	_ =	swait.ge [sflag:s4], $0x0  }
0x19: {  	s7 =	sld [smem:$0x3F95]  }
0x1a: {  	s8 =	sadd.s32 $0xFFFFE003, lr  }
0x1b: {  	s9 =	sadd.s32 $0xFFFFFEF7, lr;
	s5 =	simm.s32 $0xFFFFFFFF;
	p2 =	slt.u32 s8, $0xFFFFF086  }
0x1c: {  	p1 =	slt.u32 s9, $0xF7A;
	s5 =	simm.s32 @!p2 $0x0  }
0x1d: {  	s5 =	simm.s32 @p1 $0x1;
	p0 =	seq.s32 s7, s2  }
0x1e: {  	s7 =	smul.u32 @!p0 $0xF7A, s2;
	p2 =	seq.s32 @!p0 s5, $0x0  }
0x1f: {  	s9 =	smul.u32 $0xF7A, s1;
	s8 =	simm.s32 @!p0 $0x1BF5;
	p2 =	por !p2, p0  }
0x20: {  	[sflag:s8] =	ssyncset.s32 @!p0 $0xFFFFF086;
	s6 =	sadd.s32 @!p0 s3, s7;
	s7 =	simm.s32 @!p0 $0x108  }
0x21: {  	s3 =	sadd.s32 s3, s9;
	s6 =	sadd.s32 @!p0 $0x88, s6;
	s7 =	simm.s32 @p2 $0x1082  }
0x22: {  	[simem:s7], [sflag:s8] =	dma.local @!p0 [hbm:s6], $0xF7A  }
0x23: {  	s9 =	sor.u32 $0xD0000000, s2;
	s6 =	simm.s32 $0x108;
	_ =	swait.ge @!p0 [sflag:s8], $0x0  }
0x24: {  	s3 =	sadd.s32 $0x88, s3;
	s6 =	simm.s32 @!p1 $0x1082;
	[sflag:s4] =	ssyncset.s32 $0xFFFFF086  }
0x25: {  	[simem:s6], [sflag:s4] =	dma.local [hbm:s3], $0xF7A  }
0x26: {  	[smem:$0x3F95] =	sst s1;
	(tag) =	ssettag s2;
	_ =	strace s9  }
0x27: {  	s1 =	sld [smem:$0x3FA5]  }
0x28: {  	s2 =	sld [smem:$0x3FA6]  }
0x29: {  	s4 =	sld [smem:$0x3FA8]  }
0x2a: {  	p0 =	seq.s32 s5, $0x0;
	s5 =	sld [smem:$0x3FA9]  }
0x2b: {  	s6 =	sld [smem:$0x3FAA]  }
0x2c: {  	s7 =	sld [smem:$0x3FAB]  }
0x2d: {  	s3 =	simm.s32 $0x108;
	s8 =	sld [smem:$0x3FAC]  }
0x2e: {  	s3 =	simm.s32 @!p0 $0x1082;
	s9 =	sld [smem:$0x3FAD]  }
0x2f: {  	lr =	sadd.s32 s0, s3;
	s0 =	sld [smem:$0x3FA4]  }
0x30: {  	s3 =	sld [smem:$0x3FA7]  }
0x31: {  	[smem:$0x3FB0] =	sst s10  }
0x32: {  	s10 =	sld [smem:$0x3FAE];
	_ =	sdelay $0x3  }
0x33: {  	p0 =	seq.s32 s10, $0x1;
	s10 =	sld [smem:$0x3FB0];
	_ =	sdelay $0x3  }
0x34: {  	[smem:$0x3FB0] =	sst s10  }
0x35: {  	s10 =	sld [smem:$0x3FAF];
	_ =	sdelay $0x3  }
0x36: {  	p1 =	seq.s32 s10, $0x1;
	s10 =	sld [smem:$0x3FB0];
	_ =	sdelay $0x3  }
0x37: {  	[smem:$0x3FB0] =	sst s10  }
0x38: {  	s10 =	sld [smem:$0x3FB1]  }
0x39: {  	_ = 	snop;
	(pc) =	sbr.ind lr, $3  }
0x3a: {  	_ = 	snop  }
0x3b: {  	_ = 	snop  }
0x3c: {  	p2 =	seq.s32 s10, $0x1;
	s10 =	sld [smem:$0x3FB0]  }
0x3d: {  	_ =	shalt  }
0x3e: {  	_ =	shalt  }
0x3f: {  	_ =	shalt  }
0x40: {  	_ =	shalt  }
0x41: {  	_ =	shalt  }
0x42: {  	_ =	shalt  }
0x43: {  	_ =	shalt  }
0x44: {  	_ =	shalt  }
0x45: {  	_ =	shalt  }
0x46: {  	_ =	shalt  }
0x47: {  	_ =	shalt  }
0x48: {  	_ =	shalt  }
0x49: {  	_ =	shalt  }
0x4a: {  	_ =	shalt  }
0x4b: {  	_ =	shalt  }
0x4c: {  	_ =	shalt  }
0x4d: {  	_ =	shalt  }
0x4e: {  	_ =	shalt  }
0x4f: {  	_ =	shalt  }
0x50: {  	_ =	shalt  }
0x51: {  	_ =	shalt  }
0x52: {  	_ =	shalt  }
0x53: {  	_ =	shalt  }
0x54: {  	_ =	shalt  }
0x55: {  	_ =	shalt  }
0x56: {  	_ =	shalt  }
0x57: {  	_ =	shalt  }
0x58: {  	_ =	shalt  }
0x59: {  	_ =	shalt  }
0x5a: {  	_ =	shalt  }
0x5b: {  	_ =	shalt  }
0x5c: {  	_ =	shalt  }
0x5d: {  	_ =	shalt  }
0x5e: {  	_ =	shalt  }
0x5f: {  	_ =	shalt  }
0x60: {  	_ =	shalt  }
0x61: {  	_ =	shalt  }
0x62: {  	_ =	shalt  }
0x63: {  	_ =	shalt  }
0x64: {  	_ =	shalt  }
0x65: {  	_ =	shalt  }
0x66: {  	_ =	shalt  }
0x67: {  	_ =	shalt  }
0x68: {  	_ =	shalt  }
0x69: {  	_ =	shalt  }
0x6a: {  	_ =	shalt  }
0x6b: {  	_ =	shalt  }
0x6c: {  	_ =	shalt  }
0x6d: {  	_ =	shalt  }
0x6e: {  	_ =	shalt  }
0x6f: {  	_ =	shalt  }
0x70: {  	_ =	shalt  }
0x71: {  	_ =	shalt  }
0x72: {  	_ =	shalt  }
0x73: {  	_ =	shalt  }
0x74: {  	_ =	shalt  }
0x75: {  	_ =	shalt  }
0x76: {  	_ =	shalt  }
0x77: {  	_ =	shalt  }
0x78: {  	_ =	shalt  }
0x79: {  	_ =	shalt  }
0x7a: {  	_ =	shalt  }
0x7b: {  	_ =	shalt  }
0x7c: {  	_ =	shalt  }
0x7d: {  	_ =	shalt  }
0x7e: {  	_ =	shalt  }
0x7f: {  	_ =	shalt  }
0x80: {  	_ =	shalt  }
0x81: {  	_ =	shalt  }
0x82: {  	_ =	shalt  }
0x83: {  	_ =	shalt  }
0x84: {  	_ =	shalt  }
0x85: {  	_ =	shalt  }
0x86: {  	_ =	shalt  }
0x87: {  	_ =	shalt  }
.Lfunc_end0:
.L_simem_size_0:
called_computation_lowered:
.L_overlay_start_0:
0x88: {  	s2 =	sld [smem:$0x3FD9]  }
0x89: {  	s3 =	sld [smem:$0x3FFE];
	_ =	sdelay $0x1  }
0x8a: {  	s1 =	srdreg.scid  }
0x8b: {  	s0 =	sand.u32 $0x1, s1  }
0x8c: {  	s17 =	sshll.u32 s0, $0xA;
	s2 =	sadd.s32 s3, s2  }
0x8d: {  	s2 =	sadd.s32 s2, s17  }
0x8e: {  	[smem:$0x3FBC] =	sst s2  }
0x8f: {  	_ = 	snop  }
0x90: {  	s2 =	sld [smem:$0x3FD0];
	(tm) =	ssettm $0x1  }
0x91: {  	s18 =	sld [smem:$0x3FFB];
	_ =	sdelay $0x3  }
0x92: {  	_ =	strace s18  }
0x93: {  	s3 =	sld [smem:$0x3FFC];
	_ =	sdelay $0x3  }
0x94: {  	_ =	strace s3  }
0x95: {  	s3 =	sld [smem:$0x3FFD];
	_ =	sdelay $0x3  }
0x96: {  	_ =	strace s3  }
0x97: {  	_ =	strace $0x8FFFFFFF  }
0x98: {  	s19 =	sld [smem:$0x3FDB];
	_ =	sdelay $0x1  }
0x99: {  	s4 =	simm.s32 $_scs_section_size  }
0x9a: {  	s5 =	simm.s32 $_size__tile_overlayer_lowered;
	s6 =	simm.s32 $_tile_overlayer_lowered  }
0x9b: {  	s22 =	simm.s32 $0x1BFF;
	s21 =	sshll.u32 s6, $0x1;
	s3 =	sadd.s32 s4, s19  }
0x9c: {  	s7 =	simm.s32 $0x0;
	s20 =	sshll.u32 s5, $0x1;
	s5 =	sadd.s32 s21, s3  }
0x9d: {  	[timem:s7], [sflag:s22] =	dma.local [hbm:s5], s20  }
0x9e: {  	_ =	swait.ge [sflag:s22], s20  }
0x9f: {  	s4 =	ssub.s32 $0x0, s20;
	[sflag:s22] =	ssyncset.done $0x0  }
0xa0: {  	[sflag:s22] =	ssyncadd.s32 s4;
	_ =	sdelay $0x1  }
0xa1: {  	s23 =	simm.s32 $0x1B8B  }
0xa2: {  	_ =	swait.ge [sflag:s23], $0x1  }
0xa3: {  	[sflag:s23] =	ssyncset.done $0x0  }
0xa4: {  	s25 =	simm.s32 $0x1B8E;
	s24 =	sld [smem:$0x3FFE];
	[sflag:s23] =	ssyncadd.s32 $0xFFFFFFFF  }
0xa5: {  	s26 =	simm.s32 $execute0_lowered;
	[smem:$0x3FD2] =	sst s25  }
0xa6: {  	s5 =	sshll.u32 s26, $0x1;
	_ =	strace $0x80000046;
	[dreg:$0x1] =	wrdreg $0xFFFFFFFF  }
0xa7: {  	s28 =	simm.s32 $_size_execute0_lowered;
	s3 =	sadd.s32 s3, s5;
	[dreg:$0x0] =	wrdreg $0x0  }
0xa8: {  	s5 =	sshll.u32 s28, $0x1;
	[dreg:$0x2] =	wrdreg s3  }
0xa9: {  	[dreg:$0x3] =	wrdreg s5  }
0xaa: {  	[dreg:$0x4] =	wrdreg $0xC0  }
0xab: {  	_ =	task [dreg:s7], $0x5FFFF  }
0xac: {  	[dreg:$0x1] =	wrdreg $0xFFFFFFFF  }
0xad: {  	[dreg:$0x0] =	wrdreg $0x60  }
0xae: {  	[dreg:$0x2] =	wrdreg s24  }
0xaf: {  	[dreg:$0x3] =	wrdreg s2  }
0xb0: {  	[dreg:$0x4] =	wrdreg $0x9  }
0xb1: {  	_ =	task.clear_ibuf [dreg:s7], $0x5FFFF;
	_ =	strace $0x90000046  }
0xb2: {  	s29 =	simm.s32 $0x9;
	_ =	strace $0x80000048  }
0xb3: {  	_ =	swait.ge [sflag:s29], $0x1  }
0xb4: {  	[sflag:s29] =	ssyncadd.s32 $0xFFFFFFFF  }
0xb5: {  	_ =	strace $0x90000048  }
0xb6: {  	_ =	sfence  }
0xb7: {  	s30 =	sld [smem:$0x0];
	_ =	sdelay $0x2  }
0xb8: {  	s31 =	sshll.u32 s1, $0xD;
	s1 =	sshrl.u32 s1, $0x2  }
0xb9: {  	s3 =	sand.u32 $0x4000, s31;
	s1 =	sadd.s32 s1, s30  }
0xba: {  	s0 =	sor.u32 s3, s0;
	s1 =	sshll.u32 s1, $0x11  }
0xbb: {  	s0 =	sor.u32 s1, s0  }
0xbc: {  	s0 =	sadd.s32 $0x8F2B, s0  }
0xbd: {  	[sflag:s0] =	ssyncadd.remote.s32 $0x1  }
0xbe: {  	_ =	sfence.sel $0xFFFF  }
0xbf: {  	[dreg:$0x0] =	wrdreg $0xFFFFFFFF;
	(pc) =	sbr.abs _section_cstart, $3  }
0xc0: {  	[dreg:$0x1] =	wrdreg $0xFFFFFFFF  }
0xc1: {  	_ =	task.clear_ibuf [dreg:s7], $0x2FFFF;
	_ =	strace $0x9FFFFFFF  }
0xc2: {  	(tm) =	ssettm $0x7FFFFFFF  }
0xc3: {  	_ =	shalt  }
tec
execute0_lowered:
.L_overlay_start_1:
0x0: {  	(tag) =	ssettag $0x1  }
0x1: {  	s0 =	rddreg [dreg:$0x0]  }
0x2: {  	s14 =	rddreg [dreg:$0x1];
	s1 =	srdreg.scid  }
0x3: {  	s2 =	simm.s32 $0x0;
	s12 =	stileid.u32;
	s1 =	sand.u32 $0x1, s1  }
0x4: {  	s3 =	sadd.s32 $0x2E2200, s0;
	s4 =	sadd.s32 $0x322200, s0;
	s7 =	sshll.u32 s1, $0x4  }
0x5: {  	s5 =	sadd.s32 $0x162200, s0;
	s6 =	sadd.s32 $0x1A2200, s0;
	s7 =	sor.u32 s12, s7  }
0x6: {  	[smem:$0x7FF] =	sst s2;
	s8 =	sadd.s32 $0x1E2200, s0;
	s13 =	sshll.u32 s7, $0xD  }
0x7: {  	s9 =	sadd.s32 $0x222200, s0;
	s10 =	sadd.s32 $0x262200, s0;
	s26 =	sadd.s32 s3, s13  }
0x8: {  	_ =	strace $0x80000047;
	s29 =	sadd.s32 s8, s13;
	[dreg:$0x3] =	wrdreg s26  }
0x9: {  	s11 =	sadd.s32 $0x2A2200, s0;
	s30 =	sadd.s32 s4, s13;
	[dreg:$0x4] =	wrdreg s29  }
0xa: {  	s1 =	ssub.s32 $0x2, s1;
	s31 =	sadd.s32 s9, s13;
	[dreg:$0x5] =	wrdreg s30  }
0xb: {  	s12 =	sadd.s32 $0x2200, s0;
	s15 =	sadd.s32 s5, s13;
	[dreg:$0x6] =	wrdreg s31  }
0xc: {  	s25 =	sshrl.u32 s1, $0x1;
	s16 =	sadd.s32 s10, s13;
	[dreg:$0x7] =	wrdreg s15  }
0xd: {  	s0 =	ssub.s32 s1, s25;
	s17 =	sadd.s32 s6, s13;
	[dreg:$0x8] =	wrdreg s16  }
0xe: {  	s18 =	sor.u32 $0x20, s13;
	s13 =	sadd.s32 s11, s13;
	[dreg:$0x9] =	wrdreg s17  }
0xf: {  	s0 =	smax.u32 s0, $0x1;
	[dreg:$0xa] =	wrdreg s13  }
0x10: {  	s19 =	sadd.s32 s3, s18;
	[dreg:$0x17] =	wrdreg s0  }
0x11: {  	s28 =	simm.s32 $0x700;
	s20 =	sadd.s32 s8, s18;
	[dreg:$0xb] =	wrdreg s19  }
0x12: {  	s21 =	sadd.s32 s4, s18;
	s22 =	sadd.s32 s9, s18;
	[dreg:$0xc] =	wrdreg s20  }
0x13: {  	s23 =	sadd.s32 s5, s18;
	s24 =	sadd.s32 s10, s18;
	[dreg:$0xd] =	wrdreg s21  }
0x14: {  	s25 =	sadd.s32 s6, s18;
	s1 =	sadd.s32 s11, s18;
	[dreg:$0xe] =	wrdreg s22  }
0x15: {  	s26 =	sshll.u32 s7, $0x8;
	s29 =	sshll.u32 s7, $0xE;
	[dreg:$0xf] =	wrdreg s23  }
0x16: {  	s30 =	sadd.s32 $0x40, s14;
	s15 =	simm.s32 $0x100;
	[dreg:$0x10] =	wrdreg s24  }
0x17: {  	s17 =	simm.s32 $0x200;
	s13 =	simm.s32 $0x1;
	[dreg:$0x11] =	wrdreg s25  }
0x18: {  	v0 =	vimm.s32 $0x0;
	s16 =	simm.s32 $0x2;
	s18 =	simm.s32 $0x3;
	[dreg:$0x12] =	wrdreg s1  }
0x19: {  	v1 =	vimm.s32 $0x1;
	v2 =	vimm.s32 $0x2;
	v3 =	vimm.s32 $0x3;
	s7 =	simm.s32 $0x0;
	[dreg:$0x13] =	wrdreg s26;
	s31 =	sadd.s32 s14, s29  }
0x1a: {  	v4 =	vimm.s32 $0x4;
	v5 =	vimm.s32 $0x5;
	v6 =	vimm.s32 $0x6;
	[dreg:$0x14] =	wrdreg s30;
	s1 =	sadd.s32 s29, s30;
	s19 =	simm.s32 $0x300  }
0x1b: {  	v7 =	vimm.s32 $0x7;
	v8 =	vimm.s32 $0x8;
	v9 =	vimm.s32 $0x9;
	s14 =	simm.s32 $0x400;
	s23 =	simm.s32 $0x500;
	s25 =	simm.s32 $0x600  }
0x1c: {  	v10 =	vimm.s32 $0xA;
	v11 =	vimm.s32 $0xB;
	v12 =	vimm.s32 $0xC;
	s20 =	simm.s32 $0x5;
	s22 =	simm.s32 $0x4;
	[dreg:$0x15] =	wrdreg s31  }
0x1d: {  	v13 =	vimm.s32 $0xD;
	v14 =	vimm.s32 $0xE;
	v15 =	vimm.s32 $0xF;
	s24 =	simm.s32 $0x6;
	[dreg:$0x16] =	wrdreg s1;
	s1 =	simm.s32 $0x80  }
.LBB2_1:
0x1e: {  	[dreg:$0x18] =	wrdreg s7  }
0x1f: {  	s0 =	rddreg [dreg:$0x3]  }
0x20: {  	[tilespmem:s2], [sflag:$0x1] =	stream.linear.gather [hbm4b:s0+s2], $0x100, $0x38;
	[tilespmem:$0x11400] =	vst v63  }
0x21: {  	s29 =	rddreg [dreg:$0x4];
	s30 =	simm.s32 $0x800  }
0x22: {  	[tilespmem:s30], [sflag:$0x1] =	stream.linear.gather [hbm4b:s29+s2], $0x100, $0x38;
	[tilespmem:$0x11400] =	vst v63  }
0x23: {  	s31 =	rddreg [dreg:$0x5]  }
0x24: {  	[tilespmem:s15], [sflag:$0x1] =	stream.linear.gather [hbm4b:s31+s2], $0x100, $0x38;
	[tilespmem:$0x11400] =	vst v63  }
0x25: {  	s7 =	rddreg [dreg:$0x6];
	s21 =	simm.s32 $0x900  }
0x26: {  	[tilespmem:s21], [sflag:$0x1] =	stream.linear.gather [hbm4b:s7+s2], $0x100, $0x38;
	[tilespmem:$0x11400] =	vst v63  }
0x27: {  	s26 =	rddreg [dreg:$0x7]  }
0x28: {  	[tilespmem:s17], [sflag:$0x1] =	stream.linear.gather [hbm4b:s26+s2], $0x100, $0x38;
	[tilespmem:$0x11400] =	vst v63  }
0x29: {  	s29 =	rddreg [dreg:$0x8];
	s30 =	simm.s32 $0xA00  }
0x2a: {  	[tilespmem:s30], [sflag:$0x1] =	stream.linear.gather [hbm4b:s29+s2], $0x100, $0x38;
	[tilespmem:$0x11400] =	vst v63  }
0x2b: {  	s31 =	rddreg [dreg:$0x9]  }
0x2c: {  	[tilespmem:s19], [sflag:$0x1] =	stream.linear.gather [hbm4b:s31+s2], $0x100, $0x38;
	[tilespmem:$0x11400] =	vst v63  }
0x2d: {  	s7 =	rddreg [dreg:$0xa];
	s21 =	simm.s32 $0xB00  }
0x2e: {  	[tilespmem:s21], [sflag:$0x1] =	stream.linear.gather [hbm4b:s7+s2], $0x100, $0x38;
	[tilespmem:$0x11400] =	vst v63  }
0x2f: {  	s26 =	rddreg [dreg:$0xb]  }
0x30: {  	[tilespmem:s14], [sflag:$0x2] =	stream.linear.gather [hbm4b:s26+s2], $0x100, $0x38;
	[tilespmem:$0x11400] =	vst v63  }
0x31: {  	s29 =	rddreg [dreg:$0xc];
	s30 =	simm.s32 $0xC00  }
0x32: {  	[tilespmem:s30], [sflag:$0x2] =	stream.linear.gather [hbm4b:s29+s2], $0x100, $0x38;
	[tilespmem:$0x11400] =	vst v63  }
0x33: {  	s31 =	rddreg [dreg:$0xd]  }
0x34: {  	[tilespmem:s23], [sflag:$0x2] =	stream.linear.gather [hbm4b:s31+s2], $0x100, $0x38;
	[tilespmem:$0x11400] =	vst v63  }
0x35: {  	s7 =	rddreg [dreg:$0xe];
	s21 =	simm.s32 $0xD00  }
0x36: {  	[tilespmem:s21], [sflag:$0x2] =	stream.linear.gather [hbm4b:s7+s2], $0x100, $0x38;
	[tilespmem:$0x11400] =	vst v63  }
0x37: {  	s26 =	rddreg [dreg:$0xf]  }
0x38: {  	[tilespmem:s25], [sflag:$0x2] =	stream.linear.gather [hbm4b:s26+s2], $0x100, $0x38;
	[tilespmem:$0x11400] =	vst v63  }
0x39: {  	s29 =	rddreg [dreg:$0x10];
	s30 =	simm.s32 $0xE00  }
0x3a: {  	[tilespmem:s30], [sflag:$0x2] =	stream.linear.gather [hbm4b:s29+s2], $0x100, $0x38;
	[tilespmem:$0x11400] =	vst v63  }
0x3b: {  	s31 =	rddreg [dreg:$0x11]  }
0x3c: {  	[tilespmem:s28], [sflag:$0x2] =	stream.linear.gather [hbm4b:s31+s2], $0x100, $0x38;
	[tilespmem:$0x11400] =	vst v63  }
0x3d: {  	s7 =	rddreg [dreg:$0x12];
	s21 =	simm.s32 $0xF00  }
0x3e: {  	[tilespmem:s21], [sflag:$0x2] =	stream.linear.gather [hbm4b:s7+s2], $0x100, $0x38;
	[tilespmem:$0x11400] =	vst v63  }
0x3f: {  	s26 =	rddreg [dreg:$0x15];
	s29 =	simm.s32 $0x11000  }
0x40: {  	[hbm4b:s26+s2] =	stream.linear.scatter [tilespmem:s29], [sflag:$0x5], $0x200, $0x38;
	[tilespmem:$0x11400] =	vst v63  }
0x41: {  	s30 =	rddreg [dreg:$0x16];
	s31 =	simm.s32 $0x11200  }
0x42: {  	[hbm4b:s30+s2] =	stream.linear.scatter [tilespmem:s31], [sflag:$0x6], $0x200, $0x38;
	[tilespmem:$0x11400] =	vst v63  }
0x43: {  	_ =	swait.ge [sflag:s13], $0x400  }
0x44: {  	[sflag:s13] =	ssyncset.done $0x0  }
0x45: {  	[sflag:s13] =	ssyncadd.s32 $0xFFFFFC00  }
0x46: {  	_ =	swait.ge [sflag:s13], $0x400  }
0x47: {  	[sflag:s13] =	ssyncset.done $0x0  }
0x48: {  	s21 =	simm.s32 $0x1000;
	[sflag:s13] =	ssyncadd.s32 $0xFFFFFC00  }
0x49: {  	[tilespmem:s21], [sflag:$0x3] =	stream.indirect.gather [hbm4b:s12+s1], $0x20, s2, s1, $0xb8;
	[tilespmem:$0x11400] =	vst v63  }
0x4a: {  	s26 =	simm.s32 $0x2000  }
0x4b: {  	[tilespmem:s26], [sflag:$0x3] =	stream.indirect.gather [hbm4b:s12+s1], $0x20, s1, s1, $0xb8;
	[tilespmem:$0x11400] =	vst v63  }
0x4c: {  	s29 =	simm.s32 $0x3000  }
0x4d: {  	[tilespmem:s29], [sflag:$0x3] =	stream.indirect.gather [hbm4b:s12+s1], $0x20, s15, s1, $0xb8;
	[tilespmem:$0x11400] =	vst v63  }
0x4e: {  	s30 =	simm.s32 $0x180;
	s31 =	simm.s32 $0x4000  }
0x4f: {  	[tilespmem:s31], [sflag:$0x3] =	stream.indirect.gather [hbm4b:s12+s1], $0x20, s30, s1, $0xb8;
	[tilespmem:$0x11400] =	vst v63  }
0x50: {  	s7 =	simm.s32 $0x5000  }
0x51: {  	[tilespmem:s7], [sflag:$0x3] =	stream.indirect.gather [hbm4b:s12+s1], $0x20, s17, s1, $0xb8;
	[tilespmem:$0x11400] =	vst v63  }
0x52: {  	s21 =	simm.s32 $0x280;
	s26 =	simm.s32 $0x6000  }
0x53: {  	[tilespmem:s26], [sflag:$0x3] =	stream.indirect.gather [hbm4b:s12+s1], $0x20, s21, s1, $0xb8;
	[tilespmem:$0x11400] =	vst v63  }
0x54: {  	s29 =	simm.s32 $0x7000  }
0x55: {  	[tilespmem:s29], [sflag:$0x3] =	stream.indirect.gather [hbm4b:s12+s1], $0x20, s19, s1, $0xb8;
	[tilespmem:$0x11400] =	vst v63  }
0x56: {  	s30 =	simm.s32 $0x380;
	s31 =	simm.s32 $0x8000;
	s26 =	simm.s32 $0x0  }
0x57: {  	[tilespmem:s31], [sflag:$0x3] =	stream.indirect.gather [hbm4b:s12+s1], $0x20, s30, s1, $0xb8;
	[tilespmem:$0x11400] =	vst v63  }
.LBB2_2:
0x58: {  	_ =	swait.ge [sflag:s16], $0x400  }
0x59: {  	[sflag:s16] =	ssyncset.done $0x0  }
0x5a: {  	[sflag:s16] =	ssyncadd.s32 $0xFFFFFC00  }
0x5b: {  	_ =	swait.ge [sflag:s16], $0x400  }
0x5c: {  	[sflag:s16] =	ssyncset.done $0x0  }
0x5d: {  	s0 =	simm.s32 $0x9000;
	[sflag:s16] =	ssyncadd.s32 $0xFFFFFC00  }
0x5e: {  	[tilespmem:s0], [sflag:$0x4] =	stream.indirect.gather [hbm4b:s12+s1], $0x20, s14, s1, $0xb8;
	[tilespmem:$0x11400] =	vst v63  }
0x5f: {  	s29 =	simm.s32 $0x480;
	s7 =	simm.s32 $0xA000  }
0x60: {  	[tilespmem:s7], [sflag:$0x4] =	stream.indirect.gather [hbm4b:s12+s1], $0x20, s29, s1, $0xb8;
	[tilespmem:$0x11400] =	vst v63  }
0x61: {  	s31 =	simm.s32 $0xB000  }
0x62: {  	[tilespmem:s31], [sflag:$0x4] =	stream.indirect.gather [hbm4b:s12+s1], $0x20, s23, s1, $0xb8;
	[tilespmem:$0x11400] =	vst v63  }
0x63: {  	s14 =	simm.s32 $0xC000;
	s7 =	simm.s32 $0x580  }
0x64: {  	[tilespmem:s14], [sflag:$0x4] =	stream.indirect.gather [hbm4b:s12+s1], $0x20, s7, s1, $0xb8;
	[tilespmem:$0x11400] =	vst v63  }
0x65: {  	s21 =	simm.s32 $0xD000  }
0x66: {  	[tilespmem:s21], [sflag:$0x4] =	stream.indirect.gather [hbm4b:s12+s1], $0x20, s25, s1, $0xb8;
	[tilespmem:$0x11400] =	vst v63  }
0x67: {  	s29 =	simm.s32 $0x680;
	s31 =	simm.s32 $0xE000  }
0x68: {  	[tilespmem:s31], [sflag:$0x4] =	stream.indirect.gather [hbm4b:s12+s1], $0x20, s29, s1, $0xb8;
	[tilespmem:$0x11400] =	vst v63  }
0x69: {  	s7 =	simm.s32 $0xF000  }
0x6a: {  	[tilespmem:s7], [sflag:$0x4] =	stream.indirect.gather [hbm4b:s12+s1], $0x20, s28, s1, $0xb8;
	[tilespmem:$0x11400] =	vst v63  }
0x6b: {  	s14 =	simm.s32 $0x780;
	s21 =	simm.s32 $0x10000  }
0x6c: {  	[tilespmem:s21], [sflag:$0x4] =	stream.indirect.gather [hbm4b:s12+s1], $0x20, s14, s1, $0xb8;
	[tilespmem:$0x11400] =	vst v63  }
0x6d: {  	_ =	swait.ge [sflag:s18], $0x1000  }
0x6e: {  	[sflag:s18] =	ssyncset.done $0x0  }
0x6f: {  	[sflag:s18] =	ssyncadd.s32 $0xFFFFF000  }
0x70: {  	_ =	swait.ge [sflag:s18], $0x1000  }
0x71: {  	[sflag:s18] =	ssyncset.done $0x0  }
0x72: {  	[sflag:s18] =	ssyncadd.s32 $0xFFFFF000  }
0x73: {  	_ =	swait.ge [sflag:s18], $0x1000  }
0x74: {  	[sflag:s18] =	ssyncset.done $0x0  }
0x75: {  	[sflag:s18] =	ssyncadd.s32 $0xFFFFF000  }
0x76: {  	_ =	swait.ge [sflag:s18], $0x1000  }
0x77: {  	[sflag:s18] =	ssyncset.done $0x0  }
0x78: {  	[sflag:s18] =	ssyncadd.s32 $0xFFFFF000  }
0x79: {  	_ =	swait.ge [sflag:s18], $0x1000  }
0x7a: {  	[sflag:s18] =	ssyncset.done $0x0  }
0x7b: {  	[sflag:s18] =	ssyncadd.s32 $0xFFFFF000  }
0x7c: {  	_ =	swait.ge [sflag:s18], $0x1000  }
0x7d: {  	[sflag:s18] =	ssyncset.done $0x0  }
0x7e: {  	[sflag:s18] =	ssyncadd.s32 $0xFFFFF000  }
0x7f: {  	_ =	swait.ge [sflag:s18], $0x1000  }
0x80: {  	[sflag:s18] =	ssyncset.done $0x0  }
0x81: {  	[sflag:s18] =	ssyncadd.s32 $0xFFFFF000  }
0x82: {  	_ =	swait.ge [sflag:s18], $0x1000  }
0x83: {  	[sflag:s18] =	ssyncset.done $0x0  }
0x84: {  	[sflag:s18] =	ssyncadd.s32 $0xFFFFF000  }
0x85: {  	_ =	swait.ge [sflag:s20], $0x200  }
0x86: {  	s29 =	simm.s32 $0x0;
	[sflag:s20] =	ssyncset.done $0x0  }
0x87: {  	s0 =	sand.u32 $0xF0, s29;
	[sflag:s20] =	ssyncadd.s32 $0xFFFFFE00  }
0x88: {  	s31 =	simm.s32 $0x1100;
	v19 =	vld [tilespmem:s0+$0x800]  }
0x89: {  	v16 =	vld [tilespmem:s31+$0xFFFFFF10]  }
0x8a: {  	v20 =	vld [tilespmem:s31+$0xFFFFFF20]  }
0x8b: {  	v17 =	vld [tilespmem:s31+$0xFFFFFF30]  }
0x8c: {  	v21 =	vld [tilespmem:s31+$0xFFFFFF40]  }
0x8d: {  	v22 =	vld [tilespmem:s31+$0xFFFFFF90]  }
0x8e: {  	v24 =	vld [tilespmem:s31+$0xFFFFFF00]  }
0x8f: {  	v25 =	vld [tilespmem:s31+$0xFFFFFF50]  }
0x90: {  	v27 =	vld [tilespmem:s31+$0xFFFFFF70];
	v23 =	vperm.xlane v19, v0  }
0x91: {  	v46 =	vld [tilespmem:s31+$0xFFFFFF60]  }
0x92: {  	v47 =	vld [tilespmem:s31+$0xFFFFFFB0];
	v26 =	vperm.xlane v19, v1;
	v18 =	vmul.f32 v16, v23  }
0x93: {  	v31 =	vld [tilespmem:s31+$0xFFFFFF80];
	v30 =	vperm.xlane v19, v2  }
0x94: {  	v50 =	vld [tilespmem:s31+$0xFFFFFFD0];
	v29 =	vmul.f32 v17, v26;
	v23 =	vmul.f32 v24, v23;
	v28 =	vadd.f32 $0.0e+00, v18  }
0x95: {  	v53 =	vld [tilespmem:s31+$0xFFFFFFA0];
	v45 =	vperm.xlane v19, v3;
	v25 =	vmul.f32 v25, v30  }
0x96: {  	v32 =	vld [tilespmem:s31+$0xFFFFFFF0];
	v20 =	vmul.f32 v20, v26;
	v23 =	vadd.f32 $0.0e+00, v23;
	v44 =	vadd.f32 v29, v28  }
0x97: {  	v57 =	vld [tilespmem:s31+$0xFFFFFFC0];
	v49 =	vperm.xlane v19, v4;
	v48 =	vmul.f32 v27, v45  }
0x98: {  	v58 =	vld [tilespmem:s31+$0x10];
	v21 =	vmul.f32 v21, v30;
	v20 =	vadd.f32 v20, v23;
	v24 =	vadd.f32 v25, v44  }
0x99: {  	v62 =	vld [tilespmem:s31+$0xFFFFFFE0];
	v52 =	vperm.xlane v19, v5;
	v22 =	vmul.f32 v22, v49  }
0x9a: {  	v63 =	vld [tilespmem:s31+$0x30];
	v54 =	vmul.f32 v46, v45;
	v20 =	vadd.f32 v21, v20;
	v51 =	vadd.f32 v48, v24  }
0x9b: {  	v39 =	vld [tilespmem:s31+$0x0];
	v56 =	vperm.xlane v19, v6;
	v55 =	vmul.f32 v47, v52  }
0x9c: {  	v40 =	vld [tilespmem:s31+$0x50];
	v59 =	vmul.f32 v31, v49;
	v20 =	vadd.f32 v54, v20;
	v22 =	vadd.f32 v22, v51  }
0x9d: {  	v61 =	vperm.xlane v19, v7;
	v16 =	vld [tilespmem:s0+$0xB00];
	v60 =	vmul.f32 v50, v56  }
0x9e: {  	v17 =	vld [tilespmem:s0+$0xA00];
	v36 =	vmul.f32 v53, v52;
	v20 =	vadd.f32 v59, v20;
	v22 =	vadd.f32 v55, v22  }
0x9f: {  	v38 =	vperm.xlane v19, v8;
	v37 =	vmul.f32 v32, v61;
	v45 =	vld [tilespmem:s31+$0x70]  }
0xa0: {  	v41 =	vmul.f32 v57, v56;
	v49 =	vld [tilespmem:s31+$0x40];
	v20 =	vadd.f32 v36, v20;
	v22 =	vadd.f32 v60, v22  }
0xa1: {  	v43 =	vperm.xlane v19, v9;
	v42 =	vmul.f32 v58, v38;
	v44 =	vld [tilespmem:s31+$0x20]  }
0xa2: {  	v46 =	vmul.f32 v62, v61;
	v50 =	vld [tilespmem:s31+$0x90];
	v20 =	vadd.f32 v41, v20;
	v22 =	vadd.f32 v37, v22  }
0xa3: {  	v47 =	vmul.f32 v63, v43;
	v18 =	vld [tilespmem:s0+$0x900];
	s0 =	sshll.u32 s0, $0x5;
	v48 =	vperm.xlane v19, v10  }
0xa4: {  	v34 =	vld [tilespmem:s0+$0x3060];
	v51 =	vmul.f32 v39, v38;
	v20 =	vadd.f32 v46, v20;
	v22 =	vadd.f32 v42, v22  }
0xa5: {  	v53 =	vperm.xlane v19, v11;
	v54 =	vld [tilespmem:s31+$0x60];
	v52 =	vmul.f32 v40, v48  }
0xa6: {  	v59 =	vld [tilespmem:s31+$0x80];
	v56 =	vmul.f32 v44, v43;
	v20 =	vadd.f32 v51, v20;
	v22 =	vadd.f32 v47, v22  }
0xa7: {  	v58 =	vperm.xlane v19, v12;
	v57 =	vmul.f32 v45, v53;
	v55 =	vld [tilespmem:s31+$0xB0]  }
0xa8: {  	v61 =	vmul.f32 v49, v48;
	v60 =	vld [tilespmem:s31+$0xD0];
	v20 =	vadd.f32 v56, v20;
	v22 =	vadd.f32 v52, v22  }
0xa9: {  	v63 =	vperm.xlane v19, v13;
	v62 =	vmul.f32 v50, v58;
	v36 =	vld [tilespmem:s31+$0xA0]  }
0xaa: {  	v38 =	vmul.f32 v54, v53;
	v37 =	vld [tilespmem:s31+$0xF0];
	v20 =	vadd.f32 v61, v20;
	v22 =	vadd.f32 v57, v22  }
0xab: {  	v40 =	vperm.xlane v19, v14;
	v41 =	vld [tilespmem:s31+$0xC0];
	v43 =	vmul.f32 v59, v58  }
0xac: {  	v45 =	vld [tilespmem:s31+$0xE0];
	v39 =	vmul.f32 v55, v63;
	v20 =	vadd.f32 v38, v20;
	v22 =	vadd.f32 v62, v22  }
0xad: {  	v19 =	vperm.xlane v19, v15;
	v42 =	vld [tilespmem:s0+$0x3010];
	v44 =	vmul.f32 v60, v40  }
0xae: {  	v46 =	vld [tilespmem:s0+$0x3030];
	v47 =	vmul.f32 v36, v63;
	v20 =	vadd.f32 v43, v20;
	v22 =	vadd.f32 v39, v22  }
0xaf: {  	v50 =	vld [tilespmem:s0+$0x3000];
	v49 =	vperm.xlane v18, v0;
	v48 =	vmul.f32 v37, v19  }
0xb0: {  	v55 =	vld [tilespmem:s0+$0x3020];
	v52 =	vmul.f32 v41, v40;
	v20 =	vadd.f32 v47, v20;
	v22 =	vadd.f32 v44, v22  }
0xb1: {  	v54 =	vperm.xlane v18, v1;
	v51 =	vld [tilespmem:s0+$0x3050];
	v19 =	vmul.f32 v45, v19  }
0xb2: {  	v60 =	vld [tilespmem:s0+$0x3040];
	v53 =	vmul.f32 v42, v49;
	v20 =	vadd.f32 v52, v20;
	v22 =	vadd.f32 v48, v22  }
0xb3: {  	v59 =	vperm.xlane v18, v2;
	v56 =	vld [tilespmem:s0+$0x3070];
	v58 =	vmul.f32 v46, v54  }
0xb4: {  	v35 =	vld [tilespmem:s0+$0x30B0];
	v62 =	vmul.f32 v50, v49;
	v19 =	vadd.f32 v19, v20;
	v57 =	vadd.f32 v53, v22  }
0xb5: {  	v33 =	vperm.xlane v18, v3;
	v61 =	vld [tilespmem:s0+$0x3090];
	v36 =	vmul.f32 v55, v54  }
0xb6: {  	v45 =	vld [tilespmem:s0+$0x30F0];
	v63 =	vmul.f32 v51, v59;
	v19 =	vadd.f32 v62, v19;
	v21 =	vadd.f32 v58, v57  }
0xb7: {  	v38 =	vperm.xlane v18, v4;
	v41 =	vmul.f32 v60, v59;
	v39 =	vld [tilespmem:s0+$0x3080]  }
0xb8: {  	v40 =	vld [tilespmem:s0+$0x30D0];
	v37 =	vmul.f32 v56, v33;
	v19 =	vadd.f32 v36, v19;
	v21 =	vadd.f32 v63, v21  }
0xb9: {  	v46 =	vmul.f32 v34, v33;
	v43 =	vperm.xlane v18, v5;
	v44 =	vld [tilespmem:s0+$0x30A0]  }
0xba: {  	v49 =	vld [tilespmem:s0+$0x30C0];
	v42 =	vmul.f32 v61, v38;
	v19 =	vadd.f32 v41, v19;
	v21 =	vadd.f32 v37, v21  }
0xbb: {  	v54 =	vld [tilespmem:s0+$0x30E0];
	v47 =	vmul.f32 v35, v43;
	v48 =	vperm.xlane v18, v6  }
0xbc: {  	v55 =	vld [tilespmem:s0+$0x3130];
	v51 =	vmul.f32 v39, v38;
	v19 =	vadd.f32 v46, v19;
	v21 =	vadd.f32 v42, v21  }
0xbd: {  	v50 =	vld [tilespmem:s0+$0x3110];
	v52 =	vmul.f32 v40, v48;
	v53 =	vperm.xlane v18, v7  }
0xbe: {  	v59 =	vld [tilespmem:s0+$0x3100];
	v56 =	vmul.f32 v44, v43;
	v19 =	vadd.f32 v51, v19;
	v21 =	vadd.f32 v47, v21  }
0xbf: {  	v34 =	vld [tilespmem:s0+$0x3170];
	v61 =	vmul.f32 v49, v48;
	v57 =	vmul.f32 v45, v53  }
0xc0: {  	v33 =	vld [tilespmem:s0+$0x3120];
	v58 =	vperm.xlane v18, v8;
	v19 =	vadd.f32 v56, v19;
	v21 =	vadd.f32 v52, v21  }
0xc1: {  	v60 =	vld [tilespmem:s0+$0x3150];
	v35 =	vmul.f32 v54, v53;
	v63 =	vperm.xlane v18, v9  }
0xc2: {  	v38 =	vld [tilespmem:s0+$0x3140];
	v62 =	vmul.f32 v50, v58;
	v19 =	vadd.f32 v61, v19;
	v21 =	vadd.f32 v57, v21  }
0xc3: {  	v39 =	vld [tilespmem:s0+$0x3190];
	v40 =	vmul.f32 v59, v58;
	v36 =	vmul.f32 v55, v63  }
0xc4: {  	v43 =	vld [tilespmem:s0+$0x3160];
	v37 =	vperm.xlane v18, v10;
	v19 =	vadd.f32 v35, v19;
	v21 =	vadd.f32 v62, v21  }
0xc5: {  	v48 =	vld [tilespmem:s0+$0x3180];
	v45 =	vmul.f32 v33, v63;
	v42 =	vperm.xlane v18, v11  }
0xc6: {  	v44 =	vld [tilespmem:s0+$0x31B0];
	v41 =	vmul.f32 v60, v37;
	v19 =	vadd.f32 v40, v19;
	v21 =	vadd.f32 v36, v21  }
0xc7: {  	v50 =	vmul.f32 v38, v37;
	v46 =	vmul.f32 v34, v42  }
0xc8: {  	v53 =	vld [tilespmem:s0+$0x31A0];
	v47 =	vperm.xlane v18, v12;
	v19 =	vadd.f32 v45, v19;
	v21 =	vadd.f32 v41, v21  }
0xc9: {  	v49 =	vld [tilespmem:s0+$0x31D0];
	v55 =	vmul.f32 v43, v42;
	v52 =	vperm.xlane v18, v13  }
0xca: {  	v54 =	vld [tilespmem:s0+$0x31F0];
	v51 =	vmul.f32 v39, v47;
	v19 =	vadd.f32 v50, v19;
	v21 =	vadd.f32 v46, v21  }
0xcb: {  	v58 =	vld [tilespmem:s0+$0x31C0];
	v60 =	vmul.f32 v48, v47;
	v56 =	vmul.f32 v44, v52  }
0xcc: {  	v59 =	vld [tilespmem:s0+$0x5010];
	v57 =	vperm.xlane v18, v14;
	v19 =	vadd.f32 v55, v19;
	v21 =	vadd.f32 v51, v21  }
0xcd: {  	v18 =	vperm.xlane v18, v15;
	v33 =	vmul.f32 v53, v52;
	v62 =	vld [tilespmem:s0+$0x31E0]  }
0xce: {  	v63 =	vld [tilespmem:s0+$0x5030];
	v61 =	vmul.f32 v49, v57;
	v19 =	vadd.f32 v60, v19;
	v21 =	vadd.f32 v56, v21  }
0xcf: {  	v35 =	vperm.xlane v17, v0;
	v34 =	vmul.f32 v54, v18;
	v36 =	vld [tilespmem:s0+$0x5000]  }
0xd0: {  	v37 =	vld [tilespmem:s0+$0x5050];
	v38 =	vmul.f32 v58, v57;
	v19 =	vadd.f32 v33, v19;
	v21 =	vadd.f32 v61, v21  }
0xd1: {  	v39 =	vmul.f32 v59, v35;
	v40 =	vperm.xlane v17, v1;
	v41 =	vld [tilespmem:s0+$0x5020]  }
0xd2: {  	v42 =	vld [tilespmem:s0+$0x5070];
	v18 =	vmul.f32 v62, v18;
	v19 =	vadd.f32 v38, v19;
	v21 =	vadd.f32 v34, v21  }
0xd3: {  	v44 =	vmul.f32 v63, v40;
	v45 =	vperm.xlane v17, v2;
	v46 =	vld [tilespmem:s0+$0x5040]  }
0xd4: {  	v47 =	vld [tilespmem:s0+$0x5090];
	v18 =	vadd.f32 v18, v19;
	v19 =	vmul.f32 v36, v35;
	v43 =	vadd.f32 v39, v21  }
0xd5: {  	v49 =	vperm.xlane v17, v3;
	v48 =	vmul.f32 v37, v45;
	v50 =	vld [tilespmem:s0+$0x5060]  }
0xd6: {  	v51 =	vld [tilespmem:s0+$0x50B0];
	v18 =	vadd.f32 v19, v18;
	v19 =	vmul.f32 v41, v40;
	v20 =	vadd.f32 v44, v43  }
0xd7: {  	v53 =	vperm.xlane v17, v4;
	v54 =	vld [tilespmem:s0+$0x5080];
	v52 =	vmul.f32 v42, v49  }
0xd8: {  	v55 =	vld [tilespmem:s0+$0x50D0];
	v18 =	vadd.f32 v19, v18;
	v19 =	vmul.f32 v46, v45;
	v20 =	vadd.f32 v48, v20  }
0xd9: {  	v57 =	vperm.xlane v17, v5;
	v58 =	vld [tilespmem:s0+$0x50A0];
	v56 =	vmul.f32 v47, v53  }
0xda: {  	v59 =	vld [tilespmem:s0+$0x50F0];
	v18 =	vadd.f32 v19, v18;
	v19 =	vmul.f32 v50, v49;
	v20 =	vadd.f32 v52, v20  }
0xdb: {  	v62 =	vld [tilespmem:s0+$0x50C0];
	v61 =	vperm.xlane v17, v6;
	v60 =	vmul.f32 v51, v57  }
0xdc: {  	v63 =	vld [tilespmem:s0+$0x5110];
	v18 =	vadd.f32 v19, v18;
	v19 =	vmul.f32 v54, v53;
	v20 =	vadd.f32 v56, v20  }
0xdd: {  	v33 =	vperm.xlane v17, v7;
	v32 =	vmul.f32 v55, v61;
	v34 =	vld [tilespmem:s0+$0x50E0]  }
0xde: {  	v35 =	vld [tilespmem:s0+$0x5130];
	v18 =	vadd.f32 v19, v18;
	v19 =	vmul.f32 v58, v57;
	v20 =	vadd.f32 v60, v20  }
0xdf: {  	v37 =	vperm.xlane v17, v8;
	v38 =	vld [tilespmem:s0+$0x5100];
	v36 =	vmul.f32 v59, v33  }
0xe0: {  	v39 =	vld [tilespmem:s0+$0x5150];
	v18 =	vadd.f32 v19, v18;
	v19 =	vmul.f32 v62, v61;
	v20 =	vadd.f32 v32, v20  }
0xe1: {  	v42 =	vld [tilespmem:s0+$0x5120];
	v40 =	vmul.f32 v63, v37;
	v41 =	vperm.xlane v17, v9  }
0xe2: {  	v43 =	vld [tilespmem:s0+$0x5170];
	v18 =	vadd.f32 v19, v18;
	v19 =	vmul.f32 v34, v33;
	v20 =	vadd.f32 v36, v20  }
0xe3: {  	v45 =	vperm.xlane v17, v10;
	v46 =	vld [tilespmem:s0+$0x5140];
	v44 =	vmul.f32 v35, v41  }
0xe4: {  	v47 =	vld [tilespmem:s0+$0x5190];
	v18 =	vadd.f32 v19, v18;
	v19 =	vmul.f32 v38, v37;
	v20 =	vadd.f32 v40, v20  }
0xe5: {  	v49 =	vperm.xlane v17, v11;
	v50 =	vld [tilespmem:s0+$0x5160];
	v48 =	vmul.f32 v39, v45  }
0xe6: {  	v51 =	vld [tilespmem:s0+$0x51B0];
	v18 =	vadd.f32 v19, v18;
	v19 =	vmul.f32 v42, v41;
	v20 =	vadd.f32 v44, v20  }
0xe7: {  	v53 =	vperm.xlane v17, v12;
	v54 =	vld [tilespmem:s0+$0x5180];
	v52 =	vmul.f32 v43, v49  }
0xe8: {  	v55 =	vld [tilespmem:s0+$0x51D0];
	v18 =	vadd.f32 v19, v18;
	v19 =	vmul.f32 v46, v45;
	v20 =	vadd.f32 v48, v20  }
0xe9: {  	v56 =	vmul.f32 v47, v53;
	v57 =	vperm.xlane v17, v13;
	v58 =	vld [tilespmem:s0+$0x51A0]  }
0xea: {  	v59 =	vld [tilespmem:s0+$0x51F0];
	v18 =	vadd.f32 v19, v18;
	v19 =	vmul.f32 v50, v49;
	v20 =	vadd.f32 v52, v20  }
0xeb: {  	v60 =	vmul.f32 v51, v57;
	v61 =	vperm.xlane v17, v14;
	v62 =	vld [tilespmem:s0+$0x51C0]  }
0xec: {  	v63 =	vld [tilespmem:s0+$0x7010];
	v18 =	vadd.f32 v19, v18;
	v19 =	vmul.f32 v54, v53;
	v20 =	vadd.f32 v56, v20  }
0xed: {  	v17 =	vperm.xlane v17, v15;
	v31 =	vmul.f32 v55, v61;
	v32 =	vld [tilespmem:s0+$0x51E0]  }
0xee: {  	v33 =	vld [tilespmem:s0+$0x7030];
	v18 =	vadd.f32 v19, v18;
	v19 =	vmul.f32 v58, v57;
	v20 =	vadd.f32 v60, v20  }
0xef: {  	v35 =	vperm.xlane v16, v0;
	v34 =	vmul.f32 v59, v17;
	v36 =	vld [tilespmem:s0+$0x7000]  }
0xf0: {  	v37 =	vld [tilespmem:s0+$0x7050];
	v18 =	vadd.f32 v19, v18;
	v19 =	vmul.f32 v62, v61;
	v20 =	vadd.f32 v31, v20  }
0xf1: {  	v39 =	vperm.xlane v16, v1;
	v38 =	vmul.f32 v63, v35;
	v40 =	vld [tilespmem:s0+$0x7020]  }
0xf2: {  	v41 =	vld [tilespmem:s0+$0x7070];
	v17 =	vmul.f32 v32, v17;
	v18 =	vadd.f32 v19, v18;
	v20 =	vadd.f32 v34, v20  }
0xf3: {  	v43 =	vperm.xlane v16, v2;
	v42 =	vmul.f32 v33, v39;
	v44 =	vld [tilespmem:s0+$0x7040]  }
0xf4: {  	v45 =	vld [tilespmem:s0+$0x7090];
	v17 =	vadd.f32 v17, v18;
	v18 =	vmul.f32 v36, v35;
	v19 =	vadd.f32 v38, v20  }
0xf5: {  	v47 =	vperm.xlane v16, v3;
	v46 =	vmul.f32 v37, v43;
	v48 =	vld [tilespmem:s0+$0x7060]  }
0xf6: {  	v49 =	vld [tilespmem:s0+$0x70B0];
	v17 =	vadd.f32 v18, v17;
	v18 =	vmul.f32 v40, v39;
	v19 =	vadd.f32 v42, v19  }
0xf7: {  	v51 =	vperm.xlane v16, v4;
	v50 =	vmul.f32 v41, v47;
	v52 =	vld [tilespmem:s0+$0x7080]  }
0xf8: {  	v53 =	vld [tilespmem:s0+$0x70D0];
	v17 =	vadd.f32 v18, v17;
	v18 =	vmul.f32 v44, v43;
	v19 =	vadd.f32 v46, v19  }
0xf9: {  	v55 =	vperm.xlane v16, v5;
	v54 =	vmul.f32 v45, v51;
	v56 =	vld [tilespmem:s0+$0x70A0]  }
0xfa: {  	v57 =	vld [tilespmem:s0+$0x70F0];
	v17 =	vadd.f32 v18, v17;
	v18 =	vmul.f32 v48, v47;
	v19 =	vadd.f32 v50, v19  }
0xfb: {  	v59 =	vperm.xlane v16, v6;
	v58 =	vmul.f32 v49, v55;
	v60 =	vld [tilespmem:s0+$0x70C0]  }
0xfc: {  	v61 =	vld [tilespmem:s0+$0x7110];
	v17 =	vadd.f32 v18, v17;
	v18 =	vmul.f32 v52, v51;
	v19 =	vadd.f32 v54, v19  }
0xfd: {  	v63 =	vperm.xlane v16, v7;
	v32 =	vld [tilespmem:s0+$0x70E0];
	v62 =	vmul.f32 v53, v59  }
0xfe: {  	v33 =	vld [tilespmem:s0+$0x7130];
	v17 =	vadd.f32 v18, v17;
	v18 =	vmul.f32 v56, v55;
	v19 =	vadd.f32 v58, v19  }
0xff: {  	v34 =	vmul.f32 v57, v63;
	v35 =	vperm.xlane v16, v8;
	v36 =	vld [tilespmem:s0+$0x7100]  }
0x100: {  	v37 =	vld [tilespmem:s0+$0x7150];
	v17 =	vadd.f32 v18, v17;
	v18 =	vmul.f32 v60, v59;
	v19 =	vadd.f32 v62, v19  }
0x101: {  	v38 =	vmul.f32 v61, v35;
	v39 =	vperm.xlane v16, v9;
	v40 =	vld [tilespmem:s0+$0x7120]  }
0x102: {  	v41 =	vld [tilespmem:s0+$0x7170];
	v17 =	vadd.f32 v18, v17;
	v18 =	vmul.f32 v32, v63;
	v19 =	vadd.f32 v34, v19  }
0x103: {  	v42 =	vmul.f32 v33, v39;
	v43 =	vperm.xlane v16, v10;
	v44 =	vld [tilespmem:s0+$0x7140]  }
0x104: {  	v45 =	vld [tilespmem:s0+$0x7190];
	v17 =	vadd.f32 v18, v17;
	v18 =	vmul.f32 v36, v35;
	v19 =	vadd.f32 v38, v19  }
0x105: {  	v46 =	vmul.f32 v37, v43;
	v47 =	vperm.xlane v16, v11;
	v48 =	vld [tilespmem:s0+$0x7160]  }
0x106: {  	v49 =	vld [tilespmem:s0+$0x71B0];
	v17 =	vadd.f32 v18, v17;
	v18 =	vmul.f32 v40, v39;
	v19 =	vadd.f32 v42, v19  }
0x107: {  	v50 =	vmul.f32 v41, v47;
	v51 =	vperm.xlane v16, v12;
	v52 =	vld [tilespmem:s0+$0x7180]  }
0x108: {  	v53 =	vld [tilespmem:s0+$0x71D0];
	v17 =	vadd.f32 v18, v17;
	v18 =	vmul.f32 v44, v43;
	v19 =	vadd.f32 v46, v19  }
0x109: {  	v54 =	vmul.f32 v45, v51;
	v55 =	vperm.xlane v16, v13;
	v56 =	vld [tilespmem:s0+$0x71A0]  }
0x10a: {  	v57 =	vld [tilespmem:s0+$0x71F0];
	v17 =	vadd.f32 v18, v17;
	v18 =	vmul.f32 v48, v47;
	v19 =	vadd.f32 v50, v19  }
0x10b: {  	v58 =	vmul.f32 v49, v55;
	v59 =	vperm.xlane v16, v14;
	v60 =	vld [tilespmem:s0+$0x71C0]  }
0x10c: {  	v17 =	vadd.f32 v18, v17;
	v18 =	vmul.f32 v52, v51;
	v19 =	vadd.f32 v54, v19  }
0x10d: {  	v16 =	vperm.xlane v16, v15;
	v61 =	vmul.f32 v53, v59;
	v62 =	vld [tilespmem:s0+$0x71E0]  }
0x10e: {  	v17 =	vadd.f32 v18, v17;
	v18 =	vmul.f32 v56, v55;
	v19 =	vadd.f32 v58, v19  }
0x10f: {  	v63 =	vmul.f32 v57, v16  }
0x110: {  	v17 =	vadd.f32 v18, v17;
	v18 =	vmul.f32 v60, v59;
	v19 =	vadd.f32 v61, v19;
	_ =	sdelay $0x1  }
0x111: {  	v16 =	vmul.f32 v62, v16;
	v17 =	vadd.f32 v18, v17;
	v19 =	vadd.f32 v63, v19  }
0x112: {  	s7 =	simm.s32 $0x11010  }
0x113: {  	s30 =	simm.s32 $0x10;
	s0 =	simm.s32 $0x1300;
	v16 =	vadd.f32 v16, v17;
	[tilespmem:s7+$0x0] =	vst v19  }
.LBB2_3:
0x114: {  	s14 =	smov.u32 s30  }
0x115: {  	s29 =	sand.u32 $0xF0, s30;
	[tilespmem:s7+$0xFFFFFFF0] =	vst v16;
	s7 =	sadd.s32 $0x20, s7;
	s14 =	sadd.s32 $0x10, s30  }
0x116: {  	p0 =	sne.s32 s30, $0xF0;
	v19 =	vld [tilespmem:s29+$0x800]  }
0x117: {  	v16 =	vld [tilespmem:s0+$0xFFFFFF10]  }
0x118: {  	v17 =	vld [tilespmem:s0+$0xFFFFFF20]  }
0x119: {  	v18 =	vld [tilespmem:s0+$0xFFFFFF30]  }
0x11a: {  	v20 =	vld [tilespmem:s0+$0xFFFFFF40]  }
0x11b: {  	v21 =	vperm.xlane v19, v0;
	v22 =	vld [tilespmem:s0+$0xFFFFFF90]  }
0x11c: {  	v23 =	vld [tilespmem:s0+$0xFFFFFF50]  }
0x11d: {  	v25 =	vperm.xlane v19, v1;
	v24 =	vld [tilespmem:s0+$0xFFFFFF00];
	v16 =	vmul.f32 v16, v21  }
0x11e: {  	v26 =	vld [tilespmem:s0+$0xFFFFFF70]  }
0x11f: {  	v28 =	vperm.xlane v19, v2;
	v18 =	vmul.f32 v18, v25;
	v27 =	vadd.f32 $0.0e+00, v16;
	v16 =	vld [tilespmem:s29+$0xB00]  }
0x120: {  	v25 =	vmul.f32 v17, v25;
	v17 =	vld [tilespmem:s29+$0xA00]  }
0x121: {  	v29 =	vperm.xlane v19, v3;
	v27 =	vadd.f32 v18, v27;
	v23 =	vmul.f32 v23, v28;
	v18 =	vld [tilespmem:s29+$0x900]  }
0x122: {  	v20 =	vmul.f32 v20, v28;
	v21 =	vmul.f32 v24, v21;
	v24 =	vld [tilespmem:s0+$0xFFFFFFB0]  }
0x123: {  	v28 =	vperm.xlane v19, v4;
	v23 =	vadd.f32 v23, v27;
	v27 =	vld [tilespmem:s0+$0xFFFFFF60];
	v26 =	vmul.f32 v26, v29  }
0x124: {  	v21 =	vadd.f32 $0.0e+00, v21;
	v30 =	vld [tilespmem:s0+$0xFFFFFFD0]  }
0x125: {  	v31 =	vperm.xlane v19, v5;
	v22 =	vmul.f32 v22, v28;
	v23 =	vadd.f32 v26, v23;
	v26 =	vld [tilespmem:s0+$0xFFFFFF80]  }
0x126: {  	v21 =	vadd.f32 v25, v21;
	v25 =	vld [tilespmem:s0+$0xFFFFFFF0]  }
0x127: {  	v32 =	vperm.xlane v19, v6;
	v22 =	vadd.f32 v22, v23;
	v23 =	vld [tilespmem:s0+$0xFFFFFFA0];
	v24 =	vmul.f32 v24, v31  }
0x128: {  	v20 =	vadd.f32 v20, v21;
	v21 =	vmul.f32 v27, v29;
	v27 =	vld [tilespmem:s0+$0x10]  }
0x129: {  	v22 =	vadd.f32 v24, v22;
	v24 =	vld [tilespmem:s0+$0xFFFFFFC0];
	v29 =	vmul.f32 v30, v32;
	v30 =	vperm.xlane v19, v7  }
0x12a: {  	v20 =	vadd.f32 v21, v20;
	v21 =	vmul.f32 v26, v28;
	v26 =	vld [tilespmem:s0+$0x30]  }
0x12b: {  	v22 =	vadd.f32 v29, v22;
	v28 =	vld [tilespmem:s0+$0xFFFFFFE0];
	v25 =	vmul.f32 v25, v30;
	v29 =	vperm.xlane v19, v8  }
0x12c: {  	v20 =	vadd.f32 v21, v20;
	v21 =	vmul.f32 v23, v31;
	v23 =	vld [tilespmem:s0+$0x50]  }
0x12d: {  	v31 =	vperm.xlane v19, v9;
	v22 =	vadd.f32 v25, v22;
	v25 =	vld [tilespmem:s0+$0x0];
	v27 =	vmul.f32 v27, v29  }
0x12e: {  	v20 =	vadd.f32 v21, v20;
	v21 =	vmul.f32 v24, v32;
	v24 =	vld [tilespmem:s0+$0x70]  }
0x12f: {  	v32 =	vperm.xlane v19, v10;
	v22 =	vadd.f32 v27, v22;
	v27 =	vld [tilespmem:s0+$0x20];
	v26 =	vmul.f32 v26, v31  }
0x130: {  	v20 =	vadd.f32 v21, v20;
	v21 =	vmul.f32 v28, v30;
	v28 =	vld [tilespmem:s0+$0x90]  }
0x131: {  	v30 =	vperm.xlane v19, v11;
	v22 =	vadd.f32 v26, v22;
	v26 =	vld [tilespmem:s0+$0x40];
	v23 =	vmul.f32 v23, v32  }
0x132: {  	v20 =	vadd.f32 v21, v20;
	v21 =	vmul.f32 v25, v29;
	v25 =	vld [tilespmem:s0+$0xB0]  }
0x133: {  	v29 =	vperm.xlane v19, v12;
	v22 =	vadd.f32 v23, v22;
	v23 =	vld [tilespmem:s0+$0x60];
	v24 =	vmul.f32 v24, v30  }
0x134: {  	v20 =	vadd.f32 v21, v20;
	v21 =	vmul.f32 v27, v31;
	v27 =	vld [tilespmem:s0+$0xD0]  }
0x135: {  	v31 =	vperm.xlane v19, v13;
	v22 =	vadd.f32 v24, v22;
	v24 =	vld [tilespmem:s0+$0x80];
	v28 =	vmul.f32 v28, v29  }
0x136: {  	v20 =	vadd.f32 v21, v20;
	v21 =	vmul.f32 v26, v32;
	v26 =	vld [tilespmem:s0+$0xF0]  }
0x137: {  	s29 =	sshll.u32 s29, $0x5;
	v32 =	vperm.xlane v19, v14;
	v22 =	vadd.f32 v28, v22;
	v28 =	vld [tilespmem:s0+$0xA0];
	v25 =	vmul.f32 v25, v31  }
0x138: {  	v20 =	vadd.f32 v21, v20;
	v21 =	vmul.f32 v23, v30;
	v23 =	vld [tilespmem:s29+$0x3010]  }
0x139: {  	v19 =	vperm.xlane v19, v15;
	v22 =	vadd.f32 v25, v22;
	v25 =	vld [tilespmem:s0+$0xC0];
	v27 =	vmul.f32 v27, v32  }
0x13a: {  	v20 =	vadd.f32 v21, v20;
	v21 =	vmul.f32 v24, v29;
	v24 =	vld [tilespmem:s29+$0x3030]  }
0x13b: {  	v29 =	vperm.xlane v18, v0;
	v22 =	vadd.f32 v27, v22;
	v27 =	vld [tilespmem:s0+$0xE0];
	v26 =	vmul.f32 v26, v19  }
0x13c: {  	v20 =	vadd.f32 v21, v20;
	v21 =	vmul.f32 v28, v31;
	v28 =	vld [tilespmem:s29+$0x3050]  }
0x13d: {  	v30 =	vperm.xlane v18, v1;
	v22 =	vadd.f32 v26, v22;
	v26 =	vld [tilespmem:s29+$0x3000];
	v23 =	vmul.f32 v23, v29  }
0x13e: {  	v20 =	vadd.f32 v21, v20;
	v21 =	vmul.f32 v25, v32;
	v25 =	vld [tilespmem:s29+$0x3070]  }
0x13f: {  	v31 =	vperm.xlane v18, v2;
	v22 =	vadd.f32 v23, v22;
	v23 =	vld [tilespmem:s29+$0x3020];
	v24 =	vmul.f32 v24, v30  }
0x140: {  	v20 =	vadd.f32 v21, v20;
	v19 =	vmul.f32 v27, v19;
	v21 =	vld [tilespmem:s29+$0x3090]  }
0x141: {  	v22 =	vadd.f32 v24, v22;
	v24 =	vld [tilespmem:s29+$0x3040];
	v27 =	vmul.f32 v28, v31;
	v28 =	vperm.xlane v18, v3  }
0x142: {  	v19 =	vadd.f32 v19, v20;
	v20 =	vmul.f32 v26, v29;
	v26 =	vld [tilespmem:s29+$0x30B0]  }
0x143: {  	v29 =	vperm.xlane v18, v4;
	v22 =	vadd.f32 v27, v22;
	v27 =	vld [tilespmem:s29+$0x3060];
	v25 =	vmul.f32 v25, v28  }
0x144: {  	v19 =	vadd.f32 v20, v19;
	v20 =	vmul.f32 v23, v30;
	v23 =	vld [tilespmem:s29+$0x30D0]  }
0x145: {  	v30 =	vperm.xlane v18, v5;
	v22 =	vadd.f32 v25, v22;
	v25 =	vld [tilespmem:s29+$0x3080];
	v21 =	vmul.f32 v21, v29  }
0x146: {  	v19 =	vadd.f32 v20, v19;
	v20 =	vmul.f32 v24, v31;
	v24 =	vld [tilespmem:s29+$0x30F0]  }
0x147: {  	v31 =	vperm.xlane v18, v6;
	v21 =	vadd.f32 v21, v22;
	v22 =	vld [tilespmem:s29+$0x30A0];
	v26 =	vmul.f32 v26, v30  }
0x148: {  	v19 =	vadd.f32 v20, v19;
	v20 =	vmul.f32 v27, v28;
	v27 =	vld [tilespmem:s29+$0x3110]  }
0x149: {  	v28 =	vperm.xlane v18, v7;
	v21 =	vadd.f32 v26, v21;
	v26 =	vld [tilespmem:s29+$0x30C0];
	v23 =	vmul.f32 v23, v31  }
0x14a: {  	v19 =	vadd.f32 v20, v19;
	v20 =	vmul.f32 v25, v29;
	v25 =	vld [tilespmem:s29+$0x3130]  }
0x14b: {  	v29 =	vperm.xlane v18, v8;
	v21 =	vadd.f32 v23, v21;
	v23 =	vld [tilespmem:s29+$0x30E0];
	v24 =	vmul.f32 v24, v28  }
0x14c: {  	v19 =	vadd.f32 v20, v19;
	v20 =	vmul.f32 v22, v30;
	v22 =	vld [tilespmem:s29+$0x3150]  }
0x14d: {  	v30 =	vperm.xlane v18, v9;
	v21 =	vadd.f32 v24, v21;
	v24 =	vld [tilespmem:s29+$0x3100];
	v27 =	vmul.f32 v27, v29  }
0x14e: {  	v19 =	vadd.f32 v20, v19;
	v20 =	vmul.f32 v26, v31;
	v26 =	vld [tilespmem:s29+$0x3170]  }
0x14f: {  	v31 =	vperm.xlane v18, v10;
	v21 =	vadd.f32 v27, v21;
	v27 =	vld [tilespmem:s29+$0x3120];
	v25 =	vmul.f32 v25, v30  }
0x150: {  	v19 =	vadd.f32 v20, v19;
	v20 =	vmul.f32 v23, v28;
	v23 =	vld [tilespmem:s29+$0x3190]  }
0x151: {  	v28 =	vperm.xlane v18, v11;
	v21 =	vadd.f32 v25, v21;
	v25 =	vld [tilespmem:s29+$0x3140];
	v22 =	vmul.f32 v22, v31  }
0x152: {  	v19 =	vadd.f32 v20, v19;
	v20 =	vmul.f32 v24, v29;
	v24 =	vld [tilespmem:s29+$0x31B0]  }
0x153: {  	v29 =	vperm.xlane v18, v12;
	v21 =	vadd.f32 v22, v21;
	v22 =	vld [tilespmem:s29+$0x3160];
	v26 =	vmul.f32 v26, v28  }
0x154: {  	v19 =	vadd.f32 v20, v19;
	v20 =	vmul.f32 v27, v30;
	v27 =	vld [tilespmem:s29+$0x31D0]  }
0x155: {  	v30 =	vperm.xlane v18, v13;
	v21 =	vadd.f32 v26, v21;
	v26 =	vld [tilespmem:s29+$0x3180];
	v23 =	vmul.f32 v23, v29  }
0x156: {  	v19 =	vadd.f32 v20, v19;
	v20 =	vmul.f32 v25, v31;
	v25 =	vld [tilespmem:s29+$0x31F0]  }
0x157: {  	v31 =	vperm.xlane v18, v14;
	v21 =	vadd.f32 v23, v21;
	v23 =	vld [tilespmem:s29+$0x31A0];
	v24 =	vmul.f32 v24, v30  }
0x158: {  	v19 =	vadd.f32 v20, v19;
	v20 =	vmul.f32 v22, v28;
	v22 =	vld [tilespmem:s29+$0x5010]  }
0x159: {  	v18 =	vperm.xlane v18, v15;
	v21 =	vadd.f32 v24, v21;
	v24 =	vld [tilespmem:s29+$0x31C0];
	v27 =	vmul.f32 v27, v31  }
0x15a: {  	v19 =	vadd.f32 v20, v19;
	v20 =	vmul.f32 v26, v29;
	v26 =	vld [tilespmem:s29+$0x5030]  }
0x15b: {  	v28 =	vperm.xlane v17, v0;
	v21 =	vadd.f32 v27, v21;
	v27 =	vld [tilespmem:s29+$0x31E0];
	v25 =	vmul.f32 v25, v18  }
0x15c: {  	v19 =	vadd.f32 v20, v19;
	v20 =	vmul.f32 v23, v30;
	v23 =	vld [tilespmem:s29+$0x5050]  }
0x15d: {  	v29 =	vperm.xlane v17, v1;
	v21 =	vadd.f32 v25, v21;
	v25 =	vld [tilespmem:s29+$0x5000];
	v22 =	vmul.f32 v22, v28  }
0x15e: {  	v19 =	vadd.f32 v20, v19;
	v20 =	vmul.f32 v24, v31;
	v24 =	vld [tilespmem:s29+$0x5070]  }
0x15f: {  	v30 =	vperm.xlane v17, v2;
	v21 =	vadd.f32 v22, v21;
	v22 =	vld [tilespmem:s29+$0x5020];
	v26 =	vmul.f32 v26, v29  }
0x160: {  	v19 =	vadd.f32 v20, v19;
	v18 =	vmul.f32 v27, v18;
	v20 =	vld [tilespmem:s29+$0x5090]  }
0x161: {  	v27 =	vperm.xlane v17, v3;
	v21 =	vadd.f32 v26, v21;
	v26 =	vld [tilespmem:s29+$0x5040];
	v23 =	vmul.f32 v23, v30  }
0x162: {  	v18 =	vadd.f32 v18, v19;
	v19 =	vmul.f32 v25, v28;
	v25 =	vld [tilespmem:s29+$0x50B0]  }
0x163: {  	v28 =	vperm.xlane v17, v4;
	v21 =	vadd.f32 v23, v21;
	v23 =	vld [tilespmem:s29+$0x5060];
	v24 =	vmul.f32 v24, v27  }
0x164: {  	v18 =	vadd.f32 v19, v18;
	v19 =	vmul.f32 v22, v29;
	v22 =	vld [tilespmem:s29+$0x50D0]  }
0x165: {  	v29 =	vperm.xlane v17, v5;
	v21 =	vadd.f32 v24, v21;
	v24 =	vld [tilespmem:s29+$0x5080];
	v20 =	vmul.f32 v20, v28  }
0x166: {  	v18 =	vadd.f32 v19, v18;
	v19 =	vmul.f32 v26, v30;
	v26 =	vld [tilespmem:s29+$0x50F0]  }
0x167: {  	v30 =	vperm.xlane v17, v6;
	v20 =	vadd.f32 v20, v21;
	v21 =	vld [tilespmem:s29+$0x50A0];
	v25 =	vmul.f32 v25, v29  }
0x168: {  	v18 =	vadd.f32 v19, v18;
	v19 =	vmul.f32 v23, v27;
	v23 =	vld [tilespmem:s29+$0x5110]  }
0x169: {  	v27 =	vperm.xlane v17, v7;
	v20 =	vadd.f32 v25, v20;
	v25 =	vld [tilespmem:s29+$0x50C0];
	v22 =	vmul.f32 v22, v30  }
0x16a: {  	v18 =	vadd.f32 v19, v18;
	v19 =	vmul.f32 v24, v28;
	v24 =	vld [tilespmem:s29+$0x5130]  }
0x16b: {  	v28 =	vperm.xlane v17, v8;
	v20 =	vadd.f32 v22, v20;
	v22 =	vld [tilespmem:s29+$0x50E0];
	v26 =	vmul.f32 v26, v27  }
0x16c: {  	v18 =	vadd.f32 v19, v18;
	v19 =	vmul.f32 v21, v29;
	v21 =	vld [tilespmem:s29+$0x5150]  }
0x16d: {  	v29 =	vperm.xlane v17, v9;
	v20 =	vadd.f32 v26, v20;
	v26 =	vld [tilespmem:s29+$0x5100];
	v23 =	vmul.f32 v23, v28  }
0x16e: {  	v18 =	vadd.f32 v19, v18;
	v19 =	vmul.f32 v25, v30;
	v25 =	vld [tilespmem:s29+$0x5170]  }
0x16f: {  	v30 =	vperm.xlane v17, v10;
	v20 =	vadd.f32 v23, v20;
	v23 =	vld [tilespmem:s29+$0x5120];
	v24 =	vmul.f32 v24, v29  }
0x170: {  	v18 =	vadd.f32 v19, v18;
	v19 =	vmul.f32 v22, v27;
	v22 =	vld [tilespmem:s29+$0x5190]  }
0x171: {  	v27 =	vperm.xlane v17, v11;
	v20 =	vadd.f32 v24, v20;
	v24 =	vld [tilespmem:s29+$0x5140];
	v21 =	vmul.f32 v21, v30  }
0x172: {  	v18 =	vadd.f32 v19, v18;
	v19 =	vmul.f32 v26, v28;
	v26 =	vld [tilespmem:s29+$0x51B0]  }
0x173: {  	v28 =	vperm.xlane v17, v12;
	v20 =	vadd.f32 v21, v20;
	v21 =	vld [tilespmem:s29+$0x5160];
	v25 =	vmul.f32 v25, v27  }
0x174: {  	v18 =	vadd.f32 v19, v18;
	v19 =	vmul.f32 v23, v29;
	v23 =	vld [tilespmem:s29+$0x51D0]  }
0x175: {  	v29 =	vperm.xlane v17, v13;
	v20 =	vadd.f32 v25, v20;
	v25 =	vld [tilespmem:s29+$0x5180];
	v22 =	vmul.f32 v22, v28  }
0x176: {  	v18 =	vadd.f32 v19, v18;
	v19 =	vmul.f32 v24, v30;
	v24 =	vld [tilespmem:s29+$0x51F0]  }
0x177: {  	v30 =	vperm.xlane v17, v14;
	v20 =	vadd.f32 v22, v20;
	v22 =	vld [tilespmem:s29+$0x51A0];
	v26 =	vmul.f32 v26, v29  }
0x178: {  	v18 =	vadd.f32 v19, v18;
	v19 =	vmul.f32 v21, v27;
	v21 =	vld [tilespmem:s29+$0x7010]  }
0x179: {  	v17 =	vperm.xlane v17, v15;
	v20 =	vadd.f32 v26, v20;
	v26 =	vld [tilespmem:s29+$0x51C0];
	v23 =	vmul.f32 v23, v30  }
0x17a: {  	v18 =	vadd.f32 v19, v18;
	v19 =	vmul.f32 v25, v28;
	v25 =	vld [tilespmem:s29+$0x7030]  }
0x17b: {  	v27 =	vperm.xlane v16, v0;
	v20 =	vadd.f32 v23, v20;
	v23 =	vld [tilespmem:s29+$0x51E0];
	v24 =	vmul.f32 v24, v17  }
0x17c: {  	v18 =	vadd.f32 v19, v18;
	v19 =	vmul.f32 v22, v29;
	v22 =	vld [tilespmem:s29+$0x7050]  }
0x17d: {  	v28 =	vperm.xlane v16, v1;
	v20 =	vadd.f32 v24, v20;
	v24 =	vld [tilespmem:s29+$0x7000];
	v21 =	vmul.f32 v21, v27  }
0x17e: {  	v18 =	vadd.f32 v19, v18;
	v19 =	vmul.f32 v26, v30;
	v26 =	vld [tilespmem:s29+$0x7070]  }
0x17f: {  	v29 =	vperm.xlane v16, v2;
	v20 =	vadd.f32 v21, v20;
	v21 =	vld [tilespmem:s29+$0x7020];
	v25 =	vmul.f32 v25, v28  }
0x180: {  	v18 =	vadd.f32 v19, v18;
	v17 =	vmul.f32 v23, v17;
	v19 =	vld [tilespmem:s29+$0x7090]  }
0x181: {  	v20 =	vadd.f32 v25, v20;
	v23 =	vld [tilespmem:s29+$0x7040];
	v22 =	vmul.f32 v22, v29;
	v25 =	vperm.xlane v16, v3  }
0x182: {  	v17 =	vadd.f32 v17, v18;
	v18 =	vmul.f32 v24, v27;
	v24 =	vld [tilespmem:s29+$0x70B0]  }
0x183: {  	v27 =	vperm.xlane v16, v4;
	v20 =	vadd.f32 v22, v20;
	v22 =	vld [tilespmem:s29+$0x7060];
	v26 =	vmul.f32 v26, v25  }
0x184: {  	v17 =	vadd.f32 v18, v17;
	v18 =	vmul.f32 v21, v28;
	v21 =	vld [tilespmem:s29+$0x70D0]  }
0x185: {  	v28 =	vperm.xlane v16, v5;
	v20 =	vadd.f32 v26, v20;
	v26 =	vld [tilespmem:s29+$0x7080];
	v19 =	vmul.f32 v19, v27  }
0x186: {  	v17 =	vadd.f32 v18, v17;
	v18 =	vmul.f32 v23, v29;
	v23 =	vld [tilespmem:s29+$0x70F0]  }
0x187: {  	v29 =	vperm.xlane v16, v6;
	v19 =	vadd.f32 v19, v20;
	v20 =	vld [tilespmem:s29+$0x70A0];
	v24 =	vmul.f32 v24, v28  }
0x188: {  	v17 =	vadd.f32 v18, v17;
	v18 =	vmul.f32 v22, v25;
	v22 =	vld [tilespmem:s29+$0x7110]  }
0x189: {  	v25 =	vperm.xlane v16, v7;
	v19 =	vadd.f32 v24, v19;
	v24 =	vld [tilespmem:s29+$0x70C0];
	v21 =	vmul.f32 v21, v29  }
0x18a: {  	v17 =	vadd.f32 v18, v17;
	v18 =	vmul.f32 v26, v27;
	v26 =	vld [tilespmem:s29+$0x7130]  }
0x18b: {  	v27 =	vperm.xlane v16, v8;
	v19 =	vadd.f32 v21, v19;
	v21 =	vld [tilespmem:s29+$0x70E0];
	v23 =	vmul.f32 v23, v25  }
0x18c: {  	v17 =	vadd.f32 v18, v17;
	v18 =	vmul.f32 v20, v28;
	v20 =	vld [tilespmem:s29+$0x7150]  }
0x18d: {  	v28 =	vperm.xlane v16, v9;
	v19 =	vadd.f32 v23, v19;
	v23 =	vld [tilespmem:s29+$0x7100];
	v22 =	vmul.f32 v22, v27  }
0x18e: {  	v17 =	vadd.f32 v18, v17;
	v18 =	vmul.f32 v24, v29;
	v24 =	vld [tilespmem:s29+$0x7170]  }
0x18f: {  	v29 =	vperm.xlane v16, v10;
	v19 =	vadd.f32 v22, v19;
	v22 =	vld [tilespmem:s29+$0x7120];
	v26 =	vmul.f32 v26, v28  }
0x190: {  	v17 =	vadd.f32 v18, v17;
	v18 =	vmul.f32 v21, v25;
	v21 =	vld [tilespmem:s29+$0x7190]  }
0x191: {  	v19 =	vadd.f32 v26, v19;
	v25 =	vld [tilespmem:s29+$0x7140];
	v20 =	vmul.f32 v20, v29;
	v26 =	vperm.xlane v16, v11  }
0x192: {  	v17 =	vadd.f32 v18, v17;
	v18 =	vmul.f32 v23, v27;
	v23 =	vld [tilespmem:s29+$0x71B0]  }
0x193: {  	v27 =	vperm.xlane v16, v12;
	v19 =	vadd.f32 v20, v19;
	v20 =	vld [tilespmem:s29+$0x7160];
	v24 =	vmul.f32 v24, v26  }
0x194: {  	v17 =	vadd.f32 v18, v17;
	v18 =	vmul.f32 v22, v28;
	v22 =	vld [tilespmem:s29+$0x71D0]  }
0x195: {  	v28 =	vperm.xlane v16, v13;
	v19 =	vadd.f32 v24, v19;
	v24 =	vld [tilespmem:s29+$0x7180];
	v21 =	vmul.f32 v21, v27  }
0x196: {  	v17 =	vadd.f32 v18, v17;
	v18 =	vmul.f32 v25, v29;
	v25 =	vld [tilespmem:s29+$0x71F0]  }
0x197: {  	v29 =	vperm.xlane v16, v14;
	v19 =	vadd.f32 v21, v19;
	v21 =	vld [tilespmem:s29+$0x71A0];
	v23 =	vmul.f32 v23, v28  }
0x198: {  	v17 =	vadd.f32 v18, v17;
	v18 =	vmul.f32 v20, v26  }
0x199: {  	v16 =	vperm.xlane v16, v15;
	v19 =	vadd.f32 v23, v19;
	v20 =	vld [tilespmem:s29+$0x71C0];
	v22 =	vmul.f32 v22, v29  }
0x19a: {  	v17 =	vadd.f32 v18, v17;
	v18 =	vmul.f32 v24, v27  }
0x19b: {  	v19 =	vadd.f32 v22, v19;
	v22 =	vld [tilespmem:s29+$0x71E0];
	v23 =	vmul.f32 v25, v16  }
0x19c: {  	v17 =	vadd.f32 v18, v17;
	v18 =	vmul.f32 v21, v28  }
0x19d: {  	v19 =	vadd.f32 v23, v19  }
0x19e: {  	v17 =	vadd.f32 v18, v17;
	v18 =	vmul.f32 v20, v29  }
.Ltmp0:
0x19f: {  	[tilespmem:s7+$0x0] =	vst v19;
	(pc) =	sbr.rel @p0 .LBB2_3-.Ltmp0, $3  }
0x1a0: {  	v17 =	vadd.f32 v18, v17;
	v16 =	vmul.f32 v22, v16;
	_ =	sdelay $0x1  }
0x1a1: {  	v16 =	vadd.f32 v16, v17  }
0x1a2: {  	s30 =	smov.u32 s14;
	s0 =	sadd.s32 $0x200, s0  }
0x1a3: {  	s0 =	sshll.u32 s26, $0x1;
	s14 =	rddreg [dreg:$0x13]  }
0x1a4: {  	s29 =	sadd.s32 s14, s0  }
0x1a5: {  	s14 =	rddreg [dreg:$0x1];
	s0 =	sshll.u32 s29, $0x6  }
0x1a6: {  	[tilespmem:s7+$0xFFFFFFF0] =	vst v16;
	s21 =	simm.s32 $0x11000;
	s7 =	sadd.s32 s14, s0;
	s14 =	simm.s32 $0x0  }
0x1a7: {  	[hbm4b:s7+s14] =	stream.linear.scatter [tilespmem:s21], [sflag:$0x5], $0x200, $0x38;
	[tilespmem:$0x11400] =	vst v63  }
0x1a8: {  	s21 =	smin.u32 s29, $0x1FFD  }
0x1a9: {  	s7 =	sshll.u32 s21, $0x5  }
0x1aa: {  	s7 =	sadd.s32 $0x40, s7  }
0x1ab: {  	s31 =	sadd.s32 s3, s7  }
0x1ac: {  	[tilespmem:s14], [sflag:$0x1] =	stream.linear.gather [hbm4b:s31+s14], $0x100, $0x38;
	[tilespmem:$0x11400] =	vst v63  }
0x1ad: {  	s30 =	simm.s32 $0x800;
	s31 =	sadd.s32 s8, s7  }
0x1ae: {  	[tilespmem:s30], [sflag:$0x1] =	stream.linear.gather [hbm4b:s31+s14], $0x100, $0x38;
	[tilespmem:$0x11400] =	vst v63  }
0x1af: {  	s31 =	sadd.s32 s4, s7  }
0x1b0: {  	[tilespmem:s15], [sflag:$0x1] =	stream.linear.gather [hbm4b:s31+s14], $0x100, $0x38;
	[tilespmem:$0x11400] =	vst v63  }
0x1b1: {  	s30 =	simm.s32 $0x900;
	s31 =	sadd.s32 s9, s7  }
0x1b2: {  	[tilespmem:s30], [sflag:$0x1] =	stream.linear.gather [hbm4b:s31+s14], $0x100, $0x38;
	[tilespmem:$0x11400] =	vst v63  }
0x1b3: {  	s31 =	sadd.s32 s5, s7  }
0x1b4: {  	[tilespmem:s17], [sflag:$0x1] =	stream.linear.gather [hbm4b:s31+s14], $0x100, $0x38;
	[tilespmem:$0x11400] =	vst v63  }
0x1b5: {  	s30 =	simm.s32 $0xA00;
	s31 =	sadd.s32 s10, s7  }
0x1b6: {  	[tilespmem:s30], [sflag:$0x1] =	stream.linear.gather [hbm4b:s31+s14], $0x100, $0x38;
	[tilespmem:$0x11400] =	vst v63  }
0x1b7: {  	s31 =	sadd.s32 s6, s7  }
0x1b8: {  	[tilespmem:s19], [sflag:$0x1] =	stream.linear.gather [hbm4b:s31+s14], $0x100, $0x38;
	[tilespmem:$0x11400] =	vst v63  }
0x1b9: {  	s7 =	sadd.s32 s11, s7;
	s31 =	simm.s32 $0xB00  }
0x1ba: {  	[tilespmem:s31], [sflag:$0x1] =	stream.linear.gather [hbm4b:s7+s14], $0x100, $0x38;
	[tilespmem:$0x11400] =	vst v63  }
0x1bb: {  	_ =	swait.ge [sflag:s13], $0x400  }
0x1bc: {  	[sflag:s13] =	ssyncset.done $0x0  }
0x1bd: {  	[sflag:s13] =	ssyncadd.s32 $0xFFFFFC00  }
0x1be: {  	_ =	swait.ge [sflag:s13], $0x400  }
0x1bf: {  	[sflag:s13] =	ssyncset.done $0x0  }
0x1c0: {  	s31 =	simm.s32 $0x1000;
	[sflag:s13] =	ssyncadd.s32 $0xFFFFFC00  }
0x1c1: {  	[tilespmem:s31], [sflag:$0x3] =	stream.indirect.gather [hbm4b:s12+s1], $0x20, s14, s1, $0xb8;
	[tilespmem:$0x11400] =	vst v63  }
0x1c2: {  	s21 =	simm.s32 $0x2000  }
0x1c3: {  	[tilespmem:s21], [sflag:$0x3] =	stream.indirect.gather [hbm4b:s12+s1], $0x20, s1, s1, $0xb8;
	[tilespmem:$0x11400] =	vst v63  }
0x1c4: {  	s31 =	simm.s32 $0x3000  }
0x1c5: {  	[tilespmem:s31], [sflag:$0x3] =	stream.indirect.gather [hbm4b:s12+s1], $0x20, s15, s1, $0xb8;
	[tilespmem:$0x11400] =	vst v63  }
0x1c6: {  	s21 =	simm.s32 $0x180;
	s31 =	simm.s32 $0x4000  }
0x1c7: {  	[tilespmem:s31], [sflag:$0x3] =	stream.indirect.gather [hbm4b:s12+s1], $0x20, s21, s1, $0xb8;
	[tilespmem:$0x11400] =	vst v63  }
0x1c8: {  	s31 =	simm.s32 $0x5000  }
0x1c9: {  	[tilespmem:s31], [sflag:$0x3] =	stream.indirect.gather [hbm4b:s12+s1], $0x20, s17, s1, $0xb8;
	[tilespmem:$0x11400] =	vst v63  }
0x1ca: {  	s21 =	simm.s32 $0x280;
	s31 =	simm.s32 $0x6000  }
0x1cb: {  	[tilespmem:s31], [sflag:$0x3] =	stream.indirect.gather [hbm4b:s12+s1], $0x20, s21, s1, $0xb8;
	[tilespmem:$0x11400] =	vst v63  }
0x1cc: {  	s31 =	simm.s32 $0x7000  }
0x1cd: {  	[tilespmem:s31], [sflag:$0x3] =	stream.indirect.gather [hbm4b:s12+s1], $0x20, s19, s1, $0xb8;
	[tilespmem:$0x11400] =	vst v63  }
0x1ce: {  	s21 =	simm.s32 $0x380;
	s31 =	simm.s32 $0x8000  }
0x1cf: {  	[tilespmem:s31], [sflag:$0x3] =	stream.indirect.gather [hbm4b:s12+s1], $0x20, s21, s1, $0xb8;
	[tilespmem:$0x11400] =	vst v63  }
0x1d0: {  	_ =	swait.ge [sflag:s22], $0x1000  }
0x1d1: {  	[sflag:s22] =	ssyncset.done $0x0  }
0x1d2: {  	[sflag:s22] =	ssyncadd.s32 $0xFFFFF000  }
0x1d3: {  	_ =	swait.ge [sflag:s22], $0x1000  }
0x1d4: {  	[sflag:s22] =	ssyncset.done $0x0  }
0x1d5: {  	[sflag:s22] =	ssyncadd.s32 $0xFFFFF000  }
0x1d6: {  	_ =	swait.ge [sflag:s22], $0x1000  }
0x1d7: {  	[sflag:s22] =	ssyncset.done $0x0  }
0x1d8: {  	[sflag:s22] =	ssyncadd.s32 $0xFFFFF000  }
0x1d9: {  	_ =	swait.ge [sflag:s22], $0x1000  }
0x1da: {  	[sflag:s22] =	ssyncset.done $0x0  }
0x1db: {  	[sflag:s22] =	ssyncadd.s32 $0xFFFFF000  }
0x1dc: {  	_ =	swait.ge [sflag:s22], $0x1000  }
0x1dd: {  	[sflag:s22] =	ssyncset.done $0x0  }
0x1de: {  	[sflag:s22] =	ssyncadd.s32 $0xFFFFF000  }
0x1df: {  	_ =	swait.ge [sflag:s22], $0x1000  }
0x1e0: {  	[sflag:s22] =	ssyncset.done $0x0  }
0x1e1: {  	[sflag:s22] =	ssyncadd.s32 $0xFFFFF000  }
0x1e2: {  	_ =	swait.ge [sflag:s22], $0x1000  }
0x1e3: {  	[sflag:s22] =	ssyncset.done $0x0  }
0x1e4: {  	[sflag:s22] =	ssyncadd.s32 $0xFFFFF000  }
0x1e5: {  	_ =	swait.ge [sflag:s22], $0x1000  }
0x1e6: {  	[sflag:s22] =	ssyncset.done $0x0  }
0x1e7: {  	[sflag:s22] =	ssyncadd.s32 $0xFFFFF000  }
0x1e8: {  	_ =	swait.ge [sflag:s24], $0x200  }
0x1e9: {  	[sflag:s24] =	ssyncset.done $0x0  }
0x1ea: {  	s21 =	sand.u32 $0xF0, s14;
	[sflag:s24] =	ssyncadd.s32 $0xFFFFFE00  }
0x1eb: {  	s31 =	simm.s32 $0x9100;
	v19 =	vld [tilespmem:s21+$0xC00]  }
0x1ec: {  	v16 =	vld [tilespmem:s31+$0xFFFFFF10]  }
0x1ed: {  	v20 =	vld [tilespmem:s31+$0xFFFFFF20]  }
0x1ee: {  	v17 =	vld [tilespmem:s31+$0xFFFFFF30]  }
0x1ef: {  	v21 =	vld [tilespmem:s31+$0xFFFFFF40]  }
0x1f0: {  	v22 =	vld [tilespmem:s31+$0xFFFFFF90]  }
0x1f1: {  	v24 =	vld [tilespmem:s31+$0xFFFFFF00]  }
0x1f2: {  	v25 =	vld [tilespmem:s31+$0xFFFFFF50];
	v23 =	vperm.xlane v19, v0  }
0x1f3: {  	v27 =	vld [tilespmem:s31+$0xFFFFFF70]  }
0x1f4: {  	v46 =	vld [tilespmem:s31+$0xFFFFFF60];
	v26 =	vperm.xlane v19, v1;
	v18 =	vmul.f32 v16, v23  }
0x1f5: {  	v47 =	vld [tilespmem:s31+$0xFFFFFFB0];
	v30 =	vperm.xlane v19, v2  }
0x1f6: {  	v31 =	vld [tilespmem:s31+$0xFFFFFF80];
	v29 =	vmul.f32 v17, v26;
	v23 =	vmul.f32 v24, v23;
	v28 =	vadd.f32 $0.0e+00, v18  }
0x1f7: {  	v50 =	vld [tilespmem:s31+$0xFFFFFFD0];
	v45 =	vperm.xlane v19, v3;
	v25 =	vmul.f32 v25, v30  }
0x1f8: {  	v53 =	vld [tilespmem:s31+$0xFFFFFFA0];
	v20 =	vmul.f32 v20, v26;
	v23 =	vadd.f32 $0.0e+00, v23;
	v44 =	vadd.f32 v29, v28  }
0x1f9: {  	v32 =	vld [tilespmem:s31+$0xFFFFFFF0];
	v49 =	vperm.xlane v19, v4;
	v48 =	vmul.f32 v27, v45  }
0x1fa: {  	v57 =	vld [tilespmem:s31+$0xFFFFFFC0];
	v21 =	vmul.f32 v21, v30;
	v20 =	vadd.f32 v20, v23;
	v24 =	vadd.f32 v25, v44  }
0x1fb: {  	v58 =	vld [tilespmem:s31+$0x10];
	v52 =	vperm.xlane v19, v5;
	v22 =	vmul.f32 v22, v49  }
0x1fc: {  	v62 =	vld [tilespmem:s31+$0xFFFFFFE0];
	v54 =	vmul.f32 v46, v45;
	v20 =	vadd.f32 v21, v20;
	v51 =	vadd.f32 v48, v24  }
0x1fd: {  	v63 =	vld [tilespmem:s31+$0x30];
	v56 =	vperm.xlane v19, v6;
	v55 =	vmul.f32 v47, v52  }
0x1fe: {  	v39 =	vld [tilespmem:s31+$0x0];
	v59 =	vmul.f32 v31, v49;
	v20 =	vadd.f32 v54, v20;
	v22 =	vadd.f32 v22, v51  }
0x1ff: {  	s7 =	sshll.u32 s21, $0x5;
	v40 =	vld [tilespmem:s31+$0x50];
	v61 =	vperm.xlane v19, v7;
	v60 =	vmul.f32 v50, v56  }
0x200: {  	v34 =	vld [tilespmem:s7+$0xB060];
	v36 =	vmul.f32 v53, v52;
	v20 =	vadd.f32 v59, v20;
	v22 =	vadd.f32 v55, v22  }
0x201: {  	v35 =	vld [tilespmem:s7+$0xB0B0];
	v38 =	vperm.xlane v19, v8;
	v37 =	vmul.f32 v32, v61  }
0x202: {  	v41 =	vmul.f32 v57, v56;
	v45 =	vld [tilespmem:s31+$0x70];
	v20 =	vadd.f32 v36, v20;
	v22 =	vadd.f32 v60, v22  }
0x203: {  	v43 =	vperm.xlane v19, v9;
	v42 =	vmul.f32 v58, v38;
	v44 =	vld [tilespmem:s31+$0x20]  }
0x204: {  	v46 =	vmul.f32 v62, v61;
	v49 =	vld [tilespmem:s31+$0x40];
	v20 =	vadd.f32 v41, v20;
	v22 =	vadd.f32 v37, v22  }
0x205: {  	v47 =	vmul.f32 v63, v43;
	v50 =	vld [tilespmem:s31+$0x90];
	v48 =	vperm.xlane v19, v10  }
0x206: {  	v18 =	vld [tilespmem:s21+$0xD00];
	v51 =	vmul.f32 v39, v38;
	v20 =	vadd.f32 v46, v20;
	v22 =	vadd.f32 v42, v22  }
0x207: {  	v53 =	vperm.xlane v19, v11;
	v54 =	vld [tilespmem:s31+$0x60];
	v52 =	vmul.f32 v40, v48  }
0x208: {  	v59 =	vld [tilespmem:s31+$0x80];
	v56 =	vmul.f32 v44, v43;
	v20 =	vadd.f32 v51, v20;
	v22 =	vadd.f32 v47, v22  }
0x209: {  	v58 =	vperm.xlane v19, v12;
	v57 =	vmul.f32 v45, v53;
	v55 =	vld [tilespmem:s31+$0xB0]  }
0x20a: {  	v61 =	vmul.f32 v49, v48;
	v60 =	vld [tilespmem:s31+$0xD0];
	v20 =	vadd.f32 v56, v20;
	v22 =	vadd.f32 v52, v22  }
0x20b: {  	v63 =	vperm.xlane v19, v13;
	v62 =	vmul.f32 v50, v58;
	v36 =	vld [tilespmem:s31+$0xA0]  }
0x20c: {  	v38 =	vmul.f32 v54, v53;
	v37 =	vld [tilespmem:s31+$0xF0];
	v20 =	vadd.f32 v61, v20;
	v22 =	vadd.f32 v57, v22  }
0x20d: {  	v40 =	vperm.xlane v19, v14;
	v41 =	vld [tilespmem:s31+$0xC0];
	v43 =	vmul.f32 v59, v58  }
0x20e: {  	v45 =	vld [tilespmem:s31+$0xE0];
	v39 =	vmul.f32 v55, v63;
	v20 =	vadd.f32 v38, v20;
	v22 =	vadd.f32 v62, v22  }
0x20f: {  	v19 =	vperm.xlane v19, v15;
	v42 =	vld [tilespmem:s7+$0xB010];
	v44 =	vmul.f32 v60, v40  }
0x210: {  	v46 =	vld [tilespmem:s7+$0xB030];
	v47 =	vmul.f32 v36, v63;
	v20 =	vadd.f32 v43, v20;
	v22 =	vadd.f32 v39, v22  }
0x211: {  	v50 =	vld [tilespmem:s7+$0xB000];
	v49 =	vperm.xlane v18, v0;
	v48 =	vmul.f32 v37, v19  }
0x212: {  	v55 =	vld [tilespmem:s7+$0xB020];
	v52 =	vmul.f32 v41, v40;
	v20 =	vadd.f32 v47, v20;
	v22 =	vadd.f32 v44, v22  }
0x213: {  	v54 =	vperm.xlane v18, v1;
	v51 =	vld [tilespmem:s7+$0xB050];
	v19 =	vmul.f32 v45, v19  }
0x214: {  	v60 =	vld [tilespmem:s7+$0xB040];
	v53 =	vmul.f32 v42, v49;
	v20 =	vadd.f32 v52, v20;
	v22 =	vadd.f32 v48, v22  }
0x215: {  	v59 =	vperm.xlane v18, v2;
	v56 =	vld [tilespmem:s7+$0xB070];
	v58 =	vmul.f32 v46, v54  }
0x216: {  	v16 =	vld [tilespmem:s21+$0xF00];
	v62 =	vmul.f32 v50, v49;
	v19 =	vadd.f32 v19, v20;
	v57 =	vadd.f32 v53, v22  }
0x217: {  	v33 =	vperm.xlane v18, v3;
	v61 =	vld [tilespmem:s7+$0xB090];
	v36 =	vmul.f32 v55, v54  }
0x218: {  	v45 =	vld [tilespmem:s7+$0xB0F0];
	v63 =	vmul.f32 v51, v59;
	v19 =	vadd.f32 v62, v19;
	v21 =	vadd.f32 v58, v57  }
0x219: {  	v38 =	vperm.xlane v18, v4;
	v41 =	vmul.f32 v60, v59;
	v39 =	vld [tilespmem:s7+$0xB080]  }
0x21a: {  	v40 =	vld [tilespmem:s7+$0xB0D0];
	v37 =	vmul.f32 v56, v33;
	v19 =	vadd.f32 v36, v19;
	v21 =	vadd.f32 v63, v21  }
0x21b: {  	v46 =	vmul.f32 v34, v33;
	v43 =	vperm.xlane v18, v5;
	v44 =	vld [tilespmem:s7+$0xB0A0]  }
0x21c: {  	v49 =	vld [tilespmem:s7+$0xB0C0];
	v42 =	vmul.f32 v61, v38;
	v19 =	vadd.f32 v41, v19;
	v21 =	vadd.f32 v37, v21  }
0x21d: {  	v54 =	vld [tilespmem:s7+$0xB0E0];
	v47 =	vmul.f32 v35, v43;
	v48 =	vperm.xlane v18, v6  }
0x21e: {  	v55 =	vld [tilespmem:s7+$0xB130];
	v51 =	vmul.f32 v39, v38;
	v19 =	vadd.f32 v46, v19;
	v21 =	vadd.f32 v42, v21  }
0x21f: {  	v50 =	vld [tilespmem:s7+$0xB110];
	v52 =	vmul.f32 v40, v48;
	v53 =	vperm.xlane v18, v7  }
0x220: {  	v59 =	vld [tilespmem:s7+$0xB100];
	v56 =	vmul.f32 v44, v43;
	v19 =	vadd.f32 v51, v19;
	v21 =	vadd.f32 v47, v21  }
0x221: {  	v34 =	vld [tilespmem:s7+$0xB170];
	v61 =	vmul.f32 v49, v48;
	v57 =	vmul.f32 v45, v53  }
0x222: {  	v33 =	vld [tilespmem:s7+$0xB120];
	v58 =	vperm.xlane v18, v8;
	v19 =	vadd.f32 v56, v19;
	v21 =	vadd.f32 v52, v21  }
0x223: {  	v60 =	vld [tilespmem:s7+$0xB150];
	v35 =	vmul.f32 v54, v53;
	v63 =	vperm.xlane v18, v9  }
0x224: {  	v38 =	vld [tilespmem:s7+$0xB140];
	v62 =	vmul.f32 v50, v58;
	v19 =	vadd.f32 v61, v19;
	v21 =	vadd.f32 v57, v21  }
0x225: {  	v39 =	vld [tilespmem:s7+$0xB190];
	v40 =	vmul.f32 v59, v58;
	v36 =	vmul.f32 v55, v63  }
0x226: {  	v43 =	vld [tilespmem:s7+$0xB160];
	v37 =	vperm.xlane v18, v10;
	v19 =	vadd.f32 v35, v19;
	v21 =	vadd.f32 v62, v21  }
0x227: {  	v48 =	vld [tilespmem:s7+$0xB180];
	v45 =	vmul.f32 v33, v63;
	v42 =	vperm.xlane v18, v11  }
0x228: {  	v44 =	vld [tilespmem:s7+$0xB1B0];
	v41 =	vmul.f32 v60, v37;
	v19 =	vadd.f32 v40, v19;
	v21 =	vadd.f32 v36, v21  }
0x229: {  	v17 =	vld [tilespmem:s21+$0xE00];
	v50 =	vmul.f32 v38, v37;
	v46 =	vmul.f32 v34, v42  }
0x22a: {  	v53 =	vld [tilespmem:s7+$0xB1A0];
	v47 =	vperm.xlane v18, v12;
	v19 =	vadd.f32 v45, v19;
	v21 =	vadd.f32 v41, v21  }
0x22b: {  	v49 =	vld [tilespmem:s7+$0xB1D0];
	v55 =	vmul.f32 v43, v42;
	v52 =	vperm.xlane v18, v13  }
0x22c: {  	v54 =	vld [tilespmem:s7+$0xB1F0];
	v51 =	vmul.f32 v39, v47;
	v19 =	vadd.f32 v50, v19;
	v21 =	vadd.f32 v46, v21  }
0x22d: {  	v58 =	vld [tilespmem:s7+$0xB1C0];
	v60 =	vmul.f32 v48, v47;
	v56 =	vmul.f32 v44, v52  }
0x22e: {  	v59 =	vld [tilespmem:s7+$0xD010];
	v57 =	vperm.xlane v18, v14;
	v19 =	vadd.f32 v55, v19;
	v21 =	vadd.f32 v51, v21  }
0x22f: {  	v18 =	vperm.xlane v18, v15;
	v33 =	vmul.f32 v53, v52;
	v62 =	vld [tilespmem:s7+$0xB1E0]  }
0x230: {  	v63 =	vld [tilespmem:s7+$0xD030];
	v61 =	vmul.f32 v49, v57;
	v19 =	vadd.f32 v60, v19;
	v21 =	vadd.f32 v56, v21  }
0x231: {  	v35 =	vperm.xlane v17, v0;
	v34 =	vmul.f32 v54, v18;
	v36 =	vld [tilespmem:s7+$0xD000]  }
0x232: {  	v37 =	vld [tilespmem:s7+$0xD050];
	v38 =	vmul.f32 v58, v57;
	v19 =	vadd.f32 v33, v19;
	v21 =	vadd.f32 v61, v21  }
0x233: {  	v39 =	vmul.f32 v59, v35;
	v40 =	vperm.xlane v17, v1;
	v41 =	vld [tilespmem:s7+$0xD020]  }
0x234: {  	v42 =	vld [tilespmem:s7+$0xD070];
	v18 =	vmul.f32 v62, v18;
	v19 =	vadd.f32 v38, v19;
	v21 =	vadd.f32 v34, v21  }
0x235: {  	v44 =	vmul.f32 v63, v40;
	v45 =	vperm.xlane v17, v2;
	v46 =	vld [tilespmem:s7+$0xD040]  }
0x236: {  	v47 =	vld [tilespmem:s7+$0xD090];
	v18 =	vadd.f32 v18, v19;
	v19 =	vmul.f32 v36, v35;
	v43 =	vadd.f32 v39, v21  }
0x237: {  	v49 =	vperm.xlane v17, v3;
	v48 =	vmul.f32 v37, v45;
	v50 =	vld [tilespmem:s7+$0xD060]  }
0x238: {  	v51 =	vld [tilespmem:s7+$0xD0B0];
	v18 =	vadd.f32 v19, v18;
	v19 =	vmul.f32 v41, v40;
	v20 =	vadd.f32 v44, v43  }
0x239: {  	v53 =	vperm.xlane v17, v4;
	v54 =	vld [tilespmem:s7+$0xD080];
	v52 =	vmul.f32 v42, v49  }
0x23a: {  	v55 =	vld [tilespmem:s7+$0xD0D0];
	v18 =	vadd.f32 v19, v18;
	v19 =	vmul.f32 v46, v45;
	v20 =	vadd.f32 v48, v20  }
0x23b: {  	v57 =	vperm.xlane v17, v5;
	v58 =	vld [tilespmem:s7+$0xD0A0];
	v56 =	vmul.f32 v47, v53  }
0x23c: {  	v59 =	vld [tilespmem:s7+$0xD0F0];
	v18 =	vadd.f32 v19, v18;
	v19 =	vmul.f32 v50, v49;
	v20 =	vadd.f32 v52, v20  }
0x23d: {  	v62 =	vld [tilespmem:s7+$0xD0C0];
	v61 =	vperm.xlane v17, v6;
	v60 =	vmul.f32 v51, v57  }
0x23e: {  	v63 =	vld [tilespmem:s7+$0xD110];
	v18 =	vadd.f32 v19, v18;
	v19 =	vmul.f32 v54, v53;
	v20 =	vadd.f32 v56, v20  }
0x23f: {  	v33 =	vperm.xlane v17, v7;
	v32 =	vmul.f32 v55, v61;
	v34 =	vld [tilespmem:s7+$0xD0E0]  }
0x240: {  	v35 =	vld [tilespmem:s7+$0xD130];
	v18 =	vadd.f32 v19, v18;
	v19 =	vmul.f32 v58, v57;
	v20 =	vadd.f32 v60, v20  }
0x241: {  	v37 =	vperm.xlane v17, v8;
	v38 =	vld [tilespmem:s7+$0xD100];
	v36 =	vmul.f32 v59, v33  }
0x242: {  	v39 =	vld [tilespmem:s7+$0xD150];
	v18 =	vadd.f32 v19, v18;
	v19 =	vmul.f32 v62, v61;
	v20 =	vadd.f32 v32, v20  }
0x243: {  	v42 =	vld [tilespmem:s7+$0xD120];
	v40 =	vmul.f32 v63, v37;
	v41 =	vperm.xlane v17, v9  }
0x244: {  	v43 =	vld [tilespmem:s7+$0xD170];
	v18 =	vadd.f32 v19, v18;
	v19 =	vmul.f32 v34, v33;
	v20 =	vadd.f32 v36, v20  }
0x245: {  	v45 =	vperm.xlane v17, v10;
	v46 =	vld [tilespmem:s7+$0xD140];
	v44 =	vmul.f32 v35, v41  }
0x246: {  	v47 =	vld [tilespmem:s7+$0xD190];
	v18 =	vadd.f32 v19, v18;
	v19 =	vmul.f32 v38, v37;
	v20 =	vadd.f32 v40, v20  }
0x247: {  	v49 =	vperm.xlane v17, v11;
	v50 =	vld [tilespmem:s7+$0xD160];
	v48 =	vmul.f32 v39, v45  }
0x248: {  	v51 =	vld [tilespmem:s7+$0xD1B0];
	v18 =	vadd.f32 v19, v18;
	v19 =	vmul.f32 v42, v41;
	v20 =	vadd.f32 v44, v20  }
0x249: {  	v53 =	vperm.xlane v17, v12;
	v54 =	vld [tilespmem:s7+$0xD180];
	v52 =	vmul.f32 v43, v49  }
0x24a: {  	v55 =	vld [tilespmem:s7+$0xD1D0];
	v18 =	vadd.f32 v19, v18;
	v19 =	vmul.f32 v46, v45;
	v20 =	vadd.f32 v48, v20  }
0x24b: {  	v56 =	vmul.f32 v47, v53;
	v57 =	vperm.xlane v17, v13;
	v58 =	vld [tilespmem:s7+$0xD1A0]  }
0x24c: {  	v59 =	vld [tilespmem:s7+$0xD1F0];
	v18 =	vadd.f32 v19, v18;
	v19 =	vmul.f32 v50, v49;
	v20 =	vadd.f32 v52, v20  }
0x24d: {  	v60 =	vmul.f32 v51, v57;
	v61 =	vperm.xlane v17, v14;
	v62 =	vld [tilespmem:s7+$0xD1C0]  }
0x24e: {  	v63 =	vld [tilespmem:s7+$0xF010];
	v18 =	vadd.f32 v19, v18;
	v19 =	vmul.f32 v54, v53;
	v20 =	vadd.f32 v56, v20  }
0x24f: {  	v17 =	vperm.xlane v17, v15;
	v31 =	vmul.f32 v55, v61;
	v32 =	vld [tilespmem:s7+$0xD1E0]  }
0x250: {  	v33 =	vld [tilespmem:s7+$0xF030];
	v18 =	vadd.f32 v19, v18;
	v19 =	vmul.f32 v58, v57;
	v20 =	vadd.f32 v60, v20  }
0x251: {  	v35 =	vperm.xlane v16, v0;
	v34 =	vmul.f32 v59, v17;
	v36 =	vld [tilespmem:s7+$0xF000]  }
0x252: {  	v37 =	vld [tilespmem:s7+$0xF050];
	v18 =	vadd.f32 v19, v18;
	v19 =	vmul.f32 v62, v61;
	v20 =	vadd.f32 v31, v20  }
0x253: {  	v39 =	vperm.xlane v16, v1;
	v38 =	vmul.f32 v63, v35;
	v40 =	vld [tilespmem:s7+$0xF020]  }
0x254: {  	v41 =	vld [tilespmem:s7+$0xF070];
	v17 =	vmul.f32 v32, v17;
	v18 =	vadd.f32 v19, v18;
	v20 =	vadd.f32 v34, v20  }
0x255: {  	v43 =	vperm.xlane v16, v2;
	v42 =	vmul.f32 v33, v39;
	v44 =	vld [tilespmem:s7+$0xF040]  }
0x256: {  	v45 =	vld [tilespmem:s7+$0xF090];
	v17 =	vadd.f32 v17, v18;
	v18 =	vmul.f32 v36, v35;
	v19 =	vadd.f32 v38, v20  }
0x257: {  	v47 =	vperm.xlane v16, v3;
	v46 =	vmul.f32 v37, v43;
	v48 =	vld [tilespmem:s7+$0xF060]  }
0x258: {  	v49 =	vld [tilespmem:s7+$0xF0B0];
	v17 =	vadd.f32 v18, v17;
	v18 =	vmul.f32 v40, v39;
	v19 =	vadd.f32 v42, v19  }
0x259: {  	v51 =	vperm.xlane v16, v4;
	v50 =	vmul.f32 v41, v47;
	v52 =	vld [tilespmem:s7+$0xF080]  }
0x25a: {  	v53 =	vld [tilespmem:s7+$0xF0D0];
	v17 =	vadd.f32 v18, v17;
	v18 =	vmul.f32 v44, v43;
	v19 =	vadd.f32 v46, v19  }
0x25b: {  	v55 =	vperm.xlane v16, v5;
	v54 =	vmul.f32 v45, v51;
	v56 =	vld [tilespmem:s7+$0xF0A0]  }
0x25c: {  	v57 =	vld [tilespmem:s7+$0xF0F0];
	v17 =	vadd.f32 v18, v17;
	v18 =	vmul.f32 v48, v47;
	v19 =	vadd.f32 v50, v19  }
0x25d: {  	v59 =	vperm.xlane v16, v6;
	v58 =	vmul.f32 v49, v55;
	v60 =	vld [tilespmem:s7+$0xF0C0]  }
0x25e: {  	v61 =	vld [tilespmem:s7+$0xF110];
	v17 =	vadd.f32 v18, v17;
	v18 =	vmul.f32 v52, v51;
	v19 =	vadd.f32 v54, v19  }
0x25f: {  	v63 =	vperm.xlane v16, v7;
	v32 =	vld [tilespmem:s7+$0xF0E0];
	v62 =	vmul.f32 v53, v59  }
0x260: {  	v33 =	vld [tilespmem:s7+$0xF130];
	v17 =	vadd.f32 v18, v17;
	v18 =	vmul.f32 v56, v55;
	v19 =	vadd.f32 v58, v19  }
0x261: {  	v34 =	vmul.f32 v57, v63;
	v35 =	vperm.xlane v16, v8;
	v36 =	vld [tilespmem:s7+$0xF100]  }
0x262: {  	v37 =	vld [tilespmem:s7+$0xF150];
	v17 =	vadd.f32 v18, v17;
	v18 =	vmul.f32 v60, v59;
	v19 =	vadd.f32 v62, v19  }
0x263: {  	v38 =	vmul.f32 v61, v35;
	v39 =	vperm.xlane v16, v9;
	v40 =	vld [tilespmem:s7+$0xF120]  }
0x264: {  	v41 =	vld [tilespmem:s7+$0xF170];
	v17 =	vadd.f32 v18, v17;
	v18 =	vmul.f32 v32, v63;
	v19 =	vadd.f32 v34, v19  }
0x265: {  	v42 =	vmul.f32 v33, v39;
	v43 =	vperm.xlane v16, v10;
	v44 =	vld [tilespmem:s7+$0xF140]  }
0x266: {  	v45 =	vld [tilespmem:s7+$0xF190];
	v17 =	vadd.f32 v18, v17;
	v18 =	vmul.f32 v36, v35;
	v19 =	vadd.f32 v38, v19  }
0x267: {  	v46 =	vmul.f32 v37, v43;
	v47 =	vperm.xlane v16, v11;
	v48 =	vld [tilespmem:s7+$0xF160]  }
0x268: {  	v49 =	vld [tilespmem:s7+$0xF1B0];
	v17 =	vadd.f32 v18, v17;
	v18 =	vmul.f32 v40, v39;
	v19 =	vadd.f32 v42, v19  }
0x269: {  	v50 =	vmul.f32 v41, v47;
	v51 =	vperm.xlane v16, v12;
	v52 =	vld [tilespmem:s7+$0xF180]  }
0x26a: {  	v53 =	vld [tilespmem:s7+$0xF1D0];
	v17 =	vadd.f32 v18, v17;
	v18 =	vmul.f32 v44, v43;
	v19 =	vadd.f32 v46, v19  }
0x26b: {  	v54 =	vmul.f32 v45, v51;
	v55 =	vperm.xlane v16, v13;
	v56 =	vld [tilespmem:s7+$0xF1A0]  }
0x26c: {  	v57 =	vld [tilespmem:s7+$0xF1F0];
	v17 =	vadd.f32 v18, v17;
	v18 =	vmul.f32 v48, v47;
	v19 =	vadd.f32 v50, v19  }
0x26d: {  	v58 =	vmul.f32 v49, v55;
	v59 =	vperm.xlane v16, v14;
	v60 =	vld [tilespmem:s7+$0xF1C0]  }
0x26e: {  	v17 =	vadd.f32 v18, v17;
	v18 =	vmul.f32 v52, v51;
	v19 =	vadd.f32 v54, v19  }
0x26f: {  	v16 =	vperm.xlane v16, v15;
	v61 =	vmul.f32 v53, v59;
	v62 =	vld [tilespmem:s7+$0xF1E0]  }
0x270: {  	v17 =	vadd.f32 v18, v17;
	v18 =	vmul.f32 v56, v55;
	v19 =	vadd.f32 v58, v19  }
0x271: {  	v63 =	vmul.f32 v57, v16  }
0x272: {  	v17 =	vadd.f32 v18, v17;
	v18 =	vmul.f32 v60, v59;
	v19 =	vadd.f32 v61, v19;
	_ =	sdelay $0x1  }
0x273: {  	v16 =	vmul.f32 v62, v16;
	v17 =	vadd.f32 v18, v17;
	v19 =	vadd.f32 v63, v19  }
0x274: {  	s7 =	simm.s32 $0x11210  }
0x275: {  	s30 =	simm.s32 $0x10;
	s14 =	simm.s32 $0x9300;
	v16 =	vadd.f32 v16, v17;
	[tilespmem:s7+$0x0] =	vst v19  }
.LBB2_5:
0x276: {  	s21 =	smov.u32 s30  }
0x277: {  	s31 =	sand.u32 $0xF0, s30;
	[tilespmem:s7+$0xFFFFFFF0] =	vst v16;
	s7 =	sadd.s32 $0x20, s7;
	s21 =	sadd.s32 $0x10, s30  }
0x278: {  	p0 =	sne.s32 s30, $0xF0;
	v19 =	vld [tilespmem:s31+$0xC00]  }
0x279: {  	v16 =	vld [tilespmem:s14+$0xFFFFFF10]  }
0x27a: {  	v17 =	vld [tilespmem:s14+$0xFFFFFF20]  }
0x27b: {  	v18 =	vld [tilespmem:s14+$0xFFFFFF30]  }
0x27c: {  	v20 =	vld [tilespmem:s14+$0xFFFFFF40]  }
0x27d: {  	v21 =	vperm.xlane v19, v0;
	v22 =	vld [tilespmem:s14+$0xFFFFFF90]  }
0x27e: {  	v23 =	vld [tilespmem:s14+$0xFFFFFF50]  }
0x27f: {  	v25 =	vperm.xlane v19, v1;
	v24 =	vld [tilespmem:s14+$0xFFFFFF00];
	v16 =	vmul.f32 v16, v21  }
0x280: {  	v26 =	vld [tilespmem:s14+$0xFFFFFF70]  }
0x281: {  	v28 =	vperm.xlane v19, v2;
	v18 =	vmul.f32 v18, v25;
	v27 =	vadd.f32 $0.0e+00, v16;
	v16 =	vld [tilespmem:s31+$0xF00]  }
0x282: {  	v25 =	vmul.f32 v17, v25;
	v17 =	vld [tilespmem:s31+$0xE00]  }
0x283: {  	v29 =	vperm.xlane v19, v3;
	v27 =	vadd.f32 v18, v27;
	v23 =	vmul.f32 v23, v28;
	v18 =	vld [tilespmem:s31+$0xD00]  }
0x284: {  	v20 =	vmul.f32 v20, v28;
	v21 =	vmul.f32 v24, v21;
	v24 =	vld [tilespmem:s14+$0xFFFFFFB0]  }
0x285: {  	v28 =	vperm.xlane v19, v4;
	v23 =	vadd.f32 v23, v27;
	v27 =	vld [tilespmem:s14+$0xFFFFFF60];
	v26 =	vmul.f32 v26, v29  }
0x286: {  	v21 =	vadd.f32 $0.0e+00, v21;
	v30 =	vld [tilespmem:s14+$0xFFFFFFD0]  }
0x287: {  	v31 =	vperm.xlane v19, v5;
	v22 =	vmul.f32 v22, v28;
	v23 =	vadd.f32 v26, v23;
	v26 =	vld [tilespmem:s14+$0xFFFFFF80]  }
0x288: {  	v21 =	vadd.f32 v25, v21;
	v25 =	vld [tilespmem:s14+$0xFFFFFFF0]  }
0x289: {  	v32 =	vperm.xlane v19, v6;
	v22 =	vadd.f32 v22, v23;
	v23 =	vld [tilespmem:s14+$0xFFFFFFA0];
	v24 =	vmul.f32 v24, v31  }
0x28a: {  	v20 =	vadd.f32 v20, v21;
	v21 =	vmul.f32 v27, v29;
	v27 =	vld [tilespmem:s14+$0x10]  }
0x28b: {  	v22 =	vadd.f32 v24, v22;
	v24 =	vld [tilespmem:s14+$0xFFFFFFC0];
	v29 =	vmul.f32 v30, v32;
	v30 =	vperm.xlane v19, v7  }
0x28c: {  	v20 =	vadd.f32 v21, v20;
	v21 =	vmul.f32 v26, v28;
	v26 =	vld [tilespmem:s14+$0x30]  }
0x28d: {  	v22 =	vadd.f32 v29, v22;
	v28 =	vld [tilespmem:s14+$0xFFFFFFE0];
	v25 =	vmul.f32 v25, v30;
	v29 =	vperm.xlane v19, v8  }
0x28e: {  	v20 =	vadd.f32 v21, v20;
	v21 =	vmul.f32 v23, v31;
	v23 =	vld [tilespmem:s14+$0x50]  }
0x28f: {  	v31 =	vperm.xlane v19, v9;
	v22 =	vadd.f32 v25, v22;
	v25 =	vld [tilespmem:s14+$0x0];
	v27 =	vmul.f32 v27, v29  }
0x290: {  	v20 =	vadd.f32 v21, v20;
	v21 =	vmul.f32 v24, v32;
	v24 =	vld [tilespmem:s14+$0x70]  }
0x291: {  	v32 =	vperm.xlane v19, v10;
	v22 =	vadd.f32 v27, v22;
	v27 =	vld [tilespmem:s14+$0x20];
	v26 =	vmul.f32 v26, v31  }
0x292: {  	v20 =	vadd.f32 v21, v20;
	v21 =	vmul.f32 v28, v30;
	v28 =	vld [tilespmem:s14+$0x90]  }
0x293: {  	v30 =	vperm.xlane v19, v11;
	v22 =	vadd.f32 v26, v22;
	v26 =	vld [tilespmem:s14+$0x40];
	v23 =	vmul.f32 v23, v32  }
0x294: {  	v20 =	vadd.f32 v21, v20;
	v21 =	vmul.f32 v25, v29;
	v25 =	vld [tilespmem:s14+$0xB0]  }
0x295: {  	v29 =	vperm.xlane v19, v12;
	v22 =	vadd.f32 v23, v22;
	v23 =	vld [tilespmem:s14+$0x60];
	v24 =	vmul.f32 v24, v30  }
0x296: {  	v20 =	vadd.f32 v21, v20;
	v21 =	vmul.f32 v27, v31;
	v27 =	vld [tilespmem:s14+$0xD0]  }
0x297: {  	v31 =	vperm.xlane v19, v13;
	v22 =	vadd.f32 v24, v22;
	v24 =	vld [tilespmem:s14+$0x80];
	v28 =	vmul.f32 v28, v29  }
0x298: {  	v20 =	vadd.f32 v21, v20;
	v21 =	vmul.f32 v26, v32;
	v26 =	vld [tilespmem:s14+$0xF0]  }
0x299: {  	s31 =	sshll.u32 s31, $0x5;
	v32 =	vperm.xlane v19, v14;
	v22 =	vadd.f32 v28, v22;
	v28 =	vld [tilespmem:s14+$0xA0];
	v25 =	vmul.f32 v25, v31  }
0x29a: {  	v20 =	vadd.f32 v21, v20;
	v21 =	vmul.f32 v23, v30;
	v23 =	vld [tilespmem:s31+$0xB010]  }
0x29b: {  	v19 =	vperm.xlane v19, v15;
	v22 =	vadd.f32 v25, v22;
	v25 =	vld [tilespmem:s14+$0xC0];
	v27 =	vmul.f32 v27, v32  }
0x29c: {  	v20 =	vadd.f32 v21, v20;
	v21 =	vmul.f32 v24, v29;
	v24 =	vld [tilespmem:s31+$0xB030]  }
0x29d: {  	v29 =	vperm.xlane v18, v0;
	v22 =	vadd.f32 v27, v22;
	v27 =	vld [tilespmem:s14+$0xE0];
	v26 =	vmul.f32 v26, v19  }
0x29e: {  	v20 =	vadd.f32 v21, v20;
	v21 =	vmul.f32 v28, v31;
	v28 =	vld [tilespmem:s31+$0xB050]  }
0x29f: {  	v30 =	vperm.xlane v18, v1;
	v22 =	vadd.f32 v26, v22;
	v26 =	vld [tilespmem:s31+$0xB000];
	v23 =	vmul.f32 v23, v29  }
0x2a0: {  	v20 =	vadd.f32 v21, v20;
	v21 =	vmul.f32 v25, v32;
	v25 =	vld [tilespmem:s31+$0xB070]  }
0x2a1: {  	v31 =	vperm.xlane v18, v2;
	v22 =	vadd.f32 v23, v22;
	v23 =	vld [tilespmem:s31+$0xB020];
	v24 =	vmul.f32 v24, v30  }
0x2a2: {  	v20 =	vadd.f32 v21, v20;
	v19 =	vmul.f32 v27, v19;
	v21 =	vld [tilespmem:s31+$0xB090]  }
0x2a3: {  	v22 =	vadd.f32 v24, v22;
	v24 =	vld [tilespmem:s31+$0xB040];
	v27 =	vmul.f32 v28, v31;
	v28 =	vperm.xlane v18, v3  }
0x2a4: {  	v19 =	vadd.f32 v19, v20;
	v20 =	vmul.f32 v26, v29;
	v26 =	vld [tilespmem:s31+$0xB0B0]  }
0x2a5: {  	v29 =	vperm.xlane v18, v4;
	v22 =	vadd.f32 v27, v22;
	v27 =	vld [tilespmem:s31+$0xB060];
	v25 =	vmul.f32 v25, v28  }
0x2a6: {  	v19 =	vadd.f32 v20, v19;
	v20 =	vmul.f32 v23, v30;
	v23 =	vld [tilespmem:s31+$0xB0D0]  }
0x2a7: {  	v30 =	vperm.xlane v18, v5;
	v22 =	vadd.f32 v25, v22;
	v25 =	vld [tilespmem:s31+$0xB080];
	v21 =	vmul.f32 v21, v29  }
0x2a8: {  	v19 =	vadd.f32 v20, v19;
	v20 =	vmul.f32 v24, v31;
	v24 =	vld [tilespmem:s31+$0xB0F0]  }
0x2a9: {  	v31 =	vperm.xlane v18, v6;
	v21 =	vadd.f32 v21, v22;
	v22 =	vld [tilespmem:s31+$0xB0A0];
	v26 =	vmul.f32 v26, v30  }
0x2aa: {  	v19 =	vadd.f32 v20, v19;
	v20 =	vmul.f32 v27, v28;
	v27 =	vld [tilespmem:s31+$0xB110]  }
0x2ab: {  	v28 =	vperm.xlane v18, v7;
	v21 =	vadd.f32 v26, v21;
	v26 =	vld [tilespmem:s31+$0xB0C0];
	v23 =	vmul.f32 v23, v31  }
0x2ac: {  	v19 =	vadd.f32 v20, v19;
	v20 =	vmul.f32 v25, v29;
	v25 =	vld [tilespmem:s31+$0xB130]  }
0x2ad: {  	v29 =	vperm.xlane v18, v8;
	v21 =	vadd.f32 v23, v21;
	v23 =	vld [tilespmem:s31+$0xB0E0];
	v24 =	vmul.f32 v24, v28  }
0x2ae: {  	v19 =	vadd.f32 v20, v19;
	v20 =	vmul.f32 v22, v30;
	v22 =	vld [tilespmem:s31+$0xB150]  }
0x2af: {  	v30 =	vperm.xlane v18, v9;
	v21 =	vadd.f32 v24, v21;
	v24 =	vld [tilespmem:s31+$0xB100];
	v27 =	vmul.f32 v27, v29  }
0x2b0: {  	v19 =	vadd.f32 v20, v19;
	v20 =	vmul.f32 v26, v31;
	v26 =	vld [tilespmem:s31+$0xB170]  }
0x2b1: {  	v31 =	vperm.xlane v18, v10;
	v21 =	vadd.f32 v27, v21;
	v27 =	vld [tilespmem:s31+$0xB120];
	v25 =	vmul.f32 v25, v30  }
0x2b2: {  	v19 =	vadd.f32 v20, v19;
	v20 =	vmul.f32 v23, v28;
	v23 =	vld [tilespmem:s31+$0xB190]  }
0x2b3: {  	v28 =	vperm.xlane v18, v11;
	v21 =	vadd.f32 v25, v21;
	v25 =	vld [tilespmem:s31+$0xB140];
	v22 =	vmul.f32 v22, v31  }
0x2b4: {  	v19 =	vadd.f32 v20, v19;
	v20 =	vmul.f32 v24, v29;
	v24 =	vld [tilespmem:s31+$0xB1B0]  }
0x2b5: {  	v29 =	vperm.xlane v18, v12;
	v21 =	vadd.f32 v22, v21;
	v22 =	vld [tilespmem:s31+$0xB160];
	v26 =	vmul.f32 v26, v28  }
0x2b6: {  	v19 =	vadd.f32 v20, v19;
	v20 =	vmul.f32 v27, v30;
	v27 =	vld [tilespmem:s31+$0xB1D0]  }
0x2b7: {  	v30 =	vperm.xlane v18, v13;
	v21 =	vadd.f32 v26, v21;
	v26 =	vld [tilespmem:s31+$0xB180];
	v23 =	vmul.f32 v23, v29  }
0x2b8: {  	v19 =	vadd.f32 v20, v19;
	v20 =	vmul.f32 v25, v31;
	v25 =	vld [tilespmem:s31+$0xB1F0]  }
0x2b9: {  	v31 =	vperm.xlane v18, v14;
	v21 =	vadd.f32 v23, v21;
	v23 =	vld [tilespmem:s31+$0xB1A0];
	v24 =	vmul.f32 v24, v30  }
0x2ba: {  	v19 =	vadd.f32 v20, v19;
	v20 =	vmul.f32 v22, v28;
	v22 =	vld [tilespmem:s31+$0xD010]  }
0x2bb: {  	v18 =	vperm.xlane v18, v15;
	v21 =	vadd.f32 v24, v21;
	v24 =	vld [tilespmem:s31+$0xB1C0];
	v27 =	vmul.f32 v27, v31  }
0x2bc: {  	v19 =	vadd.f32 v20, v19;
	v20 =	vmul.f32 v26, v29;
	v26 =	vld [tilespmem:s31+$0xD030]  }
0x2bd: {  	v28 =	vperm.xlane v17, v0;
	v21 =	vadd.f32 v27, v21;
	v27 =	vld [tilespmem:s31+$0xB1E0];
	v25 =	vmul.f32 v25, v18  }
0x2be: {  	v19 =	vadd.f32 v20, v19;
	v20 =	vmul.f32 v23, v30;
	v23 =	vld [tilespmem:s31+$0xD050]  }
0x2bf: {  	v29 =	vperm.xlane v17, v1;
	v21 =	vadd.f32 v25, v21;
	v25 =	vld [tilespmem:s31+$0xD000];
	v22 =	vmul.f32 v22, v28  }
0x2c0: {  	v19 =	vadd.f32 v20, v19;
	v20 =	vmul.f32 v24, v31;
	v24 =	vld [tilespmem:s31+$0xD070]  }
0x2c1: {  	v30 =	vperm.xlane v17, v2;
	v21 =	vadd.f32 v22, v21;
	v22 =	vld [tilespmem:s31+$0xD020];
	v26 =	vmul.f32 v26, v29  }
0x2c2: {  	v19 =	vadd.f32 v20, v19;
	v18 =	vmul.f32 v27, v18;
	v20 =	vld [tilespmem:s31+$0xD090]  }
0x2c3: {  	v27 =	vperm.xlane v17, v3;
	v21 =	vadd.f32 v26, v21;
	v26 =	vld [tilespmem:s31+$0xD040];
	v23 =	vmul.f32 v23, v30  }
0x2c4: {  	v18 =	vadd.f32 v18, v19;
	v19 =	vmul.f32 v25, v28;
	v25 =	vld [tilespmem:s31+$0xD0B0]  }
0x2c5: {  	v28 =	vperm.xlane v17, v4;
	v21 =	vadd.f32 v23, v21;
	v23 =	vld [tilespmem:s31+$0xD060];
	v24 =	vmul.f32 v24, v27  }
0x2c6: {  	v18 =	vadd.f32 v19, v18;
	v19 =	vmul.f32 v22, v29;
	v22 =	vld [tilespmem:s31+$0xD0D0]  }
0x2c7: {  	v29 =	vperm.xlane v17, v5;
	v21 =	vadd.f32 v24, v21;
	v24 =	vld [tilespmem:s31+$0xD080];
	v20 =	vmul.f32 v20, v28  }
0x2c8: {  	v18 =	vadd.f32 v19, v18;
	v19 =	vmul.f32 v26, v30;
	v26 =	vld [tilespmem:s31+$0xD0F0]  }
0x2c9: {  	v30 =	vperm.xlane v17, v6;
	v20 =	vadd.f32 v20, v21;
	v21 =	vld [tilespmem:s31+$0xD0A0];
	v25 =	vmul.f32 v25, v29  }
0x2ca: {  	v18 =	vadd.f32 v19, v18;
	v19 =	vmul.f32 v23, v27;
	v23 =	vld [tilespmem:s31+$0xD110]  }
0x2cb: {  	v27 =	vperm.xlane v17, v7;
	v20 =	vadd.f32 v25, v20;
	v25 =	vld [tilespmem:s31+$0xD0C0];
	v22 =	vmul.f32 v22, v30  }
0x2cc: {  	v18 =	vadd.f32 v19, v18;
	v19 =	vmul.f32 v24, v28;
	v24 =	vld [tilespmem:s31+$0xD130]  }
0x2cd: {  	v28 =	vperm.xlane v17, v8;
	v20 =	vadd.f32 v22, v20;
	v22 =	vld [tilespmem:s31+$0xD0E0];
	v26 =	vmul.f32 v26, v27  }
0x2ce: {  	v18 =	vadd.f32 v19, v18;
	v19 =	vmul.f32 v21, v29;
	v21 =	vld [tilespmem:s31+$0xD150]  }
0x2cf: {  	v29 =	vperm.xlane v17, v9;
	v20 =	vadd.f32 v26, v20;
	v26 =	vld [tilespmem:s31+$0xD100];
	v23 =	vmul.f32 v23, v28  }
0x2d0: {  	v18 =	vadd.f32 v19, v18;
	v19 =	vmul.f32 v25, v30;
	v25 =	vld [tilespmem:s31+$0xD170]  }
0x2d1: {  	v30 =	vperm.xlane v17, v10;
	v20 =	vadd.f32 v23, v20;
	v23 =	vld [tilespmem:s31+$0xD120];
	v24 =	vmul.f32 v24, v29  }
0x2d2: {  	v18 =	vadd.f32 v19, v18;
	v19 =	vmul.f32 v22, v27;
	v22 =	vld [tilespmem:s31+$0xD190]  }
0x2d3: {  	v27 =	vperm.xlane v17, v11;
	v20 =	vadd.f32 v24, v20;
	v24 =	vld [tilespmem:s31+$0xD140];
	v21 =	vmul.f32 v21, v30  }
0x2d4: {  	v18 =	vadd.f32 v19, v18;
	v19 =	vmul.f32 v26, v28;
	v26 =	vld [tilespmem:s31+$0xD1B0]  }
0x2d5: {  	v28 =	vperm.xlane v17, v12;
	v20 =	vadd.f32 v21, v20;
	v21 =	vld [tilespmem:s31+$0xD160];
	v25 =	vmul.f32 v25, v27  }
0x2d6: {  	v18 =	vadd.f32 v19, v18;
	v19 =	vmul.f32 v23, v29;
	v23 =	vld [tilespmem:s31+$0xD1D0]  }
0x2d7: {  	v29 =	vperm.xlane v17, v13;
	v20 =	vadd.f32 v25, v20;
	v25 =	vld [tilespmem:s31+$0xD180];
	v22 =	vmul.f32 v22, v28  }
0x2d8: {  	v18 =	vadd.f32 v19, v18;
	v19 =	vmul.f32 v24, v30;
	v24 =	vld [tilespmem:s31+$0xD1F0]  }
0x2d9: {  	v30 =	vperm.xlane v17, v14;
	v20 =	vadd.f32 v22, v20;
	v22 =	vld [tilespmem:s31+$0xD1A0];
	v26 =	vmul.f32 v26, v29  }
0x2da: {  	v18 =	vadd.f32 v19, v18;
	v19 =	vmul.f32 v21, v27;
	v21 =	vld [tilespmem:s31+$0xF010]  }
0x2db: {  	v17 =	vperm.xlane v17, v15;
	v20 =	vadd.f32 v26, v20;
	v26 =	vld [tilespmem:s31+$0xD1C0];
	v23 =	vmul.f32 v23, v30  }
0x2dc: {  	v18 =	vadd.f32 v19, v18;
	v19 =	vmul.f32 v25, v28;
	v25 =	vld [tilespmem:s31+$0xF030]  }
0x2dd: {  	v27 =	vperm.xlane v16, v0;
	v20 =	vadd.f32 v23, v20;
	v23 =	vld [tilespmem:s31+$0xD1E0];
	v24 =	vmul.f32 v24, v17  }
0x2de: {  	v18 =	vadd.f32 v19, v18;
	v19 =	vmul.f32 v22, v29;
	v22 =	vld [tilespmem:s31+$0xF050]  }
0x2df: {  	v28 =	vperm.xlane v16, v1;
	v20 =	vadd.f32 v24, v20;
	v24 =	vld [tilespmem:s31+$0xF000];
	v21 =	vmul.f32 v21, v27  }
0x2e0: {  	v18 =	vadd.f32 v19, v18;
	v19 =	vmul.f32 v26, v30;
	v26 =	vld [tilespmem:s31+$0xF070]  }
0x2e1: {  	v29 =	vperm.xlane v16, v2;
	v20 =	vadd.f32 v21, v20;
	v21 =	vld [tilespmem:s31+$0xF020];
	v25 =	vmul.f32 v25, v28  }
0x2e2: {  	v18 =	vadd.f32 v19, v18;
	v17 =	vmul.f32 v23, v17;
	v19 =	vld [tilespmem:s31+$0xF090]  }
0x2e3: {  	v20 =	vadd.f32 v25, v20;
	v23 =	vld [tilespmem:s31+$0xF040];
	v22 =	vmul.f32 v22, v29;
	v25 =	vperm.xlane v16, v3  }
0x2e4: {  	v17 =	vadd.f32 v17, v18;
	v18 =	vmul.f32 v24, v27;
	v24 =	vld [tilespmem:s31+$0xF0B0]  }
0x2e5: {  	v27 =	vperm.xlane v16, v4;
	v20 =	vadd.f32 v22, v20;
	v22 =	vld [tilespmem:s31+$0xF060];
	v26 =	vmul.f32 v26, v25  }
0x2e6: {  	v17 =	vadd.f32 v18, v17;
	v18 =	vmul.f32 v21, v28;
	v21 =	vld [tilespmem:s31+$0xF0D0]  }
0x2e7: {  	v28 =	vperm.xlane v16, v5;
	v20 =	vadd.f32 v26, v20;
	v26 =	vld [tilespmem:s31+$0xF080];
	v19 =	vmul.f32 v19, v27  }
0x2e8: {  	v17 =	vadd.f32 v18, v17;
	v18 =	vmul.f32 v23, v29;
	v23 =	vld [tilespmem:s31+$0xF0F0]  }
0x2e9: {  	v29 =	vperm.xlane v16, v6;
	v19 =	vadd.f32 v19, v20;
	v20 =	vld [tilespmem:s31+$0xF0A0];
	v24 =	vmul.f32 v24, v28  }
0x2ea: {  	v17 =	vadd.f32 v18, v17;
	v18 =	vmul.f32 v22, v25;
	v22 =	vld [tilespmem:s31+$0xF110]  }
0x2eb: {  	v25 =	vperm.xlane v16, v7;
	v19 =	vadd.f32 v24, v19;
	v24 =	vld [tilespmem:s31+$0xF0C0];
	v21 =	vmul.f32 v21, v29  }
0x2ec: {  	v17 =	vadd.f32 v18, v17;
	v18 =	vmul.f32 v26, v27;
	v26 =	vld [tilespmem:s31+$0xF130]  }
0x2ed: {  	v27 =	vperm.xlane v16, v8;
	v19 =	vadd.f32 v21, v19;
	v21 =	vld [tilespmem:s31+$0xF0E0];
	v23 =	vmul.f32 v23, v25  }
0x2ee: {  	v17 =	vadd.f32 v18, v17;
	v18 =	vmul.f32 v20, v28;
	v20 =	vld [tilespmem:s31+$0xF150]  }
0x2ef: {  	v28 =	vperm.xlane v16, v9;
	v19 =	vadd.f32 v23, v19;
	v23 =	vld [tilespmem:s31+$0xF100];
	v22 =	vmul.f32 v22, v27  }
0x2f0: {  	v17 =	vadd.f32 v18, v17;
	v18 =	vmul.f32 v24, v29;
	v24 =	vld [tilespmem:s31+$0xF170]  }
0x2f1: {  	v29 =	vperm.xlane v16, v10;
	v19 =	vadd.f32 v22, v19;
	v22 =	vld [tilespmem:s31+$0xF120];
	v26 =	vmul.f32 v26, v28  }
0x2f2: {  	v17 =	vadd.f32 v18, v17;
	v18 =	vmul.f32 v21, v25;
	v21 =	vld [tilespmem:s31+$0xF190]  }
0x2f3: {  	v19 =	vadd.f32 v26, v19;
	v25 =	vld [tilespmem:s31+$0xF140];
	v20 =	vmul.f32 v20, v29;
	v26 =	vperm.xlane v16, v11  }
0x2f4: {  	v17 =	vadd.f32 v18, v17;
	v18 =	vmul.f32 v23, v27;
	v23 =	vld [tilespmem:s31+$0xF1B0]  }
0x2f5: {  	v27 =	vperm.xlane v16, v12;
	v19 =	vadd.f32 v20, v19;
	v20 =	vld [tilespmem:s31+$0xF160];
	v24 =	vmul.f32 v24, v26  }
0x2f6: {  	v17 =	vadd.f32 v18, v17;
	v18 =	vmul.f32 v22, v28;
	v22 =	vld [tilespmem:s31+$0xF1D0]  }
0x2f7: {  	v28 =	vperm.xlane v16, v13;
	v19 =	vadd.f32 v24, v19;
	v24 =	vld [tilespmem:s31+$0xF180];
	v21 =	vmul.f32 v21, v27  }
0x2f8: {  	v17 =	vadd.f32 v18, v17;
	v18 =	vmul.f32 v25, v29;
	v25 =	vld [tilespmem:s31+$0xF1F0]  }
0x2f9: {  	v29 =	vperm.xlane v16, v14;
	v19 =	vadd.f32 v21, v19;
	v21 =	vld [tilespmem:s31+$0xF1A0];
	v23 =	vmul.f32 v23, v28  }
0x2fa: {  	v17 =	vadd.f32 v18, v17;
	v18 =	vmul.f32 v20, v26  }
0x2fb: {  	v16 =	vperm.xlane v16, v15;
	v19 =	vadd.f32 v23, v19;
	v20 =	vld [tilespmem:s31+$0xF1C0];
	v22 =	vmul.f32 v22, v29  }
0x2fc: {  	v17 =	vadd.f32 v18, v17;
	v18 =	vmul.f32 v24, v27  }
0x2fd: {  	v19 =	vadd.f32 v22, v19;
	v22 =	vld [tilespmem:s31+$0xF1E0];
	v23 =	vmul.f32 v25, v16  }
0x2fe: {  	v17 =	vadd.f32 v18, v17;
	v18 =	vmul.f32 v21, v28  }
0x2ff: {  	v19 =	vadd.f32 v23, v19  }
0x300: {  	v17 =	vadd.f32 v18, v17;
	v18 =	vmul.f32 v20, v29  }
.Ltmp1:
0x301: {  	[tilespmem:s7+$0x0] =	vst v19;
	(pc) =	sbr.rel @p0 .LBB2_5-.Ltmp1, $3  }
0x302: {  	v17 =	vadd.f32 v18, v17;
	v16 =	vmul.f32 v22, v16;
	_ =	sdelay $0x1  }
0x303: {  	v16 =	vadd.f32 v16, v17  }
0x304: {  	s30 =	smov.u32 s21;
	s14 =	sadd.s32 $0x200, s14  }
0x305: {  	s14 =	rddreg [dreg:$0x14]  }
0x306: {  	[tilespmem:s7+$0xFFFFFFF0] =	vst v16;
	s21 =	simm.s32 $0x11200;
	s29 =	smin.u32 s29, $0x1FFC;
	s0 =	sadd.s32 s0, s14  }
0x307: {  	[hbm4b:s0+s2] =	stream.linear.scatter [tilespmem:s21], [sflag:$0x6], $0x200, $0x38;
	[tilespmem:$0x11400] =	vst v63  }
0x308: {  	s0 =	sshll.u32 s29, $0x5  }
0x309: {  	s0 =	sadd.s32 $0x60, s0  }
0x30a: {  	s14 =	simm.s32 $0x400;
	s30 =	sadd.s32 s3, s0  }
0x30b: {  	[tilespmem:s14], [sflag:$0x2] =	stream.linear.gather [hbm4b:s30+s2], $0x100, $0x38;
	[tilespmem:$0x11400] =	vst v63  }
0x30c: {  	s21 =	simm.s32 $0xC00;
	s31 =	sadd.s32 s8, s0  }
0x30d: {  	[tilespmem:s21], [sflag:$0x2] =	stream.linear.gather [hbm4b:s31+s2], $0x100, $0x38;
	[tilespmem:$0x11400] =	vst v63  }
0x30e: {  	s21 =	sadd.s32 s4, s0  }
0x30f: {  	[tilespmem:s23], [sflag:$0x2] =	stream.linear.gather [hbm4b:s21+s2], $0x100, $0x38;
	[tilespmem:$0x11400] =	vst v63  }
0x310: {  	s29 =	sadd.s32 s9, s0;
	s30 =	simm.s32 $0xD00  }
0x311: {  	[tilespmem:s30], [sflag:$0x2] =	stream.linear.gather [hbm4b:s29+s2], $0x100, $0x38;
	[tilespmem:$0x11400] =	vst v63  }
0x312: {  	s26 =	sadd.s32 $0x1, s26;
	s31 =	sadd.s32 s5, s0  }
0x313: {  	[tilespmem:s25], [sflag:$0x2] =	stream.linear.gather [hbm4b:s31+s2], $0x100, $0x38;
	[tilespmem:$0x11400] =	vst v63  }
0x314: {  	p0 =	sne.s32 s26, $0x80;
	s21 =	sadd.s32 s10, s0;
	s29 =	simm.s32 $0xE00  }
0x315: {  	[tilespmem:s29], [sflag:$0x2] =	stream.linear.gather [hbm4b:s21+s2], $0x100, $0x38;
	[tilespmem:$0x11400] =	vst v63  }
.Ltmp2:
0x316: {  	_ = 	snop;
	(pc) =	sbr.rel @p0 .LBB2_2-.Ltmp2, $4  }
0x317: {  	s30 =	sadd.s32 s6, s0  }
0x318: {  	[tilespmem:s28], [sflag:$0x2] =	stream.linear.gather [hbm4b:s30+s2], $0x100, $0x38;
	[tilespmem:$0x11400] =	vst v63  }
0x319: {  	s0 =	sadd.s32 s11, s0;
	s31 =	simm.s32 $0xF00  }
0x31a: {  	[tilespmem:s31], [sflag:$0x2] =	stream.linear.gather [hbm4b:s0+s2], $0x100, $0x38;
	[tilespmem:$0x11400] =	vst v63  }
0x31b: {  	_ =	swait.ge [sflag:s16], $0x400  }
0x31c: {  	[sflag:s16] =	ssyncset.done $0x0  }
0x31d: {  	[sflag:s16] =	ssyncadd.s32 $0xFFFFFC00  }
0x31e: {  	_ =	swait.ge [sflag:s16], $0x400  }
0x31f: {  	[sflag:s16] =	ssyncset.done $0x0  }
0x320: {  	[sflag:s16] =	ssyncadd.s32 $0xFFFFFC00  }
0x321: {  	_ =	swait.ge [sflag:s18], $0x1000  }
0x322: {  	[sflag:s18] =	ssyncset.done $0x0  }
0x323: {  	[sflag:s18] =	ssyncadd.s32 $0xFFFFF000  }
0x324: {  	_ =	swait.ge [sflag:s18], $0x1000  }
0x325: {  	[sflag:s18] =	ssyncset.done $0x0  }
0x326: {  	[sflag:s18] =	ssyncadd.s32 $0xFFFFF000  }
0x327: {  	_ =	swait.ge [sflag:s18], $0x1000  }
0x328: {  	[sflag:s18] =	ssyncset.done $0x0  }
0x329: {  	[sflag:s18] =	ssyncadd.s32 $0xFFFFF000  }
0x32a: {  	_ =	swait.ge [sflag:s18], $0x1000  }
0x32b: {  	[sflag:s18] =	ssyncset.done $0x0  }
0x32c: {  	[sflag:s18] =	ssyncadd.s32 $0xFFFFF000  }
0x32d: {  	_ =	swait.ge [sflag:s18], $0x1000  }
0x32e: {  	[sflag:s18] =	ssyncset.done $0x0  }
0x32f: {  	[sflag:s18] =	ssyncadd.s32 $0xFFFFF000  }
0x330: {  	_ =	swait.ge [sflag:s18], $0x1000  }
0x331: {  	[sflag:s18] =	ssyncset.done $0x0  }
0x332: {  	[sflag:s18] =	ssyncadd.s32 $0xFFFFF000  }
0x333: {  	_ =	swait.ge [sflag:s18], $0x1000  }
0x334: {  	[sflag:s18] =	ssyncset.done $0x0  }
0x335: {  	[sflag:s18] =	ssyncadd.s32 $0xFFFFF000  }
0x336: {  	_ =	swait.ge [sflag:s18], $0x1000  }
0x337: {  	[sflag:s18] =	ssyncset.done $0x0  }
0x338: {  	[sflag:s18] =	ssyncadd.s32 $0xFFFFF000  }
0x339: {  	_ =	swait.ge [sflag:s20], $0x200  }
0x33a: {  	[sflag:s20] =	ssyncset.done $0x0  }
0x33b: {  	[sflag:s20] =	ssyncadd.s32 $0xFFFFFE00  }
0x33c: {  	_ =	swait.ge [sflag:s24], $0x200  }
0x33d: {  	s7 =	rddreg [dreg:$0x18]  }
0x33e: {  	s0 =	rddreg [dreg:$0x17];
	s7 =	sadd.s32 $0x1, s7  }
0x33f: {  	p0 =	sne.s32 s7, s0  }
.Ltmp3:
0x340: {  	_ = 	snop;
	(pc) =	sbr.rel @p0 .LBB2_1-.Ltmp3, $3  }
0x341: {  	_ =	sdelay $0x1  }
0x342: {  	[sflag:s24] =	ssyncset.done $0x0  }
0x343: {  	[sflag:s24] =	ssyncadd.s32 $0xFFFFFE00  }
0x344: {  	_ =	sfence.sel $0x180000  }
0x345: {  	[bflag:$0x0] =	sbarrier.arrive $0xFFFF  }
0x346: {  	_ =	strace $0x90000047  }
0x347: {  	s0 =	stileid.u32;
	[bflag:$0x2] =	sbarrier.arrive $0xFFFF  }
0x348: {  	p0 =	sne.s32 s0, $0x0;
	s0 =	rddreg [dreg:$0x2]  }
0x349: {  	s0 =	sadd.s32 @!p0 $0x100000, s0  }
0x34a: {  	[sflag:s0] =	ssyncadd.tile.s32 @!p0 $0x1;
	_ =	shalt  }
.Lfunc_end2:
_tile_overlayer_lowered:
.L_overlay_start_2:
0x34b: {  	(tag) =	ssettag $0x2  }
0x34c: {  	s0 =	rddreg [dreg:$0x0];
	s2 =	stileid.u32  }
0x34d: {  	s1 =	rddreg [dreg:$0x1];
	p0 =	sne.s32 s2, $0x0  }
0x34e: {  	s3 =	rddreg [dreg:$0x2];
	[bflag:$0x3] =	sbarrier.arrive $0xFFFF;
	s2 =	simm.s32 @!p0 $0x1C07  }
0x34f: {  	[timem:s3], [sflag:s2] =	dma.local @!p0 [hbm:s0], s1  }
0x350: {  	s0 =	simm.s32 @!p0 $0x7  }
0x351: {  	_ =	swait.ge @!p0 [sflag:s0], s1  }
0x352: {  	s1 =	ssub.s32 @!p0 $0x0, s1;
	[sflag:s0] =	ssyncset.done @!p0 $0x0  }
0x353: {  	[sflag:s0] =	ssyncadd.s32 @!p0 s1  }
0x354: {  	[bflag:$0x3] =	sbarrier.arrive $0xFFFF  }
0x355: {  	_ =	shalt  }

</sc_bundles>
